<compile_context>
chip_gen: v7x
topology: tpu7x:2x2x1
jax: 0.10.2.dev20260603
libtpu: 0.0.44.dev20260713+nightly
codegen_flags: <defaults>
</compile_context>

<pallas_src>
import functools

import jax
import jax.numpy as jnp
from jax import lax
from jax.experimental import pallas as pl
from jax.experimental.pallas import tpu as pltpu
from jax.experimental.pallas import tpu_sc as plsc

B, N, DIM = 8, 4096, 3
D = 256
SUB, LANE = 32, 128
NW = 32
ROWS_W = (B * 2 * N) // NW
PADW = 16


def _hilbert_d(g):
    n = 3
    X = list(g)
    Q = 128
    while Q > 1:
        P = Q - 1
        for i in range(n):
            cond = (X[i] & Q) > 0
            t = (X[0] ^ X[i]) & P
            new_x0 = jnp.where(cond, X[0] ^ P, X[0] ^ t)
            new_xi = jnp.where(cond, X[i], X[i] ^ t)
            X[0] = new_x0
            if i != 0:
                X[i] = new_xi
        Q >>= 1
    for i in range(1, n):
        X[i] = X[i] ^ X[i - 1]
    t = jnp.zeros_like(X[0])
    Q = 128
    while Q > 1:
        cond = (X[n - 1] & Q) > 0
        t = jnp.where(cond, t ^ (Q - 1), t)
        Q >>= 1
    X = [x ^ t for x in X]
    h = jnp.zeros_like(X[0])
    for bit in range(7, -1, -1):
        for i in range(n):
            h = (h << 1) | ((X[i] >> bit) & 1)
    return h


def _keys_kernel(xT_ref, d_ref):
    gs = []
    for i in range(3):
        ci = xT_ref[0, i]
        mn = jnp.min(ci)
        mx = jnp.max(ci)
        span = jnp.clip(mx - mn, 1e-6, None)
        nrm = (ci - mn) / span
        gs.append(jnp.clip(nrm * 255.0, 0.0, 255.0).astype(jnp.int32))
    blk = lax.broadcasted_iota(jnp.int32, (SUB, LANE), 0)
    d_ref[0, 0] = _hilbert_d([gs[0], gs[1], gs[2]]) * SUB + blk
    d_ref[0, 1] = _hilbert_d([gs[2], gs[1], gs[0]]) * SUB + blk


def _keys_call(xT):
    return pl.pallas_call(
        _keys_kernel,
        grid=(B,),
        in_specs=[pl.BlockSpec((1, 3, SUB, LANE), lambda c: (c, 0, 0, 0))],
        out_specs=pl.BlockSpec((1, 2, SUB, LANE), lambda c: (c, 0, 0, 0)),
        out_shape=jax.ShapeDtypeStruct((B, 2, SUB, LANE), jnp.int32),
    )(xT)


def _tcol(eye, row_f):
    return jax.lax.dot_general(
        eye, row_f, (((1,), (1,)), ((), ())),
        precision=jax.lax.Precision.HIGHEST,
        preferred_element_type=jnp.float32,
    )


_IBLK = 8


def _rank_kernel(krow_ref, kdiag_ref, eye_ref, dest_ref):
    c = pl.program_id(0)
    o = pl.program_id(1)
    kr = krow_ref[0, 0]
    kd4 = kdiag_ref[0, 0, :, 0, :]
    eye = eye_ref[...]
    hi = _tcol(eye, (kd4 >> 15).astype(jnp.float32))
    lo = _tcol(eye, (kd4 & 0x7FFF).astype(jnp.float32))
    kct = hi.astype(jnp.int32) * 32768 + lo.astype(jnp.int32)
    jlt = lax.broadcasted_iota(jnp.int32, (128, 128), 1) < lax.broadcasted_iota(
        jnp.int32, (128, 128), 0
    )
    cnt_cols = []
    for s in range(_IBLK):
        kc = kct[:, s : s + 1]
        acc = jnp.where((kd4[s : s + 1, :] == kc) & jlt, 1, 0)
        for jc in range(N // 128):
            krc = kr[:, jc * 128 : (jc + 1) * 128]
            acc = acc + jnp.where(krc < kc, 1, 0)
        cnt_cols.append(jnp.sum(acc, axis=1, keepdims=True))
    cnt = jnp.concatenate(cnt_cols, axis=1) + (c * 2 + o) * N
    cnt_rows = jax.lax.dot_general(
        cnt.astype(jnp.float32), eye, (((0,), (0,)), ((), ())),
        precision=jax.lax.Precision.HIGHEST,
        preferred_element_type=jnp.float32,
    )
    dest_ref[0, 0, :, 0, :] = cnt_rows.astype(jnp.int32)


def _rank_call(krow, kdiag, eye):
    return pl.pallas_call(
        _rank_kernel,
        grid=(B, 2, N // (128 * _IBLK)),
        in_specs=[
            pl.BlockSpec((1, 1, 1, N), lambda c, o, i: (c, o, 0, 0)),
            pl.BlockSpec((1, 1, _IBLK, 1, 128), lambda c, o, i: (c, o, i, 0, 0)),
            pl.BlockSpec((128, 128), lambda c, o, i: (0, 0)),
        ],
        out_specs=pl.BlockSpec(
            (1, 1, _IBLK, 1, 128), lambda c, o, i: (c, o, i, 0, 0)
        ),
        out_shape=jax.ShapeDtypeStruct((B, 2, SUB, 1, LANE), jnp.int32),
    )(krow, kdiag, eye)


def _scatter_call(xpad, dest):
    mesh = plsc.VectorSubcoreMesh(core_axis_name="c", subcore_axis_name="s")

    @functools.partial(
        pl.kernel,
        mesh=mesh,
        out_type=jax.ShapeDtypeStruct((B * 2 * N, PADW), jnp.float32),
        scratch_types=[
            pltpu.VMEM((ROWS_W // 128, 128), jnp.int32),
            pltpu.VMEM((ROWS_W, PADW), jnp.float32),
            pltpu.SemaphoreType.DMA,
        ],
        compiler_params=pltpu.CompilerParams(use_tc_tiling_on_sc=False),
    )
    def k(xpad_hbm, dest_hbm, out_hbm, idx_v, rows_v, sem):
        wid = lax.axis_index("s") * 2 + lax.axis_index("c")
        c = wid // 4
        o = (wid % 4) // 2
        half = wid % 2
        pltpu.sync_copy(
            dest_hbm.at[c, o, pl.ds(half * (ROWS_W // 128), ROWS_W // 128)],
            idx_v,
        )
        pltpu.sync_copy(xpad_hbm.at[c, pl.ds(half * ROWS_W, ROWS_W)], rows_v)
        cps = []
        for j in range(ROWS_W // 128):
            cps.append(
                pltpu.async_copy(
                    rows_v.at[pl.ds(j * 128, 128)],
                    out_hbm.at[idx_v.at[j]],
                    sem,
                )
            )
        for cp in cps:
            cp.wait()

    return k(xpad, dest)


_KCH = 1024


def _embed_kernel(sx_ref, wt_ref, b_ref, out_ref):
    xb = sx_ref[0, 0]
    out_ref[0, 0] = (
        xb[:, 0:1] * wt_ref[0, 0:1, :]
        + xb[:, 1:2] * wt_ref[0, 1:2, :]
        + xb[:, 2:3] * wt_ref[0, 2:3, :]
        + b_ref[0]
    )


def _embed_call(sx, wt2, b2):
    return pl.pallas_call(
        _embed_kernel,
        grid=(B, 2, N // _KCH),
        in_specs=[
            pl.BlockSpec((1, 1, _KCH, PADW), lambda c, o, k: (c, o, k, 0)),
            pl.BlockSpec((1, 8, D), lambda c, o, k: (o, 0, 0)),
            pl.BlockSpec((1, 1, D), lambda c, o, k: (o, 0, 0)),
        ],
        out_specs=pl.BlockSpec((1, 1, _KCH, D), lambda c, o, k: (c, o, k, 0)),
        out_shape=jax.ShapeDtypeStruct((B, 2, N, D), jnp.float32),
    )(sx, wt2, b2)


def kernel(x, W, b, gamma, beta):
    xT = x.transpose(0, 2, 1).reshape(B, 3, SUB, LANE)
    d = _keys_call(xT)
    dest = _rank_call(
        d.reshape(B, 2, 1, N),
        d.reshape(B, 2, SUB, 1, LANE),
        jnp.eye(128, dtype=jnp.float32),
    )
    destsc = dest.reshape(B, 2, SUB, LANE)
    xpad = jnp.pad(x, ((0, 0), (0, 0), (0, PADW - 3)))
    sx = _scatter_call(xpad, destsc)
    wt2 = jnp.zeros((2, 8, D), jnp.float32).at[:, :3].set(
        W.T[None] * gamma[:, None, :]
    )
    b2 = (b[None] * gamma + beta).reshape(2, 1, D)
    out = _embed_call(sx.reshape(B, 2, N, PADW), wt2, b2)
    return out.reshape(B, 2 * N, D)

# --- scband reference (transcript-rebuilt; emitter-appended) ---
"""Pipeline reference for scband-sfcpoint-tokenizer-19172734009550 (READ-ONLY COPY).

The authoritative reference and input builder live on the scoring server;
editing this copy changes nothing except your own understanding.
"""

import jax, jax.numpy as jnp
import numpy as np

HBITS = 8
NDIM = 3


def _hilbert_dist(grid):
    # Vectorized Skilling transform: point coords -> Hilbert curve distance.
    # Faithful to hilbertcurve.HilbertCurve.distance_from_point (p=HBITS, n=3).
    p = HBITS
    n = NDIM
    X = [grid[:, i].astype(jnp.uint32) for i in range(n)]
    M = 1 << (p - 1)
    # Inverse undo excess work
    Q = M
    while Q > 1:
        P = Q - 1
        for i in range(n):
            cond = (X[i] & jnp.uint32(Q)) > 0
            t = (X[0] ^ X[i]) & jnp.uint32(P)
            new_x0 = jnp.where(cond, X[0] ^ jnp.uint32(P), X[0] ^ t)
            new_xi = jnp.where(cond, X[i], X[i] ^ t)
            X[0] = new_x0
            if i != 0:
                X[i] = new_xi
        Q >>= 1
    # Gray encode
    for i in range(1, n):
        X[i] = X[i] ^ X[i - 1]
    t = jnp.zeros_like(X[0])
    Q = M
    while Q > 1:
        cond = (X[n - 1] & jnp.uint32(Q)) > 0
        t = jnp.where(cond, t ^ jnp.uint32(Q - 1), t)
        Q >>= 1
    X = [x ^ t for x in X]
    # Transpose -> Hilbert integer (interleave bits, MSB first, dim order)
    h = jnp.zeros_like(X[0])
    for bit in range(p - 1, -1, -1):
        for i in range(n):
            h = (h << 1) | ((X[i] >> bit) & jnp.uint32(1))
    return h


def _order(pts, trans):
    mins = pts.min(axis=0)
    maxs = pts.max(axis=0)
    span = jnp.clip(maxs - mins, 1e-6, None)
    norm = (pts - mins) / span
    if trans:
        norm = norm[:, ::-1]  # [2, 1, 0] permutation
    maxv = float(2 ** HBITS - 1)
    grid = jnp.clip(norm * maxv, 0.0, maxv).astype(jnp.int32)
    d = _hilbert_dist(grid)
    return jnp.argsort(d)


def setup_inputs(seed: int = 0):
    key = jax.random.key(seed)
    k1, k2, k3 = jax.random.split(key, 3)
    B, N, D = 8, 4096, 256
    x = jax.random.uniform(k1, (B, N, 3), dtype=jnp.float32)
    W = jax.random.normal(k2, (D, 3), dtype=jnp.float32) * 0.1
    b = jax.random.normal(k3, (D,), dtype=jnp.float32) * 0.01
    gamma = jnp.ones((2, D), dtype=jnp.float32)
    beta = jnp.zeros((2, D), dtype=jnp.float32)
    return {"x": x, "W": W, "b": b, "gamma": gamma, "beta": beta}


def reference(x, W, b, gamma, beta):
    def per_cloud(pts):
        order_h = _order(pts, False)
        order_t = _order(pts, True)
        pts_h = pts[order_h]
        pts_t = pts[order_t]
        base_h = pts_h @ W.T + b
        base_t = pts_t @ W.T + b
        tokens_h = base_h * gamma[0][None, :] + beta[0][None, :]
        tokens_t = base_t * gamma[1][None, :] + beta[1][None, :]
        return tokens_h, tokens_t

    th, tt = jax.vmap(per_cloud)(x)
    return jnp.concatenate([th, tt], axis=1)

if __name__ == "__main__":
    import jax
    _d = setup_inputs()
    print(jax.jit(kernel)(*tuple(_d.values())))

</pallas_src>

<mosaic_0001>
#map = affine_map<(d0, d1) -> (0, 0, 0)>
#map1 = affine_map<(d0, d1) -> (0, 0, 0, 0)>
#map2 = affine_map<(d0, d1) -> (0, 0)>
module attributes {stable_mosaic.version = 14 : i64} {
  func.func @k(%arg0: i32, %arg1: i32, %arg2: memref<8x4096x16xf32, #tpu.memory_space<hbm>>, %arg3: memref<8x2x32x128xi32, #tpu.memory_space<hbm>>, %arg4: memref<65536x16xf32, #tpu.memory_space<hbm>>, %arg5: memref<16x128xi32, #tpu.memory_space<vmem>>, %arg6: memref<2048x16xf32, #tpu.memory_space<vmem>>, %arg7: memref<!tpu.dma_semaphore, #tpu.memory_space<semaphore_mem>>) attributes {dimension_semantics = [#tpu.dimension_semantics<core_parallel>, #tpu.dimension_semantics<subcore_parallel>], iteration_bounds = array<i64: 2, 16>, scalar_prefetch = 0 : i64, scratch_operands = 3 : i64, tpu.core_type = #tpu.core_type<sc_vector_subcore>, window_params = [{transform_indices = #map}, {transform_indices = #map1}, {transform_indices = #map2}]} {
    %mul3A = arith.constant 2 : i32
    %mul3A_0 = arith.muli %arg1, %mul3A : i32
    %add3A = arith.addi %mul3A_0, %arg0 : i32
    %jit3A = arith.constant 4 : i32
    %div3A = arith.divsi %add3A, %jit3A : i32
    %sign3A = arith.constant 0 : i32
    %sign3A_1 = arith.cmpi sgt, %add3A, %sign3A : i32
    %sign3A_2 = arith.extui %sign3A_1 : i1 to i32
    %sign3A_3 = arith.constant 0 : i32
    %sign3A_4 = arith.cmpi slt, %add3A, %sign3A_3 : i32
    %sign3A_5 = arith.extui %sign3A_4 : i1 to i32
    %sign3A_6 = arith.subi %sign3A_2, %sign3A_5 : i32
    %sign3A_7 = arith.constant 0 : i32
    %sign3A_8 = arith.cmpi sgt, %jit3A, %sign3A_7 : i32
    %sign3A_9 = arith.extui %sign3A_8 : i1 to i32
    %sign3A_10 = arith.constant 0 : i32
    %sign3A_11 = arith.cmpi slt, %jit3A, %sign3A_10 : i32
    %sign3A_12 = arith.extui %sign3A_11 : i1 to i32
    %sign3A_13 = arith.subi %sign3A_9, %sign3A_12 : i32
    %ne3A = arith.cmpi ne, %sign3A_6, %sign3A_13 : i32
    %rem3A = arith.remsi %add3A, %jit3A : i32
    %ne3A_14 = arith.constant 0 : i32
    %ne3A_15 = arith.cmpi ne, %rem3A, %ne3A_14 : i32
    %and3A = arith.andi %ne3A, %ne3A_15 : i1
    %sub3A = arith.constant 1 : i32
    %sub3A_16 = arith.subi %div3A, %sub3A : i32
    %select_n3A = arith.select %and3A, %sub3A_16, %div3A : i32
    %jit3A_17 = arith.constant 4 : i32
    %eq3A = arith.constant 0 : i32
    %eq3A_18 = arith.cmpi eq, %jit3A_17, %eq3A : i32
    %jit3A_19 = arith.constant 1 : i32
    %select_n3A_20 = arith.select %eq3A_18, %jit3A_19, %jit3A_17 : i32
    %rem3A_21 = arith.remsi %add3A, %select_n3A_20 : i32
    %ne3A_22 = arith.constant 0 : i32
    %ne3A_23 = arith.cmpi ne, %rem3A_21, %ne3A_22 : i32
    %lt3A = arith.constant 0 : i32
    %lt3A_24 = arith.cmpi slt, %rem3A_21, %lt3A : i32
    %lt3A_25 = arith.constant 0 : i32
    %lt3A_26 = arith.cmpi slt, %select_n3A_20, %lt3A_25 : i32
    %ne3A_27 = arith.xori %lt3A_24, %lt3A_26 : i1
    %and3A_28 = arith.andi %ne3A_27, %ne3A_23 : i1
    %add3A_29 = arith.addi %rem3A_21, %select_n3A_20 : i32
    %select_n3A_30 = arith.select %and3A_28, %add3A_29, %rem3A_21 : i32
    %jit3A_31 = arith.constant 2 : i32
    %div3A_32 = arith.divsi %select_n3A_30, %jit3A_31 : i32
    %sign3A_33 = arith.constant 0 : i32
    %sign3A_34 = arith.cmpi sgt, %select_n3A_30, %sign3A_33 : i32
    %sign3A_35 = arith.extui %sign3A_34 : i1 to i32
    %sign3A_36 = arith.constant 0 : i32
    %sign3A_37 = arith.cmpi slt, %select_n3A_30, %sign3A_36 : i32
    %sign3A_38 = arith.extui %sign3A_37 : i1 to i32
    %sign3A_39 = arith.subi %sign3A_35, %sign3A_38 : i32
    %sign3A_40 = arith.constant 0 : i32
    %sign3A_41 = arith.cmpi sgt, %jit3A_31, %sign3A_40 : i32
    %sign3A_42 = arith.extui %sign3A_41 : i1 to i32
    %sign3A_43 = arith.constant 0 : i32
    %sign3A_44 = arith.cmpi slt, %jit3A_31, %sign3A_43 : i32
    %sign3A_45 = arith.extui %sign3A_44 : i1 to i32
    %sign3A_46 = arith.subi %sign3A_42, %sign3A_45 : i32
    %ne3A_47 = arith.cmpi ne, %sign3A_39, %sign3A_46 : i32
    %rem3A_48 = arith.remsi %select_n3A_30, %jit3A_31 : i32
    %ne3A_49 = arith.constant 0 : i32
    %ne3A_50 = arith.cmpi ne, %rem3A_48, %ne3A_49 : i32
    %and3A_51 = arith.andi %ne3A_47, %ne3A_50 : i1
    %sub3A_52 = arith.constant 1 : i32
    %sub3A_53 = arith.subi %div3A_32, %sub3A_52 : i32
    %select_n3A_54 = arith.select %and3A_51, %sub3A_53, %div3A_32 : i32
    %jit3A_55 = arith.constant 2 : i32
    %eq3A_56 = arith.constant 0 : i32
    %eq3A_57 = arith.cmpi eq, %jit3A_55, %eq3A_56 : i32
    %jit3A_58 = arith.constant 1 : i32
    %select_n3A_59 = arith.select %eq3A_57, %jit3A_58, %jit3A_55 : i32
    %rem3A_60 = arith.remsi %add3A, %select_n3A_59 : i32
    %ne3A_61 = arith.constant 0 : i32
    %ne3A_62 = arith.cmpi ne, %rem3A_60, %ne3A_61 : i32
    %lt3A_63 = arith.constant 0 : i32
    %lt3A_64 = arith.cmpi slt, %rem3A_60, %lt3A_63 : i32
    %lt3A_65 = arith.constant 0 : i32
    %lt3A_66 = arith.cmpi slt, %select_n3A_59, %lt3A_65 : i32
    %ne3A_67 = arith.xori %lt3A_64, %lt3A_66 : i1
    %and3A_68 = arith.andi %ne3A_67, %ne3A_62 : i1
    %add3A_69 = arith.addi %rem3A_60, %select_n3A_59 : i32
    %select_n3A_70 = arith.select %and3A_68, %add3A_69, %rem3A_60 : i32
    %mul3A_71 = arith.constant 16 : i32
    %mul3A_72 = arith.muli %select_n3A_70, %mul3A_71 : i32
    "tpu.region"() ({
      %run_scoped3A = tpu.sem_alloc : memref<!tpu.dma_semaphore, #tpu.memory_space<semaphore_mem>>
      %dma_start3A_393 = arith.constant 0 : i32
      %dma_start3A_394 = tpu.memref_slice %arg3[%select_n3A, %select_n3A_54, %mul3A_72, %dma_start3A_393] : memref<8x2x32x128xi32, #tpu.memory_space<hbm>> -> memref<1x1x16x128xi32, #tpu.memory_space<hbm>>
      %dma_start3A_395 = tpu.memref_squeeze %dma_start3A_394 : memref<1x1x16x128xi32, #tpu.memory_space<hbm>> -> memref<16x128xi32, #tpu.memory_space<hbm>>
      %dma_start3A_396 = arith.constant 0 : i32
      %dma_start3A_397 = tpu.memref_slice %arg3[%select_n3A, %select_n3A_54, %mul3A_72, %dma_start3A_396] : memref<8x2x32x128xi32, #tpu.memory_space<hbm>> -> memref<1x1x16x128xi32, #tpu.memory_space<hbm>>
      %dma_start3A_398 = tpu.memref_squeeze %dma_start3A_397 : memref<1x1x16x128xi32, #tpu.memory_space<hbm>> -> memref<16x128xi32, #tpu.memory_space<hbm>>
      tpu.enqueue_dma source(%dma_start3A_398 : memref<16x128xi32, #tpu.memory_space<hbm>>) target(%arg5 : memref<16x128xi32, #tpu.memory_space<vmem>>) target_semaphore(%run_scoped3A : memref<!tpu.dma_semaphore, #tpu.memory_space<semaphore_mem>>)
      %dma_wait3A_399 = arith.constant 0 : i32
      %dma_wait3A_400 = tpu.memref_slice %arg3[%select_n3A, %select_n3A_54, %mul3A_72, %dma_wait3A_399] : memref<8x2x32x128xi32, #tpu.memory_space<hbm>> -> memref<1x1x16x128xi32, #tpu.memory_space<hbm>>
      %dma_wait3A_401 = tpu.memref_squeeze %dma_wait3A_400 : memref<1x1x16x128xi32, #tpu.memory_space<hbm>> -> memref<16x128xi32, #tpu.memory_space<hbm>>
      %dma_wait3A_402 = arith.constant 0 : i32
      %dma_wait3A_403 = tpu.memref_slice %arg3[%select_n3A, %select_n3A_54, %mul3A_72, %dma_wait3A_402] : memref<8x2x32x128xi32, #tpu.memory_space<hbm>> -> memref<1x1x16x128xi32, #tpu.memory_space<hbm>>
      %dma_wait3A_404 = tpu.memref_squeeze %dma_wait3A_403 : memref<1x1x16x128xi32, #tpu.memory_space<hbm>> -> memref<16x128xi32, #tpu.memory_space<hbm>>
      tpu.wait_dma2 semaphore(%run_scoped3A : memref<!tpu.dma_semaphore, #tpu.memory_space<semaphore_mem>>) src(%dma_wait3A_404 : memref<16x128xi32, #tpu.memory_space<hbm>>) dst(%arg5 : memref<16x128xi32, #tpu.memory_space<vmem>>)
      tpu.yield
    }) : () -> ()
    %mul3A_73 = arith.constant 2048 : i32
    %mul3A_74 = arith.muli %select_n3A_70, %mul3A_73 : i32
    "tpu.region"() ({
      %run_scoped3A = tpu.sem_alloc : memref<!tpu.dma_semaphore, #tpu.memory_space<semaphore_mem>>
      %dma_start3A_393 = arith.constant 0 : i32
      %dma_start3A_394 = tpu.memref_slice %arg2[%select_n3A, %mul3A_74, %dma_start3A_393] : memref<8x4096x16xf32, #tpu.memory_space<hbm>> -> memref<1x2048x16xf32, #tpu.memory_space<hbm>>
      %dma_start3A_395 = tpu.memref_squeeze %dma_start3A_394 : memref<1x2048x16xf32, #tpu.memory_space<hbm>> -> memref<2048x16xf32, #tpu.memory_space<hbm>>
      %dma_start3A_396 = arith.constant 0 : i32
      %dma_start3A_397 = tpu.memref_slice %arg2[%select_n3A, %mul3A_74, %dma_start3A_396] : memref<8x4096x16xf32, #tpu.memory_space<hbm>> -> memref<1x2048x16xf32, #tpu.memory_space<hbm>>
      %dma_start3A_398 = tpu.memref_squeeze %dma_start3A_397 : memref<1x2048x16xf32, #tpu.memory_space<hbm>> -> memref<2048x16xf32, #tpu.memory_space<hbm>>
      tpu.enqueue_dma source(%dma_start3A_398 : memref<2048x16xf32, #tpu.memory_space<hbm>>) target(%arg6 : memref<2048x16xf32, #tpu.memory_space<vmem>>) target_semaphore(%run_scoped3A : memref<!tpu.dma_semaphore, #tpu.memory_space<semaphore_mem>>)
      %dma_wait3A_399 = arith.constant 0 : i32
      %dma_wait3A_400 = tpu.memref_slice %arg2[%select_n3A, %mul3A_74, %dma_wait3A_399] : memref<8x4096x16xf32, #tpu.memory_space<hbm>> -> memref<1x2048x16xf32, #tpu.memory_space<hbm>>
      %dma_wait3A_401 = tpu.memref_squeeze %dma_wait3A_400 : memref<1x2048x16xf32, #tpu.memory_space<hbm>> -> memref<2048x16xf32, #tpu.memory_space<hbm>>
      %dma_wait3A_402 = arith.constant 0 : i32
      %dma_wait3A_403 = tpu.memref_slice %arg2[%select_n3A, %mul3A_74, %dma_wait3A_402] : memref<8x4096x16xf32, #tpu.memory_space<hbm>> -> memref<1x2048x16xf32, #tpu.memory_space<hbm>>
      %dma_wait3A_404 = tpu.memref_squeeze %dma_wait3A_403 : memref<1x2048x16xf32, #tpu.memory_space<hbm>> -> memref<2048x16xf32, #tpu.memory_space<hbm>>
      tpu.wait_dma2 semaphore(%run_scoped3A : memref<!tpu.dma_semaphore, #tpu.memory_space<semaphore_mem>>) src(%dma_wait3A_404 : memref<2048x16xf32, #tpu.memory_space<hbm>>) dst(%arg6 : memref<2048x16xf32, #tpu.memory_space<vmem>>)
      tpu.yield
    }) : () -> ()
    %dma_start3A = arith.constant 0 : i32
    %dma_start3A_75 = arith.constant 0 : i32
    %dma_start3A_76 = arith.constant 0 : i32
    %dma_start3A_77 = tpu.memref_slice %arg6[%dma_start3A_75, %dma_start3A_76] : memref<2048x16xf32, #tpu.memory_space<vmem>> -> memref<128x16xf32, #tpu.memory_space<vmem>>
    %dma_start3A_78 = arith.constant 0 : i32
    %dma_start3A_79 = tpu.memref_slice %arg5[%dma_start3A, %dma_start3A_78] : memref<16x128xi32, #tpu.memory_space<vmem>> -> memref<1x128xi32, #tpu.memory_space<vmem>>
    %dma_start3A_80 = tpu.memref_squeeze %dma_start3A_79 : memref<1x128xi32, #tpu.memory_space<vmem>> -> memref<128xi32, #tpu.memory_space<vmem>>
    %dma_start3A_81 = arith.constant 0 : i32
    %dma_start3A_82 = arith.constant 0 : i32
    %dma_start3A_83 = tpu.memref_slice %arg4[%dma_start3A_81, %dma_start3A_82] : memref<65536x16xf32, #tpu.memory_space<hbm>> -> memref<65536x16xf32, #tpu.memory_space<hbm>>
    tpu.enqueue_indirect_dma source(%dma_start3A_77 : memref<128x16xf32, #tpu.memory_space<vmem>>) target(%dma_start3A_83 : memref<65536x16xf32, #tpu.memory_space<hbm>>) offsets(%dma_start3A_80 : memref<128xi32, #tpu.memory_space<vmem>>) semaphore(%arg7 : memref<!tpu.dma_semaphore, #tpu.memory_space<semaphore_mem>>)
    %dma_start3A_84 = arith.constant 1 : i32
    %dma_start3A_85 = arith.constant 128 : i32
    %dma_start3A_86 = arith.constant 0 : i32
    %dma_start3A_87 = tpu.memref_slice %arg6[%dma_start3A_85, %dma_start3A_86] : memref<2048x16xf32, #tpu.memory_space<vmem>> -> memref<128x16xf32, #tpu.memory_space<vmem>>
    %dma_start3A_88 = arith.constant 0 : i32
    %dma_start3A_89 = tpu.memref_slice %arg5[%dma_start3A_84, %dma_start3A_88] : memref<16x128xi32, #tpu.memory_space<vmem>> -> memref<1x128xi32, #tpu.memory_space<vmem>>
    %dma_start3A_90 = tpu.memref_squeeze %dma_start3A_89 : memref<1x128xi32, #tpu.memory_space<vmem>> -> memref<128xi32, #tpu.memory_space<vmem>>
    %dma_start3A_91 = arith.constant 0 : i32
    %dma_start3A_92 = arith.constant 0 : i32
    %dma_start3A_93 = tpu.memref_slice %arg4[%dma_start3A_91, %dma_start3A_92] : memref<65536x16xf32, #tpu.memory_space<hbm>> -> memref<65536x16xf32, #tpu.memory_space<hbm>>
    tpu.enqueue_indirect_dma source(%dma_start3A_87 : memref<128x16xf32, #tpu.memory_space<vmem>>) target(%dma_start3A_93 : memref<65536x16xf32, #tpu.memory_space<hbm>>) offsets(%dma_start3A_90 : memref<128xi32, #tpu.memory_space<vmem>>) semaphore(%arg7 : memref<!tpu.dma_semaphore, #tpu.memory_space<semaphore_mem>>)
    %dma_start3A_94 = arith.constant 2 : i32
    %dma_start3A_95 = arith.constant 256 : i32
    %dma_start3A_96 = arith.constant 0 : i32
    %dma_start3A_97 = tpu.memref_slice %arg6[%dma_start3A_95, %dma_start3A_96] : memref<2048x16xf32, #tpu.memory_space<vmem>> -> memref<128x16xf32, #tpu.memory_space<vmem>>
    %dma_start3A_98 = arith.constant 0 : i32
    %dma_start3A_99 = tpu.memref_slice %arg5[%dma_start3A_94, %dma_start3A_98] : memref<16x128xi32, #tpu.memory_space<vmem>> -> memref<1x128xi32, #tpu.memory_space<vmem>>
    %dma_start3A_100 = tpu.memref_squeeze %dma_start3A_99 : memref<1x128xi32, #tpu.memory_space<vmem>> -> memref<128xi32, #tpu.memory_space<vmem>>
    %dma_start3A_101 = arith.constant 0 : i32
    %dma_start3A_102 = arith.constant 0 : i32
    %dma_start3A_103 = tpu.memref_slice %arg4[%dma_start3A_101, %dma_start3A_102] : memref<65536x16xf32, #tpu.memory_space<hbm>> -> memref<65536x16xf32, #tpu.memory_space<hbm>>
    tpu.enqueue_indirect_dma source(%dma_start3A_97 : memref<128x16xf32, #tpu.memory_space<vmem>>) target(%dma_start3A_103 : memref<65536x16xf32, #tpu.memory_space<hbm>>) offsets(%dma_start3A_100 : memref<128xi32, #tpu.memory_space<vmem>>) semaphore(%arg7 : memref<!tpu.dma_semaphore, #tpu.memory_space<semaphore_mem>>)
    %dma_start3A_104 = arith.constant 3 : i32
    %dma_start3A_105 = arith.constant 384 : i32
    %dma_start3A_106 = arith.constant 0 : i32
    %dma_start3A_107 = tpu.memref_slice %arg6[%dma_start3A_105, %dma_start3A_106] : memref<2048x16xf32, #tpu.memory_space<vmem>> -> memref<128x16xf32, #tpu.memory_space<vmem>>
    %dma_start3A_108 = arith.constant 0 : i32
    %dma_start3A_109 = tpu.memref_slice %arg5[%dma_start3A_104, %dma_start3A_108] : memref<16x128xi32, #tpu.memory_space<vmem>> -> memref<1x128xi32, #tpu.memory_space<vmem>>
    %dma_start3A_110 = tpu.memref_squeeze %dma_start3A_109 : memref<1x128xi32, #tpu.memory_space<vmem>> -> memref<128xi32, #tpu.memory_space<vmem>>
    %dma_start3A_111 = arith.constant 0 : i32
    %dma_start3A_112 = arith.constant 0 : i32
    %dma_start3A_113 = tpu.memref_slice %arg4[%dma_start3A_111, %dma_start3A_112] : memref<65536x16xf32, #tpu.memory_space<hbm>> -> memref<65536x16xf32, #tpu.memory_space<hbm>>
    tpu.enqueue_indirect_dma source(%dma_start3A_107 : memref<128x16xf32, #tpu.memory_space<vmem>>) target(%dma_start3A_113 : memref<65536x16xf32, #tpu.memory_space<hbm>>) offsets(%dma_start3A_110 : memref<128xi32, #tpu.memory_space<vmem>>) semaphore(%arg7 : memref<!tpu.dma_semaphore, #tpu.memory_space<semaphore_mem>>)
    %dma_start3A_114 = arith.constant 4 : i32
    %dma_start3A_115 = arith.constant 512 : i32
    %dma_start3A_116 = arith.constant 0 : i32
    %dma_start3A_117 = tpu.memref_slice %arg6[%dma_start3A_115, %dma_start3A_116] : memref<2048x16xf32, #tpu.memory_space<vmem>> -> memref<128x16xf32, #tpu.memory_space<vmem>>
    %dma_start3A_118 = arith.constant 0 : i32
    %dma_start3A_119 = tpu.memref_slice %arg5[%dma_start3A_114, %dma_start3A_118] : memref<16x128xi32, #tpu.memory_space<vmem>> -> memref<1x128xi32, #tpu.memory_space<vmem>>
    %dma_start3A_120 = tpu.memref_squeeze %dma_start3A_119 : memref<1x128xi32, #tpu.memory_space<vmem>> -> memref<128xi32, #tpu.memory_space<vmem>>
    %dma_start3A_121 = arith.constant 0 : i32
    %dma_start3A_122 = arith.constant 0 : i32
    %dma_start3A_123 = tpu.memref_slice %arg4[%dma_start3A_121, %dma_start3A_122] : memref<65536x16xf32, #tpu.memory_space<hbm>> -> memref<65536x16xf32, #tpu.memory_space<hbm>>
    tpu.enqueue_indirect_dma source(%dma_start3A_117 : memref<128x16xf32, #tpu.memory_space<vmem>>) target(%dma_start3A_123 : memref<65536x16xf32, #tpu.memory_space<hbm>>) offsets(%dma_start3A_120 : memref<128xi32, #tpu.memory_space<vmem>>) semaphore(%arg7 : memref<!tpu.dma_semaphore, #tpu.memory_space<semaphore_mem>>)
    %dma_start3A_124 = arith.constant 5 : i32
    %dma_start3A_125 = arith.constant 640 : i32
    %dma_start3A_126 = arith.constant 0 : i32
    %dma_start3A_127 = tpu.memref_slice %arg6[%dma_start3A_125, %dma_start3A_126] : memref<2048x16xf32, #tpu.memory_space<vmem>> -> memref<128x16xf32, #tpu.memory_space<vmem>>
    %dma_start3A_128 = arith.constant 0 : i32
    %dma_start3A_129 = tpu.memref_slice %arg5[%dma_start3A_124, %dma_start3A_128] : memref<16x128xi32, #tpu.memory_space<vmem>> -> memref<1x128xi32, #tpu.memory_space<vmem>>
    %dma_start3A_130 = tpu.memref_squeeze %dma_start3A_129 : memref<1x128xi32, #tpu.memory_space<vmem>> -> memref<128xi32, #tpu.memory_space<vmem>>
    %dma_start3A_131 = arith.constant 0 : i32
    %dma_start3A_132 = arith.constant 0 : i32
    %dma_start3A_133 = tpu.memref_slice %arg4[%dma_start3A_131, %dma_start3A_132] : memref<65536x16xf32, #tpu.memory_space<hbm>> -> memref<65536x16xf32, #tpu.memory_space<hbm>>
    tpu.enqueue_indirect_dma source(%dma_start3A_127 : memref<128x16xf32, #tpu.memory_space<vmem>>) target(%dma_start3A_133 : memref<65536x16xf32, #tpu.memory_space<hbm>>) offsets(%dma_start3A_130 : memref<128xi32, #tpu.memory_space<vmem>>) semaphore(%arg7 : memref<!tpu.dma_semaphore, #tpu.memory_space<semaphore_mem>>)
    %dma_start3A_134 = arith.constant 6 : i32
    %dma_start3A_135 = arith.constant 768 : i32
    %dma_start3A_136 = arith.constant 0 : i32
    %dma_start3A_137 = tpu.memref_slice %arg6[%dma_start3A_135, %dma_start3A_136] : memref<2048x16xf32, #tpu.memory_space<vmem>> -> memref<128x16xf32, #tpu.memory_space<vmem>>
    %dma_start3A_138 = arith.constant 0 : i32
    %dma_start3A_139 = tpu.memref_slice %arg5[%dma_start3A_134, %dma_start3A_138] : memref<16x128xi32, #tpu.memory_space<vmem>> -> memref<1x128xi32, #tpu.memory_space<vmem>>
    %dma_start3A_140 = tpu.memref_squeeze %dma_start3A_139 : memref<1x128xi32, #tpu.memory_space<vmem>> -> memref<128xi32, #tpu.memory_space<vmem>>
    %dma_start3A_141 = arith.constant 0 : i32
    %dma_start3A_142 = arith.constant 0 : i32
    %dma_start3A_143 = tpu.memref_slice %arg4[%dma_start3A_141, %dma_start3A_142] : memref<65536x16xf32, #tpu.memory_space<hbm>> -> memref<65536x16xf32, #tpu.memory_space<hbm>>
    tpu.enqueue_indirect_dma source(%dma_start3A_137 : memref<128x16xf32, #tpu.memory_space<vmem>>) target(%dma_start3A_143 : memref<65536x16xf32, #tpu.memory_space<hbm>>) offsets(%dma_start3A_140 : memref<128xi32, #tpu.memory_space<vmem>>) semaphore(%arg7 : memref<!tpu.dma_semaphore, #tpu.memory_space<semaphore_mem>>)
    %dma_start3A_144 = arith.constant 7 : i32
    %dma_start3A_145 = arith.constant 896 : i32
    %dma_start3A_146 = arith.constant 0 : i32
    %dma_start3A_147 = tpu.memref_slice %arg6[%dma_start3A_145, %dma_start3A_146] : memref<2048x16xf32, #tpu.memory_space<vmem>> -> memref<128x16xf32, #tpu.memory_space<vmem>>
    %dma_start3A_148 = arith.constant 0 : i32
    %dma_start3A_149 = tpu.memref_slice %arg5[%dma_start3A_144, %dma_start3A_148] : memref<16x128xi32, #tpu.memory_space<vmem>> -> memref<1x128xi32, #tpu.memory_space<vmem>>
    %dma_start3A_150 = tpu.memref_squeeze %dma_start3A_149 : memref<1x128xi32, #tpu.memory_space<vmem>> -> memref<128xi32, #tpu.memory_space<vmem>>
    %dma_start3A_151 = arith.constant 0 : i32
    %dma_start3A_152 = arith.constant 0 : i32
    %dma_start3A_153 = tpu.memref_slice %arg4[%dma_start3A_151, %dma_start3A_152] : memref<65536x16xf32, #tpu.memory_space<hbm>> -> memref<65536x16xf32, #tpu.memory_space<hbm>>
    tpu.enqueue_indirect_dma source(%dma_start3A_147 : memref<128x16xf32, #tpu.memory_space<vmem>>) target(%dma_start3A_153 : memref<65536x16xf32, #tpu.memory_space<hbm>>) offsets(%dma_start3A_150 : memref<128xi32, #tpu.memory_space<vmem>>) semaphore(%arg7 : memref<!tpu.dma_semaphore, #tpu.memory_space<semaphore_mem>>)
    %dma_start3A_154 = arith.constant 8 : i32
    %dma_start3A_155 = arith.constant 1024 : i32
    %dma_start3A_156 = arith.constant 0 : i32
    %dma_start3A_157 = tpu.memref_slice %arg6[%dma_start3A_155, %dma_start3A_156] : memref<2048x16xf32, #tpu.memory_space<vmem>> -> memref<128x16xf32, #tpu.memory_space<vmem>>
    %dma_start3A_158 = arith.constant 0 : i32
    %dma_start3A_159 = tpu.memref_slice %arg5[%dma_start3A_154, %dma_start3A_158] : memref<16x128xi32, #tpu.memory_space<vmem>> -> memref<1x128xi32, #tpu.memory_space<vmem>>
    %dma_start3A_160 = tpu.memref_squeeze %dma_start3A_159 : memref<1x128xi32, #tpu.memory_space<vmem>> -> memref<128xi32, #tpu.memory_space<vmem>>
    %dma_start3A_161 = arith.constant 0 : i32
    %dma_start3A_162 = arith.constant 0 : i32
    %dma_start3A_163 = tpu.memref_slice %arg4[%dma_start3A_161, %dma_start3A_162] : memref<65536x16xf32, #tpu.memory_space<hbm>> -> memref<65536x16xf32, #tpu.memory_space<hbm>>
    tpu.enqueue_indirect_dma source(%dma_start3A_157 : memref<128x16xf32, #tpu.memory_space<vmem>>) target(%dma_start3A_163 : memref<65536x16xf32, #tpu.memory_space<hbm>>) offsets(%dma_start3A_160 : memref<128xi32, #tpu.memory_space<vmem>>) semaphore(%arg7 : memref<!tpu.dma_semaphore, #tpu.memory_space<semaphore_mem>>)
    %dma_start3A_164 = arith.constant 9 : i32
    %dma_start3A_165 = arith.constant 1152 : i32
    %dma_start3A_166 = arith.constant 0 : i32
    %dma_start3A_167 = tpu.memref_slice %arg6[%dma_start3A_165, %dma_start3A_166] : memref<2048x16xf32, #tpu.memory_space<vmem>> -> memref<128x16xf32, #tpu.memory_space<vmem>>
    %dma_start3A_168 = arith.constant 0 : i32
    %dma_start3A_169 = tpu.memref_slice %arg5[%dma_start3A_164, %dma_start3A_168] : memref<16x128xi32, #tpu.memory_space<vmem>> -> memref<1x128xi32, #tpu.memory_space<vmem>>
    %dma_start3A_170 = tpu.memref_squeeze %dma_start3A_169 : memref<1x128xi32, #tpu.memory_space<vmem>> -> memref<128xi32, #tpu.memory_space<vmem>>
    %dma_start3A_171 = arith.constant 0 : i32
    %dma_start3A_172 = arith.constant 0 : i32
    %dma_start3A_173 = tpu.memref_slice %arg4[%dma_start3A_171, %dma_start3A_172] : memref<65536x16xf32, #tpu.memory_space<hbm>> -> memref<65536x16xf32, #tpu.memory_space<hbm>>
    tpu.enqueue_indirect_dma source(%dma_start3A_167 : memref<128x16xf32, #tpu.memory_space<vmem>>) target(%dma_start3A_173 : memref<65536x16xf32, #tpu.memory_space<hbm>>) offsets(%dma_start3A_170 : memref<128xi32, #tpu.memory_space<vmem>>) semaphore(%arg7 : memref<!tpu.dma_semaphore, #tpu.memory_space<semaphore_mem>>)
    %dma_start3A_174 = arith.constant 10 : i32
    %dma_start3A_175 = arith.constant 1280 : i32
    %dma_start3A_176 = arith.constant 0 : i32
    %dma_start3A_177 = tpu.memref_slice %arg6[%dma_start3A_175, %dma_start3A_176] : memref<2048x16xf32, #tpu.memory_space<vmem>> -> memref<128x16xf32, #tpu.memory_space<vmem>>
    %dma_start3A_178 = arith.constant 0 : i32
    %dma_start3A_179 = tpu.memref_slice %arg5[%dma_start3A_174, %dma_start3A_178] : memref<16x128xi32, #tpu.memory_space<vmem>> -> memref<1x128xi32, #tpu.memory_space<vmem>>
    %dma_start3A_180 = tpu.memref_squeeze %dma_start3A_179 : memref<1x128xi32, #tpu.memory_space<vmem>> -> memref<128xi32, #tpu.memory_space<vmem>>
    %dma_start3A_181 = arith.constant 0 : i32
    %dma_start3A_182 = arith.constant 0 : i32
    %dma_start3A_183 = tpu.memref_slice %arg4[%dma_start3A_181, %dma_start3A_182] : memref<65536x16xf32, #tpu.memory_space<hbm>> -> memref<65536x16xf32, #tpu.memory_space<hbm>>
    tpu.enqueue_indirect_dma source(%dma_start3A_177 : memref<128x16xf32, #tpu.memory_space<vmem>>) target(%dma_start3A_183 : memref<65536x16xf32, #tpu.memory_space<hbm>>) offsets(%dma_start3A_180 : memref<128xi32, #tpu.memory_space<vmem>>) semaphore(%arg7 : memref<!tpu.dma_semaphore, #tpu.memory_space<semaphore_mem>>)
    %dma_start3A_184 = arith.constant 11 : i32
    %dma_start3A_185 = arith.constant 1408 : i32
    %dma_start3A_186 = arith.constant 0 : i32
    %dma_start3A_187 = tpu.memref_slice %arg6[%dma_start3A_185, %dma_start3A_186] : memref<2048x16xf32, #tpu.memory_space<vmem>> -> memref<128x16xf32, #tpu.memory_space<vmem>>
    %dma_start3A_188 = arith.constant 0 : i32
    %dma_start3A_189 = tpu.memref_slice %arg5[%dma_start3A_184, %dma_start3A_188] : memref<16x128xi32, #tpu.memory_space<vmem>> -> memref<1x128xi32, #tpu.memory_space<vmem>>
    %dma_start3A_190 = tpu.memref_squeeze %dma_start3A_189 : memref<1x128xi32, #tpu.memory_space<vmem>> -> memref<128xi32, #tpu.memory_space<vmem>>
    %dma_start3A_191 = arith.constant 0 : i32
    %dma_start3A_192 = arith.constant 0 : i32
    %dma_start3A_193 = tpu.memref_slice %arg4[%dma_start3A_191, %dma_start3A_192] : memref<65536x16xf32, #tpu.memory_space<hbm>> -> memref<65536x16xf32, #tpu.memory_space<hbm>>
    tpu.enqueue_indirect_dma source(%dma_start3A_187 : memref<128x16xf32, #tpu.memory_space<vmem>>) target(%dma_start3A_193 : memref<65536x16xf32, #tpu.memory_space<hbm>>) offsets(%dma_start3A_190 : memref<128xi32, #tpu.memory_space<vmem>>) semaphore(%arg7 : memref<!tpu.dma_semaphore, #tpu.memory_space<semaphore_mem>>)
    %dma_start3A_194 = arith.constant 12 : i32
    %dma_start3A_195 = arith.constant 1536 : i32
    %dma_start3A_196 = arith.constant 0 : i32
    %dma_start3A_197 = tpu.memref_slice %arg6[%dma_start3A_195, %dma_start3A_196] : memref<2048x16xf32, #tpu.memory_space<vmem>> -> memref<128x16xf32, #tpu.memory_space<vmem>>
    %dma_start3A_198 = arith.constant 0 : i32
    %dma_start3A_199 = tpu.memref_slice %arg5[%dma_start3A_194, %dma_start3A_198] : memref<16x128xi32, #tpu.memory_space<vmem>> -> memref<1x128xi32, #tpu.memory_space<vmem>>
    %dma_start3A_200 = tpu.memref_squeeze %dma_start3A_199 : memref<1x128xi32, #tpu.memory_space<vmem>> -> memref<128xi32, #tpu.memory_space<vmem>>
    %dma_start3A_201 = arith.constant 0 : i32
    %dma_start3A_202 = arith.constant 0 : i32
    %dma_start3A_203 = tpu.memref_slice %arg4[%dma_start3A_201, %dma_start3A_202] : memref<65536x16xf32, #tpu.memory_space<hbm>> -> memref<65536x16xf32, #tpu.memory_space<hbm>>
    tpu.enqueue_indirect_dma source(%dma_start3A_197 : memref<128x16xf32, #tpu.memory_space<vmem>>) target(%dma_start3A_203 : memref<65536x16xf32, #tpu.memory_space<hbm>>) offsets(%dma_start3A_200 : memref<128xi32, #tpu.memory_space<vmem>>) semaphore(%arg7 : memref<!tpu.dma_semaphore, #tpu.memory_space<semaphore_mem>>)
    %dma_start3A_204 = arith.constant 13 : i32
    %dma_start3A_205 = arith.constant 1664 : i32
    %dma_start3A_206 = arith.constant 0 : i32
    %dma_start3A_207 = tpu.memref_slice %arg6[%dma_start3A_205, %dma_start3A_206] : memref<2048x16xf32, #tpu.memory_space<vmem>> -> memref<128x16xf32, #tpu.memory_space<vmem>>
    %dma_start3A_208 = arith.constant 0 : i32
    %dma_start3A_209 = tpu.memref_slice %arg5[%dma_start3A_204, %dma_start3A_208] : memref<16x128xi32, #tpu.memory_space<vmem>> -> memref<1x128xi32, #tpu.memory_space<vmem>>
    %dma_start3A_210 = tpu.memref_squeeze %dma_start3A_209 : memref<1x128xi32, #tpu.memory_space<vmem>> -> memref<128xi32, #tpu.memory_space<vmem>>
    %dma_start3A_211 = arith.constant 0 : i32
    %dma_start3A_212 = arith.constant 0 : i32
    %dma_start3A_213 = tpu.memref_slice %arg4[%dma_start3A_211, %dma_start3A_212] : memref<65536x16xf32, #tpu.memory_space<hbm>> -> memref<65536x16xf32, #tpu.memory_space<hbm>>
    tpu.enqueue_indirect_dma source(%dma_start3A_207 : memref<128x16xf32, #tpu.memory_space<vmem>>) target(%dma_start3A_213 : memref<65536x16xf32, #tpu.memory_space<hbm>>) offsets(%dma_start3A_210 : memref<128xi32, #tpu.memory_space<vmem>>) semaphore(%arg7 : memref<!tpu.dma_semaphore, #tpu.memory_space<semaphore_mem>>)
    %dma_start3A_214 = arith.constant 14 : i32
    %dma_start3A_215 = arith.constant 1792 : i32
    %dma_start3A_216 = arith.constant 0 : i32
    %dma_start3A_217 = tpu.memref_slice %arg6[%dma_start3A_215, %dma_start3A_216] : memref<2048x16xf32, #tpu.memory_space<vmem>> -> memref<128x16xf32, #tpu.memory_space<vmem>>
    %dma_start3A_218 = arith.constant 0 : i32
    %dma_start3A_219 = tpu.memref_slice %arg5[%dma_start3A_214, %dma_start3A_218] : memref<16x128xi32, #tpu.memory_space<vmem>> -> memref<1x128xi32, #tpu.memory_space<vmem>>
    %dma_start3A_220 = tpu.memref_squeeze %dma_start3A_219 : memref<1x128xi32, #tpu.memory_space<vmem>> -> memref<128xi32, #tpu.memory_space<vmem>>
    %dma_start3A_221 = arith.constant 0 : i32
    %dma_start3A_222 = arith.constant 0 : i32
    %dma_start3A_223 = tpu.memref_slice %arg4[%dma_start3A_221, %dma_start3A_222] : memref<65536x16xf32, #tpu.memory_space<hbm>> -> memref<65536x16xf32, #tpu.memory_space<hbm>>
    tpu.enqueue_indirect_dma source(%dma_start3A_217 : memref<128x16xf32, #tpu.memory_space<vmem>>) target(%dma_start3A_223 : memref<65536x16xf32, #tpu.memory_space<hbm>>) offsets(%dma_start3A_220 : memref<128xi32, #tpu.memory_space<vmem>>) semaphore(%arg7 : memref<!tpu.dma_semaphore, #tpu.memory_space<semaphore_mem>>)
    %dma_start3A_224 = arith.constant 15 : i32
    %dma_start3A_225 = arith.constant 1920 : i32
    %dma_start3A_226 = arith.constant 0 : i32
    %dma_start3A_227 = tpu.memref_slice %arg6[%dma_start3A_225, %dma_start3A_226] : memref<2048x16xf32, #tpu.memory_space<vmem>> -> memref<128x16xf32, #tpu.memory_space<vmem>>
    %dma_start3A_228 = arith.constant 0 : i32
    %dma_start3A_229 = tpu.memref_slice %arg5[%dma_start3A_224, %dma_start3A_228] : memref<16x128xi32, #tpu.memory_space<vmem>> -> memref<1x128xi32, #tpu.memory_space<vmem>>
    %dma_start3A_230 = tpu.memref_squeeze %dma_start3A_229 : memref<1x128xi32, #tpu.memory_space<vmem>> -> memref<128xi32, #tpu.memory_space<vmem>>
    %dma_start3A_231 = arith.constant 0 : i32
    %dma_start3A_232 = arith.constant 0 : i32
    %dma_start3A_233 = tpu.memref_slice %arg4[%dma_start3A_231, %dma_start3A_232] : memref<65536x16xf32, #tpu.memory_space<hbm>> -> memref<65536x16xf32, #tpu.memory_space<hbm>>
    tpu.enqueue_indirect_dma source(%dma_start3A_227 : memref<128x16xf32, #tpu.memory_space<vmem>>) target(%dma_start3A_233 : memref<65536x16xf32, #tpu.memory_space<hbm>>) offsets(%dma_start3A_230 : memref<128xi32, #tpu.memory_space<vmem>>) semaphore(%arg7 : memref<!tpu.dma_semaphore, #tpu.memory_space<semaphore_mem>>)
    %dma_wait3A = arith.constant 0 : i32
    %dma_wait3A_234 = arith.constant 0 : i32
    %dma_wait3A_235 = arith.constant 0 : i32
    %dma_wait3A_236 = tpu.memref_slice %arg6[%dma_wait3A_234, %dma_wait3A_235] : memref<2048x16xf32, #tpu.memory_space<vmem>> -> memref<128x16xf32, #tpu.memory_space<vmem>>
    %dma_wait3A_237 = arith.constant 0 : i32
    %dma_wait3A_238 = tpu.memref_slice %arg5[%dma_wait3A, %dma_wait3A_237] : memref<16x128xi32, #tpu.memory_space<vmem>> -> memref<1x128xi32, #tpu.memory_space<vmem>>
    %dma_wait3A_239 = tpu.memref_squeeze %dma_wait3A_238 : memref<1x128xi32, #tpu.memory_space<vmem>> -> memref<128xi32, #tpu.memory_space<vmem>>
    %dma_wait3A_240 = arith.constant 0 : i32
    %dma_wait3A_241 = arith.constant 0 : i32
    %dma_wait3A_242 = tpu.memref_slice %arg4[%dma_wait3A_240, %dma_wait3A_241] : memref<65536x16xf32, #tpu.memory_space<hbm>> -> memref<65536x16xf32, #tpu.memory_space<hbm>>
    tpu.wait_indirect_dma semaphore(%arg7 : memref<!tpu.dma_semaphore, #tpu.memory_space<semaphore_mem>>) src(%dma_wait3A_236 : memref<128x16xf32, #tpu.memory_space<vmem>>) dst(%dma_wait3A_242 : memref<65536x16xf32, #tpu.memory_space<hbm>>)
    %dma_wait3A_243 = arith.constant 1 : i32
    %dma_wait3A_244 = arith.constant 128 : i32
    %dma_wait3A_245 = arith.constant 0 : i32
    %dma_wait3A_246 = tpu.memref_slice %arg6[%dma_wait3A_244, %dma_wait3A_245] : memref<2048x16xf32, #tpu.memory_space<vmem>> -> memref<128x16xf32, #tpu.memory_space<vmem>>
    %dma_wait3A_247 = arith.constant 0 : i32
    %dma_wait3A_248 = tpu.memref_slice %arg5[%dma_wait3A_243, %dma_wait3A_247] : memref<16x128xi32, #tpu.memory_space<vmem>> -> memref<1x128xi32, #tpu.memory_space<vmem>>
    %dma_wait3A_249 = tpu.memref_squeeze %dma_wait3A_248 : memref<1x128xi32, #tpu.memory_space<vmem>> -> memref<128xi32, #tpu.memory_space<vmem>>
    %dma_wait3A_250 = arith.constant 0 : i32
    %dma_wait3A_251 = arith.constant 0 : i32
    %dma_wait3A_252 = tpu.memref_slice %arg4[%dma_wait3A_250, %dma_wait3A_251] : memref<65536x16xf32, #tpu.memory_space<hbm>> -> memref<65536x16xf32, #tpu.memory_space<hbm>>
    tpu.wait_indirect_dma semaphore(%arg7 : memref<!tpu.dma_semaphore, #tpu.memory_space<semaphore_mem>>) src(%dma_wait3A_246 : memref<128x16xf32, #tpu.memory_space<vmem>>) dst(%dma_wait3A_252 : memref<65536x16xf32, #tpu.memory_space<hbm>>)
    %dma_wait3A_253 = arith.constant 2 : i32
    %dma_wait3A_254 = arith.constant 256 : i32
    %dma_wait3A_255 = arith.constant 0 : i32
    %dma_wait3A_256 = tpu.memref_slice %arg6[%dma_wait3A_254, %dma_wait3A_255] : memref<2048x16xf32, #tpu.memory_space<vmem>> -> memref<128x16xf32, #tpu.memory_space<vmem>>
    %dma_wait3A_257 = arith.constant 0 : i32
    %dma_wait3A_258 = tpu.memref_slice %arg5[%dma_wait3A_253, %dma_wait3A_257] : memref<16x128xi32, #tpu.memory_space<vmem>> -> memref<1x128xi32, #tpu.memory_space<vmem>>
    %dma_wait3A_259 = tpu.memref_squeeze %dma_wait3A_258 : memref<1x128xi32, #tpu.memory_space<vmem>> -> memref<128xi32, #tpu.memory_space<vmem>>
    %dma_wait3A_260 = arith.constant 0 : i32
    %dma_wait3A_261 = arith.constant 0 : i32
    %dma_wait3A_262 = tpu.memref_slice %arg4[%dma_wait3A_260, %dma_wait3A_261] : memref<65536x16xf32, #tpu.memory_space<hbm>> -> memref<65536x16xf32, #tpu.memory_space<hbm>>
    tpu.wait_indirect_dma semaphore(%arg7 : memref<!tpu.dma_semaphore, #tpu.memory_space<semaphore_mem>>) src(%dma_wait3A_256 : memref<128x16xf32, #tpu.memory_space<vmem>>) dst(%dma_wait3A_262 : memref<65536x16xf32, #tpu.memory_space<hbm>>)
    %dma_wait3A_263 = arith.constant 3 : i32
    %dma_wait3A_264 = arith.constant 384 : i32
    %dma_wait3A_265 = arith.constant 0 : i32
    %dma_wait3A_266 = tpu.memref_slice %arg6[%dma_wait3A_264, %dma_wait3A_265] : memref<2048x16xf32, #tpu.memory_space<vmem>> -> memref<128x16xf32, #tpu.memory_space<vmem>>
    %dma_wait3A_267 = arith.constant 0 : i32
    %dma_wait3A_268 = tpu.memref_slice %arg5[%dma_wait3A_263, %dma_wait3A_267] : memref<16x128xi32, #tpu.memory_space<vmem>> -> memref<1x128xi32, #tpu.memory_space<vmem>>
    %dma_wait3A_269 = tpu.memref_squeeze %dma_wait3A_268 : memref<1x128xi32, #tpu.memory_space<vmem>> -> memref<128xi32, #tpu.memory_space<vmem>>
    %dma_wait3A_270 = arith.constant 0 : i32
    %dma_wait3A_271 = arith.constant 0 : i32
    %dma_wait3A_272 = tpu.memref_slice %arg4[%dma_wait3A_270, %dma_wait3A_271] : memref<65536x16xf32, #tpu.memory_space<hbm>> -> memref<65536x16xf32, #tpu.memory_space<hbm>>
    tpu.wait_indirect_dma semaphore(%arg7 : memref<!tpu.dma_semaphore, #tpu.memory_space<semaphore_mem>>) src(%dma_wait3A_266 : memref<128x16xf32, #tpu.memory_space<vmem>>) dst(%dma_wait3A_272 : memref<65536x16xf32, #tpu.memory_space<hbm>>)
    %dma_wait3A_273 = arith.constant 4 : i32
    %dma_wait3A_274 = arith.constant 512 : i32
    %dma_wait3A_275 = arith.constant 0 : i32
    %dma_wait3A_276 = tpu.memref_slice %arg6[%dma_wait3A_274, %dma_wait3A_275] : memref<2048x16xf32, #tpu.memory_space<vmem>> -> memref<128x16xf32, #tpu.memory_space<vmem>>
    %dma_wait3A_277 = arith.constant 0 : i32
    %dma_wait3A_278 = tpu.memref_slice %arg5[%dma_wait3A_273, %dma_wait3A_277] : memref<16x128xi32, #tpu.memory_space<vmem>> -> memref<1x128xi32, #tpu.memory_space<vmem>>
    %dma_wait3A_279 = tpu.memref_squeeze %dma_wait3A_278 : memref<1x128xi32, #tpu.memory_space<vmem>> -> memref<128xi32, #tpu.memory_space<vmem>>
    %dma_wait3A_280 = arith.constant 0 : i32
    %dma_wait3A_281 = arith.constant 0 : i32
    %dma_wait3A_282 = tpu.memref_slice %arg4[%dma_wait3A_280, %dma_wait3A_281] : memref<65536x16xf32, #tpu.memory_space<hbm>> -> memref<65536x16xf32, #tpu.memory_space<hbm>>
    tpu.wait_indirect_dma semaphore(%arg7 : memref<!tpu.dma_semaphore, #tpu.memory_space<semaphore_mem>>) src(%dma_wait3A_276 : memref<128x16xf32, #tpu.memory_space<vmem>>) dst(%dma_wait3A_282 : memref<65536x16xf32, #tpu.memory_space<hbm>>)
    %dma_wait3A_283 = arith.constant 5 : i32
    %dma_wait3A_284 = arith.constant 640 : i32
    %dma_wait3A_285 = arith.constant 0 : i32
    %dma_wait3A_286 = tpu.memref_slice %arg6[%dma_wait3A_284, %dma_wait3A_285] : memref<2048x16xf32, #tpu.memory_space<vmem>> -> memref<128x16xf32, #tpu.memory_space<vmem>>
    %dma_wait3A_287 = arith.constant 0 : i32
    %dma_wait3A_288 = tpu.memref_slice %arg5[%dma_wait3A_283, %dma_wait3A_287] : memref<16x128xi32, #tpu.memory_space<vmem>> -> memref<1x128xi32, #tpu.memory_space<vmem>>
    %dma_wait3A_289 = tpu.memref_squeeze %dma_wait3A_288 : memref<1x128xi32, #tpu.memory_space<vmem>> -> memref<128xi32, #tpu.memory_space<vmem>>
    %dma_wait3A_290 = arith.constant 0 : i32
    %dma_wait3A_291 = arith.constant 0 : i32
    %dma_wait3A_292 = tpu.memref_slice %arg4[%dma_wait3A_290, %dma_wait3A_291] : memref<65536x16xf32, #tpu.memory_space<hbm>> -> memref<65536x16xf32, #tpu.memory_space<hbm>>
    tpu.wait_indirect_dma semaphore(%arg7 : memref<!tpu.dma_semaphore, #tpu.memory_space<semaphore_mem>>) src(%dma_wait3A_286 : memref<128x16xf32, #tpu.memory_space<vmem>>) dst(%dma_wait3A_292 : memref<65536x16xf32, #tpu.memory_space<hbm>>)
    %dma_wait3A_293 = arith.constant 6 : i32
    %dma_wait3A_294 = arith.constant 768 : i32
    %dma_wait3A_295 = arith.constant 0 : i32
    %dma_wait3A_296 = tpu.memref_slice %arg6[%dma_wait3A_294, %dma_wait3A_295] : memref<2048x16xf32, #tpu.memory_space<vmem>> -> memref<128x16xf32, #tpu.memory_space<vmem>>
    %dma_wait3A_297 = arith.constant 0 : i32
    %dma_wait3A_298 = tpu.memref_slice %arg5[%dma_wait3A_293, %dma_wait3A_297] : memref<16x128xi32, #tpu.memory_space<vmem>> -> memref<1x128xi32, #tpu.memory_space<vmem>>
    %dma_wait3A_299 = tpu.memref_squeeze %dma_wait3A_298 : memref<1x128xi32, #tpu.memory_space<vmem>> -> memref<128xi32, #tpu.memory_space<vmem>>
    %dma_wait3A_300 = arith.constant 0 : i32
    %dma_wait3A_301 = arith.constant 0 : i32
    %dma_wait3A_302 = tpu.memref_slice %arg4[%dma_wait3A_300, %dma_wait3A_301] : memref<65536x16xf32, #tpu.memory_space<hbm>> -> memref<65536x16xf32, #tpu.memory_space<hbm>>
    tpu.wait_indirect_dma semaphore(%arg7 : memref<!tpu.dma_semaphore, #tpu.memory_space<semaphore_mem>>) src(%dma_wait3A_296 : memref<128x16xf32, #tpu.memory_space<vmem>>) dst(%dma_wait3A_302 : memref<65536x16xf32, #tpu.memory_space<hbm>>)
    %dma_wait3A_303 = arith.constant 7 : i32
    %dma_wait3A_304 = arith.constant 896 : i32
    %dma_wait3A_305 = arith.constant 0 : i32
    %dma_wait3A_306 = tpu.memref_slice %arg6[%dma_wait3A_304, %dma_wait3A_305] : memref<2048x16xf32, #tpu.memory_space<vmem>> -> memref<128x16xf32, #tpu.memory_space<vmem>>
    %dma_wait3A_307 = arith.constant 0 : i32
    %dma_wait3A_308 = tpu.memref_slice %arg5[%dma_wait3A_303, %dma_wait3A_307] : memref<16x128xi32, #tpu.memory_space<vmem>> -> memref<1x128xi32, #tpu.memory_space<vmem>>
    %dma_wait3A_309 = tpu.memref_squeeze %dma_wait3A_308 : memref<1x128xi32, #tpu.memory_space<vmem>> -> memref<128xi32, #tpu.memory_space<vmem>>
    %dma_wait3A_310 = arith.constant 0 : i32
    %dma_wait3A_311 = arith.constant 0 : i32
    %dma_wait3A_312 = tpu.memref_slice %arg4[%dma_wait3A_310, %dma_wait3A_311] : memref<65536x16xf32, #tpu.memory_space<hbm>> -> memref<65536x16xf32, #tpu.memory_space<hbm>>
    tpu.wait_indirect_dma semaphore(%arg7 : memref<!tpu.dma_semaphore, #tpu.memory_space<semaphore_mem>>) src(%dma_wait3A_306 : memref<128x16xf32, #tpu.memory_space<vmem>>) dst(%dma_wait3A_312 : memref<65536x16xf32, #tpu.memory_space<hbm>>)
    %dma_wait3A_313 = arith.constant 8 : i32
    %dma_wait3A_314 = arith.constant 1024 : i32
    %dma_wait3A_315 = arith.constant 0 : i32
    %dma_wait3A_316 = tpu.memref_slice %arg6[%dma_wait3A_314, %dma_wait3A_315] : memref<2048x16xf32, #tpu.memory_space<vmem>> -> memref<128x16xf32, #tpu.memory_space<vmem>>
    %dma_wait3A_317 = arith.constant 0 : i32
    %dma_wait3A_318 = tpu.memref_slice %arg5[%dma_wait3A_313, %dma_wait3A_317] : memref<16x128xi32, #tpu.memory_space<vmem>> -> memref<1x128xi32, #tpu.memory_space<vmem>>
    %dma_wait3A_319 = tpu.memref_squeeze %dma_wait3A_318 : memref<1x128xi32, #tpu.memory_space<vmem>> -> memref<128xi32, #tpu.memory_space<vmem>>
    %dma_wait3A_320 = arith.constant 0 : i32
    %dma_wait3A_321 = arith.constant 0 : i32
    %dma_wait3A_322 = tpu.memref_slice %arg4[%dma_wait3A_320, %dma_wait3A_321] : memref<65536x16xf32, #tpu.memory_space<hbm>> -> memref<65536x16xf32, #tpu.memory_space<hbm>>
    tpu.wait_indirect_dma semaphore(%arg7 : memref<!tpu.dma_semaphore, #tpu.memory_space<semaphore_mem>>) src(%dma_wait3A_316 : memref<128x16xf32, #tpu.memory_space<vmem>>) dst(%dma_wait3A_322 : memref<65536x16xf32, #tpu.memory_space<hbm>>)
    %dma_wait3A_323 = arith.constant 9 : i32
    %dma_wait3A_324 = arith.constant 1152 : i32
    %dma_wait3A_325 = arith.constant 0 : i32
    %dma_wait3A_326 = tpu.memref_slice %arg6[%dma_wait3A_324, %dma_wait3A_325] : memref<2048x16xf32, #tpu.memory_space<vmem>> -> memref<128x16xf32, #tpu.memory_space<vmem>>
    %dma_wait3A_327 = arith.constant 0 : i32
    %dma_wait3A_328 = tpu.memref_slice %arg5[%dma_wait3A_323, %dma_wait3A_327] : memref<16x128xi32, #tpu.memory_space<vmem>> -> memref<1x128xi32, #tpu.memory_space<vmem>>
    %dma_wait3A_329 = tpu.memref_squeeze %dma_wait3A_328 : memref<1x128xi32, #tpu.memory_space<vmem>> -> memref<128xi32, #tpu.memory_space<vmem>>
    %dma_wait3A_330 = arith.constant 0 : i32
    %dma_wait3A_331 = arith.constant 0 : i32
    %dma_wait3A_332 = tpu.memref_slice %arg4[%dma_wait3A_330, %dma_wait3A_331] : memref<65536x16xf32, #tpu.memory_space<hbm>> -> memref<65536x16xf32, #tpu.memory_space<hbm>>
    tpu.wait_indirect_dma semaphore(%arg7 : memref<!tpu.dma_semaphore, #tpu.memory_space<semaphore_mem>>) src(%dma_wait3A_326 : memref<128x16xf32, #tpu.memory_space<vmem>>) dst(%dma_wait3A_332 : memref<65536x16xf32, #tpu.memory_space<hbm>>)
    %dma_wait3A_333 = arith.constant 10 : i32
    %dma_wait3A_334 = arith.constant 1280 : i32
    %dma_wait3A_335 = arith.constant 0 : i32
    %dma_wait3A_336 = tpu.memref_slice %arg6[%dma_wait3A_334, %dma_wait3A_335] : memref<2048x16xf32, #tpu.memory_space<vmem>> -> memref<128x16xf32, #tpu.memory_space<vmem>>
    %dma_wait3A_337 = arith.constant 0 : i32
    %dma_wait3A_338 = tpu.memref_slice %arg5[%dma_wait3A_333, %dma_wait3A_337] : memref<16x128xi32, #tpu.memory_space<vmem>> -> memref<1x128xi32, #tpu.memory_space<vmem>>
    %dma_wait3A_339 = tpu.memref_squeeze %dma_wait3A_338 : memref<1x128xi32, #tpu.memory_space<vmem>> -> memref<128xi32, #tpu.memory_space<vmem>>
    %dma_wait3A_340 = arith.constant 0 : i32
    %dma_wait3A_341 = arith.constant 0 : i32
    %dma_wait3A_342 = tpu.memref_slice %arg4[%dma_wait3A_340, %dma_wait3A_341] : memref<65536x16xf32, #tpu.memory_space<hbm>> -> memref<65536x16xf32, #tpu.memory_space<hbm>>
    tpu.wait_indirect_dma semaphore(%arg7 : memref<!tpu.dma_semaphore, #tpu.memory_space<semaphore_mem>>) src(%dma_wait3A_336 : memref<128x16xf32, #tpu.memory_space<vmem>>) dst(%dma_wait3A_342 : memref<65536x16xf32, #tpu.memory_space<hbm>>)
    %dma_wait3A_343 = arith.constant 11 : i32
    %dma_wait3A_344 = arith.constant 1408 : i32
    %dma_wait3A_345 = arith.constant 0 : i32
    %dma_wait3A_346 = tpu.memref_slice %arg6[%dma_wait3A_344, %dma_wait3A_345] : memref<2048x16xf32, #tpu.memory_space<vmem>> -> memref<128x16xf32, #tpu.memory_space<vmem>>
    %dma_wait3A_347 = arith.constant 0 : i32
    %dma_wait3A_348 = tpu.memref_slice %arg5[%dma_wait3A_343, %dma_wait3A_347] : memref<16x128xi32, #tpu.memory_space<vmem>> -> memref<1x128xi32, #tpu.memory_space<vmem>>
    %dma_wait3A_349 = tpu.memref_squeeze %dma_wait3A_348 : memref<1x128xi32, #tpu.memory_space<vmem>> -> memref<128xi32, #tpu.memory_space<vmem>>
    %dma_wait3A_350 = arith.constant 0 : i32
    %dma_wait3A_351 = arith.constant 0 : i32
    %dma_wait3A_352 = tpu.memref_slice %arg4[%dma_wait3A_350, %dma_wait3A_351] : memref<65536x16xf32, #tpu.memory_space<hbm>> -> memref<65536x16xf32, #tpu.memory_space<hbm>>
    tpu.wait_indirect_dma semaphore(%arg7 : memref<!tpu.dma_semaphore, #tpu.memory_space<semaphore_mem>>) src(%dma_wait3A_346 : memref<128x16xf32, #tpu.memory_space<vmem>>) dst(%dma_wait3A_352 : memref<65536x16xf32, #tpu.memory_space<hbm>>)
    %dma_wait3A_353 = arith.constant 12 : i32
    %dma_wait3A_354 = arith.constant 1536 : i32
    %dma_wait3A_355 = arith.constant 0 : i32
    %dma_wait3A_356 = tpu.memref_slice %arg6[%dma_wait3A_354, %dma_wait3A_355] : memref<2048x16xf32, #tpu.memory_space<vmem>> -> memref<128x16xf32, #tpu.memory_space<vmem>>
    %dma_wait3A_357 = arith.constant 0 : i32
    %dma_wait3A_358 = tpu.memref_slice %arg5[%dma_wait3A_353, %dma_wait3A_357] : memref<16x128xi32, #tpu.memory_space<vmem>> -> memref<1x128xi32, #tpu.memory_space<vmem>>
    %dma_wait3A_359 = tpu.memref_squeeze %dma_wait3A_358 : memref<1x128xi32, #tpu.memory_space<vmem>> -> memref<128xi32, #tpu.memory_space<vmem>>
    %dma_wait3A_360 = arith.constant 0 : i32
    %dma_wait3A_361 = arith.constant 0 : i32
    %dma_wait3A_362 = tpu.memref_slice %arg4[%dma_wait3A_360, %dma_wait3A_361] : memref<65536x16xf32, #tpu.memory_space<hbm>> -> memref<65536x16xf32, #tpu.memory_space<hbm>>
    tpu.wait_indirect_dma semaphore(%arg7 : memref<!tpu.dma_semaphore, #tpu.memory_space<semaphore_mem>>) src(%dma_wait3A_356 : memref<128x16xf32, #tpu.memory_space<vmem>>) dst(%dma_wait3A_362 : memref<65536x16xf32, #tpu.memory_space<hbm>>)
    %dma_wait3A_363 = arith.constant 13 : i32
    %dma_wait3A_364 = arith.constant 1664 : i32
    %dma_wait3A_365 = arith.constant 0 : i32
    %dma_wait3A_366 = tpu.memref_slice %arg6[%dma_wait3A_364, %dma_wait3A_365] : memref<2048x16xf32, #tpu.memory_space<vmem>> -> memref<128x16xf32, #tpu.memory_space<vmem>>
    %dma_wait3A_367 = arith.constant 0 : i32
    %dma_wait3A_368 = tpu.memref_slice %arg5[%dma_wait3A_363, %dma_wait3A_367] : memref<16x128xi32, #tpu.memory_space<vmem>> -> memref<1x128xi32, #tpu.memory_space<vmem>>
    %dma_wait3A_369 = tpu.memref_squeeze %dma_wait3A_368 : memref<1x128xi32, #tpu.memory_space<vmem>> -> memref<128xi32, #tpu.memory_space<vmem>>
    %dma_wait3A_370 = arith.constant 0 : i32
    %dma_wait3A_371 = arith.constant 0 : i32
    %dma_wait3A_372 = tpu.memref_slice %arg4[%dma_wait3A_370, %dma_wait3A_371] : memref<65536x16xf32, #tpu.memory_space<hbm>> -> memref<65536x16xf32, #tpu.memory_space<hbm>>
    tpu.wait_indirect_dma semaphore(%arg7 : memref<!tpu.dma_semaphore, #tpu.memory_space<semaphore_mem>>) src(%dma_wait3A_366 : memref<128x16xf32, #tpu.memory_space<vmem>>) dst(%dma_wait3A_372 : memref<65536x16xf32, #tpu.memory_space<hbm>>)
    %dma_wait3A_373 = arith.constant 14 : i32
    %dma_wait3A_374 = arith.constant 1792 : i32
    %dma_wait3A_375 = arith.constant 0 : i32
    %dma_wait3A_376 = tpu.memref_slice %arg6[%dma_wait3A_374, %dma_wait3A_375] : memref<2048x16xf32, #tpu.memory_space<vmem>> -> memref<128x16xf32, #tpu.memory_space<vmem>>
    %dma_wait3A_377 = arith.constant 0 : i32
    %dma_wait3A_378 = tpu.memref_slice %arg5[%dma_wait3A_373, %dma_wait3A_377] : memref<16x128xi32, #tpu.memory_space<vmem>> -> memref<1x128xi32, #tpu.memory_space<vmem>>
    %dma_wait3A_379 = tpu.memref_squeeze %dma_wait3A_378 : memref<1x128xi32, #tpu.memory_space<vmem>> -> memref<128xi32, #tpu.memory_space<vmem>>
    %dma_wait3A_380 = arith.constant 0 : i32
    %dma_wait3A_381 = arith.constant 0 : i32
    %dma_wait3A_382 = tpu.memref_slice %arg4[%dma_wait3A_380, %dma_wait3A_381] : memref<65536x16xf32, #tpu.memory_space<hbm>> -> memref<65536x16xf32, #tpu.memory_space<hbm>>
    tpu.wait_indirect_dma semaphore(%arg7 : memref<!tpu.dma_semaphore, #tpu.memory_space<semaphore_mem>>) src(%dma_wait3A_376 : memref<128x16xf32, #tpu.memory_space<vmem>>) dst(%dma_wait3A_382 : memref<65536x16xf32, #tpu.memory_space<hbm>>)
    %dma_wait3A_383 = arith.constant 15 : i32
    %dma_wait3A_384 = arith.constant 1920 : i32
    %dma_wait3A_385 = arith.constant 0 : i32
    %dma_wait3A_386 = tpu.memref_slice %arg6[%dma_wait3A_384, %dma_wait3A_385] : memref<2048x16xf32, #tpu.memory_space<vmem>> -> memref<128x16xf32, #tpu.memory_space<vmem>>
    %dma_wait3A_387 = arith.constant 0 : i32
    %dma_wait3A_388 = tpu.memref_slice %arg5[%dma_wait3A_383, %dma_wait3A_387] : memref<16x128xi32, #tpu.memory_space<vmem>> -> memref<1x128xi32, #tpu.memory_space<vmem>>
    %dma_wait3A_389 = tpu.memref_squeeze %dma_wait3A_388 : memref<1x128xi32, #tpu.memory_space<vmem>> -> memref<128xi32, #tpu.memory_space<vmem>>
    %dma_wait3A_390 = arith.constant 0 : i32
    %dma_wait3A_391 = arith.constant 0 : i32
    %dma_wait3A_392 = tpu.memref_slice %arg4[%dma_wait3A_390, %dma_wait3A_391] : memref<65536x16xf32, #tpu.memory_space<hbm>> -> memref<65536x16xf32, #tpu.memory_space<hbm>>
    tpu.wait_indirect_dma semaphore(%arg7 : memref<!tpu.dma_semaphore, #tpu.memory_space<semaphore_mem>>) src(%dma_wait3A_386 : memref<128x16xf32, #tpu.memory_space<vmem>>) dst(%dma_wait3A_392 : memref<65536x16xf32, #tpu.memory_space<hbm>>)
    return
  }
}

module attributes {stable_mosaic.version = 14 : i64} {
  func.func @_keys_kernel(%arg0: i32, %arg1: memref<1x3x32x128xf32, #tpu.memory_space<vmem>>, %arg2: memref<1x2x32x128xi32, #tpu.memory_space<vmem>>) attributes {dimension_semantics = [#tpu.dimension_semantics<arbitrary>], iteration_bounds = array<i64: 8>, scalar_prefetch = 0 : i64, scratch_operands = 0 : i64, tpu.core_type = #tpu.core_type<tc>, window_params = [{transform_indices = @transform_0, window_bounds = array<i64: 1, 3, 32, 128>}, {transform_indices = @transform_1, window_bounds = array<i64: 1, 2, 32, 128>}]} {
    %get3A = arith.constant 0 : index
    %get3A_0 = arith.constant 0 : index
    %get3A_1 = arith.constant 0 : index
    %get3A_2 = arith.constant 0 : index
    %get3A_3 = vector.load %arg1[%get3A, %get3A_0, %get3A_1, %get3A_2] : memref<1x3x32x128xf32, #tpu.memory_space<vmem>>, vector<1x1x32x128xf32>
    %get3A_4 = vector.shape_cast %get3A_3 : vector<1x1x32x128xf32> to vector<32x128xf32>
    %reduce_min3A = vector.shape_cast %get3A_4 : vector<32x128xf32> to vector<1x32x128xf32>
    %reduce_min3A_5 = arith.constant dense<0x7F800000> : vector<1xf32>
    %reduce_min3A_6 = vector.multi_reduction <minimumf>, %reduce_min3A, %reduce_min3A_5 [1, 2] : vector<1x32x128xf32> to vector<1xf32>
    %reduce_min3A_7 = vector.shape_cast %reduce_min3A_6 : vector<1xf32> to vector<1x1x1xf32>
    %reduce_min3A_8 = vector.extract %reduce_min3A_7[0, 0, 0] : f32 from vector<1x1x1xf32>
    %reduce_max3A = vector.shape_cast %get3A_4 : vector<32x128xf32> to vector<1x32x128xf32>
    %reduce_max3A_9 = arith.constant dense<0xFF800000> : vector<1xf32>
    %reduce_max3A_10 = vector.multi_reduction <maximumf>, %reduce_max3A, %reduce_max3A_9 [1, 2] : vector<1x32x128xf32> to vector<1xf32>
    %reduce_max3A_11 = vector.shape_cast %reduce_max3A_10 : vector<1xf32> to vector<1x1x1xf32>
    %reduce_max3A_12 = vector.extract %reduce_max3A_11[0, 0, 0] : f32 from vector<1x1x1xf32>
    %sub3A = arith.subf %reduce_max3A_12, %reduce_min3A_8 : f32
    %jit3A = arith.constant 9.99999997E-7 : f32
    %max3A = arith.maximumf %jit3A, %sub3A : f32
    %sub3A_13 = vector.broadcast %reduce_min3A_8 : f32 to vector<32x128xf32>
    %sub3A_14 = arith.subf %get3A_4, %sub3A_13 : vector<32x128xf32>
    %div3A = vector.broadcast %max3A : f32 to vector<32x128xf32>
    %div3A_15 = arith.divf %sub3A_14, %div3A : vector<32x128xf32>
    %mul3A = arith.constant 2.550000e+02 : f32
    %mul3A_16 = vector.broadcast %mul3A : f32 to vector<32x128xf32>
    %mul3A_17 = arith.mulf %div3A_15, %mul3A_16 : vector<32x128xf32>
    %jit3A_18 = arith.constant 0.000000e+00 : f32
    %jit3A_19 = arith.constant 2.550000e+02 : f32
    %max3A_20 = vector.broadcast %jit3A_18 : f32 to vector<32x128xf32>
    %max3A_21 = arith.maximumf %max3A_20, %mul3A_17 : vector<32x128xf32>
    %min3A = vector.broadcast %jit3A_19 : f32 to vector<32x128xf32>
    %min3A_22 = arith.minimumf %min3A, %max3A_21 : vector<32x128xf32>
    %convert_element_type3A = arith.fptosi %min3A_22 : vector<32x128xf32> to vector<32x128xi32>
    %get3A_23 = arith.constant 0 : index
    %get3A_24 = arith.constant 1 : index
    %get3A_25 = arith.constant 0 : index
    %get3A_26 = arith.constant 0 : index
    %get3A_27 = vector.load %arg1[%get3A_23, %get3A_24, %get3A_25, %get3A_26] : memref<1x3x32x128xf32, #tpu.memory_space<vmem>>, vector<1x1x32x128xf32>
    %get3A_28 = vector.shape_cast %get3A_27 : vector<1x1x32x128xf32> to vector<32x128xf32>
    %reduce_min3A_29 = vector.shape_cast %get3A_28 : vector<32x128xf32> to vector<1x32x128xf32>
    %reduce_min3A_30 = arith.constant dense<0x7F800000> : vector<1xf32>
    %reduce_min3A_31 = vector.multi_reduction <minimumf>, %reduce_min3A_29, %reduce_min3A_30 [1, 2] : vector<1x32x128xf32> to vector<1xf32>
    %reduce_min3A_32 = vector.shape_cast %reduce_min3A_31 : vector<1xf32> to vector<1x1x1xf32>
    %reduce_min3A_33 = vector.extract %reduce_min3A_32[0, 0, 0] : f32 from vector<1x1x1xf32>
    %reduce_max3A_34 = vector.shape_cast %get3A_28 : vector<32x128xf32> to vector<1x32x128xf32>
    %reduce_max3A_35 = arith.constant dense<0xFF800000> : vector<1xf32>
    %reduce_max3A_36 = vector.multi_reduction <maximumf>, %reduce_max3A_34, %reduce_max3A_35 [1, 2] : vector<1x32x128xf32> to vector<1xf32>
    %reduce_max3A_37 = vector.shape_cast %reduce_max3A_36 : vector<1xf32> to vector<1x1x1xf32>
    %reduce_max3A_38 = vector.extract %reduce_max3A_37[0, 0, 0] : f32 from vector<1x1x1xf32>
    %sub3A_39 = arith.subf %reduce_max3A_38, %reduce_min3A_33 : f32
    %jit3A_40 = arith.constant 9.99999997E-7 : f32
    %max3A_41 = arith.maximumf %jit3A_40, %sub3A_39 : f32
    %sub3A_42 = vector.broadcast %reduce_min3A_33 : f32 to vector<32x128xf32>
    %sub3A_43 = arith.subf %get3A_28, %sub3A_42 : vector<32x128xf32>
    %div3A_44 = vector.broadcast %max3A_41 : f32 to vector<32x128xf32>
    %div3A_45 = arith.divf %sub3A_43, %div3A_44 : vector<32x128xf32>
    %mul3A_46 = arith.constant 2.550000e+02 : f32
    %mul3A_47 = vector.broadcast %mul3A_46 : f32 to vector<32x128xf32>
    %mul3A_48 = arith.mulf %div3A_45, %mul3A_47 : vector<32x128xf32>
    %jit3A_49 = arith.constant 0.000000e+00 : f32
    %jit3A_50 = arith.constant 2.550000e+02 : f32
    %max3A_51 = vector.broadcast %jit3A_49 : f32 to vector<32x128xf32>
    %max3A_52 = arith.maximumf %max3A_51, %mul3A_48 : vector<32x128xf32>
    %min3A_53 = vector.broadcast %jit3A_50 : f32 to vector<32x128xf32>
    %min3A_54 = arith.minimumf %min3A_53, %max3A_52 : vector<32x128xf32>
    %convert_element_type3A_55 = arith.fptosi %min3A_54 : vector<32x128xf32> to vector<32x128xi32>
    %get3A_56 = arith.constant 0 : index
    %get3A_57 = arith.constant 2 : index
    %get3A_58 = arith.constant 0 : index
    %get3A_59 = arith.constant 0 : index
    %get3A_60 = vector.load %arg1[%get3A_56, %get3A_57, %get3A_58, %get3A_59] : memref<1x3x32x128xf32, #tpu.memory_space<vmem>>, vector<1x1x32x128xf32>
    %get3A_61 = vector.shape_cast %get3A_60 : vector<1x1x32x128xf32> to vector<32x128xf32>
    %reduce_min3A_62 = vector.shape_cast %get3A_61 : vector<32x128xf32> to vector<1x32x128xf32>
    %reduce_min3A_63 = arith.constant dense<0x7F800000> : vector<1xf32>
    %reduce_min3A_64 = vector.multi_reduction <minimumf>, %reduce_min3A_62, %reduce_min3A_63 [1, 2] : vector<1x32x128xf32> to vector<1xf32>
    %reduce_min3A_65 = vector.shape_cast %reduce_min3A_64 : vector<1xf32> to vector<1x1x1xf32>
    %reduce_min3A_66 = vector.extract %reduce_min3A_65[0, 0, 0] : f32 from vector<1x1x1xf32>
    %reduce_max3A_67 = vector.shape_cast %get3A_61 : vector<32x128xf32> to vector<1x32x128xf32>
    %reduce_max3A_68 = arith.constant dense<0xFF800000> : vector<1xf32>
    %reduce_max3A_69 = vector.multi_reduction <maximumf>, %reduce_max3A_67, %reduce_max3A_68 [1, 2] : vector<1x32x128xf32> to vector<1xf32>
    %reduce_max3A_70 = vector.shape_cast %reduce_max3A_69 : vector<1xf32> to vector<1x1x1xf32>
    %reduce_max3A_71 = vector.extract %reduce_max3A_70[0, 0, 0] : f32 from vector<1x1x1xf32>
    %sub3A_72 = arith.subf %reduce_max3A_71, %reduce_min3A_66 : f32
    %jit3A_73 = arith.constant 9.99999997E-7 : f32
    %max3A_74 = arith.maximumf %jit3A_73, %sub3A_72 : f32
    %sub3A_75 = vector.broadcast %reduce_min3A_66 : f32 to vector<32x128xf32>
    %sub3A_76 = arith.subf %get3A_61, %sub3A_75 : vector<32x128xf32>
    %div3A_77 = vector.broadcast %max3A_74 : f32 to vector<32x128xf32>
    %div3A_78 = arith.divf %sub3A_76, %div3A_77 : vector<32x128xf32>
    %mul3A_79 = arith.constant 2.550000e+02 : f32
    %mul3A_80 = vector.broadcast %mul3A_79 : f32 to vector<32x128xf32>
    %mul3A_81 = arith.mulf %div3A_78, %mul3A_80 : vector<32x128xf32>
    %jit3A_82 = arith.constant 0.000000e+00 : f32
    %jit3A_83 = arith.constant 2.550000e+02 : f32
    %max3A_84 = vector.broadcast %jit3A_82 : f32 to vector<32x128xf32>
    %max3A_85 = arith.maximumf %max3A_84, %mul3A_81 : vector<32x128xf32>
    %min3A_86 = vector.broadcast %jit3A_83 : f32 to vector<32x128xf32>
    %min3A_87 = arith.minimumf %min3A_86, %max3A_85 : vector<32x128xf32>
    %convert_element_type3A_88 = arith.fptosi %min3A_87 : vector<32x128xf32> to vector<32x128xi32>
    %iota3A = tpu.iota {dimensions = array<i32: 0>} : vector<32x128xi32>
    %and3A = arith.constant 128 : i32
    %and3A_89 = vector.broadcast %and3A : i32 to vector<32x128xi32>
    %and3A_90 = arith.andi %convert_element_type3A, %and3A_89 : vector<32x128xi32>
    %gt3A = arith.constant 0 : i32
    %gt3A_91 = vector.broadcast %gt3A : i32 to vector<32x128xi32>
    %gt3A_92 = arith.cmpi sgt, %and3A_90, %gt3A_91 : vector<32x128xi32>
    %xor3A = arith.xori %convert_element_type3A, %convert_element_type3A : vector<32x128xi32>
    %and3A_93 = arith.constant 127 : i32
    %and3A_94 = vector.broadcast %and3A_93 : i32 to vector<32x128xi32>
    %and3A_95 = arith.andi %xor3A, %and3A_94 : vector<32x128xi32>
    %xor3A_96 = arith.constant 127 : i32
    %xor3A_97 = vector.broadcast %xor3A_96 : i32 to vector<32x128xi32>
    %xor3A_98 = arith.xori %convert_element_type3A, %xor3A_97 : vector<32x128xi32>
    %xor3A_99 = arith.xori %convert_element_type3A, %and3A_95 : vector<32x128xi32>
    %select_n3A = arith.select %gt3A_92, %xor3A_98, %xor3A_99 : vector<32x128xi1>, vector<32x128xi32>
    %and3A_100 = arith.constant 128 : i32
    %and3A_101 = vector.broadcast %and3A_100 : i32 to vector<32x128xi32>
    %and3A_102 = arith.andi %convert_element_type3A_55, %and3A_101 : vector<32x128xi32>
    %gt3A_103 = arith.constant 0 : i32
    %gt3A_104 = vector.broadcast %gt3A_103 : i32 to vector<32x128xi32>
    %gt3A_105 = arith.cmpi sgt, %and3A_102, %gt3A_104 : vector<32x128xi32>
    %xor3A_106 = arith.xori %select_n3A, %convert_element_type3A_55 : vector<32x128xi32>
    %and3A_107 = arith.constant 127 : i32
    %and3A_108 = vector.broadcast %and3A_107 : i32 to vector<32x128xi32>
    %and3A_109 = arith.andi %xor3A_106, %and3A_108 : vector<32x128xi32>
    %xor3A_110 = arith.constant 127 : i32
    %xor3A_111 = vector.broadcast %xor3A_110 : i32 to vector<32x128xi32>
    %xor3A_112 = arith.xori %select_n3A, %xor3A_111 : vector<32x128xi32>
    %xor3A_113 = arith.xori %select_n3A, %and3A_109 : vector<32x128xi32>
    %select_n3A_114 = arith.select %gt3A_105, %xor3A_112, %xor3A_113 : vector<32x128xi1>, vector<32x128xi32>
    %xor3A_115 = arith.xori %convert_element_type3A_55, %and3A_109 : vector<32x128xi32>
    %select_n3A_116 = arith.select %gt3A_105, %convert_element_type3A_55, %xor3A_115 : vector<32x128xi1>, vector<32x128xi32>
    %and3A_117 = arith.constant 128 : i32
    %and3A_118 = vector.broadcast %and3A_117 : i32 to vector<32x128xi32>
    %and3A_119 = arith.andi %convert_element_type3A_88, %and3A_118 : vector<32x128xi32>
    %gt3A_120 = arith.constant 0 : i32
    %gt3A_121 = vector.broadcast %gt3A_120 : i32 to vector<32x128xi32>
    %gt3A_122 = arith.cmpi sgt, %and3A_119, %gt3A_121 : vector<32x128xi32>
    %xor3A_123 = arith.xori %select_n3A_114, %convert_element_type3A_88 : vector<32x128xi32>
    %and3A_124 = arith.constant 127 : i32
    %and3A_125 = vector.broadcast %and3A_124 : i32 to vector<32x128xi32>
    %and3A_126 = arith.andi %xor3A_123, %and3A_125 : vector<32x128xi32>
    %xor3A_127 = arith.constant 127 : i32
    %xor3A_128 = vector.broadcast %xor3A_127 : i32 to vector<32x128xi32>
    %xor3A_129 = arith.xori %select_n3A_114, %xor3A_128 : vector<32x128xi32>
    %xor3A_130 = arith.xori %select_n3A_114, %and3A_126 : vector<32x128xi32>
    %select_n3A_131 = arith.select %gt3A_122, %xor3A_129, %xor3A_130 : vector<32x128xi1>, vector<32x128xi32>
    %xor3A_132 = arith.xori %convert_element_type3A_88, %and3A_126 : vector<32x128xi32>
    %select_n3A_133 = arith.select %gt3A_122, %convert_element_type3A_88, %xor3A_132 : vector<32x128xi1>, vector<32x128xi32>
    %and3A_134 = arith.constant 64 : i32
    %and3A_135 = vector.broadcast %and3A_134 : i32 to vector<32x128xi32>
    %and3A_136 = arith.andi %select_n3A_131, %and3A_135 : vector<32x128xi32>
    %gt3A_137 = arith.constant 0 : i32
    %gt3A_138 = vector.broadcast %gt3A_137 : i32 to vector<32x128xi32>
    %gt3A_139 = arith.cmpi sgt, %and3A_136, %gt3A_138 : vector<32x128xi32>
    %xor3A_140 = arith.xori %select_n3A_131, %select_n3A_131 : vector<32x128xi32>
    %and3A_141 = arith.constant 63 : i32
    %and3A_142 = vector.broadcast %and3A_141 : i32 to vector<32x128xi32>
    %and3A_143 = arith.andi %xor3A_140, %and3A_142 : vector<32x128xi32>
    %xor3A_144 = arith.constant 63 : i32
    %xor3A_145 = vector.broadcast %xor3A_144 : i32 to vector<32x128xi32>
    %xor3A_146 = arith.xori %select_n3A_131, %xor3A_145 : vector<32x128xi32>
    %xor3A_147 = arith.xori %select_n3A_131, %and3A_143 : vector<32x128xi32>
    %select_n3A_148 = arith.select %gt3A_139, %xor3A_146, %xor3A_147 : vector<32x128xi1>, vector<32x128xi32>
    %and3A_149 = arith.constant 64 : i32
    %and3A_150 = vector.broadcast %and3A_149 : i32 to vector<32x128xi32>
    %and3A_151 = arith.andi %select_n3A_116, %and3A_150 : vector<32x128xi32>
    %gt3A_152 = arith.constant 0 : i32
    %gt3A_153 = vector.broadcast %gt3A_152 : i32 to vector<32x128xi32>
    %gt3A_154 = arith.cmpi sgt, %and3A_151, %gt3A_153 : vector<32x128xi32>
    %xor3A_155 = arith.xori %select_n3A_148, %select_n3A_116 : vector<32x128xi32>
    %and3A_156 = arith.constant 63 : i32
    %and3A_157 = vector.broadcast %and3A_156 : i32 to vector<32x128xi32>
    %and3A_158 = arith.andi %xor3A_155, %and3A_157 : vector<32x128xi32>
    %xor3A_159 = arith.constant 63 : i32
    %xor3A_160 = vector.broadcast %xor3A_159 : i32 to vector<32x128xi32>
    %xor3A_161 = arith.xori %select_n3A_148, %xor3A_160 : vector<32x128xi32>
    %xor3A_162 = arith.xori %select_n3A_148, %and3A_158 : vector<32x128xi32>
    %select_n3A_163 = arith.select %gt3A_154, %xor3A_161, %xor3A_162 : vector<32x128xi1>, vector<32x128xi32>
    %xor3A_164 = arith.xori %select_n3A_116, %and3A_158 : vector<32x128xi32>
    %select_n3A_165 = arith.select %gt3A_154, %select_n3A_116, %xor3A_164 : vector<32x128xi1>, vector<32x128xi32>
    %and3A_166 = arith.constant 64 : i32
    %and3A_167 = vector.broadcast %and3A_166 : i32 to vector<32x128xi32>
    %and3A_168 = arith.andi %select_n3A_133, %and3A_167 : vector<32x128xi32>
    %gt3A_169 = arith.constant 0 : i32
    %gt3A_170 = vector.broadcast %gt3A_169 : i32 to vector<32x128xi32>
    %gt3A_171 = arith.cmpi sgt, %and3A_168, %gt3A_170 : vector<32x128xi32>
    %xor3A_172 = arith.xori %select_n3A_163, %select_n3A_133 : vector<32x128xi32>
    %and3A_173 = arith.constant 63 : i32
    %and3A_174 = vector.broadcast %and3A_173 : i32 to vector<32x128xi32>
    %and3A_175 = arith.andi %xor3A_172, %and3A_174 : vector<32x128xi32>
    %xor3A_176 = arith.constant 63 : i32
    %xor3A_177 = vector.broadcast %xor3A_176 : i32 to vector<32x128xi32>
    %xor3A_178 = arith.xori %select_n3A_163, %xor3A_177 : vector<32x128xi32>
    %xor3A_179 = arith.xori %select_n3A_163, %and3A_175 : vector<32x128xi32>
    %select_n3A_180 = arith.select %gt3A_171, %xor3A_178, %xor3A_179 : vector<32x128xi1>, vector<32x128xi32>
    %xor3A_181 = arith.xori %select_n3A_133, %and3A_175 : vector<32x128xi32>
    %select_n3A_182 = arith.select %gt3A_171, %select_n3A_133, %xor3A_181 : vector<32x128xi1>, vector<32x128xi32>
    %and3A_183 = arith.constant 32 : i32
    %and3A_184 = vector.broadcast %and3A_183 : i32 to vector<32x128xi32>
    %and3A_185 = arith.andi %select_n3A_180, %and3A_184 : vector<32x128xi32>
    %gt3A_186 = arith.constant 0 : i32
    %gt3A_187 = vector.broadcast %gt3A_186 : i32 to vector<32x128xi32>
    %gt3A_188 = arith.cmpi sgt, %and3A_185, %gt3A_187 : vector<32x128xi32>
    %xor3A_189 = arith.xori %select_n3A_180, %select_n3A_180 : vector<32x128xi32>
    %and3A_190 = arith.constant 31 : i32
    %and3A_191 = vector.broadcast %and3A_190 : i32 to vector<32x128xi32>
    %and3A_192 = arith.andi %xor3A_189, %and3A_191 : vector<32x128xi32>
    %xor3A_193 = arith.constant 31 : i32
    %xor3A_194 = vector.broadcast %xor3A_193 : i32 to vector<32x128xi32>
    %xor3A_195 = arith.xori %select_n3A_180, %xor3A_194 : vector<32x128xi32>
    %xor3A_196 = arith.xori %select_n3A_180, %and3A_192 : vector<32x128xi32>
    %select_n3A_197 = arith.select %gt3A_188, %xor3A_195, %xor3A_196 : vector<32x128xi1>, vector<32x128xi32>
    %and3A_198 = arith.constant 32 : i32
    %and3A_199 = vector.broadcast %and3A_198 : i32 to vector<32x128xi32>
    %and3A_200 = arith.andi %select_n3A_165, %and3A_199 : vector<32x128xi32>
    %gt3A_201 = arith.constant 0 : i32
    %gt3A_202 = vector.broadcast %gt3A_201 : i32 to vector<32x128xi32>
    %gt3A_203 = arith.cmpi sgt, %and3A_200, %gt3A_202 : vector<32x128xi32>
    %xor3A_204 = arith.xori %select_n3A_197, %select_n3A_165 : vector<32x128xi32>
    %and3A_205 = arith.constant 31 : i32
    %and3A_206 = vector.broadcast %and3A_205 : i32 to vector<32x128xi32>
    %and3A_207 = arith.andi %xor3A_204, %and3A_206 : vector<32x128xi32>
    %xor3A_208 = arith.constant 31 : i32
    %xor3A_209 = vector.broadcast %xor3A_208 : i32 to vector<32x128xi32>
    %xor3A_210 = arith.xori %select_n3A_197, %xor3A_209 : vector<32x128xi32>
    %xor3A_211 = arith.xori %select_n3A_197, %and3A_207 : vector<32x128xi32>
    %select_n3A_212 = arith.select %gt3A_203, %xor3A_210, %xor3A_211 : vector<32x128xi1>, vector<32x128xi32>
    %xor3A_213 = arith.xori %select_n3A_165, %and3A_207 : vector<32x128xi32>
    %select_n3A_214 = arith.select %gt3A_203, %select_n3A_165, %xor3A_213 : vector<32x128xi1>, vector<32x128xi32>
    %and3A_215 = arith.constant 32 : i32
    %and3A_216 = vector.broadcast %and3A_215 : i32 to vector<32x128xi32>
    %and3A_217 = arith.andi %select_n3A_182, %and3A_216 : vector<32x128xi32>
    %gt3A_218 = arith.constant 0 : i32
    %gt3A_219 = vector.broadcast %gt3A_218 : i32 to vector<32x128xi32>
    %gt3A_220 = arith.cmpi sgt, %and3A_217, %gt3A_219 : vector<32x128xi32>
    %xor3A_221 = arith.xori %select_n3A_212, %select_n3A_182 : vector<32x128xi32>
    %and3A_222 = arith.constant 31 : i32
    %and3A_223 = vector.broadcast %and3A_222 : i32 to vector<32x128xi32>
    %and3A_224 = arith.andi %xor3A_221, %and3A_223 : vector<32x128xi32>
    %xor3A_225 = arith.constant 31 : i32
    %xor3A_226 = vector.broadcast %xor3A_225 : i32 to vector<32x128xi32>
    %xor3A_227 = arith.xori %select_n3A_212, %xor3A_226 : vector<32x128xi32>
    %xor3A_228 = arith.xori %select_n3A_212, %and3A_224 : vector<32x128xi32>
    %select_n3A_229 = arith.select %gt3A_220, %xor3A_227, %xor3A_228 : vector<32x128xi1>, vector<32x128xi32>
    %xor3A_230 = arith.xori %select_n3A_182, %and3A_224 : vector<32x128xi32>
    %select_n3A_231 = arith.select %gt3A_220, %select_n3A_182, %xor3A_230 : vector<32x128xi1>, vector<32x128xi32>
    %and3A_232 = arith.constant 16 : i32
    %and3A_233 = vector.broadcast %and3A_232 : i32 to vector<32x128xi32>
    %and3A_234 = arith.andi %select_n3A_229, %and3A_233 : vector<32x128xi32>
    %gt3A_235 = arith.constant 0 : i32
    %gt3A_236 = vector.broadcast %gt3A_235 : i32 to vector<32x128xi32>
    %gt3A_237 = arith.cmpi sgt, %and3A_234, %gt3A_236 : vector<32x128xi32>
    %xor3A_238 = arith.xori %select_n3A_229, %select_n3A_229 : vector<32x128xi32>
    %and3A_239 = arith.constant 15 : i32
    %and3A_240 = vector.broadcast %and3A_239 : i32 to vector<32x128xi32>
    %and3A_241 = arith.andi %xor3A_238, %and3A_240 : vector<32x128xi32>
    %xor3A_242 = arith.constant 15 : i32
    %xor3A_243 = vector.broadcast %xor3A_242 : i32 to vector<32x128xi32>
    %xor3A_244 = arith.xori %select_n3A_229, %xor3A_243 : vector<32x128xi32>
    %xor3A_245 = arith.xori %select_n3A_229, %and3A_241 : vector<32x128xi32>
    %select_n3A_246 = arith.select %gt3A_237, %xor3A_244, %xor3A_245 : vector<32x128xi1>, vector<32x128xi32>
    %and3A_247 = arith.constant 16 : i32
    %and3A_248 = vector.broadcast %and3A_247 : i32 to vector<32x128xi32>
    %and3A_249 = arith.andi %select_n3A_214, %and3A_248 : vector<32x128xi32>
    %gt3A_250 = arith.constant 0 : i32
    %gt3A_251 = vector.broadcast %gt3A_250 : i32 to vector<32x128xi32>
    %gt3A_252 = arith.cmpi sgt, %and3A_249, %gt3A_251 : vector<32x128xi32>
    %xor3A_253 = arith.xori %select_n3A_246, %select_n3A_214 : vector<32x128xi32>
    %and3A_254 = arith.constant 15 : i32
    %and3A_255 = vector.broadcast %and3A_254 : i32 to vector<32x128xi32>
    %and3A_256 = arith.andi %xor3A_253, %and3A_255 : vector<32x128xi32>
    %xor3A_257 = arith.constant 15 : i32
    %xor3A_258 = vector.broadcast %xor3A_257 : i32 to vector<32x128xi32>
    %xor3A_259 = arith.xori %select_n3A_246, %xor3A_258 : vector<32x128xi32>
    %xor3A_260 = arith.xori %select_n3A_246, %and3A_256 : vector<32x128xi32>
    %select_n3A_261 = arith.select %gt3A_252, %xor3A_259, %xor3A_260 : vector<32x128xi1>, vector<32x128xi32>
    %xor3A_262 = arith.xori %select_n3A_214, %and3A_256 : vector<32x128xi32>
    %select_n3A_263 = arith.select %gt3A_252, %select_n3A_214, %xor3A_262 : vector<32x128xi1>, vector<32x128xi32>
    %and3A_264 = arith.constant 16 : i32
    %and3A_265 = vector.broadcast %and3A_264 : i32 to vector<32x128xi32>
    %and3A_266 = arith.andi %select_n3A_231, %and3A_265 : vector<32x128xi32>
    %gt3A_267 = arith.constant 0 : i32
    %gt3A_268 = vector.broadcast %gt3A_267 : i32 to vector<32x128xi32>
    %gt3A_269 = arith.cmpi sgt, %and3A_266, %gt3A_268 : vector<32x128xi32>
    %xor3A_270 = arith.xori %select_n3A_261, %select_n3A_231 : vector<32x128xi32>
    %and3A_271 = arith.constant 15 : i32
    %and3A_272 = vector.broadcast %and3A_271 : i32 to vector<32x128xi32>
    %and3A_273 = arith.andi %xor3A_270, %and3A_272 : vector<32x128xi32>
    %xor3A_274 = arith.constant 15 : i32
    %xor3A_275 = vector.broadcast %xor3A_274 : i32 to vector<32x128xi32>
    %xor3A_276 = arith.xori %select_n3A_261, %xor3A_275 : vector<32x128xi32>
    %xor3A_277 = arith.xori %select_n3A_261, %and3A_273 : vector<32x128xi32>
    %select_n3A_278 = arith.select %gt3A_269, %xor3A_276, %xor3A_277 : vector<32x128xi1>, vector<32x128xi32>
    %xor3A_279 = arith.xori %select_n3A_231, %and3A_273 : vector<32x128xi32>
    %select_n3A_280 = arith.select %gt3A_269, %select_n3A_231, %xor3A_279 : vector<32x128xi1>, vector<32x128xi32>
    %and3A_281 = arith.constant 8 : i32
    %and3A_282 = vector.broadcast %and3A_281 : i32 to vector<32x128xi32>
    %and3A_283 = arith.andi %select_n3A_278, %and3A_282 : vector<32x128xi32>
    %gt3A_284 = arith.constant 0 : i32
    %gt3A_285 = vector.broadcast %gt3A_284 : i32 to vector<32x128xi32>
    %gt3A_286 = arith.cmpi sgt, %and3A_283, %gt3A_285 : vector<32x128xi32>
    %xor3A_287 = arith.xori %select_n3A_278, %select_n3A_278 : vector<32x128xi32>
    %and3A_288 = arith.constant 7 : i32
    %and3A_289 = vector.broadcast %and3A_288 : i32 to vector<32x128xi32>
    %and3A_290 = arith.andi %xor3A_287, %and3A_289 : vector<32x128xi32>
    %xor3A_291 = arith.constant 7 : i32
    %xor3A_292 = vector.broadcast %xor3A_291 : i32 to vector<32x128xi32>
    %xor3A_293 = arith.xori %select_n3A_278, %xor3A_292 : vector<32x128xi32>
    %xor3A_294 = arith.xori %select_n3A_278, %and3A_290 : vector<32x128xi32>
    %select_n3A_295 = arith.select %gt3A_286, %xor3A_293, %xor3A_294 : vector<32x128xi1>, vector<32x128xi32>
    %and3A_296 = arith.constant 8 : i32
    %and3A_297 = vector.broadcast %and3A_296 : i32 to vector<32x128xi32>
    %and3A_298 = arith.andi %select_n3A_263, %and3A_297 : vector<32x128xi32>
    %gt3A_299 = arith.constant 0 : i32
    %gt3A_300 = vector.broadcast %gt3A_299 : i32 to vector<32x128xi32>
    %gt3A_301 = arith.cmpi sgt, %and3A_298, %gt3A_300 : vector<32x128xi32>
    %xor3A_302 = arith.xori %select_n3A_295, %select_n3A_263 : vector<32x128xi32>
    %and3A_303 = arith.constant 7 : i32
    %and3A_304 = vector.broadcast %and3A_303 : i32 to vector<32x128xi32>
    %and3A_305 = arith.andi %xor3A_302, %and3A_304 : vector<32x128xi32>
    %xor3A_306 = arith.constant 7 : i32
    %xor3A_307 = vector.broadcast %xor3A_306 : i32 to vector<32x128xi32>
    %xor3A_308 = arith.xori %select_n3A_295, %xor3A_307 : vector<32x128xi32>
    %xor3A_309 = arith.xori %select_n3A_295, %and3A_305 : vector<32x128xi32>
    %select_n3A_310 = arith.select %gt3A_301, %xor3A_308, %xor3A_309 : vector<32x128xi1>, vector<32x128xi32>
    %xor3A_311 = arith.xori %select_n3A_263, %and3A_305 : vector<32x128xi32>
    %select_n3A_312 = arith.select %gt3A_301, %select_n3A_263, %xor3A_311 : vector<32x128xi1>, vector<32x128xi32>
    %and3A_313 = arith.constant 8 : i32
    %and3A_314 = vector.broadcast %and3A_313 : i32 to vector<32x128xi32>
    %and3A_315 = arith.andi %select_n3A_280, %and3A_314 : vector<32x128xi32>
    %gt3A_316 = arith.constant 0 : i32
    %gt3A_317 = vector.broadcast %gt3A_316 : i32 to vector<32x128xi32>
    %gt3A_318 = arith.cmpi sgt, %and3A_315, %gt3A_317 : vector<32x128xi32>
    %xor3A_319 = arith.xori %select_n3A_310, %select_n3A_280 : vector<32x128xi32>
    %and3A_320 = arith.constant 7 : i32
    %and3A_321 = vector.broadcast %and3A_320 : i32 to vector<32x128xi32>
    %and3A_322 = arith.andi %xor3A_319, %and3A_321 : vector<32x128xi32>
    %xor3A_323 = arith.constant 7 : i32
    %xor3A_324 = vector.broadcast %xor3A_323 : i32 to vector<32x128xi32>
    %xor3A_325 = arith.xori %select_n3A_310, %xor3A_324 : vector<32x128xi32>
    %xor3A_326 = arith.xori %select_n3A_310, %and3A_322 : vector<32x128xi32>
    %select_n3A_327 = arith.select %gt3A_318, %xor3A_325, %xor3A_326 : vector<32x128xi1>, vector<32x128xi32>
    %xor3A_328 = arith.xori %select_n3A_280, %and3A_322 : vector<32x128xi32>
    %select_n3A_329 = arith.select %gt3A_318, %select_n3A_280, %xor3A_328 : vector<32x128xi1>, vector<32x128xi32>
    %and3A_330 = arith.constant 4 : i32
    %and3A_331 = vector.broadcast %and3A_330 : i32 to vector<32x128xi32>
    %and3A_332 = arith.andi %select_n3A_327, %and3A_331 : vector<32x128xi32>
    %gt3A_333 = arith.constant 0 : i32
    %gt3A_334 = vector.broadcast %gt3A_333 : i32 to vector<32x128xi32>
    %gt3A_335 = arith.cmpi sgt, %and3A_332, %gt3A_334 : vector<32x128xi32>
    %xor3A_336 = arith.xori %select_n3A_327, %select_n3A_327 : vector<32x128xi32>
    %and3A_337 = arith.constant 3 : i32
    %and3A_338 = vector.broadcast %and3A_337 : i32 to vector<32x128xi32>
    %and3A_339 = arith.andi %xor3A_336, %and3A_338 : vector<32x128xi32>
    %xor3A_340 = arith.constant 3 : i32
    %xor3A_341 = vector.broadcast %xor3A_340 : i32 to vector<32x128xi32>
    %xor3A_342 = arith.xori %select_n3A_327, %xor3A_341 : vector<32x128xi32>
    %xor3A_343 = arith.xori %select_n3A_327, %and3A_339 : vector<32x128xi32>
    %select_n3A_344 = arith.select %gt3A_335, %xor3A_342, %xor3A_343 : vector<32x128xi1>, vector<32x128xi32>
    %and3A_345 = arith.constant 4 : i32
    %and3A_346 = vector.broadcast %and3A_345 : i32 to vector<32x128xi32>
    %and3A_347 = arith.andi %select_n3A_312, %and3A_346 : vector<32x128xi32>
    %gt3A_348 = arith.constant 0 : i32
    %gt3A_349 = vector.broadcast %gt3A_348 : i32 to vector<32x128xi32>
    %gt3A_350 = arith.cmpi sgt, %and3A_347, %gt3A_349 : vector<32x128xi32>
    %xor3A_351 = arith.xori %select_n3A_344, %select_n3A_312 : vector<32x128xi32>
    %and3A_352 = arith.constant 3 : i32
    %and3A_353 = vector.broadcast %and3A_352 : i32 to vector<32x128xi32>
    %and3A_354 = arith.andi %xor3A_351, %and3A_353 : vector<32x128xi32>
    %xor3A_355 = arith.constant 3 : i32
    %xor3A_356 = vector.broadcast %xor3A_355 : i32 to vector<32x128xi32>
    %xor3A_357 = arith.xori %select_n3A_344, %xor3A_356 : vector<32x128xi32>
    %xor3A_358 = arith.xori %select_n3A_344, %and3A_354 : vector<32x128xi32>
    %select_n3A_359 = arith.select %gt3A_350, %xor3A_357, %xor3A_358 : vector<32x128xi1>, vector<32x128xi32>
    %xor3A_360 = arith.xori %select_n3A_312, %and3A_354 : vector<32x128xi32>
    %select_n3A_361 = arith.select %gt3A_350, %select_n3A_312, %xor3A_360 : vector<32x128xi1>, vector<32x128xi32>
    %and3A_362 = arith.constant 4 : i32
    %and3A_363 = vector.broadcast %and3A_362 : i32 to vector<32x128xi32>
    %and3A_364 = arith.andi %select_n3A_329, %and3A_363 : vector<32x128xi32>
    %gt3A_365 = arith.constant 0 : i32
    %gt3A_366 = vector.broadcast %gt3A_365 : i32 to vector<32x128xi32>
    %gt3A_367 = arith.cmpi sgt, %and3A_364, %gt3A_366 : vector<32x128xi32>
    %xor3A_368 = arith.xori %select_n3A_359, %select_n3A_329 : vector<32x128xi32>
    %and3A_369 = arith.constant 3 : i32
    %and3A_370 = vector.broadcast %and3A_369 : i32 to vector<32x128xi32>
    %and3A_371 = arith.andi %xor3A_368, %and3A_370 : vector<32x128xi32>
    %xor3A_372 = arith.constant 3 : i32
    %xor3A_373 = vector.broadcast %xor3A_372 : i32 to vector<32x128xi32>
    %xor3A_374 = arith.xori %select_n3A_359, %xor3A_373 : vector<32x128xi32>
    %xor3A_375 = arith.xori %select_n3A_359, %and3A_371 : vector<32x128xi32>
    %select_n3A_376 = arith.select %gt3A_367, %xor3A_374, %xor3A_375 : vector<32x128xi1>, vector<32x128xi32>
    %xor3A_377 = arith.xori %select_n3A_329, %and3A_371 : vector<32x128xi32>
    %select_n3A_378 = arith.select %gt3A_367, %select_n3A_329, %xor3A_377 : vector<32x128xi1>, vector<32x128xi32>
    %and3A_379 = arith.constant 2 : i32
    %and3A_380 = vector.broadcast %and3A_379 : i32 to vector<32x128xi32>
    %and3A_381 = arith.andi %select_n3A_376, %and3A_380 : vector<32x128xi32>
    %gt3A_382 = arith.constant 0 : i32
    %gt3A_383 = vector.broadcast %gt3A_382 : i32 to vector<32x128xi32>
    %gt3A_384 = arith.cmpi sgt, %and3A_381, %gt3A_383 : vector<32x128xi32>
    %xor3A_385 = arith.xori %select_n3A_376, %select_n3A_376 : vector<32x128xi32>
    %and3A_386 = arith.constant 1 : i32
    %and3A_387 = vector.broadcast %and3A_386 : i32 to vector<32x128xi32>
    %and3A_388 = arith.andi %xor3A_385, %and3A_387 : vector<32x128xi32>
    %xor3A_389 = arith.constant 1 : i32
    %xor3A_390 = vector.broadcast %xor3A_389 : i32 to vector<32x128xi32>
    %xor3A_391 = arith.xori %select_n3A_376, %xor3A_390 : vector<32x128xi32>
    %xor3A_392 = arith.xori %select_n3A_376, %and3A_388 : vector<32x128xi32>
    %select_n3A_393 = arith.select %gt3A_384, %xor3A_391, %xor3A_392 : vector<32x128xi1>, vector<32x128xi32>
    %and3A_394 = arith.constant 2 : i32
    %and3A_395 = vector.broadcast %and3A_394 : i32 to vector<32x128xi32>
    %and3A_396 = arith.andi %select_n3A_361, %and3A_395 : vector<32x128xi32>
    %gt3A_397 = arith.constant 0 : i32
    %gt3A_398 = vector.broadcast %gt3A_397 : i32 to vector<32x128xi32>
    %gt3A_399 = arith.cmpi sgt, %and3A_396, %gt3A_398 : vector<32x128xi32>
    %xor3A_400 = arith.xori %select_n3A_393, %select_n3A_361 : vector<32x128xi32>
    %and3A_401 = arith.constant 1 : i32
    %and3A_402 = vector.broadcast %and3A_401 : i32 to vector<32x128xi32>
    %and3A_403 = arith.andi %xor3A_400, %and3A_402 : vector<32x128xi32>
    %xor3A_404 = arith.constant 1 : i32
    %xor3A_405 = vector.broadcast %xor3A_404 : i32 to vector<32x128xi32>
    %xor3A_406 = arith.xori %select_n3A_393, %xor3A_405 : vector<32x128xi32>
    %xor3A_407 = arith.xori %select_n3A_393, %and3A_403 : vector<32x128xi32>
    %select_n3A_408 = arith.select %gt3A_399, %xor3A_406, %xor3A_407 : vector<32x128xi1>, vector<32x128xi32>
    %xor3A_409 = arith.xori %select_n3A_361, %and3A_403 : vector<32x128xi32>
    %select_n3A_410 = arith.select %gt3A_399, %select_n3A_361, %xor3A_409 : vector<32x128xi1>, vector<32x128xi32>
    %and3A_411 = arith.constant 2 : i32
    %and3A_412 = vector.broadcast %and3A_411 : i32 to vector<32x128xi32>
    %and3A_413 = arith.andi %select_n3A_378, %and3A_412 : vector<32x128xi32>
    %gt3A_414 = arith.constant 0 : i32
    %gt3A_415 = vector.broadcast %gt3A_414 : i32 to vector<32x128xi32>
    %gt3A_416 = arith.cmpi sgt, %and3A_413, %gt3A_415 : vector<32x128xi32>
    %xor3A_417 = arith.xori %select_n3A_408, %select_n3A_378 : vector<32x128xi32>
    %and3A_418 = arith.constant 1 : i32
    %and3A_419 = vector.broadcast %and3A_418 : i32 to vector<32x128xi32>
    %and3A_420 = arith.andi %xor3A_417, %and3A_419 : vector<32x128xi32>
    %xor3A_421 = arith.constant 1 : i32
    %xor3A_422 = vector.broadcast %xor3A_421 : i32 to vector<32x128xi32>
    %xor3A_423 = arith.xori %select_n3A_408, %xor3A_422 : vector<32x128xi32>
    %xor3A_424 = arith.xori %select_n3A_408, %and3A_420 : vector<32x128xi32>
    %select_n3A_425 = arith.select %gt3A_416, %xor3A_423, %xor3A_424 : vector<32x128xi1>, vector<32x128xi32>
    %xor3A_426 = arith.xori %select_n3A_378, %and3A_420 : vector<32x128xi32>
    %select_n3A_427 = arith.select %gt3A_416, %select_n3A_378, %xor3A_426 : vector<32x128xi1>, vector<32x128xi32>
    %xor3A_428 = arith.xori %select_n3A_410, %select_n3A_425 : vector<32x128xi32>
    %xor3A_429 = arith.xori %select_n3A_427, %xor3A_428 : vector<32x128xi32>
    %broadcast_in_dim3A = arith.constant 0 : i32
    %broadcast_in_dim3A_430 = vector.broadcast %broadcast_in_dim3A : i32 to vector<32x128xi32>
    %and3A_431 = arith.constant 128 : i32
    %and3A_432 = vector.broadcast %and3A_431 : i32 to vector<32x128xi32>
    %and3A_433 = arith.andi %xor3A_429, %and3A_432 : vector<32x128xi32>
    %gt3A_434 = arith.constant 0 : i32
    %gt3A_435 = vector.broadcast %gt3A_434 : i32 to vector<32x128xi32>
    %gt3A_436 = arith.cmpi sgt, %and3A_433, %gt3A_435 : vector<32x128xi32>
    %xor3A_437 = arith.constant 127 : i32
    %xor3A_438 = vector.broadcast %xor3A_437 : i32 to vector<32x128xi32>
    %xor3A_439 = arith.xori %broadcast_in_dim3A_430, %xor3A_438 : vector<32x128xi32>
    %select_n3A_440 = arith.select %gt3A_436, %xor3A_439, %broadcast_in_dim3A_430 : vector<32x128xi1>, vector<32x128xi32>
    %and3A_441 = arith.constant 64 : i32
    %and3A_442 = vector.broadcast %and3A_441 : i32 to vector<32x128xi32>
    %and3A_443 = arith.andi %xor3A_429, %and3A_442 : vector<32x128xi32>
    %gt3A_444 = arith.constant 0 : i32
    %gt3A_445 = vector.broadcast %gt3A_444 : i32 to vector<32x128xi32>
    %gt3A_446 = arith.cmpi sgt, %and3A_443, %gt3A_445 : vector<32x128xi32>
    %xor3A_447 = arith.constant 63 : i32
    %xor3A_448 = vector.broadcast %xor3A_447 : i32 to vector<32x128xi32>
    %xor3A_449 = arith.xori %select_n3A_440, %xor3A_448 : vector<32x128xi32>
    %select_n3A_450 = arith.select %gt3A_446, %xor3A_449, %select_n3A_440 : vector<32x128xi1>, vector<32x128xi32>
    %and3A_451 = arith.constant 32 : i32
    %and3A_452 = vector.broadcast %and3A_451 : i32 to vector<32x128xi32>
    %and3A_453 = arith.andi %xor3A_429, %and3A_452 : vector<32x128xi32>
    %gt3A_454 = arith.constant 0 : i32
    %gt3A_455 = vector.broadcast %gt3A_454 : i32 to vector<32x128xi32>
    %gt3A_456 = arith.cmpi sgt, %and3A_453, %gt3A_455 : vector<32x128xi32>
    %xor3A_457 = arith.constant 31 : i32
    %xor3A_458 = vector.broadcast %xor3A_457 : i32 to vector<32x128xi32>
    %xor3A_459 = arith.xori %select_n3A_450, %xor3A_458 : vector<32x128xi32>
    %select_n3A_460 = arith.select %gt3A_456, %xor3A_459, %select_n3A_450 : vector<32x128xi1>, vector<32x128xi32>
    %and3A_461 = arith.constant 16 : i32
    %and3A_462 = vector.broadcast %and3A_461 : i32 to vector<32x128xi32>
    %and3A_463 = arith.andi %xor3A_429, %and3A_462 : vector<32x128xi32>
    %gt3A_464 = arith.constant 0 : i32
    %gt3A_465 = vector.broadcast %gt3A_464 : i32 to vector<32x128xi32>
    %gt3A_466 = arith.cmpi sgt, %and3A_463, %gt3A_465 : vector<32x128xi32>
    %xor3A_467 = arith.constant 15 : i32
    %xor3A_468 = vector.broadcast %xor3A_467 : i32 to vector<32x128xi32>
    %xor3A_469 = arith.xori %select_n3A_460, %xor3A_468 : vector<32x128xi32>
    %select_n3A_470 = arith.select %gt3A_466, %xor3A_469, %select_n3A_460 : vector<32x128xi1>, vector<32x128xi32>
    %and3A_471 = arith.constant 8 : i32
    %and3A_472 = vector.broadcast %and3A_471 : i32 to vector<32x128xi32>
    %and3A_473 = arith.andi %xor3A_429, %and3A_472 : vector<32x128xi32>
    %gt3A_474 = arith.constant 0 : i32
    %gt3A_475 = vector.broadcast %gt3A_474 : i32 to vector<32x128xi32>
    %gt3A_476 = arith.cmpi sgt, %and3A_473, %gt3A_475 : vector<32x128xi32>
    %xor3A_477 = arith.constant 7 : i32
    %xor3A_478 = vector.broadcast %xor3A_477 : i32 to vector<32x128xi32>
    %xor3A_479 = arith.xori %select_n3A_470, %xor3A_478 : vector<32x128xi32>
    %select_n3A_480 = arith.select %gt3A_476, %xor3A_479, %select_n3A_470 : vector<32x128xi1>, vector<32x128xi32>
    %and3A_481 = arith.constant 4 : i32
    %and3A_482 = vector.broadcast %and3A_481 : i32 to vector<32x128xi32>
    %and3A_483 = arith.andi %xor3A_429, %and3A_482 : vector<32x128xi32>
    %gt3A_484 = arith.constant 0 : i32
    %gt3A_485 = vector.broadcast %gt3A_484 : i32 to vector<32x128xi32>
    %gt3A_486 = arith.cmpi sgt, %and3A_483, %gt3A_485 : vector<32x128xi32>
    %xor3A_487 = arith.constant 3 : i32
    %xor3A_488 = vector.broadcast %xor3A_487 : i32 to vector<32x128xi32>
    %xor3A_489 = arith.xori %select_n3A_480, %xor3A_488 : vector<32x128xi32>
    %select_n3A_490 = arith.select %gt3A_486, %xor3A_489, %select_n3A_480 : vector<32x128xi1>, vector<32x128xi32>
    %and3A_491 = arith.constant 2 : i32
    %and3A_492 = vector.broadcast %and3A_491 : i32 to vector<32x128xi32>
    %and3A_493 = arith.andi %xor3A_429, %and3A_492 : vector<32x128xi32>
    %gt3A_494 = arith.constant 0 : i32
    %gt3A_495 = vector.broadcast %gt3A_494 : i32 to vector<32x128xi32>
    %gt3A_496 = arith.cmpi sgt, %and3A_493, %gt3A_495 : vector<32x128xi32>
    %xor3A_497 = arith.constant 1 : i32
    %xor3A_498 = vector.broadcast %xor3A_497 : i32 to vector<32x128xi32>
    %xor3A_499 = arith.xori %select_n3A_490, %xor3A_498 : vector<32x128xi32>
    %select_n3A_500 = arith.select %gt3A_496, %xor3A_499, %select_n3A_490 : vector<32x128xi1>, vector<32x128xi32>
    %xor3A_501 = arith.xori %select_n3A_425, %select_n3A_500 : vector<32x128xi32>
    %xor3A_502 = arith.xori %xor3A_428, %select_n3A_500 : vector<32x128xi32>
    %xor3A_503 = arith.xori %xor3A_429, %select_n3A_500 : vector<32x128xi32>
    %broadcast_in_dim3A_504 = arith.constant 0 : i32
    %broadcast_in_dim3A_505 = vector.broadcast %broadcast_in_dim3A_504 : i32 to vector<32x128xi32>
    %shift_left3A = arith.constant 1 : i32
    %shift_left3A_506 = vector.broadcast %shift_left3A : i32 to vector<32x128xi32>
    %shift_left3A_507 = arith.shli %broadcast_in_dim3A_505, %shift_left3A_506 : vector<32x128xi32>
    %shift_right_arithmetic3A = arith.constant 7 : i32
    %shift_right_arithmetic3A_508 = vector.broadcast %shift_right_arithmetic3A : i32 to vector<32x128xi32>
    %shift_right_arithmetic3A_509 = arith.shrsi %xor3A_501, %shift_right_arithmetic3A_508 : vector<32x128xi32>
    %and3A_510 = arith.constant 1 : i32
    %and3A_511 = vector.broadcast %and3A_510 : i32 to vector<32x128xi32>
    %and3A_512 = arith.andi %shift_right_arithmetic3A_509, %and3A_511 : vector<32x128xi32>
    %or3A = arith.ori %shift_left3A_507, %and3A_512 : vector<32x128xi32>
    %shift_left3A_513 = arith.constant 1 : i32
    %shift_left3A_514 = vector.broadcast %shift_left3A_513 : i32 to vector<32x128xi32>
    %shift_left3A_515 = arith.shli %or3A, %shift_left3A_514 : vector<32x128xi32>
    %shift_right_arithmetic3A_516 = arith.constant 7 : i32
    %shift_right_arithmetic3A_517 = vector.broadcast %shift_right_arithmetic3A_516 : i32 to vector<32x128xi32>
    %shift_right_arithmetic3A_518 = arith.shrsi %xor3A_502, %shift_right_arithmetic3A_517 : vector<32x128xi32>
    %and3A_519 = arith.constant 1 : i32
    %and3A_520 = vector.broadcast %and3A_519 : i32 to vector<32x128xi32>
    %and3A_521 = arith.andi %shift_right_arithmetic3A_518, %and3A_520 : vector<32x128xi32>
    %or3A_522 = arith.ori %shift_left3A_515, %and3A_521 : vector<32x128xi32>
    %shift_left3A_523 = arith.constant 1 : i32
    %shift_left3A_524 = vector.broadcast %shift_left3A_523 : i32 to vector<32x128xi32>
    %shift_left3A_525 = arith.shli %or3A_522, %shift_left3A_524 : vector<32x128xi32>
    %shift_right_arithmetic3A_526 = arith.constant 7 : i32
    %shift_right_arithmetic3A_527 = vector.broadcast %shift_right_arithmetic3A_526 : i32 to vector<32x128xi32>
    %shift_right_arithmetic3A_528 = arith.shrsi %xor3A_503, %shift_right_arithmetic3A_527 : vector<32x128xi32>
    %and3A_529 = arith.constant 1 : i32
    %and3A_530 = vector.broadcast %and3A_529 : i32 to vector<32x128xi32>
    %and3A_531 = arith.andi %shift_right_arithmetic3A_528, %and3A_530 : vector<32x128xi32>
    %or3A_532 = arith.ori %shift_left3A_525, %and3A_531 : vector<32x128xi32>
    %shift_left3A_533 = arith.constant 1 : i32
    %shift_left3A_534 = vector.broadcast %shift_left3A_533 : i32 to vector<32x128xi32>
    %shift_left3A_535 = arith.shli %or3A_532, %shift_left3A_534 : vector<32x128xi32>
    %shift_right_arithmetic3A_536 = arith.constant 6 : i32
    %shift_right_arithmetic3A_537 = vector.broadcast %shift_right_arithmetic3A_536 : i32 to vector<32x128xi32>
    %shift_right_arithmetic3A_538 = arith.shrsi %xor3A_501, %shift_right_arithmetic3A_537 : vector<32x128xi32>
    %and3A_539 = arith.constant 1 : i32
    %and3A_540 = vector.broadcast %and3A_539 : i32 to vector<32x128xi32>
    %and3A_541 = arith.andi %shift_right_arithmetic3A_538, %and3A_540 : vector<32x128xi32>
    %or3A_542 = arith.ori %shift_left3A_535, %and3A_541 : vector<32x128xi32>
    %shift_left3A_543 = arith.constant 1 : i32
    %shift_left3A_544 = vector.broadcast %shift_left3A_543 : i32 to vector<32x128xi32>
    %shift_left3A_545 = arith.shli %or3A_542, %shift_left3A_544 : vector<32x128xi32>
    %shift_right_arithmetic3A_546 = arith.constant 6 : i32
    %shift_right_arithmetic3A_547 = vector.broadcast %shift_right_arithmetic3A_546 : i32 to vector<32x128xi32>
    %shift_right_arithmetic3A_548 = arith.shrsi %xor3A_502, %shift_right_arithmetic3A_547 : vector<32x128xi32>
    %and3A_549 = arith.constant 1 : i32
    %and3A_550 = vector.broadcast %and3A_549 : i32 to vector<32x128xi32>
    %and3A_551 = arith.andi %shift_right_arithmetic3A_548, %and3A_550 : vector<32x128xi32>
    %or3A_552 = arith.ori %shift_left3A_545, %and3A_551 : vector<32x128xi32>
    %shift_left3A_553 = arith.constant 1 : i32
    %shift_left3A_554 = vector.broadcast %shift_left3A_553 : i32 to vector<32x128xi32>
    %shift_left3A_555 = arith.shli %or3A_552, %shift_left3A_554 : vector<32x128xi32>
    %shift_right_arithmetic3A_556 = arith.constant 6 : i32
    %shift_right_arithmetic3A_557 = vector.broadcast %shift_right_arithmetic3A_556 : i32 to vector<32x128xi32>
    %shift_right_arithmetic3A_558 = arith.shrsi %xor3A_503, %shift_right_arithmetic3A_557 : vector<32x128xi32>
    %and3A_559 = arith.constant 1 : i32
    %and3A_560 = vector.broadcast %and3A_559 : i32 to vector<32x128xi32>
    %and3A_561 = arith.andi %shift_right_arithmetic3A_558, %and3A_560 : vector<32x128xi32>
    %or3A_562 = arith.ori %shift_left3A_555, %and3A_561 : vector<32x128xi32>
    %shift_left3A_563 = arith.constant 1 : i32
    %shift_left3A_564 = vector.broadcast %shift_left3A_563 : i32 to vector<32x128xi32>
    %shift_left3A_565 = arith.shli %or3A_562, %shift_left3A_564 : vector<32x128xi32>
    %shift_right_arithmetic3A_566 = arith.constant 5 : i32
    %shift_right_arithmetic3A_567 = vector.broadcast %shift_right_arithmetic3A_566 : i32 to vector<32x128xi32>
    %shift_right_arithmetic3A_568 = arith.shrsi %xor3A_501, %shift_right_arithmetic3A_567 : vector<32x128xi32>
    %and3A_569 = arith.constant 1 : i32
    %and3A_570 = vector.broadcast %and3A_569 : i32 to vector<32x128xi32>
    %and3A_571 = arith.andi %shift_right_arithmetic3A_568, %and3A_570 : vector<32x128xi32>
    %or3A_572 = arith.ori %shift_left3A_565, %and3A_571 : vector<32x128xi32>
    %shift_left3A_573 = arith.constant 1 : i32
    %shift_left3A_574 = vector.broadcast %shift_left3A_573 : i32 to vector<32x128xi32>
    %shift_left3A_575 = arith.shli %or3A_572, %shift_left3A_574 : vector<32x128xi32>
    %shift_right_arithmetic3A_576 = arith.constant 5 : i32
    %shift_right_arithmetic3A_577 = vector.broadcast %shift_right_arithmetic3A_576 : i32 to vector<32x128xi32>
    %shift_right_arithmetic3A_578 = arith.shrsi %xor3A_502, %shift_right_arithmetic3A_577 : vector<32x128xi32>
    %and3A_579 = arith.constant 1 : i32
    %and3A_580 = vector.broadcast %and3A_579 : i32 to vector<32x128xi32>
    %and3A_581 = arith.andi %shift_right_arithmetic3A_578, %and3A_580 : vector<32x128xi32>
    %or3A_582 = arith.ori %shift_left3A_575, %and3A_581 : vector<32x128xi32>
    %shift_left3A_583 = arith.constant 1 : i32
    %shift_left3A_584 = vector.broadcast %shift_left3A_583 : i32 to vector<32x128xi32>
    %shift_left3A_585 = arith.shli %or3A_582, %shift_left3A_584 : vector<32x128xi32>
    %shift_right_arithmetic3A_586 = arith.constant 5 : i32
    %shift_right_arithmetic3A_587 = vector.broadcast %shift_right_arithmetic3A_586 : i32 to vector<32x128xi32>
    %shift_right_arithmetic3A_588 = arith.shrsi %xor3A_503, %shift_right_arithmetic3A_587 : vector<32x128xi32>
    %and3A_589 = arith.constant 1 : i32
    %and3A_590 = vector.broadcast %and3A_589 : i32 to vector<32x128xi32>
    %and3A_591 = arith.andi %shift_right_arithmetic3A_588, %and3A_590 : vector<32x128xi32>
    %or3A_592 = arith.ori %shift_left3A_585, %and3A_591 : vector<32x128xi32>
    %shift_left3A_593 = arith.constant 1 : i32
    %shift_left3A_594 = vector.broadcast %shift_left3A_593 : i32 to vector<32x128xi32>
    %shift_left3A_595 = arith.shli %or3A_592, %shift_left3A_594 : vector<32x128xi32>
    %shift_right_arithmetic3A_596 = arith.constant 4 : i32
    %shift_right_arithmetic3A_597 = vector.broadcast %shift_right_arithmetic3A_596 : i32 to vector<32x128xi32>
    %shift_right_arithmetic3A_598 = arith.shrsi %xor3A_501, %shift_right_arithmetic3A_597 : vector<32x128xi32>
    %and3A_599 = arith.constant 1 : i32
    %and3A_600 = vector.broadcast %and3A_599 : i32 to vector<32x128xi32>
    %and3A_601 = arith.andi %shift_right_arithmetic3A_598, %and3A_600 : vector<32x128xi32>
    %or3A_602 = arith.ori %shift_left3A_595, %and3A_601 : vector<32x128xi32>
    %shift_left3A_603 = arith.constant 1 : i32
    %shift_left3A_604 = vector.broadcast %shift_left3A_603 : i32 to vector<32x128xi32>
    %shift_left3A_605 = arith.shli %or3A_602, %shift_left3A_604 : vector<32x128xi32>
    %shift_right_arithmetic3A_606 = arith.constant 4 : i32
    %shift_right_arithmetic3A_607 = vector.broadcast %shift_right_arithmetic3A_606 : i32 to vector<32x128xi32>
    %shift_right_arithmetic3A_608 = arith.shrsi %xor3A_502, %shift_right_arithmetic3A_607 : vector<32x128xi32>
    %and3A_609 = arith.constant 1 : i32
    %and3A_610 = vector.broadcast %and3A_609 : i32 to vector<32x128xi32>
    %and3A_611 = arith.andi %shift_right_arithmetic3A_608, %and3A_610 : vector<32x128xi32>
    %or3A_612 = arith.ori %shift_left3A_605, %and3A_611 : vector<32x128xi32>
    %shift_left3A_613 = arith.constant 1 : i32
    %shift_left3A_614 = vector.broadcast %shift_left3A_613 : i32 to vector<32x128xi32>
    %shift_left3A_615 = arith.shli %or3A_612, %shift_left3A_614 : vector<32x128xi32>
    %shift_right_arithmetic3A_616 = arith.constant 4 : i32
    %shift_right_arithmetic3A_617 = vector.broadcast %shift_right_arithmetic3A_616 : i32 to vector<32x128xi32>
    %shift_right_arithmetic3A_618 = arith.shrsi %xor3A_503, %shift_right_arithmetic3A_617 : vector<32x128xi32>
    %and3A_619 = arith.constant 1 : i32
    %and3A_620 = vector.broadcast %and3A_619 : i32 to vector<32x128xi32>
    %and3A_621 = arith.andi %shift_right_arithmetic3A_618, %and3A_620 : vector<32x128xi32>
    %or3A_622 = arith.ori %shift_left3A_615, %and3A_621 : vector<32x128xi32>
    %shift_left3A_623 = arith.constant 1 : i32
    %shift_left3A_624 = vector.broadcast %shift_left3A_623 : i32 to vector<32x128xi32>
    %shift_left3A_625 = arith.shli %or3A_622, %shift_left3A_624 : vector<32x128xi32>
    %shift_right_arithmetic3A_626 = arith.constant 3 : i32
    %shift_right_arithmetic3A_627 = vector.broadcast %shift_right_arithmetic3A_626 : i32 to vector<32x128xi32>
    %shift_right_arithmetic3A_628 = arith.shrsi %xor3A_501, %shift_right_arithmetic3A_627 : vector<32x128xi32>
    %and3A_629 = arith.constant 1 : i32
    %and3A_630 = vector.broadcast %and3A_629 : i32 to vector<32x128xi32>
    %and3A_631 = arith.andi %shift_right_arithmetic3A_628, %and3A_630 : vector<32x128xi32>
    %or3A_632 = arith.ori %shift_left3A_625, %and3A_631 : vector<32x128xi32>
    %shift_left3A_633 = arith.constant 1 : i32
    %shift_left3A_634 = vector.broadcast %shift_left3A_633 : i32 to vector<32x128xi32>
    %shift_left3A_635 = arith.shli %or3A_632, %shift_left3A_634 : vector<32x128xi32>
    %shift_right_arithmetic3A_636 = arith.constant 3 : i32
    %shift_right_arithmetic3A_637 = vector.broadcast %shift_right_arithmetic3A_636 : i32 to vector<32x128xi32>
    %shift_right_arithmetic3A_638 = arith.shrsi %xor3A_502, %shift_right_arithmetic3A_637 : vector<32x128xi32>
    %and3A_639 = arith.constant 1 : i32
    %and3A_640 = vector.broadcast %and3A_639 : i32 to vector<32x128xi32>
    %and3A_641 = arith.andi %shift_right_arithmetic3A_638, %and3A_640 : vector<32x128xi32>
    %or3A_642 = arith.ori %shift_left3A_635, %and3A_641 : vector<32x128xi32>
    %shift_left3A_643 = arith.constant 1 : i32
    %shift_left3A_644 = vector.broadcast %shift_left3A_643 : i32 to vector<32x128xi32>
    %shift_left3A_645 = arith.shli %or3A_642, %shift_left3A_644 : vector<32x128xi32>
    %shift_right_arithmetic3A_646 = arith.constant 3 : i32
    %shift_right_arithmetic3A_647 = vector.broadcast %shift_right_arithmetic3A_646 : i32 to vector<32x128xi32>
    %shift_right_arithmetic3A_648 = arith.shrsi %xor3A_503, %shift_right_arithmetic3A_647 : vector<32x128xi32>
    %and3A_649 = arith.constant 1 : i32
    %and3A_650 = vector.broadcast %and3A_649 : i32 to vector<32x128xi32>
    %and3A_651 = arith.andi %shift_right_arithmetic3A_648, %and3A_650 : vector<32x128xi32>
    %or3A_652 = arith.ori %shift_left3A_645, %and3A_651 : vector<32x128xi32>
    %shift_left3A_653 = arith.constant 1 : i32
    %shift_left3A_654 = vector.broadcast %shift_left3A_653 : i32 to vector<32x128xi32>
    %shift_left3A_655 = arith.shli %or3A_652, %shift_left3A_654 : vector<32x128xi32>
    %shift_right_arithmetic3A_656 = arith.constant 2 : i32
    %shift_right_arithmetic3A_657 = vector.broadcast %shift_right_arithmetic3A_656 : i32 to vector<32x128xi32>
    %shift_right_arithmetic3A_658 = arith.shrsi %xor3A_501, %shift_right_arithmetic3A_657 : vector<32x128xi32>
    %and3A_659 = arith.constant 1 : i32
    %and3A_660 = vector.broadcast %and3A_659 : i32 to vector<32x128xi32>
    %and3A_661 = arith.andi %shift_right_arithmetic3A_658, %and3A_660 : vector<32x128xi32>
    %or3A_662 = arith.ori %shift_left3A_655, %and3A_661 : vector<32x128xi32>
    %shift_left3A_663 = arith.constant 1 : i32
    %shift_left3A_664 = vector.broadcast %shift_left3A_663 : i32 to vector<32x128xi32>
    %shift_left3A_665 = arith.shli %or3A_662, %shift_left3A_664 : vector<32x128xi32>
    %shift_right_arithmetic3A_666 = arith.constant 2 : i32
    %shift_right_arithmetic3A_667 = vector.broadcast %shift_right_arithmetic3A_666 : i32 to vector<32x128xi32>
    %shift_right_arithmetic3A_668 = arith.shrsi %xor3A_502, %shift_right_arithmetic3A_667 : vector<32x128xi32>
    %and3A_669 = arith.constant 1 : i32
    %and3A_670 = vector.broadcast %and3A_669 : i32 to vector<32x128xi32>
    %and3A_671 = arith.andi %shift_right_arithmetic3A_668, %and3A_670 : vector<32x128xi32>
    %or3A_672 = arith.ori %shift_left3A_665, %and3A_671 : vector<32x128xi32>
    %shift_left3A_673 = arith.constant 1 : i32
    %shift_left3A_674 = vector.broadcast %shift_left3A_673 : i32 to vector<32x128xi32>
    %shift_left3A_675 = arith.shli %or3A_672, %shift_left3A_674 : vector<32x128xi32>
    %shift_right_arithmetic3A_676 = arith.constant 2 : i32
    %shift_right_arithmetic3A_677 = vector.broadcast %shift_right_arithmetic3A_676 : i32 to vector<32x128xi32>
    %shift_right_arithmetic3A_678 = arith.shrsi %xor3A_503, %shift_right_arithmetic3A_677 : vector<32x128xi32>
    %and3A_679 = arith.constant 1 : i32
    %and3A_680 = vector.broadcast %and3A_679 : i32 to vector<32x128xi32>
    %and3A_681 = arith.andi %shift_right_arithmetic3A_678, %and3A_680 : vector<32x128xi32>
    %or3A_682 = arith.ori %shift_left3A_675, %and3A_681 : vector<32x128xi32>
    %shift_left3A_683 = arith.constant 1 : i32
    %shift_left3A_684 = vector.broadcast %shift_left3A_683 : i32 to vector<32x128xi32>
    %shift_left3A_685 = arith.shli %or3A_682, %shift_left3A_684 : vector<32x128xi32>
    %shift_right_arithmetic3A_686 = arith.constant 1 : i32
    %shift_right_arithmetic3A_687 = vector.broadcast %shift_right_arithmetic3A_686 : i32 to vector<32x128xi32>
    %shift_right_arithmetic3A_688 = arith.shrsi %xor3A_501, %shift_right_arithmetic3A_687 : vector<32x128xi32>
    %and3A_689 = arith.constant 1 : i32
    %and3A_690 = vector.broadcast %and3A_689 : i32 to vector<32x128xi32>
    %and3A_691 = arith.andi %shift_right_arithmetic3A_688, %and3A_690 : vector<32x128xi32>
    %or3A_692 = arith.ori %shift_left3A_685, %and3A_691 : vector<32x128xi32>
    %shift_left3A_693 = arith.constant 1 : i32
    %shift_left3A_694 = vector.broadcast %shift_left3A_693 : i32 to vector<32x128xi32>
    %shift_left3A_695 = arith.shli %or3A_692, %shift_left3A_694 : vector<32x128xi32>
    %shift_right_arithmetic3A_696 = arith.constant 1 : i32
    %shift_right_arithmetic3A_697 = vector.broadcast %shift_right_arithmetic3A_696 : i32 to vector<32x128xi32>
    %shift_right_arithmetic3A_698 = arith.shrsi %xor3A_502, %shift_right_arithmetic3A_697 : vector<32x128xi32>
    %and3A_699 = arith.constant 1 : i32
    %and3A_700 = vector.broadcast %and3A_699 : i32 to vector<32x128xi32>
    %and3A_701 = arith.andi %shift_right_arithmetic3A_698, %and3A_700 : vector<32x128xi32>
    %or3A_702 = arith.ori %shift_left3A_695, %and3A_701 : vector<32x128xi32>
    %shift_left3A_703 = arith.constant 1 : i32
    %shift_left3A_704 = vector.broadcast %shift_left3A_703 : i32 to vector<32x128xi32>
    %shift_left3A_705 = arith.shli %or3A_702, %shift_left3A_704 : vector<32x128xi32>
    %shift_right_arithmetic3A_706 = arith.constant 1 : i32
    %shift_right_arithmetic3A_707 = vector.broadcast %shift_right_arithmetic3A_706 : i32 to vector<32x128xi32>
    %shift_right_arithmetic3A_708 = arith.shrsi %xor3A_503, %shift_right_arithmetic3A_707 : vector<32x128xi32>
    %and3A_709 = arith.constant 1 : i32
    %and3A_710 = vector.broadcast %and3A_709 : i32 to vector<32x128xi32>
    %and3A_711 = arith.andi %shift_right_arithmetic3A_708, %and3A_710 : vector<32x128xi32>
    %or3A_712 = arith.ori %shift_left3A_705, %and3A_711 : vector<32x128xi32>
    %shift_left3A_713 = arith.constant 1 : i32
    %shift_left3A_714 = vector.broadcast %shift_left3A_713 : i32 to vector<32x128xi32>
    %shift_left3A_715 = arith.shli %or3A_712, %shift_left3A_714 : vector<32x128xi32>
    %shift_right_arithmetic3A_716 = arith.constant 0 : i32
    %shift_right_arithmetic3A_717 = vector.broadcast %shift_right_arithmetic3A_716 : i32 to vector<32x128xi32>
    %shift_right_arithmetic3A_718 = arith.shrsi %xor3A_501, %shift_right_arithmetic3A_717 : vector<32x128xi32>
    %and3A_719 = arith.constant 1 : i32
    %and3A_720 = vector.broadcast %and3A_719 : i32 to vector<32x128xi32>
    %and3A_721 = arith.andi %shift_right_arithmetic3A_718, %and3A_720 : vector<32x128xi32>
    %or3A_722 = arith.ori %shift_left3A_715, %and3A_721 : vector<32x128xi32>
    %shift_left3A_723 = arith.constant 1 : i32
    %shift_left3A_724 = vector.broadcast %shift_left3A_723 : i32 to vector<32x128xi32>
    %shift_left3A_725 = arith.shli %or3A_722, %shift_left3A_724 : vector<32x128xi32>
    %shift_right_arithmetic3A_726 = arith.constant 0 : i32
    %shift_right_arithmetic3A_727 = vector.broadcast %shift_right_arithmetic3A_726 : i32 to vector<32x128xi32>
    %shift_right_arithmetic3A_728 = arith.shrsi %xor3A_502, %shift_right_arithmetic3A_727 : vector<32x128xi32>
    %and3A_729 = arith.constant 1 : i32
    %and3A_730 = vector.broadcast %and3A_729 : i32 to vector<32x128xi32>
    %and3A_731 = arith.andi %shift_right_arithmetic3A_728, %and3A_730 : vector<32x128xi32>
    %or3A_732 = arith.ori %shift_left3A_725, %and3A_731 : vector<32x128xi32>
    %shift_left3A_733 = arith.constant 1 : i32
    %shift_left3A_734 = vector.broadcast %shift_left3A_733 : i32 to vector<32x128xi32>
    %shift_left3A_735 = arith.shli %or3A_732, %shift_left3A_734 : vector<32x128xi32>
    %shift_right_arithmetic3A_736 = arith.constant 0 : i32
    %shift_right_arithmetic3A_737 = vector.broadcast %shift_right_arithmetic3A_736 : i32 to vector<32x128xi32>
    %shift_right_arithmetic3A_738 = arith.shrsi %xor3A_503, %shift_right_arithmetic3A_737 : vector<32x128xi32>
    %and3A_739 = arith.constant 1 : i32
    %and3A_740 = vector.broadcast %and3A_739 : i32 to vector<32x128xi32>
    %and3A_741 = arith.andi %shift_right_arithmetic3A_738, %and3A_740 : vector<32x128xi32>
    %or3A_742 = arith.ori %shift_left3A_735, %and3A_741 : vector<32x128xi32>
    %mul3A_743 = arith.constant 32 : i32
    %mul3A_744 = vector.broadcast %mul3A_743 : i32 to vector<32x128xi32>
    %mul3A_745 = arith.muli %or3A_742, %mul3A_744 : vector<32x128xi32>
    %add3A = arith.addi %mul3A_745, %iota3A : vector<32x128xi32>
    %swap3A = arith.constant 0 : index
    %swap3A_746 = arith.constant 0 : index
    %swap3A_747 = arith.constant 0 : index
    %swap3A_748 = arith.constant 0 : index
    %swap3A_749 = vector.load %arg2[%swap3A, %swap3A_746, %swap3A_747, %swap3A_748] : memref<1x2x32x128xi32, #tpu.memory_space<vmem>>, vector<1x1x32x128xi32>
    %swap3A_750 = vector.shape_cast %swap3A_749 : vector<1x1x32x128xi32> to vector<32x128xi32>
    %swap3A_751 = vector.shape_cast %add3A : vector<32x128xi32> to vector<1x1x32x128xi32>
    tpu.vector_store %arg2[%swap3A, %swap3A_746, %swap3A_747, %swap3A_748], %swap3A_751 {strides = array<i32>} : memref<1x2x32x128xi32, #tpu.memory_space<vmem>>, vector<1x1x32x128xi32>,
    %and3A_752 = arith.constant 128 : i32
    %and3A_753 = vector.broadcast %and3A_752 : i32 to vector<32x128xi32>
    %and3A_754 = arith.andi %convert_element_type3A_88, %and3A_753 : vector<32x128xi32>
    %gt3A_755 = arith.constant 0 : i32
    %gt3A_756 = vector.broadcast %gt3A_755 : i32 to vector<32x128xi32>
    %gt3A_757 = arith.cmpi sgt, %and3A_754, %gt3A_756 : vector<32x128xi32>
    %xor3A_758 = arith.xori %convert_element_type3A_88, %convert_element_type3A_88 : vector<32x128xi32>
    %and3A_759 = arith.constant 127 : i32
    %and3A_760 = vector.broadcast %and3A_759 : i32 to vector<32x128xi32>
    %and3A_761 = arith.andi %xor3A_758, %and3A_760 : vector<32x128xi32>
    %xor3A_762 = arith.constant 127 : i32
    %xor3A_763 = vector.broadcast %xor3A_762 : i32 to vector<32x128xi32>
    %xor3A_764 = arith.xori %convert_element_type3A_88, %xor3A_763 : vector<32x128xi32>
    %xor3A_765 = arith.xori %convert_element_type3A_88, %and3A_761 : vector<32x128xi32>
    %select_n3A_766 = arith.select %gt3A_757, %xor3A_764, %xor3A_765 : vector<32x128xi1>, vector<32x128xi32>
    %and3A_767 = arith.constant 128 : i32
    %and3A_768 = vector.broadcast %and3A_767 : i32 to vector<32x128xi32>
    %and3A_769 = arith.andi %convert_element_type3A_55, %and3A_768 : vector<32x128xi32>
    %gt3A_770 = arith.constant 0 : i32
    %gt3A_771 = vector.broadcast %gt3A_770 : i32 to vector<32x128xi32>
    %gt3A_772 = arith.cmpi sgt, %and3A_769, %gt3A_771 : vector<32x128xi32>
    %xor3A_773 = arith.xori %select_n3A_766, %convert_element_type3A_55 : vector<32x128xi32>
    %and3A_774 = arith.constant 127 : i32
    %and3A_775 = vector.broadcast %and3A_774 : i32 to vector<32x128xi32>
    %and3A_776 = arith.andi %xor3A_773, %and3A_775 : vector<32x128xi32>
    %xor3A_777 = arith.constant 127 : i32
    %xor3A_778 = vector.broadcast %xor3A_777 : i32 to vector<32x128xi32>
    %xor3A_779 = arith.xori %select_n3A_766, %xor3A_778 : vector<32x128xi32>
    %xor3A_780 = arith.xori %select_n3A_766, %and3A_776 : vector<32x128xi32>
    %select_n3A_781 = arith.select %gt3A_772, %xor3A_779, %xor3A_780 : vector<32x128xi1>, vector<32x128xi32>
    %xor3A_782 = arith.xori %convert_element_type3A_55, %and3A_776 : vector<32x128xi32>
    %select_n3A_783 = arith.select %gt3A_772, %convert_element_type3A_55, %xor3A_782 : vector<32x128xi1>, vector<32x128xi32>
    %and3A_784 = arith.constant 128 : i32
    %and3A_785 = vector.broadcast %and3A_784 : i32 to vector<32x128xi32>
    %and3A_786 = arith.andi %convert_element_type3A, %and3A_785 : vector<32x128xi32>
    %gt3A_787 = arith.constant 0 : i32
    %gt3A_788 = vector.broadcast %gt3A_787 : i32 to vector<32x128xi32>
    %gt3A_789 = arith.cmpi sgt, %and3A_786, %gt3A_788 : vector<32x128xi32>
    %xor3A_790 = arith.xori %select_n3A_781, %convert_element_type3A : vector<32x128xi32>
    %and3A_791 = arith.constant 127 : i32
    %and3A_792 = vector.broadcast %and3A_791 : i32 to vector<32x128xi32>
    %and3A_793 = arith.andi %xor3A_790, %and3A_792 : vector<32x128xi32>
    %xor3A_794 = arith.constant 127 : i32
    %xor3A_795 = vector.broadcast %xor3A_794 : i32 to vector<32x128xi32>
    %xor3A_796 = arith.xori %select_n3A_781, %xor3A_795 : vector<32x128xi32>
    %xor3A_797 = arith.xori %select_n3A_781, %and3A_793 : vector<32x128xi32>
    %select_n3A_798 = arith.select %gt3A_789, %xor3A_796, %xor3A_797 : vector<32x128xi1>, vector<32x128xi32>
    %xor3A_799 = arith.xori %convert_element_type3A, %and3A_793 : vector<32x128xi32>
    %select_n3A_800 = arith.select %gt3A_789, %convert_element_type3A, %xor3A_799 : vector<32x128xi1>, vector<32x128xi32>
    %and3A_801 = arith.constant 64 : i32
    %and3A_802 = vector.broadcast %and3A_801 : i32 to vector<32x128xi32>
    %and3A_803 = arith.andi %select_n3A_798, %and3A_802 : vector<32x128xi32>
    %gt3A_804 = arith.constant 0 : i32
    %gt3A_805 = vector.broadcast %gt3A_804 : i32 to vector<32x128xi32>
    %gt3A_806 = arith.cmpi sgt, %and3A_803, %gt3A_805 : vector<32x128xi32>
    %xor3A_807 = arith.xori %select_n3A_798, %select_n3A_798 : vector<32x128xi32>
    %and3A_808 = arith.constant 63 : i32
    %and3A_809 = vector.broadcast %and3A_808 : i32 to vector<32x128xi32>
    %and3A_810 = arith.andi %xor3A_807, %and3A_809 : vector<32x128xi32>
    %xor3A_811 = arith.constant 63 : i32
    %xor3A_812 = vector.broadcast %xor3A_811 : i32 to vector<32x128xi32>
    %xor3A_813 = arith.xori %select_n3A_798, %xor3A_812 : vector<32x128xi32>
    %xor3A_814 = arith.xori %select_n3A_798, %and3A_810 : vector<32x128xi32>
    %select_n3A_815 = arith.select %gt3A_806, %xor3A_813, %xor3A_814 : vector<32x128xi1>, vector<32x128xi32>
    %and3A_816 = arith.constant 64 : i32
    %and3A_817 = vector.broadcast %and3A_816 : i32 to vector<32x128xi32>
    %and3A_818 = arith.andi %select_n3A_783, %and3A_817 : vector<32x128xi32>
    %gt3A_819 = arith.constant 0 : i32
    %gt3A_820 = vector.broadcast %gt3A_819 : i32 to vector<32x128xi32>
    %gt3A_821 = arith.cmpi sgt, %and3A_818, %gt3A_820 : vector<32x128xi32>
    %xor3A_822 = arith.xori %select_n3A_815, %select_n3A_783 : vector<32x128xi32>
    %and3A_823 = arith.constant 63 : i32
    %and3A_824 = vector.broadcast %and3A_823 : i32 to vector<32x128xi32>
    %and3A_825 = arith.andi %xor3A_822, %and3A_824 : vector<32x128xi32>
    %xor3A_826 = arith.constant 63 : i32
    %xor3A_827 = vector.broadcast %xor3A_826 : i32 to vector<32x128xi32>
    %xor3A_828 = arith.xori %select_n3A_815, %xor3A_827 : vector<32x128xi32>
    %xor3A_829 = arith.xori %select_n3A_815, %and3A_825 : vector<32x128xi32>
    %select_n3A_830 = arith.select %gt3A_821, %xor3A_828, %xor3A_829 : vector<32x128xi1>, vector<32x128xi32>
    %xor3A_831 = arith.xori %select_n3A_783, %and3A_825 : vector<32x128xi32>
    %select_n3A_832 = arith.select %gt3A_821, %select_n3A_783, %xor3A_831 : vector<32x128xi1>, vector<32x128xi32>
    %and3A_833 = arith.constant 64 : i32
    %and3A_834 = vector.broadcast %and3A_833 : i32 to vector<32x128xi32>
    %and3A_835 = arith.andi %select_n3A_800, %and3A_834 : vector<32x128xi32>
    %gt3A_836 = arith.constant 0 : i32
    %gt3A_837 = vector.broadcast %gt3A_836 : i32 to vector<32x128xi32>
    %gt3A_838 = arith.cmpi sgt, %and3A_835, %gt3A_837 : vector<32x128xi32>
    %xor3A_839 = arith.xori %select_n3A_830, %select_n3A_800 : vector<32x128xi32>
    %and3A_840 = arith.constant 63 : i32
    %and3A_841 = vector.broadcast %and3A_840 : i32 to vector<32x128xi32>
    %and3A_842 = arith.andi %xor3A_839, %and3A_841 : vector<32x128xi32>
    %xor3A_843 = arith.constant 63 : i32
    %xor3A_844 = vector.broadcast %xor3A_843 : i32 to vector<32x128xi32>
    %xor3A_845 = arith.xori %select_n3A_830, %xor3A_844 : vector<32x128xi32>
    %xor3A_846 = arith.xori %select_n3A_830, %and3A_842 : vector<32x128xi32>
    %select_n3A_847 = arith.select %gt3A_838, %xor3A_845, %xor3A_846 : vector<32x128xi1>, vector<32x128xi32>
    %xor3A_848 = arith.xori %select_n3A_800, %and3A_842 : vector<32x128xi32>
    %select_n3A_849 = arith.select %gt3A_838, %select_n3A_800, %xor3A_848 : vector<32x128xi1>, vector<32x128xi32>
    %and3A_850 = arith.constant 32 : i32
    %and3A_851 = vector.broadcast %and3A_850 : i32 to vector<32x128xi32>
    %and3A_852 = arith.andi %select_n3A_847, %and3A_851 : vector<32x128xi32>
    %gt3A_853 = arith.constant 0 : i32
    %gt3A_854 = vector.broadcast %gt3A_853 : i32 to vector<32x128xi32>
    %gt3A_855 = arith.cmpi sgt, %and3A_852, %gt3A_854 : vector<32x128xi32>
    %xor3A_856 = arith.xori %select_n3A_847, %select_n3A_847 : vector<32x128xi32>
    %and3A_857 = arith.constant 31 : i32
    %and3A_858 = vector.broadcast %and3A_857 : i32 to vector<32x128xi32>
    %and3A_859 = arith.andi %xor3A_856, %and3A_858 : vector<32x128xi32>
    %xor3A_860 = arith.constant 31 : i32
    %xor3A_861 = vector.broadcast %xor3A_860 : i32 to vector<32x128xi32>
    %xor3A_862 = arith.xori %select_n3A_847, %xor3A_861 : vector<32x128xi32>
    %xor3A_863 = arith.xori %select_n3A_847, %and3A_859 : vector<32x128xi32>
    %select_n3A_864 = arith.select %gt3A_855, %xor3A_862, %xor3A_863 : vector<32x128xi1>, vector<32x128xi32>
    %and3A_865 = arith.constant 32 : i32
    %and3A_866 = vector.broadcast %and3A_865 : i32 to vector<32x128xi32>
    %and3A_867 = arith.andi %select_n3A_832, %and3A_866 : vector<32x128xi32>
    %gt3A_868 = arith.constant 0 : i32
    %gt3A_869 = vector.broadcast %gt3A_868 : i32 to vector<32x128xi32>
    %gt3A_870 = arith.cmpi sgt, %and3A_867, %gt3A_869 : vector<32x128xi32>
    %xor3A_871 = arith.xori %select_n3A_864, %select_n3A_832 : vector<32x128xi32>
    %and3A_872 = arith.constant 31 : i32
    %and3A_873 = vector.broadcast %and3A_872 : i32 to vector<32x128xi32>
    %and3A_874 = arith.andi %xor3A_871, %and3A_873 : vector<32x128xi32>
    %xor3A_875 = arith.constant 31 : i32
    %xor3A_876 = vector.broadcast %xor3A_875 : i32 to vector<32x128xi32>
    %xor3A_877 = arith.xori %select_n3A_864, %xor3A_876 : vector<32x128xi32>
    %xor3A_878 = arith.xori %select_n3A_864, %and3A_874 : vector<32x128xi32>
    %select_n3A_879 = arith.select %gt3A_870, %xor3A_877, %xor3A_878 : vector<32x128xi1>, vector<32x128xi32>
    %xor3A_880 = arith.xori %select_n3A_832, %and3A_874 : vector<32x128xi32>
    %select_n3A_881 = arith.select %gt3A_870, %select_n3A_832, %xor3A_880 : vector<32x128xi1>, vector<32x128xi32>
    %and3A_882 = arith.constant 32 : i32
    %and3A_883 = vector.broadcast %and3A_882 : i32 to vector<32x128xi32>
    %and3A_884 = arith.andi %select_n3A_849, %and3A_883 : vector<32x128xi32>
    %gt3A_885 = arith.constant 0 : i32
    %gt3A_886 = vector.broadcast %gt3A_885 : i32 to vector<32x128xi32>
    %gt3A_887 = arith.cmpi sgt, %and3A_884, %gt3A_886 : vector<32x128xi32>
    %xor3A_888 = arith.xori %select_n3A_879, %select_n3A_849 : vector<32x128xi32>
    %and3A_889 = arith.constant 31 : i32
    %and3A_890 = vector.broadcast %and3A_889 : i32 to vector<32x128xi32>
    %and3A_891 = arith.andi %xor3A_888, %and3A_890 : vector<32x128xi32>
    %xor3A_892 = arith.constant 31 : i32
    %xor3A_893 = vector.broadcast %xor3A_892 : i32 to vector<32x128xi32>
    %xor3A_894 = arith.xori %select_n3A_879, %xor3A_893 : vector<32x128xi32>
    %xor3A_895 = arith.xori %select_n3A_879, %and3A_891 : vector<32x128xi32>
    %select_n3A_896 = arith.select %gt3A_887, %xor3A_894, %xor3A_895 : vector<32x128xi1>, vector<32x128xi32>
    %xor3A_897 = arith.xori %select_n3A_849, %and3A_891 : vector<32x128xi32>
    %select_n3A_898 = arith.select %gt3A_887, %select_n3A_849, %xor3A_897 : vector<32x128xi1>, vector<32x128xi32>
    %and3A_899 = arith.constant 16 : i32
    %and3A_900 = vector.broadcast %and3A_899 : i32 to vector<32x128xi32>
    %and3A_901 = arith.andi %select_n3A_896, %and3A_900 : vector<32x128xi32>
    %gt3A_902 = arith.constant 0 : i32
    %gt3A_903 = vector.broadcast %gt3A_902 : i32 to vector<32x128xi32>
    %gt3A_904 = arith.cmpi sgt, %and3A_901, %gt3A_903 : vector<32x128xi32>
    %xor3A_905 = arith.xori %select_n3A_896, %select_n3A_896 : vector<32x128xi32>
    %and3A_906 = arith.constant 15 : i32
    %and3A_907 = vector.broadcast %and3A_906 : i32 to vector<32x128xi32>
    %and3A_908 = arith.andi %xor3A_905, %and3A_907 : vector<32x128xi32>
    %xor3A_909 = arith.constant 15 : i32
    %xor3A_910 = vector.broadcast %xor3A_909 : i32 to vector<32x128xi32>
    %xor3A_911 = arith.xori %select_n3A_896, %xor3A_910 : vector<32x128xi32>
    %xor3A_912 = arith.xori %select_n3A_896, %and3A_908 : vector<32x128xi32>
    %select_n3A_913 = arith.select %gt3A_904, %xor3A_911, %xor3A_912 : vector<32x128xi1>, vector<32x128xi32>
    %and3A_914 = arith.constant 16 : i32
    %and3A_915 = vector.broadcast %and3A_914 : i32 to vector<32x128xi32>
    %and3A_916 = arith.andi %select_n3A_881, %and3A_915 : vector<32x128xi32>
    %gt3A_917 = arith.constant 0 : i32
    %gt3A_918 = vector.broadcast %gt3A_917 : i32 to vector<32x128xi32>
    %gt3A_919 = arith.cmpi sgt, %and3A_916, %gt3A_918 : vector<32x128xi32>
    %xor3A_920 = arith.xori %select_n3A_913, %select_n3A_881 : vector<32x128xi32>
    %and3A_921 = arith.constant 15 : i32
    %and3A_922 = vector.broadcast %and3A_921 : i32 to vector<32x128xi32>
    %and3A_923 = arith.andi %xor3A_920, %and3A_922 : vector<32x128xi32>
    %xor3A_924 = arith.constant 15 : i32
    %xor3A_925 = vector.broadcast %xor3A_924 : i32 to vector<32x128xi32>
    %xor3A_926 = arith.xori %select_n3A_913, %xor3A_925 : vector<32x128xi32>
    %xor3A_927 = arith.xori %select_n3A_913, %and3A_923 : vector<32x128xi32>
    %select_n3A_928 = arith.select %gt3A_919, %xor3A_926, %xor3A_927 : vector<32x128xi1>, vector<32x128xi32>
    %xor3A_929 = arith.xori %select_n3A_881, %and3A_923 : vector<32x128xi32>
    %select_n3A_930 = arith.select %gt3A_919, %select_n3A_881, %xor3A_929 : vector<32x128xi1>, vector<32x128xi32>
    %and3A_931 = arith.constant 16 : i32
    %and3A_932 = vector.broadcast %and3A_931 : i32 to vector<32x128xi32>
    %and3A_933 = arith.andi %select_n3A_898, %and3A_932 : vector<32x128xi32>
    %gt3A_934 = arith.constant 0 : i32
    %gt3A_935 = vector.broadcast %gt3A_934 : i32 to vector<32x128xi32>
    %gt3A_936 = arith.cmpi sgt, %and3A_933, %gt3A_935 : vector<32x128xi32>
    %xor3A_937 = arith.xori %select_n3A_928, %select_n3A_898 : vector<32x128xi32>
    %and3A_938 = arith.constant 15 : i32
    %and3A_939 = vector.broadcast %and3A_938 : i32 to vector<32x128xi32>
    %and3A_940 = arith.andi %xor3A_937, %and3A_939 : vector<32x128xi32>
    %xor3A_941 = arith.constant 15 : i32
    %xor3A_942 = vector.broadcast %xor3A_941 : i32 to vector<32x128xi32>
    %xor3A_943 = arith.xori %select_n3A_928, %xor3A_942 : vector<32x128xi32>
    %xor3A_944 = arith.xori %select_n3A_928, %and3A_940 : vector<32x128xi32>
    %select_n3A_945 = arith.select %gt3A_936, %xor3A_943, %xor3A_944 : vector<32x128xi1>, vector<32x128xi32>
    %xor3A_946 = arith.xori %select_n3A_898, %and3A_940 : vector<32x128xi32>
    %select_n3A_947 = arith.select %gt3A_936, %select_n3A_898, %xor3A_946 : vector<32x128xi1>, vector<32x128xi32>
    %and3A_948 = arith.constant 8 : i32
    %and3A_949 = vector.broadcast %and3A_948 : i32 to vector<32x128xi32>
    %and3A_950 = arith.andi %select_n3A_945, %and3A_949 : vector<32x128xi32>
    %gt3A_951 = arith.constant 0 : i32
    %gt3A_952 = vector.broadcast %gt3A_951 : i32 to vector<32x128xi32>
    %gt3A_953 = arith.cmpi sgt, %and3A_950, %gt3A_952 : vector<32x128xi32>
    %xor3A_954 = arith.xori %select_n3A_945, %select_n3A_945 : vector<32x128xi32>
    %and3A_955 = arith.constant 7 : i32
    %and3A_956 = vector.broadcast %and3A_955 : i32 to vector<32x128xi32>
    %and3A_957 = arith.andi %xor3A_954, %and3A_956 : vector<32x128xi32>
    %xor3A_958 = arith.constant 7 : i32
    %xor3A_959 = vector.broadcast %xor3A_958 : i32 to vector<32x128xi32>
    %xor3A_960 = arith.xori %select_n3A_945, %xor3A_959 : vector<32x128xi32>
    %xor3A_961 = arith.xori %select_n3A_945, %and3A_957 : vector<32x128xi32>
    %select_n3A_962 = arith.select %gt3A_953, %xor3A_960, %xor3A_961 : vector<32x128xi1>, vector<32x128xi32>
    %and3A_963 = arith.constant 8 : i32
    %and3A_964 = vector.broadcast %and3A_963 : i32 to vector<32x128xi32>
    %and3A_965 = arith.andi %select_n3A_930, %and3A_964 : vector<32x128xi32>
    %gt3A_966 = arith.constant 0 : i32
    %gt3A_967 = vector.broadcast %gt3A_966 : i32 to vector<32x128xi32>
    %gt3A_968 = arith.cmpi sgt, %and3A_965, %gt3A_967 : vector<32x128xi32>
    %xor3A_969 = arith.xori %select_n3A_962, %select_n3A_930 : vector<32x128xi32>
    %and3A_970 = arith.constant 7 : i32
    %and3A_971 = vector.broadcast %and3A_970 : i32 to vector<32x128xi32>
    %and3A_972 = arith.andi %xor3A_969, %and3A_971 : vector<32x128xi32>
    %xor3A_973 = arith.constant 7 : i32
    %xor3A_974 = vector.broadcast %xor3A_973 : i32 to vector<32x128xi32>
    %xor3A_975 = arith.xori %select_n3A_962, %xor3A_974 : vector<32x128xi32>
    %xor3A_976 = arith.xori %select_n3A_962, %and3A_972 : vector<32x128xi32>
    %select_n3A_977 = arith.select %gt3A_968, %xor3A_975, %xor3A_976 : vector<32x128xi1>, vector<32x128xi32>
    %xor3A_978 = arith.xori %select_n3A_930, %and3A_972 : vector<32x128xi32>
    %select_n3A_979 = arith.select %gt3A_968, %select_n3A_930, %xor3A_978 : vector<32x128xi1>, vector<32x128xi32>
    %and3A_980 = arith.constant 8 : i32
    %and3A_981 = vector.broadcast %and3A_980 : i32 to vector<32x128xi32>
    %and3A_982 = arith.andi %select_n3A_947, %and3A_981 : vector<32x128xi32>
    %gt3A_983 = arith.constant 0 : i32
    %gt3A_984 = vector.broadcast %gt3A_983 : i32 to vector<32x128xi32>
    %gt3A_985 = arith.cmpi sgt, %and3A_982, %gt3A_984 : vector<32x128xi32>
    %xor3A_986 = arith.xori %select_n3A_977, %select_n3A_947 : vector<32x128xi32>
    %and3A_987 = arith.constant 7 : i32
    %and3A_988 = vector.broadcast %and3A_987 : i32 to vector<32x128xi32>
    %and3A_989 = arith.andi %xor3A_986, %and3A_988 : vector<32x128xi32>
    %xor3A_990 = arith.constant 7 : i32
    %xor3A_991 = vector.broadcast %xor3A_990 : i32 to vector<32x128xi32>
    %xor3A_992 = arith.xori %select_n3A_977, %xor3A_991 : vector<32x128xi32>
    %xor3A_993 = arith.xori %select_n3A_977, %and3A_989 : vector<32x128xi32>
    %select_n3A_994 = arith.select %gt3A_985, %xor3A_992, %xor3A_993 : vector<32x128xi1>, vector<32x128xi32>
    %xor3A_995 = arith.xori %select_n3A_947, %and3A_989 : vector<32x128xi32>
    %select_n3A_996 = arith.select %gt3A_985, %select_n3A_947, %xor3A_995 : vector<32x128xi1>, vector<32x128xi32>
    %and3A_997 = arith.constant 4 : i32
    %and3A_998 = vector.broadcast %and3A_997 : i32 to vector<32x128xi32>
    %and3A_999 = arith.andi %select_n3A_994, %and3A_998 : vector<32x128xi32>
    %gt3A_1000 = arith.constant 0 : i32
    %gt3A_1001 = vector.broadcast %gt3A_1000 : i32 to vector<32x128xi32>
    %gt3A_1002 = arith.cmpi sgt, %and3A_999, %gt3A_1001 : vector<32x128xi32>
    %xor3A_1003 = arith.xori %select_n3A_994, %select_n3A_994 : vector<32x128xi32>
    %and3A_1004 = arith.constant 3 : i32
    %and3A_1005 = vector.broadcast %and3A_1004 : i32 to vector<32x128xi32>
    %and3A_1006 = arith.andi %xor3A_1003, %and3A_1005 : vector<32x128xi32>
    %xor3A_1007 = arith.constant 3 : i32
    %xor3A_1008 = vector.broadcast %xor3A_1007 : i32 to vector<32x128xi32>
    %xor3A_1009 = arith.xori %select_n3A_994, %xor3A_1008 : vector<32x128xi32>
    %xor3A_1010 = arith.xori %select_n3A_994, %and3A_1006 : vector<32x128xi32>
    %select_n3A_1011 = arith.select %gt3A_1002, %xor3A_1009, %xor3A_1010 : vector<32x128xi1>, vector<32x128xi32>
    %and3A_1012 = arith.constant 4 : i32
    %and3A_1013 = vector.broadcast %and3A_1012 : i32 to vector<32x128xi32>
    %and3A_1014 = arith.andi %select_n3A_979, %and3A_1013 : vector<32x128xi32>
    %gt3A_1015 = arith.constant 0 : i32
    %gt3A_1016 = vector.broadcast %gt3A_1015 : i32 to vector<32x128xi32>
    %gt3A_1017 = arith.cmpi sgt, %and3A_1014, %gt3A_1016 : vector<32x128xi32>
    %xor3A_1018 = arith.xori %select_n3A_1011, %select_n3A_979 : vector<32x128xi32>
    %and3A_1019 = arith.constant 3 : i32
    %and3A_1020 = vector.broadcast %and3A_1019 : i32 to vector<32x128xi32>
    %and3A_1021 = arith.andi %xor3A_1018, %and3A_1020 : vector<32x128xi32>
    %xor3A_1022 = arith.constant 3 : i32
    %xor3A_1023 = vector.broadcast %xor3A_1022 : i32 to vector<32x128xi32>
    %xor3A_1024 = arith.xori %select_n3A_1011, %xor3A_1023 : vector<32x128xi32>
    %xor3A_1025 = arith.xori %select_n3A_1011, %and3A_1021 : vector<32x128xi32>
    %select_n3A_1026 = arith.select %gt3A_1017, %xor3A_1024, %xor3A_1025 : vector<32x128xi1>, vector<32x128xi32>
    %xor3A_1027 = arith.xori %select_n3A_979, %and3A_1021 : vector<32x128xi32>
    %select_n3A_1028 = arith.select %gt3A_1017, %select_n3A_979, %xor3A_1027 : vector<32x128xi1>, vector<32x128xi32>
    %and3A_1029 = arith.constant 4 : i32
    %and3A_1030 = vector.broadcast %and3A_1029 : i32 to vector<32x128xi32>
    %and3A_1031 = arith.andi %select_n3A_996, %and3A_1030 : vector<32x128xi32>
    %gt3A_1032 = arith.constant 0 : i32
    %gt3A_1033 = vector.broadcast %gt3A_1032 : i32 to vector<32x128xi32>
    %gt3A_1034 = arith.cmpi sgt, %and3A_1031, %gt3A_1033 : vector<32x128xi32>
    %xor3A_1035 = arith.xori %select_n3A_1026, %select_n3A_996 : vector<32x128xi32>
    %and3A_1036 = arith.constant 3 : i32
    %and3A_1037 = vector.broadcast %and3A_1036 : i32 to vector<32x128xi32>
    %and3A_1038 = arith.andi %xor3A_1035, %and3A_1037 : vector<32x128xi32>
    %xor3A_1039 = arith.constant 3 : i32
    %xor3A_1040 = vector.broadcast %xor3A_1039 : i32 to vector<32x128xi32>
    %xor3A_1041 = arith.xori %select_n3A_1026, %xor3A_1040 : vector<32x128xi32>
    %xor3A_1042 = arith.xori %select_n3A_1026, %and3A_1038 : vector<32x128xi32>
    %select_n3A_1043 = arith.select %gt3A_1034, %xor3A_1041, %xor3A_1042 : vector<32x128xi1>, vector<32x128xi32>
    %xor3A_1044 = arith.xori %select_n3A_996, %and3A_1038 : vector<32x128xi32>
    %select_n3A_1045 = arith.select %gt3A_1034, %select_n3A_996, %xor3A_1044 : vector<32x128xi1>, vector<32x128xi32>
    %and3A_1046 = arith.constant 2 : i32
    %and3A_1047 = vector.broadcast %and3A_1046 : i32 to vector<32x128xi32>
    %and3A_1048 = arith.andi %select_n3A_1043, %and3A_1047 : vector<32x128xi32>
    %gt3A_1049 = arith.constant 0 : i32
    %gt3A_1050 = vector.broadcast %gt3A_1049 : i32 to vector<32x128xi32>
    %gt3A_1051 = arith.cmpi sgt, %and3A_1048, %gt3A_1050 : vector<32x128xi32>
    %xor3A_1052 = arith.xori %select_n3A_1043, %select_n3A_1043 : vector<32x128xi32>
    %and3A_1053 = arith.constant 1 : i32
    %and3A_1054 = vector.broadcast %and3A_1053 : i32 to vector<32x128xi32>
    %and3A_1055 = arith.andi %xor3A_1052, %and3A_1054 : vector<32x128xi32>
    %xor3A_1056 = arith.constant 1 : i32
    %xor3A_1057 = vector.broadcast %xor3A_1056 : i32 to vector<32x128xi32>
    %xor3A_1058 = arith.xori %select_n3A_1043, %xor3A_1057 : vector<32x128xi32>
    %xor3A_1059 = arith.xori %select_n3A_1043, %and3A_1055 : vector<32x128xi32>
    %select_n3A_1060 = arith.select %gt3A_1051, %xor3A_1058, %xor3A_1059 : vector<32x128xi1>, vector<32x128xi32>
    %and3A_1061 = arith.constant 2 : i32
    %and3A_1062 = vector.broadcast %and3A_1061 : i32 to vector<32x128xi32>
    %and3A_1063 = arith.andi %select_n3A_1028, %and3A_1062 : vector<32x128xi32>
    %gt3A_1064 = arith.constant 0 : i32
    %gt3A_1065 = vector.broadcast %gt3A_1064 : i32 to vector<32x128xi32>
    %gt3A_1066 = arith.cmpi sgt, %and3A_1063, %gt3A_1065 : vector<32x128xi32>
    %xor3A_1067 = arith.xori %select_n3A_1060, %select_n3A_1028 : vector<32x128xi32>
    %and3A_1068 = arith.constant 1 : i32
    %and3A_1069 = vector.broadcast %and3A_1068 : i32 to vector<32x128xi32>
    %and3A_1070 = arith.andi %xor3A_1067, %and3A_1069 : vector<32x128xi32>
    %xor3A_1071 = arith.constant 1 : i32
    %xor3A_1072 = vector.broadcast %xor3A_1071 : i32 to vector<32x128xi32>
    %xor3A_1073 = arith.xori %select_n3A_1060, %xor3A_1072 : vector<32x128xi32>
    %xor3A_1074 = arith.xori %select_n3A_1060, %and3A_1070 : vector<32x128xi32>
    %select_n3A_1075 = arith.select %gt3A_1066, %xor3A_1073, %xor3A_1074 : vector<32x128xi1>, vector<32x128xi32>
    %xor3A_1076 = arith.xori %select_n3A_1028, %and3A_1070 : vector<32x128xi32>
    %select_n3A_1077 = arith.select %gt3A_1066, %select_n3A_1028, %xor3A_1076 : vector<32x128xi1>, vector<32x128xi32>
    %and3A_1078 = arith.constant 2 : i32
    %and3A_1079 = vector.broadcast %and3A_1078 : i32 to vector<32x128xi32>
    %and3A_1080 = arith.andi %select_n3A_1045, %and3A_1079 : vector<32x128xi32>
    %gt3A_1081 = arith.constant 0 : i32
    %gt3A_1082 = vector.broadcast %gt3A_1081 : i32 to vector<32x128xi32>
    %gt3A_1083 = arith.cmpi sgt, %and3A_1080, %gt3A_1082 : vector<32x128xi32>
    %xor3A_1084 = arith.xori %select_n3A_1075, %select_n3A_1045 : vector<32x128xi32>
    %and3A_1085 = arith.constant 1 : i32
    %and3A_1086 = vector.broadcast %and3A_1085 : i32 to vector<32x128xi32>
    %and3A_1087 = arith.andi %xor3A_1084, %and3A_1086 : vector<32x128xi32>
    %xor3A_1088 = arith.constant 1 : i32
    %xor3A_1089 = vector.broadcast %xor3A_1088 : i32 to vector<32x128xi32>
    %xor3A_1090 = arith.xori %select_n3A_1075, %xor3A_1089 : vector<32x128xi32>
    %xor3A_1091 = arith.xori %select_n3A_1075, %and3A_1087 : vector<32x128xi32>
    %select_n3A_1092 = arith.select %gt3A_1083, %xor3A_1090, %xor3A_1091 : vector<32x128xi1>, vector<32x128xi32>
    %xor3A_1093 = arith.xori %select_n3A_1045, %and3A_1087 : vector<32x128xi32>
    %select_n3A_1094 = arith.select %gt3A_1083, %select_n3A_1045, %xor3A_1093 : vector<32x128xi1>, vector<32x128xi32>
    %xor3A_1095 = arith.xori %select_n3A_1077, %select_n3A_1092 : vector<32x128xi32>
    %xor3A_1096 = arith.xori %select_n3A_1094, %xor3A_1095 : vector<32x128xi32>
    %broadcast_in_dim3A_1097 = arith.constant 0 : i32
    %broadcast_in_dim3A_1098 = vector.broadcast %broadcast_in_dim3A_1097 : i32 to vector<32x128xi32>
    %and3A_1099 = arith.constant 128 : i32
    %and3A_1100 = vector.broadcast %and3A_1099 : i32 to vector<32x128xi32>
    %and3A_1101 = arith.andi %xor3A_1096, %and3A_1100 : vector<32x128xi32>
    %gt3A_1102 = arith.constant 0 : i32
    %gt3A_1103 = vector.broadcast %gt3A_1102 : i32 to vector<32x128xi32>
    %gt3A_1104 = arith.cmpi sgt, %and3A_1101, %gt3A_1103 : vector<32x128xi32>
    %xor3A_1105 = arith.constant 127 : i32
    %xor3A_1106 = vector.broadcast %xor3A_1105 : i32 to vector<32x128xi32>
    %xor3A_1107 = arith.xori %broadcast_in_dim3A_1098, %xor3A_1106 : vector<32x128xi32>
    %select_n3A_1108 = arith.select %gt3A_1104, %xor3A_1107, %broadcast_in_dim3A_1098 : vector<32x128xi1>, vector<32x128xi32>
    %and3A_1109 = arith.constant 64 : i32
    %and3A_1110 = vector.broadcast %and3A_1109 : i32 to vector<32x128xi32>
    %and3A_1111 = arith.andi %xor3A_1096, %and3A_1110 : vector<32x128xi32>
    %gt3A_1112 = arith.constant 0 : i32
    %gt3A_1113 = vector.broadcast %gt3A_1112 : i32 to vector<32x128xi32>
    %gt3A_1114 = arith.cmpi sgt, %and3A_1111, %gt3A_1113 : vector<32x128xi32>
    %xor3A_1115 = arith.constant 63 : i32
    %xor3A_1116 = vector.broadcast %xor3A_1115 : i32 to vector<32x128xi32>
    %xor3A_1117 = arith.xori %select_n3A_1108, %xor3A_1116 : vector<32x128xi32>
    %select_n3A_1118 = arith.select %gt3A_1114, %xor3A_1117, %select_n3A_1108 : vector<32x128xi1>, vector<32x128xi32>
    %and3A_1119 = arith.constant 32 : i32
    %and3A_1120 = vector.broadcast %and3A_1119 : i32 to vector<32x128xi32>
    %and3A_1121 = arith.andi %xor3A_1096, %and3A_1120 : vector<32x128xi32>
    %gt3A_1122 = arith.constant 0 : i32
    %gt3A_1123 = vector.broadcast %gt3A_1122 : i32 to vector<32x128xi32>
    %gt3A_1124 = arith.cmpi sgt, %and3A_1121, %gt3A_1123 : vector<32x128xi32>
    %xor3A_1125 = arith.constant 31 : i32
    %xor3A_1126 = vector.broadcast %xor3A_1125 : i32 to vector<32x128xi32>
    %xor3A_1127 = arith.xori %select_n3A_1118, %xor3A_1126 : vector<32x128xi32>
    %select_n3A_1128 = arith.select %gt3A_1124, %xor3A_1127, %select_n3A_1118 : vector<32x128xi1>, vector<32x128xi32>
    %and3A_1129 = arith.constant 16 : i32
    %and3A_1130 = vector.broadcast %and3A_1129 : i32 to vector<32x128xi32>
    %and3A_1131 = arith.andi %xor3A_1096, %and3A_1130 : vector<32x128xi32>
    %gt3A_1132 = arith.constant 0 : i32
    %gt3A_1133 = vector.broadcast %gt3A_1132 : i32 to vector<32x128xi32>
    %gt3A_1134 = arith.cmpi sgt, %and3A_1131, %gt3A_1133 : vector<32x128xi32>
    %xor3A_1135 = arith.constant 15 : i32
    %xor3A_1136 = vector.broadcast %xor3A_1135 : i32 to vector<32x128xi32>
    %xor3A_1137 = arith.xori %select_n3A_1128, %xor3A_1136 : vector<32x128xi32>
    %select_n3A_1138 = arith.select %gt3A_1134, %xor3A_1137, %select_n3A_1128 : vector<32x128xi1>, vector<32x128xi32>
    %and3A_1139 = arith.constant 8 : i32
    %and3A_1140 = vector.broadcast %and3A_1139 : i32 to vector<32x128xi32>
    %and3A_1141 = arith.andi %xor3A_1096, %and3A_1140 : vector<32x128xi32>
    %gt3A_1142 = arith.constant 0 : i32
    %gt3A_1143 = vector.broadcast %gt3A_1142 : i32 to vector<32x128xi32>
    %gt3A_1144 = arith.cmpi sgt, %and3A_1141, %gt3A_1143 : vector<32x128xi32>
    %xor3A_1145 = arith.constant 7 : i32
    %xor3A_1146 = vector.broadcast %xor3A_1145 : i32 to vector<32x128xi32>
    %xor3A_1147 = arith.xori %select_n3A_1138, %xor3A_1146 : vector<32x128xi32>
    %select_n3A_1148 = arith.select %gt3A_1144, %xor3A_1147, %select_n3A_1138 : vector<32x128xi1>, vector<32x128xi32>
    %and3A_1149 = arith.constant 4 : i32
    %and3A_1150 = vector.broadcast %and3A_1149 : i32 to vector<32x128xi32>
    %and3A_1151 = arith.andi %xor3A_1096, %and3A_1150 : vector<32x128xi32>
    %gt3A_1152 = arith.constant 0 : i32
    %gt3A_1153 = vector.broadcast %gt3A_1152 : i32 to vector<32x128xi32>
    %gt3A_1154 = arith.cmpi sgt, %and3A_1151, %gt3A_1153 : vector<32x128xi32>
    %xor3A_1155 = arith.constant 3 : i32
    %xor3A_1156 = vector.broadcast %xor3A_1155 : i32 to vector<32x128xi32>
    %xor3A_1157 = arith.xori %select_n3A_1148, %xor3A_1156 : vector<32x128xi32>
    %select_n3A_1158 = arith.select %gt3A_1154, %xor3A_1157, %select_n3A_1148 : vector<32x128xi1>, vector<32x128xi32>
    %and3A_1159 = arith.constant 2 : i32
    %and3A_1160 = vector.broadcast %and3A_1159 : i32 to vector<32x128xi32>
    %and3A_1161 = arith.andi %xor3A_1096, %and3A_1160 : vector<32x128xi32>
    %gt3A_1162 = arith.constant 0 : i32
    %gt3A_1163 = vector.broadcast %gt3A_1162 : i32 to vector<32x128xi32>
    %gt3A_1164 = arith.cmpi sgt, %and3A_1161, %gt3A_1163 : vector<32x128xi32>
    %xor3A_1165 = arith.constant 1 : i32
    %xor3A_1166 = vector.broadcast %xor3A_1165 : i32 to vector<32x128xi32>
    %xor3A_1167 = arith.xori %select_n3A_1158, %xor3A_1166 : vector<32x128xi32>
    %select_n3A_1168 = arith.select %gt3A_1164, %xor3A_1167, %select_n3A_1158 : vector<32x128xi1>, vector<32x128xi32>
    %xor3A_1169 = arith.xori %select_n3A_1092, %select_n3A_1168 : vector<32x128xi32>
    %xor3A_1170 = arith.xori %xor3A_1095, %select_n3A_1168 : vector<32x128xi32>
    %xor3A_1171 = arith.xori %xor3A_1096, %select_n3A_1168 : vector<32x128xi32>
    %broadcast_in_dim3A_1172 = arith.constant 0 : i32
    %broadcast_in_dim3A_1173 = vector.broadcast %broadcast_in_dim3A_1172 : i32 to vector<32x128xi32>
    %shift_left3A_1174 = arith.constant 1 : i32
    %shift_left3A_1175 = vector.broadcast %shift_left3A_1174 : i32 to vector<32x128xi32>
    %shift_left3A_1176 = arith.shli %broadcast_in_dim3A_1173, %shift_left3A_1175 : vector<32x128xi32>
    %shift_right_arithmetic3A_1177 = arith.constant 7 : i32
    %shift_right_arithmetic3A_1178 = vector.broadcast %shift_right_arithmetic3A_1177 : i32 to vector<32x128xi32>
    %shift_right_arithmetic3A_1179 = arith.shrsi %xor3A_1169, %shift_right_arithmetic3A_1178 : vector<32x128xi32>
    %and3A_1180 = arith.constant 1 : i32
    %and3A_1181 = vector.broadcast %and3A_1180 : i32 to vector<32x128xi32>
    %and3A_1182 = arith.andi %shift_right_arithmetic3A_1179, %and3A_1181 : vector<32x128xi32>
    %or3A_1183 = arith.ori %shift_left3A_1176, %and3A_1182 : vector<32x128xi32>
    %shift_left3A_1184 = arith.constant 1 : i32
    %shift_left3A_1185 = vector.broadcast %shift_left3A_1184 : i32 to vector<32x128xi32>
    %shift_left3A_1186 = arith.shli %or3A_1183, %shift_left3A_1185 : vector<32x128xi32>
    %shift_right_arithmetic3A_1187 = arith.constant 7 : i32
    %shift_right_arithmetic3A_1188 = vector.broadcast %shift_right_arithmetic3A_1187 : i32 to vector<32x128xi32>
    %shift_right_arithmetic3A_1189 = arith.shrsi %xor3A_1170, %shift_right_arithmetic3A_1188 : vector<32x128xi32>
    %and3A_1190 = arith.constant 1 : i32
    %and3A_1191 = vector.broadcast %and3A_1190 : i32 to vector<32x128xi32>
    %and3A_1192 = arith.andi %shift_right_arithmetic3A_1189, %and3A_1191 : vector<32x128xi32>
    %or3A_1193 = arith.ori %shift_left3A_1186, %and3A_1192 : vector<32x128xi32>
    %shift_left3A_1194 = arith.constant 1 : i32
    %shift_left3A_1195 = vector.broadcast %shift_left3A_1194 : i32 to vector<32x128xi32>
    %shift_left3A_1196 = arith.shli %or3A_1193, %shift_left3A_1195 : vector<32x128xi32>
    %shift_right_arithmetic3A_1197 = arith.constant 7 : i32
    %shift_right_arithmetic3A_1198 = vector.broadcast %shift_right_arithmetic3A_1197 : i32 to vector<32x128xi32>
    %shift_right_arithmetic3A_1199 = arith.shrsi %xor3A_1171, %shift_right_arithmetic3A_1198 : vector<32x128xi32>
    %and3A_1200 = arith.constant 1 : i32
    %and3A_1201 = vector.broadcast %and3A_1200 : i32 to vector<32x128xi32>
    %and3A_1202 = arith.andi %shift_right_arithmetic3A_1199, %and3A_1201 : vector<32x128xi32>
    %or3A_1203 = arith.ori %shift_left3A_1196, %and3A_1202 : vector<32x128xi32>
    %shift_left3A_1204 = arith.constant 1 : i32
    %shift_left3A_1205 = vector.broadcast %shift_left3A_1204 : i32 to vector<32x128xi32>
    %shift_left3A_1206 = arith.shli %or3A_1203, %shift_left3A_1205 : vector<32x128xi32>
    %shift_right_arithmetic3A_1207 = arith.constant 6 : i32
    %shift_right_arithmetic3A_1208 = vector.broadcast %shift_right_arithmetic3A_1207 : i32 to vector<32x128xi32>
    %shift_right_arithmetic3A_1209 = arith.shrsi %xor3A_1169, %shift_right_arithmetic3A_1208 : vector<32x128xi32>
    %and3A_1210 = arith.constant 1 : i32
    %and3A_1211 = vector.broadcast %and3A_1210 : i32 to vector<32x128xi32>
    %and3A_1212 = arith.andi %shift_right_arithmetic3A_1209, %and3A_1211 : vector<32x128xi32>
    %or3A_1213 = arith.ori %shift_left3A_1206, %and3A_1212 : vector<32x128xi32>
    %shift_left3A_1214 = arith.constant 1 : i32
    %shift_left3A_1215 = vector.broadcast %shift_left3A_1214 : i32 to vector<32x128xi32>
    %shift_left3A_1216 = arith.shli %or3A_1213, %shift_left3A_1215 : vector<32x128xi32>
    %shift_right_arithmetic3A_1217 = arith.constant 6 : i32
    %shift_right_arithmetic3A_1218 = vector.broadcast %shift_right_arithmetic3A_1217 : i32 to vector<32x128xi32>
    %shift_right_arithmetic3A_1219 = arith.shrsi %xor3A_1170, %shift_right_arithmetic3A_1218 : vector<32x128xi32>
    %and3A_1220 = arith.constant 1 : i32
    %and3A_1221 = vector.broadcast %and3A_1220 : i32 to vector<32x128xi32>
    %and3A_1222 = arith.andi %shift_right_arithmetic3A_1219, %and3A_1221 : vector<32x128xi32>
    %or3A_1223 = arith.ori %shift_left3A_1216, %and3A_1222 : vector<32x128xi32>
    %shift_left3A_1224 = arith.constant 1 : i32
    %shift_left3A_1225 = vector.broadcast %shift_left3A_1224 : i32 to vector<32x128xi32>
    %shift_left3A_1226 = arith.shli %or3A_1223, %shift_left3A_1225 : vector<32x128xi32>
    %shift_right_arithmetic3A_1227 = arith.constant 6 : i32
    %shift_right_arithmetic3A_1228 = vector.broadcast %shift_right_arithmetic3A_1227 : i32 to vector<32x128xi32>
    %shift_right_arithmetic3A_1229 = arith.shrsi %xor3A_1171, %shift_right_arithmetic3A_1228 : vector<32x128xi32>
    %and3A_1230 = arith.constant 1 : i32
    %and3A_1231 = vector.broadcast %and3A_1230 : i32 to vector<32x128xi32>
    %and3A_1232 = arith.andi %shift_right_arithmetic3A_1229, %and3A_1231 : vector<32x128xi32>
    %or3A_1233 = arith.ori %shift_left3A_1226, %and3A_1232 : vector<32x128xi32>
    %shift_left3A_1234 = arith.constant 1 : i32
    %shift_left3A_1235 = vector.broadcast %shift_left3A_1234 : i32 to vector<32x128xi32>
    %shift_left3A_1236 = arith.shli %or3A_1233, %shift_left3A_1235 : vector<32x128xi32>
    %shift_right_arithmetic3A_1237 = arith.constant 5 : i32
    %shift_right_arithmetic3A_1238 = vector.broadcast %shift_right_arithmetic3A_1237 : i32 to vector<32x128xi32>
    %shift_right_arithmetic3A_1239 = arith.shrsi %xor3A_1169, %shift_right_arithmetic3A_1238 : vector<32x128xi32>
    %and3A_1240 = arith.constant 1 : i32
    %and3A_1241 = vector.broadcast %and3A_1240 : i32 to vector<32x128xi32>
    %and3A_1242 = arith.andi %shift_right_arithmetic3A_1239, %and3A_1241 : vector<32x128xi32>
    %or3A_1243 = arith.ori %shift_left3A_1236, %and3A_1242 : vector<32x128xi32>
    %shift_left3A_1244 = arith.constant 1 : i32
    %shift_left3A_1245 = vector.broadcast %shift_left3A_1244 : i32 to vector<32x128xi32>
    %shift_left3A_1246 = arith.shli %or3A_1243, %shift_left3A_1245 : vector<32x128xi32>
    %shift_right_arithmetic3A_1247 = arith.constant 5 : i32
    %shift_right_arithmetic3A_1248 = vector.broadcast %shift_right_arithmetic3A_1247 : i32 to vector<32x128xi32>
    %shift_right_arithmetic3A_1249 = arith.shrsi %xor3A_1170, %shift_right_arithmetic3A_1248 : vector<32x128xi32>
    %and3A_1250 = arith.constant 1 : i32
    %and3A_1251 = vector.broadcast %and3A_1250 : i32 to vector<32x128xi32>
    %and3A_1252 = arith.andi %shift_right_arithmetic3A_1249, %and3A_1251 : vector<32x128xi32>
    %or3A_1253 = arith.ori %shift_left3A_1246, %and3A_1252 : vector<32x128xi32>
    %shift_left3A_1254 = arith.constant 1 : i32
    %shift_left3A_1255 = vector.broadcast %shift_left3A_1254 : i32 to vector<32x128xi32>
    %shift_left3A_1256 = arith.shli %or3A_1253, %shift_left3A_1255 : vector<32x128xi32>
    %shift_right_arithmetic3A_1257 = arith.constant 5 : i32
    %shift_right_arithmetic3A_1258 = vector.broadcast %shift_right_arithmetic3A_1257 : i32 to vector<32x128xi32>
    %shift_right_arithmetic3A_1259 = arith.shrsi %xor3A_1171, %shift_right_arithmetic3A_1258 : vector<32x128xi32>
    %and3A_1260 = arith.constant 1 : i32
    %and3A_1261 = vector.broadcast %and3A_1260 : i32 to vector<32x128xi32>
    %and3A_1262 = arith.andi %shift_right_arithmetic3A_1259, %and3A_1261 : vector<32x128xi32>
    %or3A_1263 = arith.ori %shift_left3A_1256, %and3A_1262 : vector<32x128xi32>
    %shift_left3A_1264 = arith.constant 1 : i32
    %shift_left3A_1265 = vector.broadcast %shift_left3A_1264 : i32 to vector<32x128xi32>
    %shift_left3A_1266 = arith.shli %or3A_1263, %shift_left3A_1265 : vector<32x128xi32>
    %shift_right_arithmetic3A_1267 = arith.constant 4 : i32
    %shift_right_arithmetic3A_1268 = vector.broadcast %shift_right_arithmetic3A_1267 : i32 to vector<32x128xi32>
    %shift_right_arithmetic3A_1269 = arith.shrsi %xor3A_1169, %shift_right_arithmetic3A_1268 : vector<32x128xi32>
    %and3A_1270 = arith.constant 1 : i32
    %and3A_1271 = vector.broadcast %and3A_1270 : i32 to vector<32x128xi32>
    %and3A_1272 = arith.andi %shift_right_arithmetic3A_1269, %and3A_1271 : vector<32x128xi32>
    %or3A_1273 = arith.ori %shift_left3A_1266, %and3A_1272 : vector<32x128xi32>
    %shift_left3A_1274 = arith.constant 1 : i32
    %shift_left3A_1275 = vector.broadcast %shift_left3A_1274 : i32 to vector<32x128xi32>
    %shift_left3A_1276 = arith.shli %or3A_1273, %shift_left3A_1275 : vector<32x128xi32>
    %shift_right_arithmetic3A_1277 = arith.constant 4 : i32
    %shift_right_arithmetic3A_1278 = vector.broadcast %shift_right_arithmetic3A_1277 : i32 to vector<32x128xi32>
    %shift_right_arithmetic3A_1279 = arith.shrsi %xor3A_1170, %shift_right_arithmetic3A_1278 : vector<32x128xi32>
    %and3A_1280 = arith.constant 1 : i32
    %and3A_1281 = vector.broadcast %and3A_1280 : i32 to vector<32x128xi32>
    %and3A_1282 = arith.andi %shift_right_arithmetic3A_1279, %and3A_1281 : vector<32x128xi32>
    %or3A_1283 = arith.ori %shift_left3A_1276, %and3A_1282 : vector<32x128xi32>
    %shift_left3A_1284 = arith.constant 1 : i32
    %shift_left3A_1285 = vector.broadcast %shift_left3A_1284 : i32 to vector<32x128xi32>
    %shift_left3A_1286 = arith.shli %or3A_1283, %shift_left3A_1285 : vector<32x128xi32>
    %shift_right_arithmetic3A_1287 = arith.constant 4 : i32
    %shift_right_arithmetic3A_1288 = vector.broadcast %shift_right_arithmetic3A_1287 : i32 to vector<32x128xi32>
    %shift_right_arithmetic3A_1289 = arith.shrsi %xor3A_1171, %shift_right_arithmetic3A_1288 : vector<32x128xi32>
    %and3A_1290 = arith.constant 1 : i32
    %and3A_1291 = vector.broadcast %and3A_1290 : i32 to vector<32x128xi32>
    %and3A_1292 = arith.andi %shift_right_arithmetic3A_1289, %and3A_1291 : vector<32x128xi32>
    %or3A_1293 = arith.ori %shift_left3A_1286, %and3A_1292 : vector<32x128xi32>
    %shift_left3A_1294 = arith.constant 1 : i32
    %shift_left3A_1295 = vector.broadcast %shift_left3A_1294 : i32 to vector<32x128xi32>
    %shift_left3A_1296 = arith.shli %or3A_1293, %shift_left3A_1295 : vector<32x128xi32>
    %shift_right_arithmetic3A_1297 = arith.constant 3 : i32
    %shift_right_arithmetic3A_1298 = vector.broadcast %shift_right_arithmetic3A_1297 : i32 to vector<32x128xi32>
    %shift_right_arithmetic3A_1299 = arith.shrsi %xor3A_1169, %shift_right_arithmetic3A_1298 : vector<32x128xi32>
    %and3A_1300 = arith.constant 1 : i32
    %and3A_1301 = vector.broadcast %and3A_1300 : i32 to vector<32x128xi32>
    %and3A_1302 = arith.andi %shift_right_arithmetic3A_1299, %and3A_1301 : vector<32x128xi32>
    %or3A_1303 = arith.ori %shift_left3A_1296, %and3A_1302 : vector<32x128xi32>
    %shift_left3A_1304 = arith.constant 1 : i32
    %shift_left3A_1305 = vector.broadcast %shift_left3A_1304 : i32 to vector<32x128xi32>
    %shift_left3A_1306 = arith.shli %or3A_1303, %shift_left3A_1305 : vector<32x128xi32>
    %shift_right_arithmetic3A_1307 = arith.constant 3 : i32
    %shift_right_arithmetic3A_1308 = vector.broadcast %shift_right_arithmetic3A_1307 : i32 to vector<32x128xi32>
    %shift_right_arithmetic3A_1309 = arith.shrsi %xor3A_1170, %shift_right_arithmetic3A_1308 : vector<32x128xi32>
    %and3A_1310 = arith.constant 1 : i32
    %and3A_1311 = vector.broadcast %and3A_1310 : i32 to vector<32x128xi32>
    %and3A_1312 = arith.andi %shift_right_arithmetic3A_1309, %and3A_1311 : vector<32x128xi32>
    %or3A_1313 = arith.ori %shift_left3A_1306, %and3A_1312 : vector<32x128xi32>
    %shift_left3A_1314 = arith.constant 1 : i32
    %shift_left3A_1315 = vector.broadcast %shift_left3A_1314 : i32 to vector<32x128xi32>
    %shift_left3A_1316 = arith.shli %or3A_1313, %shift_left3A_1315 : vector<32x128xi32>
    %shift_right_arithmetic3A_1317 = arith.constant 3 : i32
    %shift_right_arithmetic3A_1318 = vector.broadcast %shift_right_arithmetic3A_1317 : i32 to vector<32x128xi32>
    %shift_right_arithmetic3A_1319 = arith.shrsi %xor3A_1171, %shift_right_arithmetic3A_1318 : vector<32x128xi32>
    %and3A_1320 = arith.constant 1 : i32
    %and3A_1321 = vector.broadcast %and3A_1320 : i32 to vector<32x128xi32>
    %and3A_1322 = arith.andi %shift_right_arithmetic3A_1319, %and3A_1321 : vector<32x128xi32>
    %or3A_1323 = arith.ori %shift_left3A_1316, %and3A_1322 : vector<32x128xi32>
    %shift_left3A_1324 = arith.constant 1 : i32
    %shift_left3A_1325 = vector.broadcast %shift_left3A_1324 : i32 to vector<32x128xi32>
    %shift_left3A_1326 = arith.shli %or3A_1323, %shift_left3A_1325 : vector<32x128xi32>
    %shift_right_arithmetic3A_1327 = arith.constant 2 : i32
    %shift_right_arithmetic3A_1328 = vector.broadcast %shift_right_arithmetic3A_1327 : i32 to vector<32x128xi32>
    %shift_right_arithmetic3A_1329 = arith.shrsi %xor3A_1169, %shift_right_arithmetic3A_1328 : vector<32x128xi32>
    %and3A_1330 = arith.constant 1 : i32
    %and3A_1331 = vector.broadcast %and3A_1330 : i32 to vector<32x128xi32>
    %and3A_1332 = arith.andi %shift_right_arithmetic3A_1329, %and3A_1331 : vector<32x128xi32>
    %or3A_1333 = arith.ori %shift_left3A_1326, %and3A_1332 : vector<32x128xi32>
    %shift_left3A_1334 = arith.constant 1 : i32
    %shift_left3A_1335 = vector.broadcast %shift_left3A_1334 : i32 to vector<32x128xi32>
    %shift_left3A_1336 = arith.shli %or3A_1333, %shift_left3A_1335 : vector<32x128xi32>
    %shift_right_arithmetic3A_1337 = arith.constant 2 : i32
    %shift_right_arithmetic3A_1338 = vector.broadcast %shift_right_arithmetic3A_1337 : i32 to vector<32x128xi32>
    %shift_right_arithmetic3A_1339 = arith.shrsi %xor3A_1170, %shift_right_arithmetic3A_1338 : vector<32x128xi32>
    %and3A_1340 = arith.constant 1 : i32
    %and3A_1341 = vector.broadcast %and3A_1340 : i32 to vector<32x128xi32>
    %and3A_1342 = arith.andi %shift_right_arithmetic3A_1339, %and3A_1341 : vector<32x128xi32>
    %or3A_1343 = arith.ori %shift_left3A_1336, %and3A_1342 : vector<32x128xi32>
    %shift_left3A_1344 = arith.constant 1 : i32
    %shift_left3A_1345 = vector.broadcast %shift_left3A_1344 : i32 to vector<32x128xi32>
    %shift_left3A_1346 = arith.shli %or3A_1343, %shift_left3A_1345 : vector<32x128xi32>
    %shift_right_arithmetic3A_1347 = arith.constant 2 : i32
    %shift_right_arithmetic3A_1348 = vector.broadcast %shift_right_arithmetic3A_1347 : i32 to vector<32x128xi32>
    %shift_right_arithmetic3A_1349 = arith.shrsi %xor3A_1171, %shift_right_arithmetic3A_1348 : vector<32x128xi32>
    %and3A_1350 = arith.constant 1 : i32
    %and3A_1351 = vector.broadcast %and3A_1350 : i32 to vector<32x128xi32>
    %and3A_1352 = arith.andi %shift_right_arithmetic3A_1349, %and3A_1351 : vector<32x128xi32>
    %or3A_1353 = arith.ori %shift_left3A_1346, %and3A_1352 : vector<32x128xi32>
    %shift_left3A_1354 = arith.constant 1 : i32
    %shift_left3A_1355 = vector.broadcast %shift_left3A_1354 : i32 to vector<32x128xi32>
    %shift_left3A_1356 = arith.shli %or3A_1353, %shift_left3A_1355 : vector<32x128xi32>
    %shift_right_arithmetic3A_1357 = arith.constant 1 : i32
    %shift_right_arithmetic3A_1358 = vector.broadcast %shift_right_arithmetic3A_1357 : i32 to vector<32x128xi32>
    %shift_right_arithmetic3A_1359 = arith.shrsi %xor3A_1169, %shift_right_arithmetic3A_1358 : vector<32x128xi32>
    %and3A_1360 = arith.constant 1 : i32
    %and3A_1361 = vector.broadcast %and3A_1360 : i32 to vector<32x128xi32>
    %and3A_1362 = arith.andi %shift_right_arithmetic3A_1359, %and3A_1361 : vector<32x128xi32>
    %or3A_1363 = arith.ori %shift_left3A_1356, %and3A_1362 : vector<32x128xi32>
    %shift_left3A_1364 = arith.constant 1 : i32
    %shift_left3A_1365 = vector.broadcast %shift_left3A_1364 : i32 to vector<32x128xi32>
    %shift_left3A_1366 = arith.shli %or3A_1363, %shift_left3A_1365 : vector<32x128xi32>
    %shift_right_arithmetic3A_1367 = arith.constant 1 : i32
    %shift_right_arithmetic3A_1368 = vector.broadcast %shift_right_arithmetic3A_1367 : i32 to vector<32x128xi32>
    %shift_right_arithmetic3A_1369 = arith.shrsi %xor3A_1170, %shift_right_arithmetic3A_1368 : vector<32x128xi32>
    %and3A_1370 = arith.constant 1 : i32
    %and3A_1371 = vector.broadcast %and3A_1370 : i32 to vector<32x128xi32>
    %and3A_1372 = arith.andi %shift_right_arithmetic3A_1369, %and3A_1371 : vector<32x128xi32>
    %or3A_1373 = arith.ori %shift_left3A_1366, %and3A_1372 : vector<32x128xi32>
    %shift_left3A_1374 = arith.constant 1 : i32
    %shift_left3A_1375 = vector.broadcast %shift_left3A_1374 : i32 to vector<32x128xi32>
    %shift_left3A_1376 = arith.shli %or3A_1373, %shift_left3A_1375 : vector<32x128xi32>
    %shift_right_arithmetic3A_1377 = arith.constant 1 : i32
    %shift_right_arithmetic3A_1378 = vector.broadcast %shift_right_arithmetic3A_1377 : i32 to vector<32x128xi32>
    %shift_right_arithmetic3A_1379 = arith.shrsi %xor3A_1171, %shift_right_arithmetic3A_1378 : vector<32x128xi32>
    %and3A_1380 = arith.constant 1 : i32
    %and3A_1381 = vector.broadcast %and3A_1380 : i32 to vector<32x128xi32>
    %and3A_1382 = arith.andi %shift_right_arithmetic3A_1379, %and3A_1381 : vector<32x128xi32>
    %or3A_1383 = arith.ori %shift_left3A_1376, %and3A_1382 : vector<32x128xi32>
    %shift_left3A_1384 = arith.constant 1 : i32
    %shift_left3A_1385 = vector.broadcast %shift_left3A_1384 : i32 to vector<32x128xi32>
    %shift_left3A_1386 = arith.shli %or3A_1383, %shift_left3A_1385 : vector<32x128xi32>
    %shift_right_arithmetic3A_1387 = arith.constant 0 : i32
    %shift_right_arithmetic3A_1388 = vector.broadcast %shift_right_arithmetic3A_1387 : i32 to vector<32x128xi32>
    %shift_right_arithmetic3A_1389 = arith.shrsi %xor3A_1169, %shift_right_arithmetic3A_1388 : vector<32x128xi32>
    %and3A_1390 = arith.constant 1 : i32
    %and3A_1391 = vector.broadcast %and3A_1390 : i32 to vector<32x128xi32>
    %and3A_1392 = arith.andi %shift_right_arithmetic3A_1389, %and3A_1391 : vector<32x128xi32>
    %or3A_1393 = arith.ori %shift_left3A_1386, %and3A_1392 : vector<32x128xi32>
    %shift_left3A_1394 = arith.constant 1 : i32
    %shift_left3A_1395 = vector.broadcast %shift_left3A_1394 : i32 to vector<32x128xi32>
    %shift_left3A_1396 = arith.shli %or3A_1393, %shift_left3A_1395 : vector<32x128xi32>
    %shift_right_arithmetic3A_1397 = arith.constant 0 : i32
    %shift_right_arithmetic3A_1398 = vector.broadcast %shift_right_arithmetic3A_1397 : i32 to vector<32x128xi32>
    %shift_right_arithmetic3A_1399 = arith.shrsi %xor3A_1170, %shift_right_arithmetic3A_1398 : vector<32x128xi32>
    %and3A_1400 = arith.constant 1 : i32
    %and3A_1401 = vector.broadcast %and3A_1400 : i32 to vector<32x128xi32>
    %and3A_1402 = arith.andi %shift_right_arithmetic3A_1399, %and3A_1401 : vector<32x128xi32>
    %or3A_1403 = arith.ori %shift_left3A_1396, %and3A_1402 : vector<32x128xi32>
    %shift_left3A_1404 = arith.constant 1 : i32
    %shift_left3A_1405 = vector.broadcast %shift_left3A_1404 : i32 to vector<32x128xi32>
    %shift_left3A_1406 = arith.shli %or3A_1403, %shift_left3A_1405 : vector<32x128xi32>
    %shift_right_arithmetic3A_1407 = arith.constant 0 : i32
    %shift_right_arithmetic3A_1408 = vector.broadcast %shift_right_arithmetic3A_1407 : i32 to vector<32x128xi32>
    %shift_right_arithmetic3A_1409 = arith.shrsi %xor3A_1171, %shift_right_arithmetic3A_1408 : vector<32x128xi32>
    %and3A_1410 = arith.constant 1 : i32
    %and3A_1411 = vector.broadcast %and3A_1410 : i32 to vector<32x128xi32>
    %and3A_1412 = arith.andi %shift_right_arithmetic3A_1409, %and3A_1411 : vector<32x128xi32>
    %or3A_1413 = arith.ori %shift_left3A_1406, %and3A_1412 : vector<32x128xi32>
    %mul3A_1414 = arith.constant 32 : i32
    %mul3A_1415 = vector.broadcast %mul3A_1414 : i32 to vector<32x128xi32>
    %mul3A_1416 = arith.muli %or3A_1413, %mul3A_1415 : vector<32x128xi32>
    %add3A_1417 = arith.addi %mul3A_1416, %iota3A : vector<32x128xi32>
    %swap3A_1418 = arith.constant 0 : index
    %swap3A_1419 = arith.constant 1 : index
    %swap3A_1420 = arith.constant 0 : index
    %swap3A_1421 = arith.constant 0 : index
    %swap3A_1422 = vector.load %arg2[%swap3A_1418, %swap3A_1419, %swap3A_1420, %swap3A_1421] : memref<1x2x32x128xi32, #tpu.memory_space<vmem>>, vector<1x1x32x128xi32>
    %swap3A_1423 = vector.shape_cast %swap3A_1422 : vector<1x1x32x128xi32> to vector<32x128xi32>
    %swap3A_1424 = vector.shape_cast %add3A_1417 : vector<32x128xi32> to vector<1x1x32x128xi32>
    tpu.vector_store %arg2[%swap3A_1418, %swap3A_1419, %swap3A_1420, %swap3A_1421], %swap3A_1424 {strides = array<i32>} : memref<1x2x32x128xi32, #tpu.memory_space<vmem>>, vector<1x1x32x128xi32>,
    return
  }
  func.func @transform_0(%arg0: i32) -> (i32, i32, i32, i32) {
    %c0_i32 = arith.constant 0 : i32
    %c0_i32_0 = arith.constant 0 : i32
    %c0_i32_1 = arith.constant 0 : i32
    %c0_i32_2 = arith.constant 0 : i32
    return %arg0, %c0_i32, %c0_i32_0, %c0_i32_1 : i32, i32, i32, i32
  }
  func.func @transform_1(%arg0: i32) -> (i32, i32, i32, i32) {
    %c0_i32 = arith.constant 0 : i32
    %c0_i32_0 = arith.constant 0 : i32
    %c0_i32_1 = arith.constant 0 : i32
    %c0_i32_2 = arith.constant 0 : i32
    return %arg0, %c0_i32, %c0_i32_0, %c0_i32_1 : i32, i32, i32, i32
  }
}

module attributes {stable_mosaic.version = 14 : i64} {
  func.func @_rank_kernel(%arg0: i32, %arg1: i32, %arg2: i32, %arg3: memref<1x1x1x4096xi32, #tpu.memory_space<vmem>>, %arg4: memref<1x1x8x1x128xi32, #tpu.memory_space<vmem>>, %arg5: memref<128x128xf32, #tpu.memory_space<vmem>>, %arg6: memref<1x1x8x1x128xi32, #tpu.memory_space<vmem>>) attributes {dimension_semantics = [#tpu.dimension_semantics<arbitrary>, #tpu.dimension_semantics<arbitrary>, #tpu.dimension_semantics<arbitrary>], iteration_bounds = array<i64: 8, 2, 4>, scalar_prefetch = 0 : i64, scratch_operands = 0 : i64, tpu.core_type = #tpu.core_type<tc>, window_params = [{transform_indices = @transform_0, window_bounds = array<i64: 1, 1, 1, 4096>}, {transform_indices = @transform_1, window_bounds = array<i64: 1, 1, 8, 1, 128>}, {pipeline_mode = #tpu.pipeline_mode<synchronous>, transform_indices = @transform_2, window_bounds = array<i64: 128, 128>}, {transform_indices = @transform_3, window_bounds = array<i64: 1, 1, 8, 1, 128>}]} {
    %get3A = arith.constant 0 : index
    %get3A_0 = arith.constant 0 : index
    %get3A_1 = arith.constant 0 : index
    %get3A_2 = arith.constant 0 : index
    %get3A_3 = vector.load %arg3[%get3A, %get3A_0, %get3A_1, %get3A_2] : memref<1x1x1x4096xi32, #tpu.memory_space<vmem>>, vector<1x1x1x4096xi32>
    %get3A_4 = vector.shape_cast %get3A_3 : vector<1x1x1x4096xi32> to vector<1x4096xi32>
    %get3A_5 = arith.constant 0 : index
    %get3A_6 = arith.constant 0 : index
    %get3A_7 = arith.constant 0 : index
    %get3A_8 = arith.constant 0 : index
    %get3A_9 = arith.constant 0 : index
    %get3A_10 = vector.load %arg4[%get3A_5, %get3A_6, %get3A_7, %get3A_8, %get3A_9] : memref<1x1x8x1x128xi32, #tpu.memory_space<vmem>>, vector<1x1x8x1x128xi32>
    %get3A_11 = vector.shape_cast %get3A_10 : vector<1x1x8x1x128xi32> to vector<8x128xi32>
    %get3A_12 = arith.constant 0 : index
    %get3A_13 = arith.constant 0 : index
    %get3A_14 = vector.load %arg5[%get3A_12, %get3A_13] : memref<128x128xf32, #tpu.memory_space<vmem>>, vector<128x128xf32>
    %shift_right_arithmetic3A = arith.constant 15 : i32
    %shift_right_arithmetic3A_15 = vector.broadcast %shift_right_arithmetic3A : i32 to vector<8x128xi32>
    %shift_right_arithmetic3A_16 = arith.shrsi %get3A_11, %shift_right_arithmetic3A_15 : vector<8x128xi32>
    %convert_element_type3A = arith.sitofp %shift_right_arithmetic3A_16 : vector<8x128xi32> to vector<8x128xf32>
    %dot_general3A = arith.constant dense<0.000000e+00> : vector<128x8xf32>
    %dot_general3A_17 = tpu.matmul %get3A_14, %convert_element_type3A, %dot_general3A {dimension_numbers = #tpu.dot_dimension_numbers<[1], [1], [0], [0], [0, 0, 1, 0], [], []>, precision = #tpu.contract_precision<fp32>, transpose_lhs_hint = false} : vector<128x128xf32>, vector<8x128xf32>, vector<128x8xf32> -> vector<128x8xf32>
    %and3A = arith.constant 32767 : i32
    %and3A_18 = vector.broadcast %and3A : i32 to vector<8x128xi32>
    %and3A_19 = arith.andi %get3A_11, %and3A_18 : vector<8x128xi32>
    %convert_element_type3A_20 = arith.sitofp %and3A_19 : vector<8x128xi32> to vector<8x128xf32>
    %dot_general3A_21 = arith.constant dense<0.000000e+00> : vector<128x8xf32>
    %dot_general3A_22 = tpu.matmul %get3A_14, %convert_element_type3A_20, %dot_general3A_21 {dimension_numbers = #tpu.dot_dimension_numbers<[1], [1], [0], [0], [0, 0, 1, 0], [], []>, precision = #tpu.contract_precision<fp32>, transpose_lhs_hint = false} : vector<128x128xf32>, vector<8x128xf32>, vector<128x8xf32> -> vector<128x8xf32>
    %convert_element_type3A_23 = arith.fptosi %dot_general3A_17 : vector<128x8xf32> to vector<128x8xi32>
    %mul3A = arith.constant 32768 : i32
    %mul3A_24 = vector.broadcast %mul3A : i32 to vector<128x8xi32>
    %mul3A_25 = arith.muli %convert_element_type3A_23, %mul3A_24 : vector<128x8xi32>
    %convert_element_type3A_26 = arith.fptosi %dot_general3A_22 : vector<128x8xf32> to vector<128x8xi32>
    %add3A = arith.addi %mul3A_25, %convert_element_type3A_26 : vector<128x8xi32>
    %iota3A = tpu.iota {dimensions = array<i32: 1>} : vector<128x128xi32>
    %iota3A_27 = tpu.iota {dimensions = array<i32: 0>} : vector<128x128xi32>
    %lt3A = arith.cmpi slt, %iota3A, %iota3A_27 : vector<128x128xi32>
    %slice3A = vector.extract_strided_slice %add3A {offsets = [0, 0], sizes = [128, 1], strides = [1, 1]} : vector<128x8xi32> to vector<128x1xi32>
    %slice3A_28 = vector.extract_strided_slice %get3A_11 {offsets = [0, 0], sizes = [1, 128], strides = [1, 1]} : vector<8x128xi32> to vector<1x128xi32>
    %eq3A = vector.broadcast %slice3A_28 : vector<1x128xi32> to vector<128x128xi32>
    %eq3A_29 = vector.broadcast %slice3A : vector<128x1xi32> to vector<128x128xi32>
    %eq3A_30 = arith.cmpi eq, %eq3A, %eq3A_29 : vector<128x128xi32>
    %and3A_31 = arith.andi %eq3A_30, %lt3A : vector<128x128xi1>
    %jit3A = arith.constant 1 : i32
    %jit3A_32 = arith.constant 0 : i32
    %broadcast_in_dim3A = vector.broadcast %jit3A : i32 to vector<128x128xi32>
    %broadcast_in_dim3A_33 = vector.broadcast %jit3A_32 : i32 to vector<128x128xi32>
    %select_n3A = arith.select %and3A_31, %broadcast_in_dim3A, %broadcast_in_dim3A_33 : vector<128x128xi1>, vector<128x128xi32>
    %slice3A_34 = vector.extract_strided_slice %get3A_4 {offsets = [0, 0], sizes = [1, 128], strides = [1, 1]} : vector<1x4096xi32> to vector<1x128xi32>
    %lt3A_35 = vector.broadcast %slice3A_34 : vector<1x128xi32> to vector<128x128xi32>
    %lt3A_36 = vector.broadcast %slice3A : vector<128x1xi32> to vector<128x128xi32>
    %lt3A_37 = arith.cmpi slt, %lt3A_35, %lt3A_36 : vector<128x128xi32>
    %jit3A_38 = arith.constant 1 : i32
    %jit3A_39 = arith.constant 0 : i32
    %broadcast_in_dim3A_40 = vector.broadcast %jit3A_38 : i32 to vector<128x128xi32>
    %broadcast_in_dim3A_41 = vector.broadcast %jit3A_39 : i32 to vector<128x128xi32>
    %select_n3A_42 = arith.select %lt3A_37, %broadcast_in_dim3A_40, %broadcast_in_dim3A_41 : vector<128x128xi1>, vector<128x128xi32>
    %add3A_43 = arith.addi %select_n3A, %select_n3A_42 : vector<128x128xi32>
    %slice3A_44 = vector.extract_strided_slice %get3A_4 {offsets = [0, 128], sizes = [1, 128], strides = [1, 1]} : vector<1x4096xi32> to vector<1x128xi32>
    %lt3A_45 = vector.broadcast %slice3A_44 : vector<1x128xi32> to vector<128x128xi32>
    %lt3A_46 = vector.broadcast %slice3A : vector<128x1xi32> to vector<128x128xi32>
    %lt3A_47 = arith.cmpi slt, %lt3A_45, %lt3A_46 : vector<128x128xi32>
    %jit3A_48 = arith.constant 1 : i32
    %jit3A_49 = arith.constant 0 : i32
    %broadcast_in_dim3A_50 = vector.broadcast %jit3A_48 : i32 to vector<128x128xi32>
    %broadcast_in_dim3A_51 = vector.broadcast %jit3A_49 : i32 to vector<128x128xi32>
    %select_n3A_52 = arith.select %lt3A_47, %broadcast_in_dim3A_50, %broadcast_in_dim3A_51 : vector<128x128xi1>, vector<128x128xi32>
    %add3A_53 = arith.addi %add3A_43, %select_n3A_52 : vector<128x128xi32>
    %slice3A_54 = vector.extract_strided_slice %get3A_4 {offsets = [0, 256], sizes = [1, 128], strides = [1, 1]} : vector<1x4096xi32> to vector<1x128xi32>
    %lt3A_55 = vector.broadcast %slice3A_54 : vector<1x128xi32> to vector<128x128xi32>
    %lt3A_56 = vector.broadcast %slice3A : vector<128x1xi32> to vector<128x128xi32>
    %lt3A_57 = arith.cmpi slt, %lt3A_55, %lt3A_56 : vector<128x128xi32>
    %jit3A_58 = arith.constant 1 : i32
    %jit3A_59 = arith.constant 0 : i32
    %broadcast_in_dim3A_60 = vector.broadcast %jit3A_58 : i32 to vector<128x128xi32>
    %broadcast_in_dim3A_61 = vector.broadcast %jit3A_59 : i32 to vector<128x128xi32>
    %select_n3A_62 = arith.select %lt3A_57, %broadcast_in_dim3A_60, %broadcast_in_dim3A_61 : vector<128x128xi1>, vector<128x128xi32>
    %add3A_63 = arith.addi %add3A_53, %select_n3A_62 : vector<128x128xi32>
    %slice3A_64 = vector.extract_strided_slice %get3A_4 {offsets = [0, 384], sizes = [1, 128], strides = [1, 1]} : vector<1x4096xi32> to vector<1x128xi32>
    %lt3A_65 = vector.broadcast %slice3A_64 : vector<1x128xi32> to vector<128x128xi32>
    %lt3A_66 = vector.broadcast %slice3A : vector<128x1xi32> to vector<128x128xi32>
    %lt3A_67 = arith.cmpi slt, %lt3A_65, %lt3A_66 : vector<128x128xi32>
    %jit3A_68 = arith.constant 1 : i32
    %jit3A_69 = arith.constant 0 : i32
    %broadcast_in_dim3A_70 = vector.broadcast %jit3A_68 : i32 to vector<128x128xi32>
    %broadcast_in_dim3A_71 = vector.broadcast %jit3A_69 : i32 to vector<128x128xi32>
    %select_n3A_72 = arith.select %lt3A_67, %broadcast_in_dim3A_70, %broadcast_in_dim3A_71 : vector<128x128xi1>, vector<128x128xi32>
    %add3A_73 = arith.addi %add3A_63, %select_n3A_72 : vector<128x128xi32>
    %slice3A_74 = vector.extract_strided_slice %get3A_4 {offsets = [0, 512], sizes = [1, 128], strides = [1, 1]} : vector<1x4096xi32> to vector<1x128xi32>
    %lt3A_75 = vector.broadcast %slice3A_74 : vector<1x128xi32> to vector<128x128xi32>
    %lt3A_76 = vector.broadcast %slice3A : vector<128x1xi32> to vector<128x128xi32>
    %lt3A_77 = arith.cmpi slt, %lt3A_75, %lt3A_76 : vector<128x128xi32>
    %jit3A_78 = arith.constant 1 : i32
    %jit3A_79 = arith.constant 0 : i32
    %broadcast_in_dim3A_80 = vector.broadcast %jit3A_78 : i32 to vector<128x128xi32>
    %broadcast_in_dim3A_81 = vector.broadcast %jit3A_79 : i32 to vector<128x128xi32>
    %select_n3A_82 = arith.select %lt3A_77, %broadcast_in_dim3A_80, %broadcast_in_dim3A_81 : vector<128x128xi1>, vector<128x128xi32>
    %add3A_83 = arith.addi %add3A_73, %select_n3A_82 : vector<128x128xi32>
    %slice3A_84 = vector.extract_strided_slice %get3A_4 {offsets = [0, 640], sizes = [1, 128], strides = [1, 1]} : vector<1x4096xi32> to vector<1x128xi32>
    %lt3A_85 = vector.broadcast %slice3A_84 : vector<1x128xi32> to vector<128x128xi32>
    %lt3A_86 = vector.broadcast %slice3A : vector<128x1xi32> to vector<128x128xi32>
    %lt3A_87 = arith.cmpi slt, %lt3A_85, %lt3A_86 : vector<128x128xi32>
    %jit3A_88 = arith.constant 1 : i32
    %jit3A_89 = arith.constant 0 : i32
    %broadcast_in_dim3A_90 = vector.broadcast %jit3A_88 : i32 to vector<128x128xi32>
    %broadcast_in_dim3A_91 = vector.broadcast %jit3A_89 : i32 to vector<128x128xi32>
    %select_n3A_92 = arith.select %lt3A_87, %broadcast_in_dim3A_90, %broadcast_in_dim3A_91 : vector<128x128xi1>, vector<128x128xi32>
    %add3A_93 = arith.addi %add3A_83, %select_n3A_92 : vector<128x128xi32>
    %slice3A_94 = vector.extract_strided_slice %get3A_4 {offsets = [0, 768], sizes = [1, 128], strides = [1, 1]} : vector<1x4096xi32> to vector<1x128xi32>
    %lt3A_95 = vector.broadcast %slice3A_94 : vector<1x128xi32> to vector<128x128xi32>
    %lt3A_96 = vector.broadcast %slice3A : vector<128x1xi32> to vector<128x128xi32>
    %lt3A_97 = arith.cmpi slt, %lt3A_95, %lt3A_96 : vector<128x128xi32>
    %jit3A_98 = arith.constant 1 : i32
    %jit3A_99 = arith.constant 0 : i32
    %broadcast_in_dim3A_100 = vector.broadcast %jit3A_98 : i32 to vector<128x128xi32>
    %broadcast_in_dim3A_101 = vector.broadcast %jit3A_99 : i32 to vector<128x128xi32>
    %select_n3A_102 = arith.select %lt3A_97, %broadcast_in_dim3A_100, %broadcast_in_dim3A_101 : vector<128x128xi1>, vector<128x128xi32>
    %add3A_103 = arith.addi %add3A_93, %select_n3A_102 : vector<128x128xi32>
    %slice3A_104 = vector.extract_strided_slice %get3A_4 {offsets = [0, 896], sizes = [1, 128], strides = [1, 1]} : vector<1x4096xi32> to vector<1x128xi32>
    %lt3A_105 = vector.broadcast %slice3A_104 : vector<1x128xi32> to vector<128x128xi32>
    %lt3A_106 = vector.broadcast %slice3A : vector<128x1xi32> to vector<128x128xi32>
    %lt3A_107 = arith.cmpi slt, %lt3A_105, %lt3A_106 : vector<128x128xi32>
    %jit3A_108 = arith.constant 1 : i32
    %jit3A_109 = arith.constant 0 : i32
    %broadcast_in_dim3A_110 = vector.broadcast %jit3A_108 : i32 to vector<128x128xi32>
    %broadcast_in_dim3A_111 = vector.broadcast %jit3A_109 : i32 to vector<128x128xi32>
    %select_n3A_112 = arith.select %lt3A_107, %broadcast_in_dim3A_110, %broadcast_in_dim3A_111 : vector<128x128xi1>, vector<128x128xi32>
    %add3A_113 = arith.addi %add3A_103, %select_n3A_112 : vector<128x128xi32>
    %slice3A_114 = vector.extract_strided_slice %get3A_4 {offsets = [0, 1024], sizes = [1, 128], strides = [1, 1]} : vector<1x4096xi32> to vector<1x128xi32>
    %lt3A_115 = vector.broadcast %slice3A_114 : vector<1x128xi32> to vector<128x128xi32>
    %lt3A_116 = vector.broadcast %slice3A : vector<128x1xi32> to vector<128x128xi32>
    %lt3A_117 = arith.cmpi slt, %lt3A_115, %lt3A_116 : vector<128x128xi32>
    %jit3A_118 = arith.constant 1 : i32
    %jit3A_119 = arith.constant 0 : i32
    %broadcast_in_dim3A_120 = vector.broadcast %jit3A_118 : i32 to vector<128x128xi32>
    %broadcast_in_dim3A_121 = vector.broadcast %jit3A_119 : i32 to vector<128x128xi32>
    %select_n3A_122 = arith.select %lt3A_117, %broadcast_in_dim3A_120, %broadcast_in_dim3A_121 : vector<128x128xi1>, vector<128x128xi32>
    %add3A_123 = arith.addi %add3A_113, %select_n3A_122 : vector<128x128xi32>
    %slice3A_124 = vector.extract_strided_slice %get3A_4 {offsets = [0, 1152], sizes = [1, 128], strides = [1, 1]} : vector<1x4096xi32> to vector<1x128xi32>
    %lt3A_125 = vector.broadcast %slice3A_124 : vector<1x128xi32> to vector<128x128xi32>
    %lt3A_126 = vector.broadcast %slice3A : vector<128x1xi32> to vector<128x128xi32>
    %lt3A_127 = arith.cmpi slt, %lt3A_125, %lt3A_126 : vector<128x128xi32>
    %jit3A_128 = arith.constant 1 : i32
    %jit3A_129 = arith.constant 0 : i32
    %broadcast_in_dim3A_130 = vector.broadcast %jit3A_128 : i32 to vector<128x128xi32>
    %broadcast_in_dim3A_131 = vector.broadcast %jit3A_129 : i32 to vector<128x128xi32>
    %select_n3A_132 = arith.select %lt3A_127, %broadcast_in_dim3A_130, %broadcast_in_dim3A_131 : vector<128x128xi1>, vector<128x128xi32>
    %add3A_133 = arith.addi %add3A_123, %select_n3A_132 : vector<128x128xi32>
    %slice3A_134 = vector.extract_strided_slice %get3A_4 {offsets = [0, 1280], sizes = [1, 128], strides = [1, 1]} : vector<1x4096xi32> to vector<1x128xi32>
    %lt3A_135 = vector.broadcast %slice3A_134 : vector<1x128xi32> to vector<128x128xi32>
    %lt3A_136 = vector.broadcast %slice3A : vector<128x1xi32> to vector<128x128xi32>
    %lt3A_137 = arith.cmpi slt, %lt3A_135, %lt3A_136 : vector<128x128xi32>
    %jit3A_138 = arith.constant 1 : i32
    %jit3A_139 = arith.constant 0 : i32
    %broadcast_in_dim3A_140 = vector.broadcast %jit3A_138 : i32 to vector<128x128xi32>
    %broadcast_in_dim3A_141 = vector.broadcast %jit3A_139 : i32 to vector<128x128xi32>
    %select_n3A_142 = arith.select %lt3A_137, %broadcast_in_dim3A_140, %broadcast_in_dim3A_141 : vector<128x128xi1>, vector<128x128xi32>
    %add3A_143 = arith.addi %add3A_133, %select_n3A_142 : vector<128x128xi32>
    %slice3A_144 = vector.extract_strided_slice %get3A_4 {offsets = [0, 1408], sizes = [1, 128], strides = [1, 1]} : vector<1x4096xi32> to vector<1x128xi32>
    %lt3A_145 = vector.broadcast %slice3A_144 : vector<1x128xi32> to vector<128x128xi32>
    %lt3A_146 = vector.broadcast %slice3A : vector<128x1xi32> to vector<128x128xi32>
    %lt3A_147 = arith.cmpi slt, %lt3A_145, %lt3A_146 : vector<128x128xi32>
    %jit3A_148 = arith.constant 1 : i32
    %jit3A_149 = arith.constant 0 : i32
    %broadcast_in_dim3A_150 = vector.broadcast %jit3A_148 : i32 to vector<128x128xi32>
    %broadcast_in_dim3A_151 = vector.broadcast %jit3A_149 : i32 to vector<128x128xi32>
    %select_n3A_152 = arith.select %lt3A_147, %broadcast_in_dim3A_150, %broadcast_in_dim3A_151 : vector<128x128xi1>, vector<128x128xi32>
    %add3A_153 = arith.addi %add3A_143, %select_n3A_152 : vector<128x128xi32>
    %slice3A_154 = vector.extract_strided_slice %get3A_4 {offsets = [0, 1536], sizes = [1, 128], strides = [1, 1]} : vector<1x4096xi32> to vector<1x128xi32>
    %lt3A_155 = vector.broadcast %slice3A_154 : vector<1x128xi32> to vector<128x128xi32>
    %lt3A_156 = vector.broadcast %slice3A : vector<128x1xi32> to vector<128x128xi32>
    %lt3A_157 = arith.cmpi slt, %lt3A_155, %lt3A_156 : vector<128x128xi32>
    %jit3A_158 = arith.constant 1 : i32
    %jit3A_159 = arith.constant 0 : i32
    %broadcast_in_dim3A_160 = vector.broadcast %jit3A_158 : i32 to vector<128x128xi32>
    %broadcast_in_dim3A_161 = vector.broadcast %jit3A_159 : i32 to vector<128x128xi32>
    %select_n3A_162 = arith.select %lt3A_157, %broadcast_in_dim3A_160, %broadcast_in_dim3A_161 : vector<128x128xi1>, vector<128x128xi32>
    %add3A_163 = arith.addi %add3A_153, %select_n3A_162 : vector<128x128xi32>
    %slice3A_164 = vector.extract_strided_slice %get3A_4 {offsets = [0, 1664], sizes = [1, 128], strides = [1, 1]} : vector<1x4096xi32> to vector<1x128xi32>
    %lt3A_165 = vector.broadcast %slice3A_164 : vector<1x128xi32> to vector<128x128xi32>
    %lt3A_166 = vector.broadcast %slice3A : vector<128x1xi32> to vector<128x128xi32>
    %lt3A_167 = arith.cmpi slt, %lt3A_165, %lt3A_166 : vector<128x128xi32>
    %jit3A_168 = arith.constant 1 : i32
    %jit3A_169 = arith.constant 0 : i32
    %broadcast_in_dim3A_170 = vector.broadcast %jit3A_168 : i32 to vector<128x128xi32>
    %broadcast_in_dim3A_171 = vector.broadcast %jit3A_169 : i32 to vector<128x128xi32>
    %select_n3A_172 = arith.select %lt3A_167, %broadcast_in_dim3A_170, %broadcast_in_dim3A_171 : vector<128x128xi1>, vector<128x128xi32>
    %add3A_173 = arith.addi %add3A_163, %select_n3A_172 : vector<128x128xi32>
    %slice3A_174 = vector.extract_strided_slice %get3A_4 {offsets = [0, 1792], sizes = [1, 128], strides = [1, 1]} : vector<1x4096xi32> to vector<1x128xi32>
    %lt3A_175 = vector.broadcast %slice3A_174 : vector<1x128xi32> to vector<128x128xi32>
    %lt3A_176 = vector.broadcast %slice3A : vector<128x1xi32> to vector<128x128xi32>
    %lt3A_177 = arith.cmpi slt, %lt3A_175, %lt3A_176 : vector<128x128xi32>
    %jit3A_178 = arith.constant 1 : i32
    %jit3A_179 = arith.constant 0 : i32
    %broadcast_in_dim3A_180 = vector.broadcast %jit3A_178 : i32 to vector<128x128xi32>
    %broadcast_in_dim3A_181 = vector.broadcast %jit3A_179 : i32 to vector<128x128xi32>
    %select_n3A_182 = arith.select %lt3A_177, %broadcast_in_dim3A_180, %broadcast_in_dim3A_181 : vector<128x128xi1>, vector<128x128xi32>
    %add3A_183 = arith.addi %add3A_173, %select_n3A_182 : vector<128x128xi32>
    %slice3A_184 = vector.extract_strided_slice %get3A_4 {offsets = [0, 1920], sizes = [1, 128], strides = [1, 1]} : vector<1x4096xi32> to vector<1x128xi32>
    %lt3A_185 = vector.broadcast %slice3A_184 : vector<1x128xi32> to vector<128x128xi32>
    %lt3A_186 = vector.broadcast %slice3A : vector<128x1xi32> to vector<128x128xi32>
    %lt3A_187 = arith.cmpi slt, %lt3A_185, %lt3A_186 : vector<128x128xi32>
    %jit3A_188 = arith.constant 1 : i32
    %jit3A_189 = arith.constant 0 : i32
    %broadcast_in_dim3A_190 = vector.broadcast %jit3A_188 : i32 to vector<128x128xi32>
    %broadcast_in_dim3A_191 = vector.broadcast %jit3A_189 : i32 to vector<128x128xi32>
    %select_n3A_192 = arith.select %lt3A_187, %broadcast_in_dim3A_190, %broadcast_in_dim3A_191 : vector<128x128xi1>, vector<128x128xi32>
    %add3A_193 = arith.addi %add3A_183, %select_n3A_192 : vector<128x128xi32>
    %slice3A_194 = vector.extract_strided_slice %get3A_4 {offsets = [0, 2048], sizes = [1, 128], strides = [1, 1]} : vector<1x4096xi32> to vector<1x128xi32>
    %lt3A_195 = vector.broadcast %slice3A_194 : vector<1x128xi32> to vector<128x128xi32>
    %lt3A_196 = vector.broadcast %slice3A : vector<128x1xi32> to vector<128x128xi32>
    %lt3A_197 = arith.cmpi slt, %lt3A_195, %lt3A_196 : vector<128x128xi32>
    %jit3A_198 = arith.constant 1 : i32
    %jit3A_199 = arith.constant 0 : i32
    %broadcast_in_dim3A_200 = vector.broadcast %jit3A_198 : i32 to vector<128x128xi32>
    %broadcast_in_dim3A_201 = vector.broadcast %jit3A_199 : i32 to vector<128x128xi32>
    %select_n3A_202 = arith.select %lt3A_197, %broadcast_in_dim3A_200, %broadcast_in_dim3A_201 : vector<128x128xi1>, vector<128x128xi32>
    %add3A_203 = arith.addi %add3A_193, %select_n3A_202 : vector<128x128xi32>
    %slice3A_204 = vector.extract_strided_slice %get3A_4 {offsets = [0, 2176], sizes = [1, 128], strides = [1, 1]} : vector<1x4096xi32> to vector<1x128xi32>
    %lt3A_205 = vector.broadcast %slice3A_204 : vector<1x128xi32> to vector<128x128xi32>
    %lt3A_206 = vector.broadcast %slice3A : vector<128x1xi32> to vector<128x128xi32>
    %lt3A_207 = arith.cmpi slt, %lt3A_205, %lt3A_206 : vector<128x128xi32>
    %jit3A_208 = arith.constant 1 : i32
    %jit3A_209 = arith.constant 0 : i32
    %broadcast_in_dim3A_210 = vector.broadcast %jit3A_208 : i32 to vector<128x128xi32>
    %broadcast_in_dim3A_211 = vector.broadcast %jit3A_209 : i32 to vector<128x128xi32>
    %select_n3A_212 = arith.select %lt3A_207, %broadcast_in_dim3A_210, %broadcast_in_dim3A_211 : vector<128x128xi1>, vector<128x128xi32>
    %add3A_213 = arith.addi %add3A_203, %select_n3A_212 : vector<128x128xi32>
    %slice3A_214 = vector.extract_strided_slice %get3A_4 {offsets = [0, 2304], sizes = [1, 128], strides = [1, 1]} : vector<1x4096xi32> to vector<1x128xi32>
    %lt3A_215 = vector.broadcast %slice3A_214 : vector<1x128xi32> to vector<128x128xi32>
    %lt3A_216 = vector.broadcast %slice3A : vector<128x1xi32> to vector<128x128xi32>
    %lt3A_217 = arith.cmpi slt, %lt3A_215, %lt3A_216 : vector<128x128xi32>
    %jit3A_218 = arith.constant 1 : i32
    %jit3A_219 = arith.constant 0 : i32
    %broadcast_in_dim3A_220 = vector.broadcast %jit3A_218 : i32 to vector<128x128xi32>
    %broadcast_in_dim3A_221 = vector.broadcast %jit3A_219 : i32 to vector<128x128xi32>
    %select_n3A_222 = arith.select %lt3A_217, %broadcast_in_dim3A_220, %broadcast_in_dim3A_221 : vector<128x128xi1>, vector<128x128xi32>
    %add3A_223 = arith.addi %add3A_213, %select_n3A_222 : vector<128x128xi32>
    %slice3A_224 = vector.extract_strided_slice %get3A_4 {offsets = [0, 2432], sizes = [1, 128], strides = [1, 1]} : vector<1x4096xi32> to vector<1x128xi32>
    %lt3A_225 = vector.broadcast %slice3A_224 : vector<1x128xi32> to vector<128x128xi32>
    %lt3A_226 = vector.broadcast %slice3A : vector<128x1xi32> to vector<128x128xi32>
    %lt3A_227 = arith.cmpi slt, %lt3A_225, %lt3A_226 : vector<128x128xi32>
    %jit3A_228 = arith.constant 1 : i32
    %jit3A_229 = arith.constant 0 : i32
    %broadcast_in_dim3A_230 = vector.broadcast %jit3A_228 : i32 to vector<128x128xi32>
    %broadcast_in_dim3A_231 = vector.broadcast %jit3A_229 : i32 to vector<128x128xi32>
    %select_n3A_232 = arith.select %lt3A_227, %broadcast_in_dim3A_230, %broadcast_in_dim3A_231 : vector<128x128xi1>, vector<128x128xi32>
    %add3A_233 = arith.addi %add3A_223, %select_n3A_232 : vector<128x128xi32>
    %slice3A_234 = vector.extract_strided_slice %get3A_4 {offsets = [0, 2560], sizes = [1, 128], strides = [1, 1]} : vector<1x4096xi32> to vector<1x128xi32>
    %lt3A_235 = vector.broadcast %slice3A_234 : vector<1x128xi32> to vector<128x128xi32>
    %lt3A_236 = vector.broadcast %slice3A : vector<128x1xi32> to vector<128x128xi32>
    %lt3A_237 = arith.cmpi slt, %lt3A_235, %lt3A_236 : vector<128x128xi32>
    %jit3A_238 = arith.constant 1 : i32
    %jit3A_239 = arith.constant 0 : i32
    %broadcast_in_dim3A_240 = vector.broadcast %jit3A_238 : i32 to vector<128x128xi32>
    %broadcast_in_dim3A_241 = vector.broadcast %jit3A_239 : i32 to vector<128x128xi32>
    %select_n3A_242 = arith.select %lt3A_237, %broadcast_in_dim3A_240, %broadcast_in_dim3A_241 : vector<128x128xi1>, vector<128x128xi32>
    %add3A_243 = arith.addi %add3A_233, %select_n3A_242 : vector<128x128xi32>
    %slice3A_244 = vector.extract_strided_slice %get3A_4 {offsets = [0, 2688], sizes = [1, 128], strides = [1, 1]} : vector<1x4096xi32> to vector<1x128xi32>
    %lt3A_245 = vector.broadcast %slice3A_244 : vector<1x128xi32> to vector<128x128xi32>
    %lt3A_246 = vector.broadcast %slice3A : vector<128x1xi32> to vector<128x128xi32>
    %lt3A_247 = arith.cmpi slt, %lt3A_245, %lt3A_246 : vector<128x128xi32>
    %jit3A_248 = arith.constant 1 : i32
    %jit3A_249 = arith.constant 0 : i32
    %broadcast_in_dim3A_250 = vector.broadcast %jit3A_248 : i32 to vector<128x128xi32>
    %broadcast_in_dim3A_251 = vector.broadcast %jit3A_249 : i32 to vector<128x128xi32>
    %select_n3A_252 = arith.select %lt3A_247, %broadcast_in_dim3A_250, %broadcast_in_dim3A_251 : vector<128x128xi1>, vector<128x128xi32>
    %add3A_253 = arith.addi %add3A_243, %select_n3A_252 : vector<128x128xi32>
    %slice3A_254 = vector.extract_strided_slice %get3A_4 {offsets = [0, 2816], sizes = [1, 128], strides = [1, 1]} : vector<1x4096xi32> to vector<1x128xi32>
    %lt3A_255 = vector.broadcast %slice3A_254 : vector<1x128xi32> to vector<128x128xi32>
    %lt3A_256 = vector.broadcast %slice3A : vector<128x1xi32> to vector<128x128xi32>
    %lt3A_257 = arith.cmpi slt, %lt3A_255, %lt3A_256 : vector<128x128xi32>
    %jit3A_258 = arith.constant 1 : i32
    %jit3A_259 = arith.constant 0 : i32
    %broadcast_in_dim3A_260 = vector.broadcast %jit3A_258 : i32 to vector<128x128xi32>
    %broadcast_in_dim3A_261 = vector.broadcast %jit3A_259 : i32 to vector<128x128xi32>
    %select_n3A_262 = arith.select %lt3A_257, %broadcast_in_dim3A_260, %broadcast_in_dim3A_261 : vector<128x128xi1>, vector<128x128xi32>
    %add3A_263 = arith.addi %add3A_253, %select_n3A_262 : vector<128x128xi32>
    %slice3A_264 = vector.extract_strided_slice %get3A_4 {offsets = [0, 2944], sizes = [1, 128], strides = [1, 1]} : vector<1x4096xi32> to vector<1x128xi32>
    %lt3A_265 = vector.broadcast %slice3A_264 : vector<1x128xi32> to vector<128x128xi32>
    %lt3A_266 = vector.broadcast %slice3A : vector<128x1xi32> to vector<128x128xi32>
    %lt3A_267 = arith.cmpi slt, %lt3A_265, %lt3A_266 : vector<128x128xi32>
    %jit3A_268 = arith.constant 1 : i32
    %jit3A_269 = arith.constant 0 : i32
    %broadcast_in_dim3A_270 = vector.broadcast %jit3A_268 : i32 to vector<128x128xi32>
    %broadcast_in_dim3A_271 = vector.broadcast %jit3A_269 : i32 to vector<128x128xi32>
    %select_n3A_272 = arith.select %lt3A_267, %broadcast_in_dim3A_270, %broadcast_in_dim3A_271 : vector<128x128xi1>, vector<128x128xi32>
    %add3A_273 = arith.addi %add3A_263, %select_n3A_272 : vector<128x128xi32>
    %slice3A_274 = vector.extract_strided_slice %get3A_4 {offsets = [0, 3072], sizes = [1, 128], strides = [1, 1]} : vector<1x4096xi32> to vector<1x128xi32>
    %lt3A_275 = vector.broadcast %slice3A_274 : vector<1x128xi32> to vector<128x128xi32>
    %lt3A_276 = vector.broadcast %slice3A : vector<128x1xi32> to vector<128x128xi32>
    %lt3A_277 = arith.cmpi slt, %lt3A_275, %lt3A_276 : vector<128x128xi32>
    %jit3A_278 = arith.constant 1 : i32
    %jit3A_279 = arith.constant 0 : i32
    %broadcast_in_dim3A_280 = vector.broadcast %jit3A_278 : i32 to vector<128x128xi32>
    %broadcast_in_dim3A_281 = vector.broadcast %jit3A_279 : i32 to vector<128x128xi32>
    %select_n3A_282 = arith.select %lt3A_277, %broadcast_in_dim3A_280, %broadcast_in_dim3A_281 : vector<128x128xi1>, vector<128x128xi32>
    %add3A_283 = arith.addi %add3A_273, %select_n3A_282 : vector<128x128xi32>
    %slice3A_284 = vector.extract_strided_slice %get3A_4 {offsets = [0, 3200], sizes = [1, 128], strides = [1, 1]} : vector<1x4096xi32> to vector<1x128xi32>
    %lt3A_285 = vector.broadcast %slice3A_284 : vector<1x128xi32> to vector<128x128xi32>
    %lt3A_286 = vector.broadcast %slice3A : vector<128x1xi32> to vector<128x128xi32>
    %lt3A_287 = arith.cmpi slt, %lt3A_285, %lt3A_286 : vector<128x128xi32>
    %jit3A_288 = arith.constant 1 : i32
    %jit3A_289 = arith.constant 0 : i32
    %broadcast_in_dim3A_290 = vector.broadcast %jit3A_288 : i32 to vector<128x128xi32>
    %broadcast_in_dim3A_291 = vector.broadcast %jit3A_289 : i32 to vector<128x128xi32>
    %select_n3A_292 = arith.select %lt3A_287, %broadcast_in_dim3A_290, %broadcast_in_dim3A_291 : vector<128x128xi1>, vector<128x128xi32>
    %add3A_293 = arith.addi %add3A_283, %select_n3A_292 : vector<128x128xi32>
    %slice3A_294 = vector.extract_strided_slice %get3A_4 {offsets = [0, 3328], sizes = [1, 128], strides = [1, 1]} : vector<1x4096xi32> to vector<1x128xi32>
    %lt3A_295 = vector.broadcast %slice3A_294 : vector<1x128xi32> to vector<128x128xi32>
    %lt3A_296 = vector.broadcast %slice3A : vector<128x1xi32> to vector<128x128xi32>
    %lt3A_297 = arith.cmpi slt, %lt3A_295, %lt3A_296 : vector<128x128xi32>
    %jit3A_298 = arith.constant 1 : i32
    %jit3A_299 = arith.constant 0 : i32
    %broadcast_in_dim3A_300 = vector.broadcast %jit3A_298 : i32 to vector<128x128xi32>
    %broadcast_in_dim3A_301 = vector.broadcast %jit3A_299 : i32 to vector<128x128xi32>
    %select_n3A_302 = arith.select %lt3A_297, %broadcast_in_dim3A_300, %broadcast_in_dim3A_301 : vector<128x128xi1>, vector<128x128xi32>
    %add3A_303 = arith.addi %add3A_293, %select_n3A_302 : vector<128x128xi32>
    %slice3A_304 = vector.extract_strided_slice %get3A_4 {offsets = [0, 3456], sizes = [1, 128], strides = [1, 1]} : vector<1x4096xi32> to vector<1x128xi32>
    %lt3A_305 = vector.broadcast %slice3A_304 : vector<1x128xi32> to vector<128x128xi32>
    %lt3A_306 = vector.broadcast %slice3A : vector<128x1xi32> to vector<128x128xi32>
    %lt3A_307 = arith.cmpi slt, %lt3A_305, %lt3A_306 : vector<128x128xi32>
    %jit3A_308 = arith.constant 1 : i32
    %jit3A_309 = arith.constant 0 : i32
    %broadcast_in_dim3A_310 = vector.broadcast %jit3A_308 : i32 to vector<128x128xi32>
    %broadcast_in_dim3A_311 = vector.broadcast %jit3A_309 : i32 to vector<128x128xi32>
    %select_n3A_312 = arith.select %lt3A_307, %broadcast_in_dim3A_310, %broadcast_in_dim3A_311 : vector<128x128xi1>, vector<128x128xi32>
    %add3A_313 = arith.addi %add3A_303, %select_n3A_312 : vector<128x128xi32>
    %slice3A_314 = vector.extract_strided_slice %get3A_4 {offsets = [0, 3584], sizes = [1, 128], strides = [1, 1]} : vector<1x4096xi32> to vector<1x128xi32>
    %lt3A_315 = vector.broadcast %slice3A_314 : vector<1x128xi32> to vector<128x128xi32>
    %lt3A_316 = vector.broadcast %slice3A : vector<128x1xi32> to vector<128x128xi32>
    %lt3A_317 = arith.cmpi slt, %lt3A_315, %lt3A_316 : vector<128x128xi32>
    %jit3A_318 = arith.constant 1 : i32
    %jit3A_319 = arith.constant 0 : i32
    %broadcast_in_dim3A_320 = vector.broadcast %jit3A_318 : i32 to vector<128x128xi32>
    %broadcast_in_dim3A_321 = vector.broadcast %jit3A_319 : i32 to vector<128x128xi32>
    %select_n3A_322 = arith.select %lt3A_317, %broadcast_in_dim3A_320, %broadcast_in_dim3A_321 : vector<128x128xi1>, vector<128x128xi32>
    %add3A_323 = arith.addi %add3A_313, %select_n3A_322 : vector<128x128xi32>
    %slice3A_324 = vector.extract_strided_slice %get3A_4 {offsets = [0, 3712], sizes = [1, 128], strides = [1, 1]} : vector<1x4096xi32> to vector<1x128xi32>
    %lt3A_325 = vector.broadcast %slice3A_324 : vector<1x128xi32> to vector<128x128xi32>
    %lt3A_326 = vector.broadcast %slice3A : vector<128x1xi32> to vector<128x128xi32>
    %lt3A_327 = arith.cmpi slt, %lt3A_325, %lt3A_326 : vector<128x128xi32>
    %jit3A_328 = arith.constant 1 : i32
    %jit3A_329 = arith.constant 0 : i32
    %broadcast_in_dim3A_330 = vector.broadcast %jit3A_328 : i32 to vector<128x128xi32>
    %broadcast_in_dim3A_331 = vector.broadcast %jit3A_329 : i32 to vector<128x128xi32>
    %select_n3A_332 = arith.select %lt3A_327, %broadcast_in_dim3A_330, %broadcast_in_dim3A_331 : vector<128x128xi1>, vector<128x128xi32>
    %add3A_333 = arith.addi %add3A_323, %select_n3A_332 : vector<128x128xi32>
    %slice3A_334 = vector.extract_strided_slice %get3A_4 {offsets = [0, 3840], sizes = [1, 128], strides = [1, 1]} : vector<1x4096xi32> to vector<1x128xi32>
    %lt3A_335 = vector.broadcast %slice3A_334 : vector<1x128xi32> to vector<128x128xi32>
    %lt3A_336 = vector.broadcast %slice3A : vector<128x1xi32> to vector<128x128xi32>
    %lt3A_337 = arith.cmpi slt, %lt3A_335, %lt3A_336 : vector<128x128xi32>
    %jit3A_338 = arith.constant 1 : i32
    %jit3A_339 = arith.constant 0 : i32
    %broadcast_in_dim3A_340 = vector.broadcast %jit3A_338 : i32 to vector<128x128xi32>
    %broadcast_in_dim3A_341 = vector.broadcast %jit3A_339 : i32 to vector<128x128xi32>
    %select_n3A_342 = arith.select %lt3A_337, %broadcast_in_dim3A_340, %broadcast_in_dim3A_341 : vector<128x128xi1>, vector<128x128xi32>
    %add3A_343 = arith.addi %add3A_333, %select_n3A_342 : vector<128x128xi32>
    %slice3A_344 = vector.extract_strided_slice %get3A_4 {offsets = [0, 3968], sizes = [1, 128], strides = [1, 1]} : vector<1x4096xi32> to vector<1x128xi32>
    %lt3A_345 = vector.broadcast %slice3A_344 : vector<1x128xi32> to vector<128x128xi32>
    %lt3A_346 = vector.broadcast %slice3A : vector<128x1xi32> to vector<128x128xi32>
    %lt3A_347 = arith.cmpi slt, %lt3A_345, %lt3A_346 : vector<128x128xi32>
    %jit3A_348 = arith.constant 1 : i32
    %jit3A_349 = arith.constant 0 : i32
    %broadcast_in_dim3A_350 = vector.broadcast %jit3A_348 : i32 to vector<128x128xi32>
    %broadcast_in_dim3A_351 = vector.broadcast %jit3A_349 : i32 to vector<128x128xi32>
    %select_n3A_352 = arith.select %lt3A_347, %broadcast_in_dim3A_350, %broadcast_in_dim3A_351 : vector<128x128xi1>, vector<128x128xi32>
    %add3A_353 = arith.addi %add3A_343, %select_n3A_352 : vector<128x128xi32>
    %reduce_sum3A = arith.constant dense<0> : vector<128xi32>
    %reduce_sum3A_354 = vector.multi_reduction <add>, %add3A_353, %reduce_sum3A [1] : vector<128x128xi32> to vector<128xi32>
    %broadcast_in_dim3A_355 = vector.shape_cast %reduce_sum3A_354 : vector<128xi32> to vector<128x1xi32>
    %slice3A_356 = vector.extract_strided_slice %add3A {offsets = [0, 1], sizes = [128, 1], strides = [1, 1]} : vector<128x8xi32> to vector<128x1xi32>
    %slice3A_357 = vector.extract_strided_slice %get3A_11 {offsets = [1, 0], sizes = [1, 128], strides = [1, 1]} : vector<8x128xi32> to vector<1x128xi32>
    %eq3A_358 = vector.broadcast %slice3A_357 : vector<1x128xi32> to vector<128x128xi32>
    %eq3A_359 = vector.broadcast %slice3A_356 : vector<128x1xi32> to vector<128x128xi32>
    %eq3A_360 = arith.cmpi eq, %eq3A_358, %eq3A_359 : vector<128x128xi32>
    %and3A_361 = arith.andi %eq3A_360, %lt3A : vector<128x128xi1>
    %jit3A_362 = arith.constant 1 : i32
    %jit3A_363 = arith.constant 0 : i32
    %broadcast_in_dim3A_364 = vector.broadcast %jit3A_362 : i32 to vector<128x128xi32>
    %broadcast_in_dim3A_365 = vector.broadcast %jit3A_363 : i32 to vector<128x128xi32>
    %select_n3A_366 = arith.select %and3A_361, %broadcast_in_dim3A_364, %broadcast_in_dim3A_365 : vector<128x128xi1>, vector<128x128xi32>
    %slice3A_367 = vector.extract_strided_slice %get3A_4 {offsets = [0, 0], sizes = [1, 128], strides = [1, 1]} : vector<1x4096xi32> to vector<1x128xi32>
    %lt3A_368 = vector.broadcast %slice3A_367 : vector<1x128xi32> to vector<128x128xi32>
    %lt3A_369 = vector.broadcast %slice3A_356 : vector<128x1xi32> to vector<128x128xi32>
    %lt3A_370 = arith.cmpi slt, %lt3A_368, %lt3A_369 : vector<128x128xi32>
    %jit3A_371 = arith.constant 1 : i32
    %jit3A_372 = arith.constant 0 : i32
    %broadcast_in_dim3A_373 = vector.broadcast %jit3A_371 : i32 to vector<128x128xi32>
    %broadcast_in_dim3A_374 = vector.broadcast %jit3A_372 : i32 to vector<128x128xi32>
    %select_n3A_375 = arith.select %lt3A_370, %broadcast_in_dim3A_373, %broadcast_in_dim3A_374 : vector<128x128xi1>, vector<128x128xi32>
    %add3A_376 = arith.addi %select_n3A_366, %select_n3A_375 : vector<128x128xi32>
    %slice3A_377 = vector.extract_strided_slice %get3A_4 {offsets = [0, 128], sizes = [1, 128], strides = [1, 1]} : vector<1x4096xi32> to vector<1x128xi32>
    %lt3A_378 = vector.broadcast %slice3A_377 : vector<1x128xi32> to vector<128x128xi32>
    %lt3A_379 = vector.broadcast %slice3A_356 : vector<128x1xi32> to vector<128x128xi32>
    %lt3A_380 = arith.cmpi slt, %lt3A_378, %lt3A_379 : vector<128x128xi32>
    %jit3A_381 = arith.constant 1 : i32
    %jit3A_382 = arith.constant 0 : i32
    %broadcast_in_dim3A_383 = vector.broadcast %jit3A_381 : i32 to vector<128x128xi32>
    %broadcast_in_dim3A_384 = vector.broadcast %jit3A_382 : i32 to vector<128x128xi32>
    %select_n3A_385 = arith.select %lt3A_380, %broadcast_in_dim3A_383, %broadcast_in_dim3A_384 : vector<128x128xi1>, vector<128x128xi32>
    %add3A_386 = arith.addi %add3A_376, %select_n3A_385 : vector<128x128xi32>
    %slice3A_387 = vector.extract_strided_slice %get3A_4 {offsets = [0, 256], sizes = [1, 128], strides = [1, 1]} : vector<1x4096xi32> to vector<1x128xi32>
    %lt3A_388 = vector.broadcast %slice3A_387 : vector<1x128xi32> to vector<128x128xi32>
    %lt3A_389 = vector.broadcast %slice3A_356 : vector<128x1xi32> to vector<128x128xi32>
    %lt3A_390 = arith.cmpi slt, %lt3A_388, %lt3A_389 : vector<128x128xi32>
    %jit3A_391 = arith.constant 1 : i32
    %jit3A_392 = arith.constant 0 : i32
    %broadcast_in_dim3A_393 = vector.broadcast %jit3A_391 : i32 to vector<128x128xi32>
    %broadcast_in_dim3A_394 = vector.broadcast %jit3A_392 : i32 to vector<128x128xi32>
    %select_n3A_395 = arith.select %lt3A_390, %broadcast_in_dim3A_393, %broadcast_in_dim3A_394 : vector<128x128xi1>, vector<128x128xi32>
    %add3A_396 = arith.addi %add3A_386, %select_n3A_395 : vector<128x128xi32>
    %slice3A_397 = vector.extract_strided_slice %get3A_4 {offsets = [0, 384], sizes = [1, 128], strides = [1, 1]} : vector<1x4096xi32> to vector<1x128xi32>
    %lt3A_398 = vector.broadcast %slice3A_397 : vector<1x128xi32> to vector<128x128xi32>
    %lt3A_399 = vector.broadcast %slice3A_356 : vector<128x1xi32> to vector<128x128xi32>
    %lt3A_400 = arith.cmpi slt, %lt3A_398, %lt3A_399 : vector<128x128xi32>
    %jit3A_401 = arith.constant 1 : i32
    %jit3A_402 = arith.constant 0 : i32
    %broadcast_in_dim3A_403 = vector.broadcast %jit3A_401 : i32 to vector<128x128xi32>
    %broadcast_in_dim3A_404 = vector.broadcast %jit3A_402 : i32 to vector<128x128xi32>
    %select_n3A_405 = arith.select %lt3A_400, %broadcast_in_dim3A_403, %broadcast_in_dim3A_404 : vector<128x128xi1>, vector<128x128xi32>
    %add3A_406 = arith.addi %add3A_396, %select_n3A_405 : vector<128x128xi32>
    %slice3A_407 = vector.extract_strided_slice %get3A_4 {offsets = [0, 512], sizes = [1, 128], strides = [1, 1]} : vector<1x4096xi32> to vector<1x128xi32>
    %lt3A_408 = vector.broadcast %slice3A_407 : vector<1x128xi32> to vector<128x128xi32>
    %lt3A_409 = vector.broadcast %slice3A_356 : vector<128x1xi32> to vector<128x128xi32>
    %lt3A_410 = arith.cmpi slt, %lt3A_408, %lt3A_409 : vector<128x128xi32>
    %jit3A_411 = arith.constant 1 : i32
    %jit3A_412 = arith.constant 0 : i32
    %broadcast_in_dim3A_413 = vector.broadcast %jit3A_411 : i32 to vector<128x128xi32>
    %broadcast_in_dim3A_414 = vector.broadcast %jit3A_412 : i32 to vector<128x128xi32>
    %select_n3A_415 = arith.select %lt3A_410, %broadcast_in_dim3A_413, %broadcast_in_dim3A_414 : vector<128x128xi1>, vector<128x128xi32>
    %add3A_416 = arith.addi %add3A_406, %select_n3A_415 : vector<128x128xi32>
    %slice3A_417 = vector.extract_strided_slice %get3A_4 {offsets = [0, 640], sizes = [1, 128], strides = [1, 1]} : vector<1x4096xi32> to vector<1x128xi32>
    %lt3A_418 = vector.broadcast %slice3A_417 : vector<1x128xi32> to vector<128x128xi32>
    %lt3A_419 = vector.broadcast %slice3A_356 : vector<128x1xi32> to vector<128x128xi32>
    %lt3A_420 = arith.cmpi slt, %lt3A_418, %lt3A_419 : vector<128x128xi32>
    %jit3A_421 = arith.constant 1 : i32
    %jit3A_422 = arith.constant 0 : i32
    %broadcast_in_dim3A_423 = vector.broadcast %jit3A_421 : i32 to vector<128x128xi32>
    %broadcast_in_dim3A_424 = vector.broadcast %jit3A_422 : i32 to vector<128x128xi32>
    %select_n3A_425 = arith.select %lt3A_420, %broadcast_in_dim3A_423, %broadcast_in_dim3A_424 : vector<128x128xi1>, vector<128x128xi32>
    %add3A_426 = arith.addi %add3A_416, %select_n3A_425 : vector<128x128xi32>
    %slice3A_427 = vector.extract_strided_slice %get3A_4 {offsets = [0, 768], sizes = [1, 128], strides = [1, 1]} : vector<1x4096xi32> to vector<1x128xi32>
    %lt3A_428 = vector.broadcast %slice3A_427 : vector<1x128xi32> to vector<128x128xi32>
    %lt3A_429 = vector.broadcast %slice3A_356 : vector<128x1xi32> to vector<128x128xi32>
    %lt3A_430 = arith.cmpi slt, %lt3A_428, %lt3A_429 : vector<128x128xi32>
    %jit3A_431 = arith.constant 1 : i32
    %jit3A_432 = arith.constant 0 : i32
    %broadcast_in_dim3A_433 = vector.broadcast %jit3A_431 : i32 to vector<128x128xi32>
    %broadcast_in_dim3A_434 = vector.broadcast %jit3A_432 : i32 to vector<128x128xi32>
    %select_n3A_435 = arith.select %lt3A_430, %broadcast_in_dim3A_433, %broadcast_in_dim3A_434 : vector<128x128xi1>, vector<128x128xi32>
    %add3A_436 = arith.addi %add3A_426, %select_n3A_435 : vector<128x128xi32>
    %slice3A_437 = vector.extract_strided_slice %get3A_4 {offsets = [0, 896], sizes = [1, 128], strides = [1, 1]} : vector<1x4096xi32> to vector<1x128xi32>
    %lt3A_438 = vector.broadcast %slice3A_437 : vector<1x128xi32> to vector<128x128xi32>
    %lt3A_439 = vector.broadcast %slice3A_356 : vector<128x1xi32> to vector<128x128xi32>
    %lt3A_440 = arith.cmpi slt, %lt3A_438, %lt3A_439 : vector<128x128xi32>
    %jit3A_441 = arith.constant 1 : i32
    %jit3A_442 = arith.constant 0 : i32
    %broadcast_in_dim3A_443 = vector.broadcast %jit3A_441 : i32 to vector<128x128xi32>
    %broadcast_in_dim3A_444 = vector.broadcast %jit3A_442 : i32 to vector<128x128xi32>
    %select_n3A_445 = arith.select %lt3A_440, %broadcast_in_dim3A_443, %broadcast_in_dim3A_444 : vector<128x128xi1>, vector<128x128xi32>
    %add3A_446 = arith.addi %add3A_436, %select_n3A_445 : vector<128x128xi32>
    %slice3A_447 = vector.extract_strided_slice %get3A_4 {offsets = [0, 1024], sizes = [1, 128], strides = [1, 1]} : vector<1x4096xi32> to vector<1x128xi32>
    %lt3A_448 = vector.broadcast %slice3A_447 : vector<1x128xi32> to vector<128x128xi32>
    %lt3A_449 = vector.broadcast %slice3A_356 : vector<128x1xi32> to vector<128x128xi32>
    %lt3A_450 = arith.cmpi slt, %lt3A_448, %lt3A_449 : vector<128x128xi32>
    %jit3A_451 = arith.constant 1 : i32
    %jit3A_452 = arith.constant 0 : i32
    %broadcast_in_dim3A_453 = vector.broadcast %jit3A_451 : i32 to vector<128x128xi32>
    %broadcast_in_dim3A_454 = vector.broadcast %jit3A_452 : i32 to vector<128x128xi32>
    %select_n3A_455 = arith.select %lt3A_450, %broadcast_in_dim3A_453, %broadcast_in_dim3A_454 : vector<128x128xi1>, vector<128x128xi32>
    %add3A_456 = arith.addi %add3A_446, %select_n3A_455 : vector<128x128xi32>
    %slice3A_457 = vector.extract_strided_slice %get3A_4 {offsets = [0, 1152], sizes = [1, 128], strides = [1, 1]} : vector<1x4096xi32> to vector<1x128xi32>
    %lt3A_458 = vector.broadcast %slice3A_457 : vector<1x128xi32> to vector<128x128xi32>
    %lt3A_459 = vector.broadcast %slice3A_356 : vector<128x1xi32> to vector<128x128xi32>
    %lt3A_460 = arith.cmpi slt, %lt3A_458, %lt3A_459 : vector<128x128xi32>
    %jit3A_461 = arith.constant 1 : i32
    %jit3A_462 = arith.constant 0 : i32
    %broadcast_in_dim3A_463 = vector.broadcast %jit3A_461 : i32 to vector<128x128xi32>
    %broadcast_in_dim3A_464 = vector.broadcast %jit3A_462 : i32 to vector<128x128xi32>
    %select_n3A_465 = arith.select %lt3A_460, %broadcast_in_dim3A_463, %broadcast_in_dim3A_464 : vector<128x128xi1>, vector<128x128xi32>
    %add3A_466 = arith.addi %add3A_456, %select_n3A_465 : vector<128x128xi32>
    %slice3A_467 = vector.extract_strided_slice %get3A_4 {offsets = [0, 1280], sizes = [1, 128], strides = [1, 1]} : vector<1x4096xi32> to vector<1x128xi32>
    %lt3A_468 = vector.broadcast %slice3A_467 : vector<1x128xi32> to vector<128x128xi32>
    %lt3A_469 = vector.broadcast %slice3A_356 : vector<128x1xi32> to vector<128x128xi32>
    %lt3A_470 = arith.cmpi slt, %lt3A_468, %lt3A_469 : vector<128x128xi32>
    %jit3A_471 = arith.constant 1 : i32
    %jit3A_472 = arith.constant 0 : i32
    %broadcast_in_dim3A_473 = vector.broadcast %jit3A_471 : i32 to vector<128x128xi32>
    %broadcast_in_dim3A_474 = vector.broadcast %jit3A_472 : i32 to vector<128x128xi32>
    %select_n3A_475 = arith.select %lt3A_470, %broadcast_in_dim3A_473, %broadcast_in_dim3A_474 : vector<128x128xi1>, vector<128x128xi32>
    %add3A_476 = arith.addi %add3A_466, %select_n3A_475 : vector<128x128xi32>
    %slice3A_477 = vector.extract_strided_slice %get3A_4 {offsets = [0, 1408], sizes = [1, 128], strides = [1, 1]} : vector<1x4096xi32> to vector<1x128xi32>
    %lt3A_478 = vector.broadcast %slice3A_477 : vector<1x128xi32> to vector<128x128xi32>
    %lt3A_479 = vector.broadcast %slice3A_356 : vector<128x1xi32> to vector<128x128xi32>
    %lt3A_480 = arith.cmpi slt, %lt3A_478, %lt3A_479 : vector<128x128xi32>
    %jit3A_481 = arith.constant 1 : i32
    %jit3A_482 = arith.constant 0 : i32
    %broadcast_in_dim3A_483 = vector.broadcast %jit3A_481 : i32 to vector<128x128xi32>
    %broadcast_in_dim3A_484 = vector.broadcast %jit3A_482 : i32 to vector<128x128xi32>
    %select_n3A_485 = arith.select %lt3A_480, %broadcast_in_dim3A_483, %broadcast_in_dim3A_484 : vector<128x128xi1>, vector<128x128xi32>
    %add3A_486 = arith.addi %add3A_476, %select_n3A_485 : vector<128x128xi32>
    %slice3A_487 = vector.extract_strided_slice %get3A_4 {offsets = [0, 1536], sizes = [1, 128], strides = [1, 1]} : vector<1x4096xi32> to vector<1x128xi32>
    %lt3A_488 = vector.broadcast %slice3A_487 : vector<1x128xi32> to vector<128x128xi32>
    %lt3A_489 = vector.broadcast %slice3A_356 : vector<128x1xi32> to vector<128x128xi32>
    %lt3A_490 = arith.cmpi slt, %lt3A_488, %lt3A_489 : vector<128x128xi32>
    %jit3A_491 = arith.constant 1 : i32
    %jit3A_492 = arith.constant 0 : i32
    %broadcast_in_dim3A_493 = vector.broadcast %jit3A_491 : i32 to vector<128x128xi32>
    %broadcast_in_dim3A_494 = vector.broadcast %jit3A_492 : i32 to vector<128x128xi32>
    %select_n3A_495 = arith.select %lt3A_490, %broadcast_in_dim3A_493, %broadcast_in_dim3A_494 : vector<128x128xi1>, vector<128x128xi32>
    %add3A_496 = arith.addi %add3A_486, %select_n3A_495 : vector<128x128xi32>
    %slice3A_497 = vector.extract_strided_slice %get3A_4 {offsets = [0, 1664], sizes = [1, 128], strides = [1, 1]} : vector<1x4096xi32> to vector<1x128xi32>
    %lt3A_498 = vector.broadcast %slice3A_497 : vector<1x128xi32> to vector<128x128xi32>
    %lt3A_499 = vector.broadcast %slice3A_356 : vector<128x1xi32> to vector<128x128xi32>
    %lt3A_500 = arith.cmpi slt, %lt3A_498, %lt3A_499 : vector<128x128xi32>
    %jit3A_501 = arith.constant 1 : i32
    %jit3A_502 = arith.constant 0 : i32
    %broadcast_in_dim3A_503 = vector.broadcast %jit3A_501 : i32 to vector<128x128xi32>
    %broadcast_in_dim3A_504 = vector.broadcast %jit3A_502 : i32 to vector<128x128xi32>
    %select_n3A_505 = arith.select %lt3A_500, %broadcast_in_dim3A_503, %broadcast_in_dim3A_504 : vector<128x128xi1>, vector<128x128xi32>
    %add3A_506 = arith.addi %add3A_496, %select_n3A_505 : vector<128x128xi32>
    %slice3A_507 = vector.extract_strided_slice %get3A_4 {offsets = [0, 1792], sizes = [1, 128], strides = [1, 1]} : vector<1x4096xi32> to vector<1x128xi32>
    %lt3A_508 = vector.broadcast %slice3A_507 : vector<1x128xi32> to vector<128x128xi32>
    %lt3A_509 = vector.broadcast %slice3A_356 : vector<128x1xi32> to vector<128x128xi32>
    %lt3A_510 = arith.cmpi slt, %lt3A_508, %lt3A_509 : vector<128x128xi32>
    %jit3A_511 = arith.constant 1 : i32
    %jit3A_512 = arith.constant 0 : i32
    %broadcast_in_dim3A_513 = vector.broadcast %jit3A_511 : i32 to vector<128x128xi32>
    %broadcast_in_dim3A_514 = vector.broadcast %jit3A_512 : i32 to vector<128x128xi32>
    %select_n3A_515 = arith.select %lt3A_510, %broadcast_in_dim3A_513, %broadcast_in_dim3A_514 : vector<128x128xi1>, vector<128x128xi32>
    %add3A_516 = arith.addi %add3A_506, %select_n3A_515 : vector<128x128xi32>
    %slice3A_517 = vector.extract_strided_slice %get3A_4 {offsets = [0, 1920], sizes = [1, 128], strides = [1, 1]} : vector<1x4096xi32> to vector<1x128xi32>
    %lt3A_518 = vector.broadcast %slice3A_517 : vector<1x128xi32> to vector<128x128xi32>
    %lt3A_519 = vector.broadcast %slice3A_356 : vector<128x1xi32> to vector<128x128xi32>
    %lt3A_520 = arith.cmpi slt, %lt3A_518, %lt3A_519 : vector<128x128xi32>
    %jit3A_521 = arith.constant 1 : i32
    %jit3A_522 = arith.constant 0 : i32
    %broadcast_in_dim3A_523 = vector.broadcast %jit3A_521 : i32 to vector<128x128xi32>
    %broadcast_in_dim3A_524 = vector.broadcast %jit3A_522 : i32 to vector<128x128xi32>
    %select_n3A_525 = arith.select %lt3A_520, %broadcast_in_dim3A_523, %broadcast_in_dim3A_524 : vector<128x128xi1>, vector<128x128xi32>
    %add3A_526 = arith.addi %add3A_516, %select_n3A_525 : vector<128x128xi32>
    %slice3A_527 = vector.extract_strided_slice %get3A_4 {offsets = [0, 2048], sizes = [1, 128], strides = [1, 1]} : vector<1x4096xi32> to vector<1x128xi32>
    %lt3A_528 = vector.broadcast %slice3A_527 : vector<1x128xi32> to vector<128x128xi32>
    %lt3A_529 = vector.broadcast %slice3A_356 : vector<128x1xi32> to vector<128x128xi32>
    %lt3A_530 = arith.cmpi slt, %lt3A_528, %lt3A_529 : vector<128x128xi32>
    %jit3A_531 = arith.constant 1 : i32
    %jit3A_532 = arith.constant 0 : i32
    %broadcast_in_dim3A_533 = vector.broadcast %jit3A_531 : i32 to vector<128x128xi32>
    %broadcast_in_dim3A_534 = vector.broadcast %jit3A_532 : i32 to vector<128x128xi32>
    %select_n3A_535 = arith.select %lt3A_530, %broadcast_in_dim3A_533, %broadcast_in_dim3A_534 : vector<128x128xi1>, vector<128x128xi32>
    %add3A_536 = arith.addi %add3A_526, %select_n3A_535 : vector<128x128xi32>
    %slice3A_537 = vector.extract_strided_slice %get3A_4 {offsets = [0, 2176], sizes = [1, 128], strides = [1, 1]} : vector<1x4096xi32> to vector<1x128xi32>
    %lt3A_538 = vector.broadcast %slice3A_537 : vector<1x128xi32> to vector<128x128xi32>
    %lt3A_539 = vector.broadcast %slice3A_356 : vector<128x1xi32> to vector<128x128xi32>
    %lt3A_540 = arith.cmpi slt, %lt3A_538, %lt3A_539 : vector<128x128xi32>
    %jit3A_541 = arith.constant 1 : i32
    %jit3A_542 = arith.constant 0 : i32
    %broadcast_in_dim3A_543 = vector.broadcast %jit3A_541 : i32 to vector<128x128xi32>
    %broadcast_in_dim3A_544 = vector.broadcast %jit3A_542 : i32 to vector<128x128xi32>
    %select_n3A_545 = arith.select %lt3A_540, %broadcast_in_dim3A_543, %broadcast_in_dim3A_544 : vector<128x128xi1>, vector<128x128xi32>
    %add3A_546 = arith.addi %add3A_536, %select_n3A_545 : vector<128x128xi32>
    %slice3A_547 = vector.extract_strided_slice %get3A_4 {offsets = [0, 2304], sizes = [1, 128], strides = [1, 1]} : vector<1x4096xi32> to vector<1x128xi32>
    %lt3A_548 = vector.broadcast %slice3A_547 : vector<1x128xi32> to vector<128x128xi32>
    %lt3A_549 = vector.broadcast %slice3A_356 : vector<128x1xi32> to vector<128x128xi32>
    %lt3A_550 = arith.cmpi slt, %lt3A_548, %lt3A_549 : vector<128x128xi32>
    %jit3A_551 = arith.constant 1 : i32
    %jit3A_552 = arith.constant 0 : i32
    %broadcast_in_dim3A_553 = vector.broadcast %jit3A_551 : i32 to vector<128x128xi32>
    %broadcast_in_dim3A_554 = vector.broadcast %jit3A_552 : i32 to vector<128x128xi32>
    %select_n3A_555 = arith.select %lt3A_550, %broadcast_in_dim3A_553, %broadcast_in_dim3A_554 : vector<128x128xi1>, vector<128x128xi32>
    %add3A_556 = arith.addi %add3A_546, %select_n3A_555 : vector<128x128xi32>
    %slice3A_557 = vector.extract_strided_slice %get3A_4 {offsets = [0, 2432], sizes = [1, 128], strides = [1, 1]} : vector<1x4096xi32> to vector<1x128xi32>
    %lt3A_558 = vector.broadcast %slice3A_557 : vector<1x128xi32> to vector<128x128xi32>
    %lt3A_559 = vector.broadcast %slice3A_356 : vector<128x1xi32> to vector<128x128xi32>
    %lt3A_560 = arith.cmpi slt, %lt3A_558, %lt3A_559 : vector<128x128xi32>
    %jit3A_561 = arith.constant 1 : i32
    %jit3A_562 = arith.constant 0 : i32
    %broadcast_in_dim3A_563 = vector.broadcast %jit3A_561 : i32 to vector<128x128xi32>
    %broadcast_in_dim3A_564 = vector.broadcast %jit3A_562 : i32 to vector<128x128xi32>
    %select_n3A_565 = arith.select %lt3A_560, %broadcast_in_dim3A_563, %broadcast_in_dim3A_564 : vector<128x128xi1>, vector<128x128xi32>
    %add3A_566 = arith.addi %add3A_556, %select_n3A_565 : vector<128x128xi32>
    %slice3A_567 = vector.extract_strided_slice %get3A_4 {offsets = [0, 2560], sizes = [1, 128], strides = [1, 1]} : vector<1x4096xi32> to vector<1x128xi32>
    %lt3A_568 = vector.broadcast %slice3A_567 : vector<1x128xi32> to vector<128x128xi32>
    %lt3A_569 = vector.broadcast %slice3A_356 : vector<128x1xi32> to vector<128x128xi32>
    %lt3A_570 = arith.cmpi slt, %lt3A_568, %lt3A_569 : vector<128x128xi32>
    %jit3A_571 = arith.constant 1 : i32
    %jit3A_572 = arith.constant 0 : i32
    %broadcast_in_dim3A_573 = vector.broadcast %jit3A_571 : i32 to vector<128x128xi32>
    %broadcast_in_dim3A_574 = vector.broadcast %jit3A_572 : i32 to vector<128x128xi32>
    %select_n3A_575 = arith.select %lt3A_570, %broadcast_in_dim3A_573, %broadcast_in_dim3A_574 : vector<128x128xi1>, vector<128x128xi32>
    %add3A_576 = arith.addi %add3A_566, %select_n3A_575 : vector<128x128xi32>
    %slice3A_577 = vector.extract_strided_slice %get3A_4 {offsets = [0, 2688], sizes = [1, 128], strides = [1, 1]} : vector<1x4096xi32> to vector<1x128xi32>
    %lt3A_578 = vector.broadcast %slice3A_577 : vector<1x128xi32> to vector<128x128xi32>
    %lt3A_579 = vector.broadcast %slice3A_356 : vector<128x1xi32> to vector<128x128xi32>
    %lt3A_580 = arith.cmpi slt, %lt3A_578, %lt3A_579 : vector<128x128xi32>
    %jit3A_581 = arith.constant 1 : i32
    %jit3A_582 = arith.constant 0 : i32
    %broadcast_in_dim3A_583 = vector.broadcast %jit3A_581 : i32 to vector<128x128xi32>
    %broadcast_in_dim3A_584 = vector.broadcast %jit3A_582 : i32 to vector<128x128xi32>
    %select_n3A_585 = arith.select %lt3A_580, %broadcast_in_dim3A_583, %broadcast_in_dim3A_584 : vector<128x128xi1>, vector<128x128xi32>
    %add3A_586 = arith.addi %add3A_576, %select_n3A_585 : vector<128x128xi32>
    %slice3A_587 = vector.extract_strided_slice %get3A_4 {offsets = [0, 2816], sizes = [1, 128], strides = [1, 1]} : vector<1x4096xi32> to vector<1x128xi32>
    %lt3A_588 = vector.broadcast %slice3A_587 : vector<1x128xi32> to vector<128x128xi32>
    %lt3A_589 = vector.broadcast %slice3A_356 : vector<128x1xi32> to vector<128x128xi32>
    %lt3A_590 = arith.cmpi slt, %lt3A_588, %lt3A_589 : vector<128x128xi32>
    %jit3A_591 = arith.constant 1 : i32
    %jit3A_592 = arith.constant 0 : i32
    %broadcast_in_dim3A_593 = vector.broadcast %jit3A_591 : i32 to vector<128x128xi32>
    %broadcast_in_dim3A_594 = vector.broadcast %jit3A_592 : i32 to vector<128x128xi32>
    %select_n3A_595 = arith.select %lt3A_590, %broadcast_in_dim3A_593, %broadcast_in_dim3A_594 : vector<128x128xi1>, vector<128x128xi32>
    %add3A_596 = arith.addi %add3A_586, %select_n3A_595 : vector<128x128xi32>
    %slice3A_597 = vector.extract_strided_slice %get3A_4 {offsets = [0, 2944], sizes = [1, 128], strides = [1, 1]} : vector<1x4096xi32> to vector<1x128xi32>
    %lt3A_598 = vector.broadcast %slice3A_597 : vector<1x128xi32> to vector<128x128xi32>
    %lt3A_599 = vector.broadcast %slice3A_356 : vector<128x1xi32> to vector<128x128xi32>
    %lt3A_600 = arith.cmpi slt, %lt3A_598, %lt3A_599 : vector<128x128xi32>
    %jit3A_601 = arith.constant 1 : i32
    %jit3A_602 = arith.constant 0 : i32
    %broadcast_in_dim3A_603 = vector.broadcast %jit3A_601 : i32 to vector<128x128xi32>
    %broadcast_in_dim3A_604 = vector.broadcast %jit3A_602 : i32 to vector<128x128xi32>
    %select_n3A_605 = arith.select %lt3A_600, %broadcast_in_dim3A_603, %broadcast_in_dim3A_604 : vector<128x128xi1>, vector<128x128xi32>
    %add3A_606 = arith.addi %add3A_596, %select_n3A_605 : vector<128x128xi32>
    %slice3A_607 = vector.extract_strided_slice %get3A_4 {offsets = [0, 3072], sizes = [1, 128], strides = [1, 1]} : vector<1x4096xi32> to vector<1x128xi32>
    %lt3A_608 = vector.broadcast %slice3A_607 : vector<1x128xi32> to vector<128x128xi32>
    %lt3A_609 = vector.broadcast %slice3A_356 : vector<128x1xi32> to vector<128x128xi32>
    %lt3A_610 = arith.cmpi slt, %lt3A_608, %lt3A_609 : vector<128x128xi32>
    %jit3A_611 = arith.constant 1 : i32
    %jit3A_612 = arith.constant 0 : i32
    %broadcast_in_dim3A_613 = vector.broadcast %jit3A_611 : i32 to vector<128x128xi32>
    %broadcast_in_dim3A_614 = vector.broadcast %jit3A_612 : i32 to vector<128x128xi32>
    %select_n3A_615 = arith.select %lt3A_610, %broadcast_in_dim3A_613, %broadcast_in_dim3A_614 : vector<128x128xi1>, vector<128x128xi32>
    %add3A_616 = arith.addi %add3A_606, %select_n3A_615 : vector<128x128xi32>
    %slice3A_617 = vector.extract_strided_slice %get3A_4 {offsets = [0, 3200], sizes = [1, 128], strides = [1, 1]} : vector<1x4096xi32> to vector<1x128xi32>
    %lt3A_618 = vector.broadcast %slice3A_617 : vector<1x128xi32> to vector<128x128xi32>
    %lt3A_619 = vector.broadcast %slice3A_356 : vector<128x1xi32> to vector<128x128xi32>
    %lt3A_620 = arith.cmpi slt, %lt3A_618, %lt3A_619 : vector<128x128xi32>
    %jit3A_621 = arith.constant 1 : i32
    %jit3A_622 = arith.constant 0 : i32
    %broadcast_in_dim3A_623 = vector.broadcast %jit3A_621 : i32 to vector<128x128xi32>
    %broadcast_in_dim3A_624 = vector.broadcast %jit3A_622 : i32 to vector<128x128xi32>
    %select_n3A_625 = arith.select %lt3A_620, %broadcast_in_dim3A_623, %broadcast_in_dim3A_624 : vector<128x128xi1>, vector<128x128xi32>
    %add3A_626 = arith.addi %add3A_616, %select_n3A_625 : vector<128x128xi32>
    %slice3A_627 = vector.extract_strided_slice %get3A_4 {offsets = [0, 3328], sizes = [1, 128], strides = [1, 1]} : vector<1x4096xi32> to vector<1x128xi32>
    %lt3A_628 = vector.broadcast %slice3A_627 : vector<1x128xi32> to vector<128x128xi32>
    %lt3A_629 = vector.broadcast %slice3A_356 : vector<128x1xi32> to vector<128x128xi32>
    %lt3A_630 = arith.cmpi slt, %lt3A_628, %lt3A_629 : vector<128x128xi32>
    %jit3A_631 = arith.constant 1 : i32
    %jit3A_632 = arith.constant 0 : i32
    %broadcast_in_dim3A_633 = vector.broadcast %jit3A_631 : i32 to vector<128x128xi32>
    %broadcast_in_dim3A_634 = vector.broadcast %jit3A_632 : i32 to vector<128x128xi32>
    %select_n3A_635 = arith.select %lt3A_630, %broadcast_in_dim3A_633, %broadcast_in_dim3A_634 : vector<128x128xi1>, vector<128x128xi32>
    %add3A_636 = arith.addi %add3A_626, %select_n3A_635 : vector<128x128xi32>
    %slice3A_637 = vector.extract_strided_slice %get3A_4 {offsets = [0, 3456], sizes = [1, 128], strides = [1, 1]} : vector<1x4096xi32> to vector<1x128xi32>
    %lt3A_638 = vector.broadcast %slice3A_637 : vector<1x128xi32> to vector<128x128xi32>
    %lt3A_639 = vector.broadcast %slice3A_356 : vector<128x1xi32> to vector<128x128xi32>
    %lt3A_640 = arith.cmpi slt, %lt3A_638, %lt3A_639 : vector<128x128xi32>
    %jit3A_641 = arith.constant 1 : i32
    %jit3A_642 = arith.constant 0 : i32
    %broadcast_in_dim3A_643 = vector.broadcast %jit3A_641 : i32 to vector<128x128xi32>
    %broadcast_in_dim3A_644 = vector.broadcast %jit3A_642 : i32 to vector<128x128xi32>
    %select_n3A_645 = arith.select %lt3A_640, %broadcast_in_dim3A_643, %broadcast_in_dim3A_644 : vector<128x128xi1>, vector<128x128xi32>
    %add3A_646 = arith.addi %add3A_636, %select_n3A_645 : vector<128x128xi32>
    %slice3A_647 = vector.extract_strided_slice %get3A_4 {offsets = [0, 3584], sizes = [1, 128], strides = [1, 1]} : vector<1x4096xi32> to vector<1x128xi32>
    %lt3A_648 = vector.broadcast %slice3A_647 : vector<1x128xi32> to vector<128x128xi32>
    %lt3A_649 = vector.broadcast %slice3A_356 : vector<128x1xi32> to vector<128x128xi32>
    %lt3A_650 = arith.cmpi slt, %lt3A_648, %lt3A_649 : vector<128x128xi32>
    %jit3A_651 = arith.constant 1 : i32
    %jit3A_652 = arith.constant 0 : i32
    %broadcast_in_dim3A_653 = vector.broadcast %jit3A_651 : i32 to vector<128x128xi32>
    %broadcast_in_dim3A_654 = vector.broadcast %jit3A_652 : i32 to vector<128x128xi32>
    %select_n3A_655 = arith.select %lt3A_650, %broadcast_in_dim3A_653, %broadcast_in_dim3A_654 : vector<128x128xi1>, vector<128x128xi32>
    %add3A_656 = arith.addi %add3A_646, %select_n3A_655 : vector<128x128xi32>
    %slice3A_657 = vector.extract_strided_slice %get3A_4 {offsets = [0, 3712], sizes = [1, 128], strides = [1, 1]} : vector<1x4096xi32> to vector<1x128xi32>
    %lt3A_658 = vector.broadcast %slice3A_657 : vector<1x128xi32> to vector<128x128xi32>
    %lt3A_659 = vector.broadcast %slice3A_356 : vector<128x1xi32> to vector<128x128xi32>
    %lt3A_660 = arith.cmpi slt, %lt3A_658, %lt3A_659 : vector<128x128xi32>
    %jit3A_661 = arith.constant 1 : i32
    %jit3A_662 = arith.constant 0 : i32
    %broadcast_in_dim3A_663 = vector.broadcast %jit3A_661 : i32 to vector<128x128xi32>
    %broadcast_in_dim3A_664 = vector.broadcast %jit3A_662 : i32 to vector<128x128xi32>
    %select_n3A_665 = arith.select %lt3A_660, %broadcast_in_dim3A_663, %broadcast_in_dim3A_664 : vector<128x128xi1>, vector<128x128xi32>
    %add3A_666 = arith.addi %add3A_656, %select_n3A_665 : vector<128x128xi32>
    %slice3A_667 = vector.extract_strided_slice %get3A_4 {offsets = [0, 3840], sizes = [1, 128], strides = [1, 1]} : vector<1x4096xi32> to vector<1x128xi32>
    %lt3A_668 = vector.broadcast %slice3A_667 : vector<1x128xi32> to vector<128x128xi32>
    %lt3A_669 = vector.broadcast %slice3A_356 : vector<128x1xi32> to vector<128x128xi32>
    %lt3A_670 = arith.cmpi slt, %lt3A_668, %lt3A_669 : vector<128x128xi32>
    %jit3A_671 = arith.constant 1 : i32
    %jit3A_672 = arith.constant 0 : i32
    %broadcast_in_dim3A_673 = vector.broadcast %jit3A_671 : i32 to vector<128x128xi32>
    %broadcast_in_dim3A_674 = vector.broadcast %jit3A_672 : i32 to vector<128x128xi32>
    %select_n3A_675 = arith.select %lt3A_670, %broadcast_in_dim3A_673, %broadcast_in_dim3A_674 : vector<128x128xi1>, vector<128x128xi32>
    %add3A_676 = arith.addi %add3A_666, %select_n3A_675 : vector<128x128xi32>
    %slice3A_677 = vector.extract_strided_slice %get3A_4 {offsets = [0, 3968], sizes = [1, 128], strides = [1, 1]} : vector<1x4096xi32> to vector<1x128xi32>
    %lt3A_678 = vector.broadcast %slice3A_677 : vector<1x128xi32> to vector<128x128xi32>
    %lt3A_679 = vector.broadcast %slice3A_356 : vector<128x1xi32> to vector<128x128xi32>
    %lt3A_680 = arith.cmpi slt, %lt3A_678, %lt3A_679 : vector<128x128xi32>
    %jit3A_681 = arith.constant 1 : i32
    %jit3A_682 = arith.constant 0 : i32
    %broadcast_in_dim3A_683 = vector.broadcast %jit3A_681 : i32 to vector<128x128xi32>
    %broadcast_in_dim3A_684 = vector.broadcast %jit3A_682 : i32 to vector<128x128xi32>
    %select_n3A_685 = arith.select %lt3A_680, %broadcast_in_dim3A_683, %broadcast_in_dim3A_684 : vector<128x128xi1>, vector<128x128xi32>
    %add3A_686 = arith.addi %add3A_676, %select_n3A_685 : vector<128x128xi32>
    %reduce_sum3A_687 = arith.constant dense<0> : vector<128xi32>
    %reduce_sum3A_688 = vector.multi_reduction <add>, %add3A_686, %reduce_sum3A_687 [1] : vector<128x128xi32> to vector<128xi32>
    %broadcast_in_dim3A_689 = vector.shape_cast %reduce_sum3A_688 : vector<128xi32> to vector<128x1xi32>
    %slice3A_690 = vector.extract_strided_slice %add3A {offsets = [0, 2], sizes = [128, 1], strides = [1, 1]} : vector<128x8xi32> to vector<128x1xi32>
    %slice3A_691 = vector.extract_strided_slice %get3A_11 {offsets = [2, 0], sizes = [1, 128], strides = [1, 1]} : vector<8x128xi32> to vector<1x128xi32>
    %eq3A_692 = vector.broadcast %slice3A_691 : vector<1x128xi32> to vector<128x128xi32>
    %eq3A_693 = vector.broadcast %slice3A_690 : vector<128x1xi32> to vector<128x128xi32>
    %eq3A_694 = arith.cmpi eq, %eq3A_692, %eq3A_693 : vector<128x128xi32>
    %and3A_695 = arith.andi %eq3A_694, %lt3A : vector<128x128xi1>
    %jit3A_696 = arith.constant 1 : i32
    %jit3A_697 = arith.constant 0 : i32
    %broadcast_in_dim3A_698 = vector.broadcast %jit3A_696 : i32 to vector<128x128xi32>
    %broadcast_in_dim3A_699 = vector.broadcast %jit3A_697 : i32 to vector<128x128xi32>
    %select_n3A_700 = arith.select %and3A_695, %broadcast_in_dim3A_698, %broadcast_in_dim3A_699 : vector<128x128xi1>, vector<128x128xi32>
    %slice3A_701 = vector.extract_strided_slice %get3A_4 {offsets = [0, 0], sizes = [1, 128], strides = [1, 1]} : vector<1x4096xi32> to vector<1x128xi32>
    %lt3A_702 = vector.broadcast %slice3A_701 : vector<1x128xi32> to vector<128x128xi32>
    %lt3A_703 = vector.broadcast %slice3A_690 : vector<128x1xi32> to vector<128x128xi32>
    %lt3A_704 = arith.cmpi slt, %lt3A_702, %lt3A_703 : vector<128x128xi32>
    %jit3A_705 = arith.constant 1 : i32
    %jit3A_706 = arith.constant 0 : i32
    %broadcast_in_dim3A_707 = vector.broadcast %jit3A_705 : i32 to vector<128x128xi32>
    %broadcast_in_dim3A_708 = vector.broadcast %jit3A_706 : i32 to vector<128x128xi32>
    %select_n3A_709 = arith.select %lt3A_704, %broadcast_in_dim3A_707, %broadcast_in_dim3A_708 : vector<128x128xi1>, vector<128x128xi32>
    %add3A_710 = arith.addi %select_n3A_700, %select_n3A_709 : vector<128x128xi32>
    %slice3A_711 = vector.extract_strided_slice %get3A_4 {offsets = [0, 128], sizes = [1, 128], strides = [1, 1]} : vector<1x4096xi32> to vector<1x128xi32>
    %lt3A_712 = vector.broadcast %slice3A_711 : vector<1x128xi32> to vector<128x128xi32>
    %lt3A_713 = vector.broadcast %slice3A_690 : vector<128x1xi32> to vector<128x128xi32>
    %lt3A_714 = arith.cmpi slt, %lt3A_712, %lt3A_713 : vector<128x128xi32>
    %jit3A_715 = arith.constant 1 : i32
    %jit3A_716 = arith.constant 0 : i32
    %broadcast_in_dim3A_717 = vector.broadcast %jit3A_715 : i32 to vector<128x128xi32>
    %broadcast_in_dim3A_718 = vector.broadcast %jit3A_716 : i32 to vector<128x128xi32>
    %select_n3A_719 = arith.select %lt3A_714, %broadcast_in_dim3A_717, %broadcast_in_dim3A_718 : vector<128x128xi1>, vector<128x128xi32>
    %add3A_720 = arith.addi %add3A_710, %select_n3A_719 : vector<128x128xi32>
    %slice3A_721 = vector.extract_strided_slice %get3A_4 {offsets = [0, 256], sizes = [1, 128], strides = [1, 1]} : vector<1x4096xi32> to vector<1x128xi32>
    %lt3A_722 = vector.broadcast %slice3A_721 : vector<1x128xi32> to vector<128x128xi32>
    %lt3A_723 = vector.broadcast %slice3A_690 : vector<128x1xi32> to vector<128x128xi32>
    %lt3A_724 = arith.cmpi slt, %lt3A_722, %lt3A_723 : vector<128x128xi32>
    %jit3A_725 = arith.constant 1 : i32
    %jit3A_726 = arith.constant 0 : i32
    %broadcast_in_dim3A_727 = vector.broadcast %jit3A_725 : i32 to vector<128x128xi32>
    %broadcast_in_dim3A_728 = vector.broadcast %jit3A_726 : i32 to vector<128x128xi32>
    %select_n3A_729 = arith.select %lt3A_724, %broadcast_in_dim3A_727, %broadcast_in_dim3A_728 : vector<128x128xi1>, vector<128x128xi32>
    %add3A_730 = arith.addi %add3A_720, %select_n3A_729 : vector<128x128xi32>
    %slice3A_731 = vector.extract_strided_slice %get3A_4 {offsets = [0, 384], sizes = [1, 128], strides = [1, 1]} : vector<1x4096xi32> to vector<1x128xi32>
    %lt3A_732 = vector.broadcast %slice3A_731 : vector<1x128xi32> to vector<128x128xi32>
    %lt3A_733 = vector.broadcast %slice3A_690 : vector<128x1xi32> to vector<128x128xi32>
    %lt3A_734 = arith.cmpi slt, %lt3A_732, %lt3A_733 : vector<128x128xi32>
    %jit3A_735 = arith.constant 1 : i32
    %jit3A_736 = arith.constant 0 : i32
    %broadcast_in_dim3A_737 = vector.broadcast %jit3A_735 : i32 to vector<128x128xi32>
    %broadcast_in_dim3A_738 = vector.broadcast %jit3A_736 : i32 to vector<128x128xi32>
    %select_n3A_739 = arith.select %lt3A_734, %broadcast_in_dim3A_737, %broadcast_in_dim3A_738 : vector<128x128xi1>, vector<128x128xi32>
    %add3A_740 = arith.addi %add3A_730, %select_n3A_739 : vector<128x128xi32>
    %slice3A_741 = vector.extract_strided_slice %get3A_4 {offsets = [0, 512], sizes = [1, 128], strides = [1, 1]} : vector<1x4096xi32> to vector<1x128xi32>
    %lt3A_742 = vector.broadcast %slice3A_741 : vector<1x128xi32> to vector<128x128xi32>
    %lt3A_743 = vector.broadcast %slice3A_690 : vector<128x1xi32> to vector<128x128xi32>
    %lt3A_744 = arith.cmpi slt, %lt3A_742, %lt3A_743 : vector<128x128xi32>
    %jit3A_745 = arith.constant 1 : i32
    %jit3A_746 = arith.constant 0 : i32
    %broadcast_in_dim3A_747 = vector.broadcast %jit3A_745 : i32 to vector<128x128xi32>
    %broadcast_in_dim3A_748 = vector.broadcast %jit3A_746 : i32 to vector<128x128xi32>
    %select_n3A_749 = arith.select %lt3A_744, %broadcast_in_dim3A_747, %broadcast_in_dim3A_748 : vector<128x128xi1>, vector<128x128xi32>
    %add3A_750 = arith.addi %add3A_740, %select_n3A_749 : vector<128x128xi32>
    %slice3A_751 = vector.extract_strided_slice %get3A_4 {offsets = [0, 640], sizes = [1, 128], strides = [1, 1]} : vector<1x4096xi32> to vector<1x128xi32>
    %lt3A_752 = vector.broadcast %slice3A_751 : vector<1x128xi32> to vector<128x128xi32>
    %lt3A_753 = vector.broadcast %slice3A_690 : vector<128x1xi32> to vector<128x128xi32>
    %lt3A_754 = arith.cmpi slt, %lt3A_752, %lt3A_753 : vector<128x128xi32>
    %jit3A_755 = arith.constant 1 : i32
    %jit3A_756 = arith.constant 0 : i32
    %broadcast_in_dim3A_757 = vector.broadcast %jit3A_755 : i32 to vector<128x128xi32>
    %broadcast_in_dim3A_758 = vector.broadcast %jit3A_756 : i32 to vector<128x128xi32>
    %select_n3A_759 = arith.select %lt3A_754, %broadcast_in_dim3A_757, %broadcast_in_dim3A_758 : vector<128x128xi1>, vector<128x128xi32>
    %add3A_760 = arith.addi %add3A_750, %select_n3A_759 : vector<128x128xi32>
    %slice3A_761 = vector.extract_strided_slice %get3A_4 {offsets = [0, 768], sizes = [1, 128], strides = [1, 1]} : vector<1x4096xi32> to vector<1x128xi32>
    %lt3A_762 = vector.broadcast %slice3A_761 : vector<1x128xi32> to vector<128x128xi32>
    %lt3A_763 = vector.broadcast %slice3A_690 : vector<128x1xi32> to vector<128x128xi32>
    %lt3A_764 = arith.cmpi slt, %lt3A_762, %lt3A_763 : vector<128x128xi32>
    %jit3A_765 = arith.constant 1 : i32
    %jit3A_766 = arith.constant 0 : i32
    %broadcast_in_dim3A_767 = vector.broadcast %jit3A_765 : i32 to vector<128x128xi32>
    %broadcast_in_dim3A_768 = vector.broadcast %jit3A_766 : i32 to vector<128x128xi32>
    %select_n3A_769 = arith.select %lt3A_764, %broadcast_in_dim3A_767, %broadcast_in_dim3A_768 : vector<128x128xi1>, vector<128x128xi32>
    %add3A_770 = arith.addi %add3A_760, %select_n3A_769 : vector<128x128xi32>
    %slice3A_771 = vector.extract_strided_slice %get3A_4 {offsets = [0, 896], sizes = [1, 128], strides = [1, 1]} : vector<1x4096xi32> to vector<1x128xi32>
    %lt3A_772 = vector.broadcast %slice3A_771 : vector<1x128xi32> to vector<128x128xi32>
    %lt3A_773 = vector.broadcast %slice3A_690 : vector<128x1xi32> to vector<128x128xi32>
    %lt3A_774 = arith.cmpi slt, %lt3A_772, %lt3A_773 : vector<128x128xi32>
    %jit3A_775 = arith.constant 1 : i32
    %jit3A_776 = arith.constant 0 : i32
    %broadcast_in_dim3A_777 = vector.broadcast %jit3A_775 : i32 to vector<128x128xi32>
    %broadcast_in_dim3A_778 = vector.broadcast %jit3A_776 : i32 to vector<128x128xi32>
    %select_n3A_779 = arith.select %lt3A_774, %broadcast_in_dim3A_777, %broadcast_in_dim3A_778 : vector<128x128xi1>, vector<128x128xi32>
    %add3A_780 = arith.addi %add3A_770, %select_n3A_779 : vector<128x128xi32>
    %slice3A_781 = vector.extract_strided_slice %get3A_4 {offsets = [0, 1024], sizes = [1, 128], strides = [1, 1]} : vector<1x4096xi32> to vector<1x128xi32>
    %lt3A_782 = vector.broadcast %slice3A_781 : vector<1x128xi32> to vector<128x128xi32>
    %lt3A_783 = vector.broadcast %slice3A_690 : vector<128x1xi32> to vector<128x128xi32>
    %lt3A_784 = arith.cmpi slt, %lt3A_782, %lt3A_783 : vector<128x128xi32>
    %jit3A_785 = arith.constant 1 : i32
    %jit3A_786 = arith.constant 0 : i32
    %broadcast_in_dim3A_787 = vector.broadcast %jit3A_785 : i32 to vector<128x128xi32>
    %broadcast_in_dim3A_788 = vector.broadcast %jit3A_786 : i32 to vector<128x128xi32>
    %select_n3A_789 = arith.select %lt3A_784, %broadcast_in_dim3A_787, %broadcast_in_dim3A_788 : vector<128x128xi1>, vector<128x128xi32>
    %add3A_790 = arith.addi %add3A_780, %select_n3A_789 : vector<128x128xi32>
    %slice3A_791 = vector.extract_strided_slice %get3A_4 {offsets = [0, 1152], sizes = [1, 128], strides = [1, 1]} : vector<1x4096xi32> to vector<1x128xi32>
    %lt3A_792 = vector.broadcast %slice3A_791 : vector<1x128xi32> to vector<128x128xi32>
    %lt3A_793 = vector.broadcast %slice3A_690 : vector<128x1xi32> to vector<128x128xi32>
    %lt3A_794 = arith.cmpi slt, %lt3A_792, %lt3A_793 : vector<128x128xi32>
    %jit3A_795 = arith.constant 1 : i32
    %jit3A_796 = arith.constant 0 : i32
    %broadcast_in_dim3A_797 = vector.broadcast %jit3A_795 : i32 to vector<128x128xi32>
    %broadcast_in_dim3A_798 = vector.broadcast %jit3A_796 : i32 to vector<128x128xi32>
    %select_n3A_799 = arith.select %lt3A_794, %broadcast_in_dim3A_797, %broadcast_in_dim3A_798 : vector<128x128xi1>, vector<128x128xi32>
    %add3A_800 = arith.addi %add3A_790, %select_n3A_799 : vector<128x128xi32>
    %slice3A_801 = vector.extract_strided_slice %get3A_4 {offsets = [0, 1280], sizes = [1, 128], strides = [1, 1]} : vector<1x4096xi32> to vector<1x128xi32>
    %lt3A_802 = vector.broadcast %slice3A_801 : vector<1x128xi32> to vector<128x128xi32>
    %lt3A_803 = vector.broadcast %slice3A_690 : vector<128x1xi32> to vector<128x128xi32>
    %lt3A_804 = arith.cmpi slt, %lt3A_802, %lt3A_803 : vector<128x128xi32>
    %jit3A_805 = arith.constant 1 : i32
    %jit3A_806 = arith.constant 0 : i32
    %broadcast_in_dim3A_807 = vector.broadcast %jit3A_805 : i32 to vector<128x128xi32>
    %broadcast_in_dim3A_808 = vector.broadcast %jit3A_806 : i32 to vector<128x128xi32>
    %select_n3A_809 = arith.select %lt3A_804, %broadcast_in_dim3A_807, %broadcast_in_dim3A_808 : vector<128x128xi1>, vector<128x128xi32>
    %add3A_810 = arith.addi %add3A_800, %select_n3A_809 : vector<128x128xi32>
    %slice3A_811 = vector.extract_strided_slice %get3A_4 {offsets = [0, 1408], sizes = [1, 128], strides = [1, 1]} : vector<1x4096xi32> to vector<1x128xi32>
    %lt3A_812 = vector.broadcast %slice3A_811 : vector<1x128xi32> to vector<128x128xi32>
    %lt3A_813 = vector.broadcast %slice3A_690 : vector<128x1xi32> to vector<128x128xi32>
    %lt3A_814 = arith.cmpi slt, %lt3A_812, %lt3A_813 : vector<128x128xi32>
    %jit3A_815 = arith.constant 1 : i32
    %jit3A_816 = arith.constant 0 : i32
    %broadcast_in_dim3A_817 = vector.broadcast %jit3A_815 : i32 to vector<128x128xi32>
    %broadcast_in_dim3A_818 = vector.broadcast %jit3A_816 : i32 to vector<128x128xi32>
    %select_n3A_819 = arith.select %lt3A_814, %broadcast_in_dim3A_817, %broadcast_in_dim3A_818 : vector<128x128xi1>, vector<128x128xi32>
    %add3A_820 = arith.addi %add3A_810, %select_n3A_819 : vector<128x128xi32>
    %slice3A_821 = vector.extract_strided_slice %get3A_4 {offsets = [0, 1536], sizes = [1, 128], strides = [1, 1]} : vector<1x4096xi32> to vector<1x128xi32>
    %lt3A_822 = vector.broadcast %slice3A_821 : vector<1x128xi32> to vector<128x128xi32>
    %lt3A_823 = vector.broadcast %slice3A_690 : vector<128x1xi32> to vector<128x128xi32>
    %lt3A_824 = arith.cmpi slt, %lt3A_822, %lt3A_823 : vector<128x128xi32>
    %jit3A_825 = arith.constant 1 : i32
    %jit3A_826 = arith.constant 0 : i32
    %broadcast_in_dim3A_827 = vector.broadcast %jit3A_825 : i32 to vector<128x128xi32>
    %broadcast_in_dim3A_828 = vector.broadcast %jit3A_826 : i32 to vector<128x128xi32>
    %select_n3A_829 = arith.select %lt3A_824, %broadcast_in_dim3A_827, %broadcast_in_dim3A_828 : vector<128x128xi1>, vector<128x128xi32>
    %add3A_830 = arith.addi %add3A_820, %select_n3A_829 : vector<128x128xi32>
    %slice3A_831 = vector.extract_strided_slice %get3A_4 {offsets = [0, 1664], sizes = [1, 128], strides = [1, 1]} : vector<1x4096xi32> to vector<1x128xi32>
    %lt3A_832 = vector.broadcast %slice3A_831 : vector<1x128xi32> to vector<128x128xi32>
    %lt3A_833 = vector.broadcast %slice3A_690 : vector<128x1xi32> to vector<128x128xi32>
    %lt3A_834 = arith.cmpi slt, %lt3A_832, %lt3A_833 : vector<128x128xi32>
    %jit3A_835 = arith.constant 1 : i32
    %jit3A_836 = arith.constant 0 : i32
    %broadcast_in_dim3A_837 = vector.broadcast %jit3A_835 : i32 to vector<128x128xi32>
    %broadcast_in_dim3A_838 = vector.broadcast %jit3A_836 : i32 to vector<128x128xi32>
    %select_n3A_839 = arith.select %lt3A_834, %broadcast_in_dim3A_837, %broadcast_in_dim3A_838 : vector<128x128xi1>, vector<128x128xi32>
    %add3A_840 = arith.addi %add3A_830, %select_n3A_839 : vector<128x128xi32>
    %slice3A_841 = vector.extract_strided_slice %get3A_4 {offsets = [0, 1792], sizes = [1, 128], strides = [1, 1]} : vector<1x4096xi32> to vector<1x128xi32>
    %lt3A_842 = vector.broadcast %slice3A_841 : vector<1x128xi32> to vector<128x128xi32>
    %lt3A_843 = vector.broadcast %slice3A_690 : vector<128x1xi32> to vector<128x128xi32>
    %lt3A_844 = arith.cmpi slt, %lt3A_842, %lt3A_843 : vector<128x128xi32>
    %jit3A_845 = arith.constant 1 : i32
    %jit3A_846 = arith.constant 0 : i32
    %broadcast_in_dim3A_847 = vector.broadcast %jit3A_845 : i32 to vector<128x128xi32>
    %broadcast_in_dim3A_848 = vector.broadcast %jit3A_846 : i32 to vector<128x128xi32>
    %select_n3A_849 = arith.select %lt3A_844, %broadcast_in_dim3A_847, %broadcast_in_dim3A_848 : vector<128x128xi1>, vector<128x128xi32>
    %add3A_850 = arith.addi %add3A_840, %select_n3A_849 : vector<128x128xi32>
    %slice3A_851 = vector.extract_strided_slice %get3A_4 {offsets = [0, 1920], sizes = [1, 128], strides = [1, 1]} : vector<1x4096xi32> to vector<1x128xi32>
    %lt3A_852 = vector.broadcast %slice3A_851 : vector<1x128xi32> to vector<128x128xi32>
    %lt3A_853 = vector.broadcast %slice3A_690 : vector<128x1xi32> to vector<128x128xi32>
    %lt3A_854 = arith.cmpi slt, %lt3A_852, %lt3A_853 : vector<128x128xi32>
    %jit3A_855 = arith.constant 1 : i32
    %jit3A_856 = arith.constant 0 : i32
    %broadcast_in_dim3A_857 = vector.broadcast %jit3A_855 : i32 to vector<128x128xi32>
    %broadcast_in_dim3A_858 = vector.broadcast %jit3A_856 : i32 to vector<128x128xi32>
    %select_n3A_859 = arith.select %lt3A_854, %broadcast_in_dim3A_857, %broadcast_in_dim3A_858 : vector<128x128xi1>, vector<128x128xi32>
    %add3A_860 = arith.addi %add3A_850, %select_n3A_859 : vector<128x128xi32>
    %slice3A_861 = vector.extract_strided_slice %get3A_4 {offsets = [0, 2048], sizes = [1, 128], strides = [1, 1]} : vector<1x4096xi32> to vector<1x128xi32>
    %lt3A_862 = vector.broadcast %slice3A_861 : vector<1x128xi32> to vector<128x128xi32>
    %lt3A_863 = vector.broadcast %slice3A_690 : vector<128x1xi32> to vector<128x128xi32>
    %lt3A_864 = arith.cmpi slt, %lt3A_862, %lt3A_863 : vector<128x128xi32>
    %jit3A_865 = arith.constant 1 : i32
    %jit3A_866 = arith.constant 0 : i32
    %broadcast_in_dim3A_867 = vector.broadcast %jit3A_865 : i32 to vector<128x128xi32>
    %broadcast_in_dim3A_868 = vector.broadcast %jit3A_866 : i32 to vector<128x128xi32>
    %select_n3A_869 = arith.select %lt3A_864, %broadcast_in_dim3A_867, %broadcast_in_dim3A_868 : vector<128x128xi1>, vector<128x128xi32>
    %add3A_870 = arith.addi %add3A_860, %select_n3A_869 : vector<128x128xi32>
    %slice3A_871 = vector.extract_strided_slice %get3A_4 {offsets = [0, 2176], sizes = [1, 128], strides = [1, 1]} : vector<1x4096xi32> to vector<1x128xi32>
    %lt3A_872 = vector.broadcast %slice3A_871 : vector<1x128xi32> to vector<128x128xi32>
    %lt3A_873 = vector.broadcast %slice3A_690 : vector<128x1xi32> to vector<128x128xi32>
    %lt3A_874 = arith.cmpi slt, %lt3A_872, %lt3A_873 : vector<128x128xi32>
    %jit3A_875 = arith.constant 1 : i32
    %jit3A_876 = arith.constant 0 : i32
    %broadcast_in_dim3A_877 = vector.broadcast %jit3A_875 : i32 to vector<128x128xi32>
    %broadcast_in_dim3A_878 = vector.broadcast %jit3A_876 : i32 to vector<128x128xi32>
    %select_n3A_879 = arith.select %lt3A_874, %broadcast_in_dim3A_877, %broadcast_in_dim3A_878 : vector<128x128xi1>, vector<128x128xi32>
    %add3A_880 = arith.addi %add3A_870, %select_n3A_879 : vector<128x128xi32>
    %slice3A_881 = vector.extract_strided_slice %get3A_4 {offsets = [0, 2304], sizes = [1, 128], strides = [1, 1]} : vector<1x4096xi32> to vector<1x128xi32>
    %lt3A_882 = vector.broadcast %slice3A_881 : vector<1x128xi32> to vector<128x128xi32>
    %lt3A_883 = vector.broadcast %slice3A_690 : vector<128x1xi32> to vector<128x128xi32>
    %lt3A_884 = arith.cmpi slt, %lt3A_882, %lt3A_883 : vector<128x128xi32>
    %jit3A_885 = arith.constant 1 : i32
    %jit3A_886 = arith.constant 0 : i32
    %broadcast_in_dim3A_887 = vector.broadcast %jit3A_885 : i32 to vector<128x128xi32>
    %broadcast_in_dim3A_888 = vector.broadcast %jit3A_886 : i32 to vector<128x128xi32>
    %select_n3A_889 = arith.select %lt3A_884, %broadcast_in_dim3A_887, %broadcast_in_dim3A_888 : vector<128x128xi1>, vector<128x128xi32>
    %add3A_890 = arith.addi %add3A_880, %select_n3A_889 : vector<128x128xi32>
    %slice3A_891 = vector.extract_strided_slice %get3A_4 {offsets = [0, 2432], sizes = [1, 128], strides = [1, 1]} : vector<1x4096xi32> to vector<1x128xi32>
    %lt3A_892 = vector.broadcast %slice3A_891 : vector<1x128xi32> to vector<128x128xi32>
    %lt3A_893 = vector.broadcast %slice3A_690 : vector<128x1xi32> to vector<128x128xi32>
    %lt3A_894 = arith.cmpi slt, %lt3A_892, %lt3A_893 : vector<128x128xi32>
    %jit3A_895 = arith.constant 1 : i32
    %jit3A_896 = arith.constant 0 : i32
    %broadcast_in_dim3A_897 = vector.broadcast %jit3A_895 : i32 to vector<128x128xi32>
    %broadcast_in_dim3A_898 = vector.broadcast %jit3A_896 : i32 to vector<128x128xi32>
    %select_n3A_899 = arith.select %lt3A_894, %broadcast_in_dim3A_897, %broadcast_in_dim3A_898 : vector<128x128xi1>, vector<128x128xi32>
    %add3A_900 = arith.addi %add3A_890, %select_n3A_899 : vector<128x128xi32>
    %slice3A_901 = vector.extract_strided_slice %get3A_4 {offsets = [0, 2560], sizes = [1, 128], strides = [1, 1]} : vector<1x4096xi32> to vector<1x128xi32>
    %lt3A_902 = vector.broadcast %slice3A_901 : vector<1x128xi32> to vector<128x128xi32>
    %lt3A_903 = vector.broadcast %slice3A_690 : vector<128x1xi32> to vector<128x128xi32>
    %lt3A_904 = arith.cmpi slt, %lt3A_902, %lt3A_903 : vector<128x128xi32>
    %jit3A_905 = arith.constant 1 : i32
    %jit3A_906 = arith.constant 0 : i32
    %broadcast_in_dim3A_907 = vector.broadcast %jit3A_905 : i32 to vector<128x128xi32>
    %broadcast_in_dim3A_908 = vector.broadcast %jit3A_906 : i32 to vector<128x128xi32>
    %select_n3A_909 = arith.select %lt3A_904, %broadcast_in_dim3A_907, %broadcast_in_dim3A_908 : vector<128x128xi1>, vector<128x128xi32>
    %add3A_910 = arith.addi %add3A_900, %select_n3A_909 : vector<128x128xi32>
    %slice3A_911 = vector.extract_strided_slice %get3A_4 {offsets = [0, 2688], sizes = [1, 128], strides = [1, 1]} : vector<1x4096xi32> to vector<1x128xi32>
    %lt3A_912 = vector.broadcast %slice3A_911 : vector<1x128xi32> to vector<128x128xi32>
    %lt3A_913 = vector.broadcast %slice3A_690 : vector<128x1xi32> to vector<128x128xi32>
    %lt3A_914 = arith.cmpi slt, %lt3A_912, %lt3A_913 : vector<128x128xi32>
    %jit3A_915 = arith.constant 1 : i32
    %jit3A_916 = arith.constant 0 : i32
    %broadcast_in_dim3A_917 = vector.broadcast %jit3A_915 : i32 to vector<128x128xi32>
    %broadcast_in_dim3A_918 = vector.broadcast %jit3A_916 : i32 to vector<128x128xi32>
    %select_n3A_919 = arith.select %lt3A_914, %broadcast_in_dim3A_917, %broadcast_in_dim3A_918 : vector<128x128xi1>, vector<128x128xi32>
    %add3A_920 = arith.addi %add3A_910, %select_n3A_919 : vector<128x128xi32>
    %slice3A_921 = vector.extract_strided_slice %get3A_4 {offsets = [0, 2816], sizes = [1, 128], strides = [1, 1]} : vector<1x4096xi32> to vector<1x128xi32>
    %lt3A_922 = vector.broadcast %slice3A_921 : vector<1x128xi32> to vector<128x128xi32>
    %lt3A_923 = vector.broadcast %slice3A_690 : vector<128x1xi32> to vector<128x128xi32>
    %lt3A_924 = arith.cmpi slt, %lt3A_922, %lt3A_923 : vector<128x128xi32>
    %jit3A_925 = arith.constant 1 : i32
    %jit3A_926 = arith.constant 0 : i32
    %broadcast_in_dim3A_927 = vector.broadcast %jit3A_925 : i32 to vector<128x128xi32>
    %broadcast_in_dim3A_928 = vector.broadcast %jit3A_926 : i32 to vector<128x128xi32>
    %select_n3A_929 = arith.select %lt3A_924, %broadcast_in_dim3A_927, %broadcast_in_dim3A_928 : vector<128x128xi1>, vector<128x128xi32>
    %add3A_930 = arith.addi %add3A_920, %select_n3A_929 : vector<128x128xi32>
    %slice3A_931 = vector.extract_strided_slice %get3A_4 {offsets = [0, 2944], sizes = [1, 128], strides = [1, 1]} : vector<1x4096xi32> to vector<1x128xi32>
    %lt3A_932 = vector.broadcast %slice3A_931 : vector<1x128xi32> to vector<128x128xi32>
    %lt3A_933 = vector.broadcast %slice3A_690 : vector<128x1xi32> to vector<128x128xi32>
    %lt3A_934 = arith.cmpi slt, %lt3A_932, %lt3A_933 : vector<128x128xi32>
    %jit3A_935 = arith.constant 1 : i32
    %jit3A_936 = arith.constant 0 : i32
    %broadcast_in_dim3A_937 = vector.broadcast %jit3A_935 : i32 to vector<128x128xi32>
    %broadcast_in_dim3A_938 = vector.broadcast %jit3A_936 : i32 to vector<128x128xi32>
    %select_n3A_939 = arith.select %lt3A_934, %broadcast_in_dim3A_937, %broadcast_in_dim3A_938 : vector<128x128xi1>, vector<128x128xi32>
    %add3A_940 = arith.addi %add3A_930, %select_n3A_939 : vector<128x128xi32>
    %slice3A_941 = vector.extract_strided_slice %get3A_4 {offsets = [0, 3072], sizes = [1, 128], strides = [1, 1]} : vector<1x4096xi32> to vector<1x128xi32>
    %lt3A_942 = vector.broadcast %slice3A_941 : vector<1x128xi32> to vector<128x128xi32>
    %lt3A_943 = vector.broadcast %slice3A_690 : vector<128x1xi32> to vector<128x128xi32>
    %lt3A_944 = arith.cmpi slt, %lt3A_942, %lt3A_943 : vector<128x128xi32>
    %jit3A_945 = arith.constant 1 : i32
    %jit3A_946 = arith.constant 0 : i32
    %broadcast_in_dim3A_947 = vector.broadcast %jit3A_945 : i32 to vector<128x128xi32>
    %broadcast_in_dim3A_948 = vector.broadcast %jit3A_946 : i32 to vector<128x128xi32>
    %select_n3A_949 = arith.select %lt3A_944, %broadcast_in_dim3A_947, %broadcast_in_dim3A_948 : vector<128x128xi1>, vector<128x128xi32>
    %add3A_950 = arith.addi %add3A_940, %select_n3A_949 : vector<128x128xi32>
    %slice3A_951 = vector.extract_strided_slice %get3A_4 {offsets = [0, 3200], sizes = [1, 128], strides = [1, 1]} : vector<1x4096xi32> to vector<1x128xi32>
    %lt3A_952 = vector.broadcast %slice3A_951 : vector<1x128xi32> to vector<128x128xi32>
    %lt3A_953 = vector.broadcast %slice3A_690 : vector<128x1xi32> to vector<128x128xi32>
    %lt3A_954 = arith.cmpi slt, %lt3A_952, %lt3A_953 : vector<128x128xi32>
    %jit3A_955 = arith.constant 1 : i32
    %jit3A_956 = arith.constant 0 : i32
    %broadcast_in_dim3A_957 = vector.broadcast %jit3A_955 : i32 to vector<128x128xi32>
    %broadcast_in_dim3A_958 = vector.broadcast %jit3A_956 : i32 to vector<128x128xi32>
    %select_n3A_959 = arith.select %lt3A_954, %broadcast_in_dim3A_957, %broadcast_in_dim3A_958 : vector<128x128xi1>, vector<128x128xi32>
    %add3A_960 = arith.addi %add3A_950, %select_n3A_959 : vector<128x128xi32>
    %slice3A_961 = vector.extract_strided_slice %get3A_4 {offsets = [0, 3328], sizes = [1, 128], strides = [1, 1]} : vector<1x4096xi32> to vector<1x128xi32>
    %lt3A_962 = vector.broadcast %slice3A_961 : vector<1x128xi32> to vector<128x128xi32>
    %lt3A_963 = vector.broadcast %slice3A_690 : vector<128x1xi32> to vector<128x128xi32>
    %lt3A_964 = arith.cmpi slt, %lt3A_962, %lt3A_963 : vector<128x128xi32>
    %jit3A_965 = arith.constant 1 : i32
    %jit3A_966 = arith.constant 0 : i32
    %broadcast_in_dim3A_967 = vector.broadcast %jit3A_965 : i32 to vector<128x128xi32>
    %broadcast_in_dim3A_968 = vector.broadcast %jit3A_966 : i32 to vector<128x128xi32>
    %select_n3A_969 = arith.select %lt3A_964, %broadcast_in_dim3A_967, %broadcast_in_dim3A_968 : vector<128x128xi1>, vector<128x128xi32>
    %add3A_970 = arith.addi %add3A_960, %select_n3A_969 : vector<128x128xi32>
    %slice3A_971 = vector.extract_strided_slice %get3A_4 {offsets = [0, 3456], sizes = [1, 128], strides = [1, 1]} : vector<1x4096xi32> to vector<1x128xi32>
    %lt3A_972 = vector.broadcast %slice3A_971 : vector<1x128xi32> to vector<128x128xi32>
    %lt3A_973 = vector.broadcast %slice3A_690 : vector<128x1xi32> to vector<128x128xi32>
    %lt3A_974 = arith.cmpi slt, %lt3A_972, %lt3A_973 : vector<128x128xi32>
    %jit3A_975 = arith.constant 1 : i32
    %jit3A_976 = arith.constant 0 : i32
    %broadcast_in_dim3A_977 = vector.broadcast %jit3A_975 : i32 to vector<128x128xi32>
    %broadcast_in_dim3A_978 = vector.broadcast %jit3A_976 : i32 to vector<128x128xi32>
    %select_n3A_979 = arith.select %lt3A_974, %broadcast_in_dim3A_977, %broadcast_in_dim3A_978 : vector<128x128xi1>, vector<128x128xi32>
    %add3A_980 = arith.addi %add3A_970, %select_n3A_979 : vector<128x128xi32>
    %slice3A_981 = vector.extract_strided_slice %get3A_4 {offsets = [0, 3584], sizes = [1, 128], strides = [1, 1]} : vector<1x4096xi32> to vector<1x128xi32>
    %lt3A_982 = vector.broadcast %slice3A_981 : vector<1x128xi32> to vector<128x128xi32>
    %lt3A_983 = vector.broadcast %slice3A_690 : vector<128x1xi32> to vector<128x128xi32>
    %lt3A_984 = arith.cmpi slt, %lt3A_982, %lt3A_983 : vector<128x128xi32>
    %jit3A_985 = arith.constant 1 : i32
    %jit3A_986 = arith.constant 0 : i32
    %broadcast_in_dim3A_987 = vector.broadcast %jit3A_985 : i32 to vector<128x128xi32>
    %broadcast_in_dim3A_988 = vector.broadcast %jit3A_986 : i32 to vector<128x128xi32>
    %select_n3A_989 = arith.select %lt3A_984, %broadcast_in_dim3A_987, %broadcast_in_dim3A_988 : vector<128x128xi1>, vector<128x128xi32>
    %add3A_990 = arith.addi %add3A_980, %select_n3A_989 : vector<128x128xi32>
    %slice3A_991 = vector.extract_strided_slice %get3A_4 {offsets = [0, 3712], sizes = [1, 128], strides = [1, 1]} : vector<1x4096xi32> to vector<1x128xi32>
    %lt3A_992 = vector.broadcast %slice3A_991 : vector<1x128xi32> to vector<128x128xi32>
    %lt3A_993 = vector.broadcast %slice3A_690 : vector<128x1xi32> to vector<128x128xi32>
    %lt3A_994 = arith.cmpi slt, %lt3A_992, %lt3A_993 : vector<128x128xi32>
    %jit3A_995 = arith.constant 1 : i32
    %jit3A_996 = arith.constant 0 : i32
    %broadcast_in_dim3A_997 = vector.broadcast %jit3A_995 : i32 to vector<128x128xi32>
    %broadcast_in_dim3A_998 = vector.broadcast %jit3A_996 : i32 to vector<128x128xi32>
    %select_n3A_999 = arith.select %lt3A_994, %broadcast_in_dim3A_997, %broadcast_in_dim3A_998 : vector<128x128xi1>, vector<128x128xi32>
    %add3A_1000 = arith.addi %add3A_990, %select_n3A_999 : vector<128x128xi32>
    %slice3A_1001 = vector.extract_strided_slice %get3A_4 {offsets = [0, 3840], sizes = [1, 128], strides = [1, 1]} : vector<1x4096xi32> to vector<1x128xi32>
    %lt3A_1002 = vector.broadcast %slice3A_1001 : vector<1x128xi32> to vector<128x128xi32>
    %lt3A_1003 = vector.broadcast %slice3A_690 : vector<128x1xi32> to vector<128x128xi32>
    %lt3A_1004 = arith.cmpi slt, %lt3A_1002, %lt3A_1003 : vector<128x128xi32>
    %jit3A_1005 = arith.constant 1 : i32
    %jit3A_1006 = arith.constant 0 : i32
    %broadcast_in_dim3A_1007 = vector.broadcast %jit3A_1005 : i32 to vector<128x128xi32>
    %broadcast_in_dim3A_1008 = vector.broadcast %jit3A_1006 : i32 to vector<128x128xi32>
    %select_n3A_1009 = arith.select %lt3A_1004, %broadcast_in_dim3A_1007, %broadcast_in_dim3A_1008 : vector<128x128xi1>, vector<128x128xi32>
    %add3A_1010 = arith.addi %add3A_1000, %select_n3A_1009 : vector<128x128xi32>
    %slice3A_1011 = vector.extract_strided_slice %get3A_4 {offsets = [0, 3968], sizes = [1, 128], strides = [1, 1]} : vector<1x4096xi32> to vector<1x128xi32>
    %lt3A_1012 = vector.broadcast %slice3A_1011 : vector<1x128xi32> to vector<128x128xi32>
    %lt3A_1013 = vector.broadcast %slice3A_690 : vector<128x1xi32> to vector<128x128xi32>
    %lt3A_1014 = arith.cmpi slt, %lt3A_1012, %lt3A_1013 : vector<128x128xi32>
    %jit3A_1015 = arith.constant 1 : i32
    %jit3A_1016 = arith.constant 0 : i32
    %broadcast_in_dim3A_1017 = vector.broadcast %jit3A_1015 : i32 to vector<128x128xi32>
    %broadcast_in_dim3A_1018 = vector.broadcast %jit3A_1016 : i32 to vector<128x128xi32>
    %select_n3A_1019 = arith.select %lt3A_1014, %broadcast_in_dim3A_1017, %broadcast_in_dim3A_1018 : vector<128x128xi1>, vector<128x128xi32>
    %add3A_1020 = arith.addi %add3A_1010, %select_n3A_1019 : vector<128x128xi32>
    %reduce_sum3A_1021 = arith.constant dense<0> : vector<128xi32>
    %reduce_sum3A_1022 = vector.multi_reduction <add>, %add3A_1020, %reduce_sum3A_1021 [1] : vector<128x128xi32> to vector<128xi32>
    %broadcast_in_dim3A_1023 = vector.shape_cast %reduce_sum3A_1022 : vector<128xi32> to vector<128x1xi32>
    %slice3A_1024 = vector.extract_strided_slice %add3A {offsets = [0, 3], sizes = [128, 1], strides = [1, 1]} : vector<128x8xi32> to vector<128x1xi32>
    %slice3A_1025 = vector.extract_strided_slice %get3A_11 {offsets = [3, 0], sizes = [1, 128], strides = [1, 1]} : vector<8x128xi32> to vector<1x128xi32>
    %eq3A_1026 = vector.broadcast %slice3A_1025 : vector<1x128xi32> to vector<128x128xi32>
    %eq3A_1027 = vector.broadcast %slice3A_1024 : vector<128x1xi32> to vector<128x128xi32>
    %eq3A_1028 = arith.cmpi eq, %eq3A_1026, %eq3A_1027 : vector<128x128xi32>
    %and3A_1029 = arith.andi %eq3A_1028, %lt3A : vector<128x128xi1>
    %jit3A_1030 = arith.constant 1 : i32
    %jit3A_1031 = arith.constant 0 : i32
    %broadcast_in_dim3A_1032 = vector.broadcast %jit3A_1030 : i32 to vector<128x128xi32>
    %broadcast_in_dim3A_1033 = vector.broadcast %jit3A_1031 : i32 to vector<128x128xi32>
    %select_n3A_1034 = arith.select %and3A_1029, %broadcast_in_dim3A_1032, %broadcast_in_dim3A_1033 : vector<128x128xi1>, vector<128x128xi32>
    %slice3A_1035 = vector.extract_strided_slice %get3A_4 {offsets = [0, 0], sizes = [1, 128], strides = [1, 1]} : vector<1x4096xi32> to vector<1x128xi32>
    %lt3A_1036 = vector.broadcast %slice3A_1035 : vector<1x128xi32> to vector<128x128xi32>
    %lt3A_1037 = vector.broadcast %slice3A_1024 : vector<128x1xi32> to vector<128x128xi32>
    %lt3A_1038 = arith.cmpi slt, %lt3A_1036, %lt3A_1037 : vector<128x128xi32>
    %jit3A_1039 = arith.constant 1 : i32
    %jit3A_1040 = arith.constant 0 : i32
    %broadcast_in_dim3A_1041 = vector.broadcast %jit3A_1039 : i32 to vector<128x128xi32>
    %broadcast_in_dim3A_1042 = vector.broadcast %jit3A_1040 : i32 to vector<128x128xi32>
    %select_n3A_1043 = arith.select %lt3A_1038, %broadcast_in_dim3A_1041, %broadcast_in_dim3A_1042 : vector<128x128xi1>, vector<128x128xi32>
    %add3A_1044 = arith.addi %select_n3A_1034, %select_n3A_1043 : vector<128x128xi32>
    %slice3A_1045 = vector.extract_strided_slice %get3A_4 {offsets = [0, 128], sizes = [1, 128], strides = [1, 1]} : vector<1x4096xi32> to vector<1x128xi32>
    %lt3A_1046 = vector.broadcast %slice3A_1045 : vector<1x128xi32> to vector<128x128xi32>
    %lt3A_1047 = vector.broadcast %slice3A_1024 : vector<128x1xi32> to vector<128x128xi32>
    %lt3A_1048 = arith.cmpi slt, %lt3A_1046, %lt3A_1047 : vector<128x128xi32>
    %jit3A_1049 = arith.constant 1 : i32
    %jit3A_1050 = arith.constant 0 : i32
    %broadcast_in_dim3A_1051 = vector.broadcast %jit3A_1049 : i32 to vector<128x128xi32>
    %broadcast_in_dim3A_1052 = vector.broadcast %jit3A_1050 : i32 to vector<128x128xi32>
    %select_n3A_1053 = arith.select %lt3A_1048, %broadcast_in_dim3A_1051, %broadcast_in_dim3A_1052 : vector<128x128xi1>, vector<128x128xi32>
    %add3A_1054 = arith.addi %add3A_1044, %select_n3A_1053 : vector<128x128xi32>
    %slice3A_1055 = vector.extract_strided_slice %get3A_4 {offsets = [0, 256], sizes = [1, 128], strides = [1, 1]} : vector<1x4096xi32> to vector<1x128xi32>
    %lt3A_1056 = vector.broadcast %slice3A_1055 : vector<1x128xi32> to vector<128x128xi32>
    %lt3A_1057 = vector.broadcast %slice3A_1024 : vector<128x1xi32> to vector<128x128xi32>
    %lt3A_1058 = arith.cmpi slt, %lt3A_1056, %lt3A_1057 : vector<128x128xi32>
    %jit3A_1059 = arith.constant 1 : i32
    %jit3A_1060 = arith.constant 0 : i32
    %broadcast_in_dim3A_1061 = vector.broadcast %jit3A_1059 : i32 to vector<128x128xi32>
    %broadcast_in_dim3A_1062 = vector.broadcast %jit3A_1060 : i32 to vector<128x128xi32>
    %select_n3A_1063 = arith.select %lt3A_1058, %broadcast_in_dim3A_1061, %broadcast_in_dim3A_1062 : vector<128x128xi1>, vector<128x128xi32>
    %add3A_1064 = arith.addi %add3A_1054, %select_n3A_1063 : vector<128x128xi32>
    %slice3A_1065 = vector.extract_strided_slice %get3A_4 {offsets = [0, 384], sizes = [1, 128], strides = [1, 1]} : vector<1x4096xi32> to vector<1x128xi32>
    %lt3A_1066 = vector.broadcast %slice3A_1065 : vector<1x128xi32> to vector<128x128xi32>
    %lt3A_1067 = vector.broadcast %slice3A_1024 : vector<128x1xi32> to vector<128x128xi32>
    %lt3A_1068 = arith.cmpi slt, %lt3A_1066, %lt3A_1067 : vector<128x128xi32>
    %jit3A_1069 = arith.constant 1 : i32
    %jit3A_1070 = arith.constant 0 : i32
    %broadcast_in_dim3A_1071 = vector.broadcast %jit3A_1069 : i32 to vector<128x128xi32>
    %broadcast_in_dim3A_1072 = vector.broadcast %jit3A_1070 : i32 to vector<128x128xi32>
    %select_n3A_1073 = arith.select %lt3A_1068, %broadcast_in_dim3A_1071, %broadcast_in_dim3A_1072 : vector<128x128xi1>, vector<128x128xi32>
    %add3A_1074 = arith.addi %add3A_1064, %select_n3A_1073 : vector<128x128xi32>
    %slice3A_1075 = vector.extract_strided_slice %get3A_4 {offsets = [0, 512], sizes = [1, 128], strides = [1, 1]} : vector<1x4096xi32> to vector<1x128xi32>
    %lt3A_1076 = vector.broadcast %slice3A_1075 : vector<1x128xi32> to vector<128x128xi32>
    %lt3A_1077 = vector.broadcast %slice3A_1024 : vector<128x1xi32> to vector<128x128xi32>
    %lt3A_1078 = arith.cmpi slt, %lt3A_1076, %lt3A_1077 : vector<128x128xi32>
    %jit3A_1079 = arith.constant 1 : i32
    %jit3A_1080 = arith.constant 0 : i32
    %broadcast_in_dim3A_1081 = vector.broadcast %jit3A_1079 : i32 to vector<128x128xi32>
    %broadcast_in_dim3A_1082 = vector.broadcast %jit3A_1080 : i32 to vector<128x128xi32>
    %select_n3A_1083 = arith.select %lt3A_1078, %broadcast_in_dim3A_1081, %broadcast_in_dim3A_1082 : vector<128x128xi1>, vector<128x128xi32>
    %add3A_1084 = arith.addi %add3A_1074, %select_n3A_1083 : vector<128x128xi32>
    %slice3A_1085 = vector.extract_strided_slice %get3A_4 {offsets = [0, 640], sizes = [1, 128], strides = [1, 1]} : vector<1x4096xi32> to vector<1x128xi32>
    %lt3A_1086 = vector.broadcast %slice3A_1085 : vector<1x128xi32> to vector<128x128xi32>
    %lt3A_1087 = vector.broadcast %slice3A_1024 : vector<128x1xi32> to vector<128x128xi32>
    %lt3A_1088 = arith.cmpi slt, %lt3A_1086, %lt3A_1087 : vector<128x128xi32>
    %jit3A_1089 = arith.constant 1 : i32
    %jit3A_1090 = arith.constant 0 : i32
    %broadcast_in_dim3A_1091 = vector.broadcast %jit3A_1089 : i32 to vector<128x128xi32>
    %broadcast_in_dim3A_1092 = vector.broadcast %jit3A_1090 : i32 to vector<128x128xi32>
    %select_n3A_1093 = arith.select %lt3A_1088, %broadcast_in_dim3A_1091, %broadcast_in_dim3A_1092 : vector<128x128xi1>, vector<128x128xi32>
    %add3A_1094 = arith.addi %add3A_1084, %select_n3A_1093 : vector<128x128xi32>
    %slice3A_1095 = vector.extract_strided_slice %get3A_4 {offsets = [0, 768], sizes = [1, 128], strides = [1, 1]} : vector<1x4096xi32> to vector<1x128xi32>
    %lt3A_1096 = vector.broadcast %slice3A_1095 : vector<1x128xi32> to vector<128x128xi32>
    %lt3A_1097 = vector.broadcast %slice3A_1024 : vector<128x1xi32> to vector<128x128xi32>
    %lt3A_1098 = arith.cmpi slt, %lt3A_1096, %lt3A_1097 : vector<128x128xi32>
    %jit3A_1099 = arith.constant 1 : i32
    %jit3A_1100 = arith.constant 0 : i32
    %broadcast_in_dim3A_1101 = vector.broadcast %jit3A_1099 : i32 to vector<128x128xi32>
    %broadcast_in_dim3A_1102 = vector.broadcast %jit3A_1100 : i32 to vector<128x128xi32>
    %select_n3A_1103 = arith.select %lt3A_1098, %broadcast_in_dim3A_1101, %broadcast_in_dim3A_1102 : vector<128x128xi1>, vector<128x128xi32>
    %add3A_1104 = arith.addi %add3A_1094, %select_n3A_1103 : vector<128x128xi32>
    %slice3A_1105 = vector.extract_strided_slice %get3A_4 {offsets = [0, 896], sizes = [1, 128], strides = [1, 1]} : vector<1x4096xi32> to vector<1x128xi32>
    %lt3A_1106 = vector.broadcast %slice3A_1105 : vector<1x128xi32> to vector<128x128xi32>
    %lt3A_1107 = vector.broadcast %slice3A_1024 : vector<128x1xi32> to vector<128x128xi32>
    %lt3A_1108 = arith.cmpi slt, %lt3A_1106, %lt3A_1107 : vector<128x128xi32>
    %jit3A_1109 = arith.constant 1 : i32
    %jit3A_1110 = arith.constant 0 : i32
    %broadcast_in_dim3A_1111 = vector.broadcast %jit3A_1109 : i32 to vector<128x128xi32>
    %broadcast_in_dim3A_1112 = vector.broadcast %jit3A_1110 : i32 to vector<128x128xi32>
    %select_n3A_1113 = arith.select %lt3A_1108, %broadcast_in_dim3A_1111, %broadcast_in_dim3A_1112 : vector<128x128xi1>, vector<128x128xi32>
    %add3A_1114 = arith.addi %add3A_1104, %select_n3A_1113 : vector<128x128xi32>
    %slice3A_1115 = vector.extract_strided_slice %get3A_4 {offsets = [0, 1024], sizes = [1, 128], strides = [1, 1]} : vector<1x4096xi32> to vector<1x128xi32>
    %lt3A_1116 = vector.broadcast %slice3A_1115 : vector<1x128xi32> to vector<128x128xi32>
    %lt3A_1117 = vector.broadcast %slice3A_1024 : vector<128x1xi32> to vector<128x128xi32>
    %lt3A_1118 = arith.cmpi slt, %lt3A_1116, %lt3A_1117 : vector<128x128xi32>
    %jit3A_1119 = arith.constant 1 : i32
    %jit3A_1120 = arith.constant 0 : i32
    %broadcast_in_dim3A_1121 = vector.broadcast %jit3A_1119 : i32 to vector<128x128xi32>
    %broadcast_in_dim3A_1122 = vector.broadcast %jit3A_1120 : i32 to vector<128x128xi32>
    %select_n3A_1123 = arith.select %lt3A_1118, %broadcast_in_dim3A_1121, %broadcast_in_dim3A_1122 : vector<128x128xi1>, vector<128x128xi32>
    %add3A_1124 = arith.addi %add3A_1114, %select_n3A_1123 : vector<128x128xi32>
    %slice3A_1125 = vector.extract_strided_slice %get3A_4 {offsets = [0, 1152], sizes = [1, 128], strides = [1, 1]} : vector<1x4096xi32> to vector<1x128xi32>
    %lt3A_1126 = vector.broadcast %slice3A_1125 : vector<1x128xi32> to vector<128x128xi32>
    %lt3A_1127 = vector.broadcast %slice3A_1024 : vector<128x1xi32> to vector<128x128xi32>
    %lt3A_1128 = arith.cmpi slt, %lt3A_1126, %lt3A_1127 : vector<128x128xi32>
    %jit3A_1129 = arith.constant 1 : i32
    %jit3A_1130 = arith.constant 0 : i32
    %broadcast_in_dim3A_1131 = vector.broadcast %jit3A_1129 : i32 to vector<128x128xi32>
    %broadcast_in_dim3A_1132 = vector.broadcast %jit3A_1130 : i32 to vector<128x128xi32>
    %select_n3A_1133 = arith.select %lt3A_1128, %broadcast_in_dim3A_1131, %broadcast_in_dim3A_1132 : vector<128x128xi1>, vector<128x128xi32>
    %add3A_1134 = arith.addi %add3A_1124, %select_n3A_1133 : vector<128x128xi32>
    %slice3A_1135 = vector.extract_strided_slice %get3A_4 {offsets = [0, 1280], sizes = [1, 128], strides = [1, 1]} : vector<1x4096xi32> to vector<1x128xi32>
    %lt3A_1136 = vector.broadcast %slice3A_1135 : vector<1x128xi32> to vector<128x128xi32>
    %lt3A_1137 = vector.broadcast %slice3A_1024 : vector<128x1xi32> to vector<128x128xi32>
    %lt3A_1138 = arith.cmpi slt, %lt3A_1136, %lt3A_1137 : vector<128x128xi32>
    %jit3A_1139 = arith.constant 1 : i32
    %jit3A_1140 = arith.constant 0 : i32
    %broadcast_in_dim3A_1141 = vector.broadcast %jit3A_1139 : i32 to vector<128x128xi32>
    %broadcast_in_dim3A_1142 = vector.broadcast %jit3A_1140 : i32 to vector<128x128xi32>
    %select_n3A_1143 = arith.select %lt3A_1138, %broadcast_in_dim3A_1141, %broadcast_in_dim3A_1142 : vector<128x128xi1>, vector<128x128xi32>
    %add3A_1144 = arith.addi %add3A_1134, %select_n3A_1143 : vector<128x128xi32>
    %slice3A_1145 = vector.extract_strided_slice %get3A_4 {offsets = [0, 1408], sizes = [1, 128], strides = [1, 1]} : vector<1x4096xi32> to vector<1x128xi32>
    %lt3A_1146 = vector.broadcast %slice3A_1145 : vector<1x128xi32> to vector<128x128xi32>
    %lt3A_1147 = vector.broadcast %slice3A_1024 : vector<128x1xi32> to vector<128x128xi32>
    %lt3A_1148 = arith.cmpi slt, %lt3A_1146, %lt3A_1147 : vector<128x128xi32>
    %jit3A_1149 = arith.constant 1 : i32
    %jit3A_1150 = arith.constant 0 : i32
    %broadcast_in_dim3A_1151 = vector.broadcast %jit3A_1149 : i32 to vector<128x128xi32>
    %broadcast_in_dim3A_1152 = vector.broadcast %jit3A_1150 : i32 to vector<128x128xi32>
    %select_n3A_1153 = arith.select %lt3A_1148, %broadcast_in_dim3A_1151, %broadcast_in_dim3A_1152 : vector<128x128xi1>, vector<128x128xi32>
    %add3A_1154 = arith.addi %add3A_1144, %select_n3A_1153 : vector<128x128xi32>
    %slice3A_1155 = vector.extract_strided_slice %get3A_4 {offsets = [0, 1536], sizes = [1, 128], strides = [1, 1]} : vector<1x4096xi32> to vector<1x128xi32>
    %lt3A_1156 = vector.broadcast %slice3A_1155 : vector<1x128xi32> to vector<128x128xi32>
    %lt3A_1157 = vector.broadcast %slice3A_1024 : vector<128x1xi32> to vector<128x128xi32>
    %lt3A_1158 = arith.cmpi slt, %lt3A_1156, %lt3A_1157 : vector<128x128xi32>
    %jit3A_1159 = arith.constant 1 : i32
    %jit3A_1160 = arith.constant 0 : i32
    %broadcast_in_dim3A_1161 = vector.broadcast %jit3A_1159 : i32 to vector<128x128xi32>
    %broadcast_in_dim3A_1162 = vector.broadcast %jit3A_1160 : i32 to vector<128x128xi32>
    %select_n3A_1163 = arith.select %lt3A_1158, %broadcast_in_dim3A_1161, %broadcast_in_dim3A_1162 : vector<128x128xi1>, vector<128x128xi32>
    %add3A_1164 = arith.addi %add3A_1154, %select_n3A_1163 : vector<128x128xi32>
    %slice3A_1165 = vector.extract_strided_slice %get3A_4 {offsets = [0, 1664], sizes = [1, 128], strides = [1, 1]} : vector<1x4096xi32> to vector<1x128xi32>
    %lt3A_1166 = vector.broadcast %slice3A_1165 : vector<1x128xi32> to vector<128x128xi32>
    %lt3A_1167 = vector.broadcast %slice3A_1024 : vector<128x1xi32> to vector<128x128xi32>
    %lt3A_1168 = arith.cmpi slt, %lt3A_1166, %lt3A_1167 : vector<128x128xi32>
    %jit3A_1169 = arith.constant 1 : i32
    %jit3A_1170 = arith.constant 0 : i32
    %broadcast_in_dim3A_1171 = vector.broadcast %jit3A_1169 : i32 to vector<128x128xi32>
    %broadcast_in_dim3A_1172 = vector.broadcast %jit3A_1170 : i32 to vector<128x128xi32>
    %select_n3A_1173 = arith.select %lt3A_1168, %broadcast_in_dim3A_1171, %broadcast_in_dim3A_1172 : vector<128x128xi1>, vector<128x128xi32>
    %add3A_1174 = arith.addi %add3A_1164, %select_n3A_1173 : vector<128x128xi32>
    %slice3A_1175 = vector.extract_strided_slice %get3A_4 {offsets = [0, 1792], sizes = [1, 128], strides = [1, 1]} : vector<1x4096xi32> to vector<1x128xi32>
    %lt3A_1176 = vector.broadcast %slice3A_1175 : vector<1x128xi32> to vector<128x128xi32>
    %lt3A_1177 = vector.broadcast %slice3A_1024 : vector<128x1xi32> to vector<128x128xi32>
    %lt3A_1178 = arith.cmpi slt, %lt3A_1176, %lt3A_1177 : vector<128x128xi32>
    %jit3A_1179 = arith.constant 1 : i32
    %jit3A_1180 = arith.constant 0 : i32
    %broadcast_in_dim3A_1181 = vector.broadcast %jit3A_1179 : i32 to vector<128x128xi32>
    %broadcast_in_dim3A_1182 = vector.broadcast %jit3A_1180 : i32 to vector<128x128xi32>
    %select_n3A_1183 = arith.select %lt3A_1178, %broadcast_in_dim3A_1181, %broadcast_in_dim3A_1182 : vector<128x128xi1>, vector<128x128xi32>
    %add3A_1184 = arith.addi %add3A_1174, %select_n3A_1183 : vector<128x128xi32>
    %slice3A_1185 = vector.extract_strided_slice %get3A_4 {offsets = [0, 1920], sizes = [1, 128], strides = [1, 1]} : vector<1x4096xi32> to vector<1x128xi32>
    %lt3A_1186 = vector.broadcast %slice3A_1185 : vector<1x128xi32> to vector<128x128xi32>
    %lt3A_1187 = vector.broadcast %slice3A_1024 : vector<128x1xi32> to vector<128x128xi32>
    %lt3A_1188 = arith.cmpi slt, %lt3A_1186, %lt3A_1187 : vector<128x128xi32>
    %jit3A_1189 = arith.constant 1 : i32
    %jit3A_1190 = arith.constant 0 : i32
    %broadcast_in_dim3A_1191 = vector.broadcast %jit3A_1189 : i32 to vector<128x128xi32>
    %broadcast_in_dim3A_1192 = vector.broadcast %jit3A_1190 : i32 to vector<128x128xi32>
    %select_n3A_1193 = arith.select %lt3A_1188, %broadcast_in_dim3A_1191, %broadcast_in_dim3A_1192 : vector<128x128xi1>, vector<128x128xi32>
    %add3A_1194 = arith.addi %add3A_1184, %select_n3A_1193 : vector<128x128xi32>
    %slice3A_1195 = vector.extract_strided_slice %get3A_4 {offsets = [0, 2048], sizes = [1, 128], strides = [1, 1]} : vector<1x4096xi32> to vector<1x128xi32>
    %lt3A_1196 = vector.broadcast %slice3A_1195 : vector<1x128xi32> to vector<128x128xi32>
    %lt3A_1197 = vector.broadcast %slice3A_1024 : vector<128x1xi32> to vector<128x128xi32>
    %lt3A_1198 = arith.cmpi slt, %lt3A_1196, %lt3A_1197 : vector<128x128xi32>
    %jit3A_1199 = arith.constant 1 : i32
    %jit3A_1200 = arith.constant 0 : i32
    %broadcast_in_dim3A_1201 = vector.broadcast %jit3A_1199 : i32 to vector<128x128xi32>
    %broadcast_in_dim3A_1202 = vector.broadcast %jit3A_1200 : i32 to vector<128x128xi32>
    %select_n3A_1203 = arith.select %lt3A_1198, %broadcast_in_dim3A_1201, %broadcast_in_dim3A_1202 : vector<128x128xi1>, vector<128x128xi32>
    %add3A_1204 = arith.addi %add3A_1194, %select_n3A_1203 : vector<128x128xi32>
    %slice3A_1205 = vector.extract_strided_slice %get3A_4 {offsets = [0, 2176], sizes = [1, 128], strides = [1, 1]} : vector<1x4096xi32> to vector<1x128xi32>
    %lt3A_1206 = vector.broadcast %slice3A_1205 : vector<1x128xi32> to vector<128x128xi32>
    %lt3A_1207 = vector.broadcast %slice3A_1024 : vector<128x1xi32> to vector<128x128xi32>
    %lt3A_1208 = arith.cmpi slt, %lt3A_1206, %lt3A_1207 : vector<128x128xi32>
    %jit3A_1209 = arith.constant 1 : i32
    %jit3A_1210 = arith.constant 0 : i32
    %broadcast_in_dim3A_1211 = vector.broadcast %jit3A_1209 : i32 to vector<128x128xi32>
    %broadcast_in_dim3A_1212 = vector.broadcast %jit3A_1210 : i32 to vector<128x128xi32>
    %select_n3A_1213 = arith.select %lt3A_1208, %broadcast_in_dim3A_1211, %broadcast_in_dim3A_1212 : vector<128x128xi1>, vector<128x128xi32>
    %add3A_1214 = arith.addi %add3A_1204, %select_n3A_1213 : vector<128x128xi32>
    %slice3A_1215 = vector.extract_strided_slice %get3A_4 {offsets = [0, 2304], sizes = [1, 128], strides = [1, 1]} : vector<1x4096xi32> to vector<1x128xi32>
    %lt3A_1216 = vector.broadcast %slice3A_1215 : vector<1x128xi32> to vector<128x128xi32>
    %lt3A_1217 = vector.broadcast %slice3A_1024 : vector<128x1xi32> to vector<128x128xi32>
    %lt3A_1218 = arith.cmpi slt, %lt3A_1216, %lt3A_1217 : vector<128x128xi32>
    %jit3A_1219 = arith.constant 1 : i32
    %jit3A_1220 = arith.constant 0 : i32
    %broadcast_in_dim3A_1221 = vector.broadcast %jit3A_1219 : i32 to vector<128x128xi32>
    %broadcast_in_dim3A_1222 = vector.broadcast %jit3A_1220 : i32 to vector<128x128xi32>
    %select_n3A_1223 = arith.select %lt3A_1218, %broadcast_in_dim3A_1221, %broadcast_in_dim3A_1222 : vector<128x128xi1>, vector<128x128xi32>
    %add3A_1224 = arith.addi %add3A_1214, %select_n3A_1223 : vector<128x128xi32>
    %slice3A_1225 = vector.extract_strided_slice %get3A_4 {offsets = [0, 2432], sizes = [1, 128], strides = [1, 1]} : vector<1x4096xi32> to vector<1x128xi32>
    %lt3A_1226 = vector.broadcast %slice3A_1225 : vector<1x128xi32> to vector<128x128xi32>
    %lt3A_1227 = vector.broadcast %slice3A_1024 : vector<128x1xi32> to vector<128x128xi32>
    %lt3A_1228 = arith.cmpi slt, %lt3A_1226, %lt3A_1227 : vector<128x128xi32>
    %jit3A_1229 = arith.constant 1 : i32
    %jit3A_1230 = arith.constant 0 : i32
    %broadcast_in_dim3A_1231 = vector.broadcast %jit3A_1229 : i32 to vector<128x128xi32>
    %broadcast_in_dim3A_1232 = vector.broadcast %jit3A_1230 : i32 to vector<128x128xi32>
    %select_n3A_1233 = arith.select %lt3A_1228, %broadcast_in_dim3A_1231, %broadcast_in_dim3A_1232 : vector<128x128xi1>, vector<128x128xi32>
    %add3A_1234 = arith.addi %add3A_1224, %select_n3A_1233 : vector<128x128xi32>
    %slice3A_1235 = vector.extract_strided_slice %get3A_4 {offsets = [0, 2560], sizes = [1, 128], strides = [1, 1]} : vector<1x4096xi32> to vector<1x128xi32>
    %lt3A_1236 = vector.broadcast %slice3A_1235 : vector<1x128xi32> to vector<128x128xi32>
    %lt3A_1237 = vector.broadcast %slice3A_1024 : vector<128x1xi32> to vector<128x128xi32>
    %lt3A_1238 = arith.cmpi slt, %lt3A_1236, %lt3A_1237 : vector<128x128xi32>
    %jit3A_1239 = arith.constant 1 : i32
    %jit3A_1240 = arith.constant 0 : i32
    %broadcast_in_dim3A_1241 = vector.broadcast %jit3A_1239 : i32 to vector<128x128xi32>
    %broadcast_in_dim3A_1242 = vector.broadcast %jit3A_1240 : i32 to vector<128x128xi32>
    %select_n3A_1243 = arith.select %lt3A_1238, %broadcast_in_dim3A_1241, %broadcast_in_dim3A_1242 : vector<128x128xi1>, vector<128x128xi32>
    %add3A_1244 = arith.addi %add3A_1234, %select_n3A_1243 : vector<128x128xi32>
    %slice3A_1245 = vector.extract_strided_slice %get3A_4 {offsets = [0, 2688], sizes = [1, 128], strides = [1, 1]} : vector<1x4096xi32> to vector<1x128xi32>
    %lt3A_1246 = vector.broadcast %slice3A_1245 : vector<1x128xi32> to vector<128x128xi32>
    %lt3A_1247 = vector.broadcast %slice3A_1024 : vector<128x1xi32> to vector<128x128xi32>
    %lt3A_1248 = arith.cmpi slt, %lt3A_1246, %lt3A_1247 : vector<128x128xi32>
    %jit3A_1249 = arith.constant 1 : i32
    %jit3A_1250 = arith.constant 0 : i32
    %broadcast_in_dim3A_1251 = vector.broadcast %jit3A_1249 : i32 to vector<128x128xi32>
    %broadcast_in_dim3A_1252 = vector.broadcast %jit3A_1250 : i32 to vector<128x128xi32>
    %select_n3A_1253 = arith.select %lt3A_1248, %broadcast_in_dim3A_1251, %broadcast_in_dim3A_1252 : vector<128x128xi1>, vector<128x128xi32>
    %add3A_1254 = arith.addi %add3A_1244, %select_n3A_1253 : vector<128x128xi32>
    %slice3A_1255 = vector.extract_strided_slice %get3A_4 {offsets = [0, 2816], sizes = [1, 128], strides = [1, 1]} : vector<1x4096xi32> to vector<1x128xi32>
    %lt3A_1256 = vector.broadcast %slice3A_1255 : vector<1x128xi32> to vector<128x128xi32>
    %lt3A_1257 = vector.broadcast %slice3A_1024 : vector<128x1xi32> to vector<128x128xi32>
    %lt3A_1258 = arith.cmpi slt, %lt3A_1256, %lt3A_1257 : vector<128x128xi32>
    %jit3A_1259 = arith.constant 1 : i32
    %jit3A_1260 = arith.constant 0 : i32
    %broadcast_in_dim3A_1261 = vector.broadcast %jit3A_1259 : i32 to vector<128x128xi32>
    %broadcast_in_dim3A_1262 = vector.broadcast %jit3A_1260 : i32 to vector<128x128xi32>
    %select_n3A_1263 = arith.select %lt3A_1258, %broadcast_in_dim3A_1261, %broadcast_in_dim3A_1262 : vector<128x128xi1>, vector<128x128xi32>
    %add3A_1264 = arith.addi %add3A_1254, %select_n3A_1263 : vector<128x128xi32>
    %slice3A_1265 = vector.extract_strided_slice %get3A_4 {offsets = [0, 2944], sizes = [1, 128], strides = [1, 1]} : vector<1x4096xi32> to vector<1x128xi32>
    %lt3A_1266 = vector.broadcast %slice3A_1265 : vector<1x128xi32> to vector<128x128xi32>
    %lt3A_1267 = vector.broadcast %slice3A_1024 : vector<128x1xi32> to vector<128x128xi32>
    %lt3A_1268 = arith.cmpi slt, %lt3A_1266, %lt3A_1267 : vector<128x128xi32>
    %jit3A_1269 = arith.constant 1 : i32
    %jit3A_1270 = arith.constant 0 : i32
    %broadcast_in_dim3A_1271 = vector.broadcast %jit3A_1269 : i32 to vector<128x128xi32>
    %broadcast_in_dim3A_1272 = vector.broadcast %jit3A_1270 : i32 to vector<128x128xi32>
    %select_n3A_1273 = arith.select %lt3A_1268, %broadcast_in_dim3A_1271, %broadcast_in_dim3A_1272 : vector<128x128xi1>, vector<128x128xi32>
    %add3A_1274 = arith.addi %add3A_1264, %select_n3A_1273 : vector<128x128xi32>
    %slice3A_1275 = vector.extract_strided_slice %get3A_4 {offsets = [0, 3072], sizes = [1, 128], strides = [1, 1]} : vector<1x4096xi32> to vector<1x128xi32>
    %lt3A_1276 = vector.broadcast %slice3A_1275 : vector<1x128xi32> to vector<128x128xi32>
    %lt3A_1277 = vector.broadcast %slice3A_1024 : vector<128x1xi32> to vector<128x128xi32>
    %lt3A_1278 = arith.cmpi slt, %lt3A_1276, %lt3A_1277 : vector<128x128xi32>
    %jit3A_1279 = arith.constant 1 : i32
    %jit3A_1280 = arith.constant 0 : i32
    %broadcast_in_dim3A_1281 = vector.broadcast %jit3A_1279 : i32 to vector<128x128xi32>
    %broadcast_in_dim3A_1282 = vector.broadcast %jit3A_1280 : i32 to vector<128x128xi32>
    %select_n3A_1283 = arith.select %lt3A_1278, %broadcast_in_dim3A_1281, %broadcast_in_dim3A_1282 : vector<128x128xi1>, vector<128x128xi32>
    %add3A_1284 = arith.addi %add3A_1274, %select_n3A_1283 : vector<128x128xi32>
    %slice3A_1285 = vector.extract_strided_slice %get3A_4 {offsets = [0, 3200], sizes = [1, 128], strides = [1, 1]} : vector<1x4096xi32> to vector<1x128xi32>
    %lt3A_1286 = vector.broadcast %slice3A_1285 : vector<1x128xi32> to vector<128x128xi32>
    %lt3A_1287 = vector.broadcast %slice3A_1024 : vector<128x1xi32> to vector<128x128xi32>
    %lt3A_1288 = arith.cmpi slt, %lt3A_1286, %lt3A_1287 : vector<128x128xi32>
    %jit3A_1289 = arith.constant 1 : i32
    %jit3A_1290 = arith.constant 0 : i32
    %broadcast_in_dim3A_1291 = vector.broadcast %jit3A_1289 : i32 to vector<128x128xi32>
    %broadcast_in_dim3A_1292 = vector.broadcast %jit3A_1290 : i32 to vector<128x128xi32>
    %select_n3A_1293 = arith.select %lt3A_1288, %broadcast_in_dim3A_1291, %broadcast_in_dim3A_1292 : vector<128x128xi1>, vector<128x128xi32>
    %add3A_1294 = arith.addi %add3A_1284, %select_n3A_1293 : vector<128x128xi32>
    %slice3A_1295 = vector.extract_strided_slice %get3A_4 {offsets = [0, 3328], sizes = [1, 128], strides = [1, 1]} : vector<1x4096xi32> to vector<1x128xi32>
    %lt3A_1296 = vector.broadcast %slice3A_1295 : vector<1x128xi32> to vector<128x128xi32>
    %lt3A_1297 = vector.broadcast %slice3A_1024 : vector<128x1xi32> to vector<128x128xi32>
    %lt3A_1298 = arith.cmpi slt, %lt3A_1296, %lt3A_1297 : vector<128x128xi32>
    %jit3A_1299 = arith.constant 1 : i32
    %jit3A_1300 = arith.constant 0 : i32
    %broadcast_in_dim3A_1301 = vector.broadcast %jit3A_1299 : i32 to vector<128x128xi32>
    %broadcast_in_dim3A_1302 = vector.broadcast %jit3A_1300 : i32 to vector<128x128xi32>
    %select_n3A_1303 = arith.select %lt3A_1298, %broadcast_in_dim3A_1301, %broadcast_in_dim3A_1302 : vector<128x128xi1>, vector<128x128xi32>
    %add3A_1304 = arith.addi %add3A_1294, %select_n3A_1303 : vector<128x128xi32>
    %slice3A_1305 = vector.extract_strided_slice %get3A_4 {offsets = [0, 3456], sizes = [1, 128], strides = [1, 1]} : vector<1x4096xi32> to vector<1x128xi32>
    %lt3A_1306 = vector.broadcast %slice3A_1305 : vector<1x128xi32> to vector<128x128xi32>
    %lt3A_1307 = vector.broadcast %slice3A_1024 : vector<128x1xi32> to vector<128x128xi32>
    %lt3A_1308 = arith.cmpi slt, %lt3A_1306, %lt3A_1307 : vector<128x128xi32>
    %jit3A_1309 = arith.constant 1 : i32
    %jit3A_1310 = arith.constant 0 : i32
    %broadcast_in_dim3A_1311 = vector.broadcast %jit3A_1309 : i32 to vector<128x128xi32>
    %broadcast_in_dim3A_1312 = vector.broadcast %jit3A_1310 : i32 to vector<128x128xi32>
    %select_n3A_1313 = arith.select %lt3A_1308, %broadcast_in_dim3A_1311, %broadcast_in_dim3A_1312 : vector<128x128xi1>, vector<128x128xi32>
    %add3A_1314 = arith.addi %add3A_1304, %select_n3A_1313 : vector<128x128xi32>
    %slice3A_1315 = vector.extract_strided_slice %get3A_4 {offsets = [0, 3584], sizes = [1, 128], strides = [1, 1]} : vector<1x4096xi32> to vector<1x128xi32>
    %lt3A_1316 = vector.broadcast %slice3A_1315 : vector<1x128xi32> to vector<128x128xi32>
    %lt3A_1317 = vector.broadcast %slice3A_1024 : vector<128x1xi32> to vector<128x128xi32>
    %lt3A_1318 = arith.cmpi slt, %lt3A_1316, %lt3A_1317 : vector<128x128xi32>
    %jit3A_1319 = arith.constant 1 : i32
    %jit3A_1320 = arith.constant 0 : i32
    %broadcast_in_dim3A_1321 = vector.broadcast %jit3A_1319 : i32 to vector<128x128xi32>
    %broadcast_in_dim3A_1322 = vector.broadcast %jit3A_1320 : i32 to vector<128x128xi32>
    %select_n3A_1323 = arith.select %lt3A_1318, %broadcast_in_dim3A_1321, %broadcast_in_dim3A_1322 : vector<128x128xi1>, vector<128x128xi32>
    %add3A_1324 = arith.addi %add3A_1314, %select_n3A_1323 : vector<128x128xi32>
    %slice3A_1325 = vector.extract_strided_slice %get3A_4 {offsets = [0, 3712], sizes = [1, 128], strides = [1, 1]} : vector<1x4096xi32> to vector<1x128xi32>
    %lt3A_1326 = vector.broadcast %slice3A_1325 : vector<1x128xi32> to vector<128x128xi32>
    %lt3A_1327 = vector.broadcast %slice3A_1024 : vector<128x1xi32> to vector<128x128xi32>
    %lt3A_1328 = arith.cmpi slt, %lt3A_1326, %lt3A_1327 : vector<128x128xi32>
    %jit3A_1329 = arith.constant 1 : i32
    %jit3A_1330 = arith.constant 0 : i32
    %broadcast_in_dim3A_1331 = vector.broadcast %jit3A_1329 : i32 to vector<128x128xi32>
    %broadcast_in_dim3A_1332 = vector.broadcast %jit3A_1330 : i32 to vector<128x128xi32>
    %select_n3A_1333 = arith.select %lt3A_1328, %broadcast_in_dim3A_1331, %broadcast_in_dim3A_1332 : vector<128x128xi1>, vector<128x128xi32>
    %add3A_1334 = arith.addi %add3A_1324, %select_n3A_1333 : vector<128x128xi32>
    %slice3A_1335 = vector.extract_strided_slice %get3A_4 {offsets = [0, 3840], sizes = [1, 128], strides = [1, 1]} : vector<1x4096xi32> to vector<1x128xi32>
    %lt3A_1336 = vector.broadcast %slice3A_1335 : vector<1x128xi32> to vector<128x128xi32>
    %lt3A_1337 = vector.broadcast %slice3A_1024 : vector<128x1xi32> to vector<128x128xi32>
    %lt3A_1338 = arith.cmpi slt, %lt3A_1336, %lt3A_1337 : vector<128x128xi32>
    %jit3A_1339 = arith.constant 1 : i32
    %jit3A_1340 = arith.constant 0 : i32
    %broadcast_in_dim3A_1341 = vector.broadcast %jit3A_1339 : i32 to vector<128x128xi32>
    %broadcast_in_dim3A_1342 = vector.broadcast %jit3A_1340 : i32 to vector<128x128xi32>
    %select_n3A_1343 = arith.select %lt3A_1338, %broadcast_in_dim3A_1341, %broadcast_in_dim3A_1342 : vector<128x128xi1>, vector<128x128xi32>
    %add3A_1344 = arith.addi %add3A_1334, %select_n3A_1343 : vector<128x128xi32>
    %slice3A_1345 = vector.extract_strided_slice %get3A_4 {offsets = [0, 3968], sizes = [1, 128], strides = [1, 1]} : vector<1x4096xi32> to vector<1x128xi32>
    %lt3A_1346 = vector.broadcast %slice3A_1345 : vector<1x128xi32> to vector<128x128xi32>
    %lt3A_1347 = vector.broadcast %slice3A_1024 : vector<128x1xi32> to vector<128x128xi32>
    %lt3A_1348 = arith.cmpi slt, %lt3A_1346, %lt3A_1347 : vector<128x128xi32>
    %jit3A_1349 = arith.constant 1 : i32
    %jit3A_1350 = arith.constant 0 : i32
    %broadcast_in_dim3A_1351 = vector.broadcast %jit3A_1349 : i32 to vector<128x128xi32>
    %broadcast_in_dim3A_1352 = vector.broadcast %jit3A_1350 : i32 to vector<128x128xi32>
    %select_n3A_1353 = arith.select %lt3A_1348, %broadcast_in_dim3A_1351, %broadcast_in_dim3A_1352 : vector<128x128xi1>, vector<128x128xi32>
    %add3A_1354 = arith.addi %add3A_1344, %select_n3A_1353 : vector<128x128xi32>
    %reduce_sum3A_1355 = arith.constant dense<0> : vector<128xi32>
    %reduce_sum3A_1356 = vector.multi_reduction <add>, %add3A_1354, %reduce_sum3A_1355 [1] : vector<128x128xi32> to vector<128xi32>
    %broadcast_in_dim3A_1357 = vector.shape_cast %reduce_sum3A_1356 : vector<128xi32> to vector<128x1xi32>
    %slice3A_1358 = vector.extract_strided_slice %add3A {offsets = [0, 4], sizes = [128, 1], strides = [1, 1]} : vector<128x8xi32> to vector<128x1xi32>
    %slice3A_1359 = vector.extract_strided_slice %get3A_11 {offsets = [4, 0], sizes = [1, 128], strides = [1, 1]} : vector<8x128xi32> to vector<1x128xi32>
    %eq3A_1360 = vector.broadcast %slice3A_1359 : vector<1x128xi32> to vector<128x128xi32>
    %eq3A_1361 = vector.broadcast %slice3A_1358 : vector<128x1xi32> to vector<128x128xi32>
    %eq3A_1362 = arith.cmpi eq, %eq3A_1360, %eq3A_1361 : vector<128x128xi32>
    %and3A_1363 = arith.andi %eq3A_1362, %lt3A : vector<128x128xi1>
    %jit3A_1364 = arith.constant 1 : i32
    %jit3A_1365 = arith.constant 0 : i32
    %broadcast_in_dim3A_1366 = vector.broadcast %jit3A_1364 : i32 to vector<128x128xi32>
    %broadcast_in_dim3A_1367 = vector.broadcast %jit3A_1365 : i32 to vector<128x128xi32>
    %select_n3A_1368 = arith.select %and3A_1363, %broadcast_in_dim3A_1366, %broadcast_in_dim3A_1367 : vector<128x128xi1>, vector<128x128xi32>
    %slice3A_1369 = vector.extract_strided_slice %get3A_4 {offsets = [0, 0], sizes = [1, 128], strides = [1, 1]} : vector<1x4096xi32> to vector<1x128xi32>
    %lt3A_1370 = vector.broadcast %slice3A_1369 : vector<1x128xi32> to vector<128x128xi32>
    %lt3A_1371 = vector.broadcast %slice3A_1358 : vector<128x1xi32> to vector<128x128xi32>
    %lt3A_1372 = arith.cmpi slt, %lt3A_1370, %lt3A_1371 : vector<128x128xi32>
    %jit3A_1373 = arith.constant 1 : i32
    %jit3A_1374 = arith.constant 0 : i32
    %broadcast_in_dim3A_1375 = vector.broadcast %jit3A_1373 : i32 to vector<128x128xi32>
    %broadcast_in_dim3A_1376 = vector.broadcast %jit3A_1374 : i32 to vector<128x128xi32>
    %select_n3A_1377 = arith.select %lt3A_1372, %broadcast_in_dim3A_1375, %broadcast_in_dim3A_1376 : vector<128x128xi1>, vector<128x128xi32>
    %add3A_1378 = arith.addi %select_n3A_1368, %select_n3A_1377 : vector<128x128xi32>
    %slice3A_1379 = vector.extract_strided_slice %get3A_4 {offsets = [0, 128], sizes = [1, 128], strides = [1, 1]} : vector<1x4096xi32> to vector<1x128xi32>
    %lt3A_1380 = vector.broadcast %slice3A_1379 : vector<1x128xi32> to vector<128x128xi32>
    %lt3A_1381 = vector.broadcast %slice3A_1358 : vector<128x1xi32> to vector<128x128xi32>
    %lt3A_1382 = arith.cmpi slt, %lt3A_1380, %lt3A_1381 : vector<128x128xi32>
    %jit3A_1383 = arith.constant 1 : i32
    %jit3A_1384 = arith.constant 0 : i32
    %broadcast_in_dim3A_1385 = vector.broadcast %jit3A_1383 : i32 to vector<128x128xi32>
    %broadcast_in_dim3A_1386 = vector.broadcast %jit3A_1384 : i32 to vector<128x128xi32>
    %select_n3A_1387 = arith.select %lt3A_1382, %broadcast_in_dim3A_1385, %broadcast_in_dim3A_1386 : vector<128x128xi1>, vector<128x128xi32>
    %add3A_1388 = arith.addi %add3A_1378, %select_n3A_1387 : vector<128x128xi32>
    %slice3A_1389 = vector.extract_strided_slice %get3A_4 {offsets = [0, 256], sizes = [1, 128], strides = [1, 1]} : vector<1x4096xi32> to vector<1x128xi32>
    %lt3A_1390 = vector.broadcast %slice3A_1389 : vector<1x128xi32> to vector<128x128xi32>
    %lt3A_1391 = vector.broadcast %slice3A_1358 : vector<128x1xi32> to vector<128x128xi32>
    %lt3A_1392 = arith.cmpi slt, %lt3A_1390, %lt3A_1391 : vector<128x128xi32>
    %jit3A_1393 = arith.constant 1 : i32
    %jit3A_1394 = arith.constant 0 : i32
    %broadcast_in_dim3A_1395 = vector.broadcast %jit3A_1393 : i32 to vector<128x128xi32>
    %broadcast_in_dim3A_1396 = vector.broadcast %jit3A_1394 : i32 to vector<128x128xi32>
    %select_n3A_1397 = arith.select %lt3A_1392, %broadcast_in_dim3A_1395, %broadcast_in_dim3A_1396 : vector<128x128xi1>, vector<128x128xi32>
    %add3A_1398 = arith.addi %add3A_1388, %select_n3A_1397 : vector<128x128xi32>
    %slice3A_1399 = vector.extract_strided_slice %get3A_4 {offsets = [0, 384], sizes = [1, 128], strides = [1, 1]} : vector<1x4096xi32> to vector<1x128xi32>
    %lt3A_1400 = vector.broadcast %slice3A_1399 : vector<1x128xi32> to vector<128x128xi32>
    %lt3A_1401 = vector.broadcast %slice3A_1358 : vector<128x1xi32> to vector<128x128xi32>
    %lt3A_1402 = arith.cmpi slt, %lt3A_1400, %lt3A_1401 : vector<128x128xi32>
    %jit3A_1403 = arith.constant 1 : i32
    %jit3A_1404 = arith.constant 0 : i32
    %broadcast_in_dim3A_1405 = vector.broadcast %jit3A_1403 : i32 to vector<128x128xi32>
    %broadcast_in_dim3A_1406 = vector.broadcast %jit3A_1404 : i32 to vector<128x128xi32>
    %select_n3A_1407 = arith.select %lt3A_1402, %broadcast_in_dim3A_1405, %broadcast_in_dim3A_1406 : vector<128x128xi1>, vector<128x128xi32>
    %add3A_1408 = arith.addi %add3A_1398, %select_n3A_1407 : vector<128x128xi32>
    %slice3A_1409 = vector.extract_strided_slice %get3A_4 {offsets = [0, 512], sizes = [1, 128], strides = [1, 1]} : vector<1x4096xi32> to vector<1x128xi32>
    %lt3A_1410 = vector.broadcast %slice3A_1409 : vector<1x128xi32> to vector<128x128xi32>
    %lt3A_1411 = vector.broadcast %slice3A_1358 : vector<128x1xi32> to vector<128x128xi32>
    %lt3A_1412 = arith.cmpi slt, %lt3A_1410, %lt3A_1411 : vector<128x128xi32>
    %jit3A_1413 = arith.constant 1 : i32
    %jit3A_1414 = arith.constant 0 : i32
    %broadcast_in_dim3A_1415 = vector.broadcast %jit3A_1413 : i32 to vector<128x128xi32>
    %broadcast_in_dim3A_1416 = vector.broadcast %jit3A_1414 : i32 to vector<128x128xi32>
    %select_n3A_1417 = arith.select %lt3A_1412, %broadcast_in_dim3A_1415, %broadcast_in_dim3A_1416 : vector<128x128xi1>, vector<128x128xi32>
    %add3A_1418 = arith.addi %add3A_1408, %select_n3A_1417 : vector<128x128xi32>
    %slice3A_1419 = vector.extract_strided_slice %get3A_4 {offsets = [0, 640], sizes = [1, 128], strides = [1, 1]} : vector<1x4096xi32> to vector<1x128xi32>
    %lt3A_1420 = vector.broadcast %slice3A_1419 : vector<1x128xi32> to vector<128x128xi32>
    %lt3A_1421 = vector.broadcast %slice3A_1358 : vector<128x1xi32> to vector<128x128xi32>
    %lt3A_1422 = arith.cmpi slt, %lt3A_1420, %lt3A_1421 : vector<128x128xi32>
    %jit3A_1423 = arith.constant 1 : i32
    %jit3A_1424 = arith.constant 0 : i32
    %broadcast_in_dim3A_1425 = vector.broadcast %jit3A_1423 : i32 to vector<128x128xi32>
    %broadcast_in_dim3A_1426 = vector.broadcast %jit3A_1424 : i32 to vector<128x128xi32>
    %select_n3A_1427 = arith.select %lt3A_1422, %broadcast_in_dim3A_1425, %broadcast_in_dim3A_1426 : vector<128x128xi1>, vector<128x128xi32>
    %add3A_1428 = arith.addi %add3A_1418, %select_n3A_1427 : vector<128x128xi32>
    %slice3A_1429 = vector.extract_strided_slice %get3A_4 {offsets = [0, 768], sizes = [1, 128], strides = [1, 1]} : vector<1x4096xi32> to vector<1x128xi32>
    %lt3A_1430 = vector.broadcast %slice3A_1429 : vector<1x128xi32> to vector<128x128xi32>
    %lt3A_1431 = vector.broadcast %slice3A_1358 : vector<128x1xi32> to vector<128x128xi32>
    %lt3A_1432 = arith.cmpi slt, %lt3A_1430, %lt3A_1431 : vector<128x128xi32>
    %jit3A_1433 = arith.constant 1 : i32
    %jit3A_1434 = arith.constant 0 : i32
    %broadcast_in_dim3A_1435 = vector.broadcast %jit3A_1433 : i32 to vector<128x128xi32>
    %broadcast_in_dim3A_1436 = vector.broadcast %jit3A_1434 : i32 to vector<128x128xi32>
    %select_n3A_1437 = arith.select %lt3A_1432, %broadcast_in_dim3A_1435, %broadcast_in_dim3A_1436 : vector<128x128xi1>, vector<128x128xi32>
    %add3A_1438 = arith.addi %add3A_1428, %select_n3A_1437 : vector<128x128xi32>
    %slice3A_1439 = vector.extract_strided_slice %get3A_4 {offsets = [0, 896], sizes = [1, 128], strides = [1, 1]} : vector<1x4096xi32> to vector<1x128xi32>
    %lt3A_1440 = vector.broadcast %slice3A_1439 : vector<1x128xi32> to vector<128x128xi32>
    %lt3A_1441 = vector.broadcast %slice3A_1358 : vector<128x1xi32> to vector<128x128xi32>
    %lt3A_1442 = arith.cmpi slt, %lt3A_1440, %lt3A_1441 : vector<128x128xi32>
    %jit3A_1443 = arith.constant 1 : i32
    %jit3A_1444 = arith.constant 0 : i32
    %broadcast_in_dim3A_1445 = vector.broadcast %jit3A_1443 : i32 to vector<128x128xi32>
    %broadcast_in_dim3A_1446 = vector.broadcast %jit3A_1444 : i32 to vector<128x128xi32>
    %select_n3A_1447 = arith.select %lt3A_1442, %broadcast_in_dim3A_1445, %broadcast_in_dim3A_1446 : vector<128x128xi1>, vector<128x128xi32>
    %add3A_1448 = arith.addi %add3A_1438, %select_n3A_1447 : vector<128x128xi32>
    %slice3A_1449 = vector.extract_strided_slice %get3A_4 {offsets = [0, 1024], sizes = [1, 128], strides = [1, 1]} : vector<1x4096xi32> to vector<1x128xi32>
    %lt3A_1450 = vector.broadcast %slice3A_1449 : vector<1x128xi32> to vector<128x128xi32>
    %lt3A_1451 = vector.broadcast %slice3A_1358 : vector<128x1xi32> to vector<128x128xi32>
    %lt3A_1452 = arith.cmpi slt, %lt3A_1450, %lt3A_1451 : vector<128x128xi32>
    %jit3A_1453 = arith.constant 1 : i32
    %jit3A_1454 = arith.constant 0 : i32
    %broadcast_in_dim3A_1455 = vector.broadcast %jit3A_1453 : i32 to vector<128x128xi32>
    %broadcast_in_dim3A_1456 = vector.broadcast %jit3A_1454 : i32 to vector<128x128xi32>
    %select_n3A_1457 = arith.select %lt3A_1452, %broadcast_in_dim3A_1455, %broadcast_in_dim3A_1456 : vector<128x128xi1>, vector<128x128xi32>
    %add3A_1458 = arith.addi %add3A_1448, %select_n3A_1457 : vector<128x128xi32>
    %slice3A_1459 = vector.extract_strided_slice %get3A_4 {offsets = [0, 1152], sizes = [1, 128], strides = [1, 1]} : vector<1x4096xi32> to vector<1x128xi32>
    %lt3A_1460 = vector.broadcast %slice3A_1459 : vector<1x128xi32> to vector<128x128xi32>
    %lt3A_1461 = vector.broadcast %slice3A_1358 : vector<128x1xi32> to vector<128x128xi32>
    %lt3A_1462 = arith.cmpi slt, %lt3A_1460, %lt3A_1461 : vector<128x128xi32>
    %jit3A_1463 = arith.constant 1 : i32
    %jit3A_1464 = arith.constant 0 : i32
    %broadcast_in_dim3A_1465 = vector.broadcast %jit3A_1463 : i32 to vector<128x128xi32>
    %broadcast_in_dim3A_1466 = vector.broadcast %jit3A_1464 : i32 to vector<128x128xi32>
    %select_n3A_1467 = arith.select %lt3A_1462, %broadcast_in_dim3A_1465, %broadcast_in_dim3A_1466 : vector<128x128xi1>, vector<128x128xi32>
    %add3A_1468 = arith.addi %add3A_1458, %select_n3A_1467 : vector<128x128xi32>
    %slice3A_1469 = vector.extract_strided_slice %get3A_4 {offsets = [0, 1280], sizes = [1, 128], strides = [1, 1]} : vector<1x4096xi32> to vector<1x128xi32>
    %lt3A_1470 = vector.broadcast %slice3A_1469 : vector<1x128xi32> to vector<128x128xi32>
    %lt3A_1471 = vector.broadcast %slice3A_1358 : vector<128x1xi32> to vector<128x128xi32>
    %lt3A_1472 = arith.cmpi slt, %lt3A_1470, %lt3A_1471 : vector<128x128xi32>
    %jit3A_1473 = arith.constant 1 : i32
    %jit3A_1474 = arith.constant 0 : i32
    %broadcast_in_dim3A_1475 = vector.broadcast %jit3A_1473 : i32 to vector<128x128xi32>
    %broadcast_in_dim3A_1476 = vector.broadcast %jit3A_1474 : i32 to vector<128x128xi32>
    %select_n3A_1477 = arith.select %lt3A_1472, %broadcast_in_dim3A_1475, %broadcast_in_dim3A_1476 : vector<128x128xi1>, vector<128x128xi32>
    %add3A_1478 = arith.addi %add3A_1468, %select_n3A_1477 : vector<128x128xi32>
    %slice3A_1479 = vector.extract_strided_slice %get3A_4 {offsets = [0, 1408], sizes = [1, 128], strides = [1, 1]} : vector<1x4096xi32> to vector<1x128xi32>
    %lt3A_1480 = vector.broadcast %slice3A_1479 : vector<1x128xi32> to vector<128x128xi32>
    %lt3A_1481 = vector.broadcast %slice3A_1358 : vector<128x1xi32> to vector<128x128xi32>
    %lt3A_1482 = arith.cmpi slt, %lt3A_1480, %lt3A_1481 : vector<128x128xi32>
    %jit3A_1483 = arith.constant 1 : i32
    %jit3A_1484 = arith.constant 0 : i32
    %broadcast_in_dim3A_1485 = vector.broadcast %jit3A_1483 : i32 to vector<128x128xi32>
    %broadcast_in_dim3A_1486 = vector.broadcast %jit3A_1484 : i32 to vector<128x128xi32>
    %select_n3A_1487 = arith.select %lt3A_1482, %broadcast_in_dim3A_1485, %broadcast_in_dim3A_1486 : vector<128x128xi1>, vector<128x128xi32>
    %add3A_1488 = arith.addi %add3A_1478, %select_n3A_1487 : vector<128x128xi32>
    %slice3A_1489 = vector.extract_strided_slice %get3A_4 {offsets = [0, 1536], sizes = [1, 128], strides = [1, 1]} : vector<1x4096xi32> to vector<1x128xi32>
    %lt3A_1490 = vector.broadcast %slice3A_1489 : vector<1x128xi32> to vector<128x128xi32>
    %lt3A_1491 = vector.broadcast %slice3A_1358 : vector<128x1xi32> to vector<128x128xi32>
    %lt3A_1492 = arith.cmpi slt, %lt3A_1490, %lt3A_1491 : vector<128x128xi32>
    %jit3A_1493 = arith.constant 1 : i32
    %jit3A_1494 = arith.constant 0 : i32
    %broadcast_in_dim3A_1495 = vector.broadcast %jit3A_1493 : i32 to vector<128x128xi32>
    %broadcast_in_dim3A_1496 = vector.broadcast %jit3A_1494 : i32 to vector<128x128xi32>
    %select_n3A_1497 = arith.select %lt3A_1492, %broadcast_in_dim3A_1495, %broadcast_in_dim3A_1496 : vector<128x128xi1>, vector<128x128xi32>
    %add3A_1498 = arith.addi %add3A_1488, %select_n3A_1497 : vector<128x128xi32>
    %slice3A_1499 = vector.extract_strided_slice %get3A_4 {offsets = [0, 1664], sizes = [1, 128], strides = [1, 1]} : vector<1x4096xi32> to vector<1x128xi32>
    %lt3A_1500 = vector.broadcast %slice3A_1499 : vector<1x128xi32> to vector<128x128xi32>
    %lt3A_1501 = vector.broadcast %slice3A_1358 : vector<128x1xi32> to vector<128x128xi32>
    %lt3A_1502 = arith.cmpi slt, %lt3A_1500, %lt3A_1501 : vector<128x128xi32>
    %jit3A_1503 = arith.constant 1 : i32
    %jit3A_1504 = arith.constant 0 : i32
    %broadcast_in_dim3A_1505 = vector.broadcast %jit3A_1503 : i32 to vector<128x128xi32>
    %broadcast_in_dim3A_1506 = vector.broadcast %jit3A_1504 : i32 to vector<128x128xi32>
    %select_n3A_1507 = arith.select %lt3A_1502, %broadcast_in_dim3A_1505, %broadcast_in_dim3A_1506 : vector<128x128xi1>, vector<128x128xi32>
    %add3A_1508 = arith.addi %add3A_1498, %select_n3A_1507 : vector<128x128xi32>
    %slice3A_1509 = vector.extract_strided_slice %get3A_4 {offsets = [0, 1792], sizes = [1, 128], strides = [1, 1]} : vector<1x4096xi32> to vector<1x128xi32>
    %lt3A_1510 = vector.broadcast %slice3A_1509 : vector<1x128xi32> to vector<128x128xi32>
    %lt3A_1511 = vector.broadcast %slice3A_1358 : vector<128x1xi32> to vector<128x128xi32>
    %lt3A_1512 = arith.cmpi slt, %lt3A_1510, %lt3A_1511 : vector<128x128xi32>
    %jit3A_1513 = arith.constant 1 : i32
    %jit3A_1514 = arith.constant 0 : i32
    %broadcast_in_dim3A_1515 = vector.broadcast %jit3A_1513 : i32 to vector<128x128xi32>
    %broadcast_in_dim3A_1516 = vector.broadcast %jit3A_1514 : i32 to vector<128x128xi32>
    %select_n3A_1517 = arith.select %lt3A_1512, %broadcast_in_dim3A_1515, %broadcast_in_dim3A_1516 : vector<128x128xi1>, vector<128x128xi32>
    %add3A_1518 = arith.addi %add3A_1508, %select_n3A_1517 : vector<128x128xi32>
    %slice3A_1519 = vector.extract_strided_slice %get3A_4 {offsets = [0, 1920], sizes = [1, 128], strides = [1, 1]} : vector<1x4096xi32> to vector<1x128xi32>
    %lt3A_1520 = vector.broadcast %slice3A_1519 : vector<1x128xi32> to vector<128x128xi32>
    %lt3A_1521 = vector.broadcast %slice3A_1358 : vector<128x1xi32> to vector<128x128xi32>
    %lt3A_1522 = arith.cmpi slt, %lt3A_1520, %lt3A_1521 : vector<128x128xi32>
    %jit3A_1523 = arith.constant 1 : i32
    %jit3A_1524 = arith.constant 0 : i32
    %broadcast_in_dim3A_1525 = vector.broadcast %jit3A_1523 : i32 to vector<128x128xi32>
    %broadcast_in_dim3A_1526 = vector.broadcast %jit3A_1524 : i32 to vector<128x128xi32>
    %select_n3A_1527 = arith.select %lt3A_1522, %broadcast_in_dim3A_1525, %broadcast_in_dim3A_1526 : vector<128x128xi1>, vector<128x128xi32>
    %add3A_1528 = arith.addi %add3A_1518, %select_n3A_1527 : vector<128x128xi32>
    %slice3A_1529 = vector.extract_strided_slice %get3A_4 {offsets = [0, 2048], sizes = [1, 128], strides = [1, 1]} : vector<1x4096xi32> to vector<1x128xi32>
    %lt3A_1530 = vector.broadcast %slice3A_1529 : vector<1x128xi32> to vector<128x128xi32>
    %lt3A_1531 = vector.broadcast %slice3A_1358 : vector<128x1xi32> to vector<128x128xi32>
    %lt3A_1532 = arith.cmpi slt, %lt3A_1530, %lt3A_1531 : vector<128x128xi32>
    %jit3A_1533 = arith.constant 1 : i32
    %jit3A_1534 = arith.constant 0 : i32
    %broadcast_in_dim3A_1535 = vector.broadcast %jit3A_1533 : i32 to vector<128x128xi32>
    %broadcast_in_dim3A_1536 = vector.broadcast %jit3A_1534 : i32 to vector<128x128xi32>
    %select_n3A_1537 = arith.select %lt3A_1532, %broadcast_in_dim3A_1535, %broadcast_in_dim3A_1536 : vector<128x128xi1>, vector<128x128xi32>
    %add3A_1538 = arith.addi %add3A_1528, %select_n3A_1537 : vector<128x128xi32>
    %slice3A_1539 = vector.extract_strided_slice %get3A_4 {offsets = [0, 2176], sizes = [1, 128], strides = [1, 1]} : vector<1x4096xi32> to vector<1x128xi32>
    %lt3A_1540 = vector.broadcast %slice3A_1539 : vector<1x128xi32> to vector<128x128xi32>
    %lt3A_1541 = vector.broadcast %slice3A_1358 : vector<128x1xi32> to vector<128x128xi32>
    %lt3A_1542 = arith.cmpi slt, %lt3A_1540, %lt3A_1541 : vector<128x128xi32>
    %jit3A_1543 = arith.constant 1 : i32
    %jit3A_1544 = arith.constant 0 : i32
    %broadcast_in_dim3A_1545 = vector.broadcast %jit3A_1543 : i32 to vector<128x128xi32>
    %broadcast_in_dim3A_1546 = vector.broadcast %jit3A_1544 : i32 to vector<128x128xi32>
    %select_n3A_1547 = arith.select %lt3A_1542, %broadcast_in_dim3A_1545, %broadcast_in_dim3A_1546 : vector<128x128xi1>, vector<128x128xi32>
    %add3A_1548 = arith.addi %add3A_1538, %select_n3A_1547 : vector<128x128xi32>
    %slice3A_1549 = vector.extract_strided_slice %get3A_4 {offsets = [0, 2304], sizes = [1, 128], strides = [1, 1]} : vector<1x4096xi32> to vector<1x128xi32>
    %lt3A_1550 = vector.broadcast %slice3A_1549 : vector<1x128xi32> to vector<128x128xi32>
    %lt3A_1551 = vector.broadcast %slice3A_1358 : vector<128x1xi32> to vector<128x128xi32>
    %lt3A_1552 = arith.cmpi slt, %lt3A_1550, %lt3A_1551 : vector<128x128xi32>
    %jit3A_1553 = arith.constant 1 : i32
    %jit3A_1554 = arith.constant 0 : i32
    %broadcast_in_dim3A_1555 = vector.broadcast %jit3A_1553 : i32 to vector<128x128xi32>
    %broadcast_in_dim3A_1556 = vector.broadcast %jit3A_1554 : i32 to vector<128x128xi32>
    %select_n3A_1557 = arith.select %lt3A_1552, %broadcast_in_dim3A_1555, %broadcast_in_dim3A_1556 : vector<128x128xi1>, vector<128x128xi32>
    %add3A_1558 = arith.addi %add3A_1548, %select_n3A_1557 : vector<128x128xi32>
    %slice3A_1559 = vector.extract_strided_slice %get3A_4 {offsets = [0, 2432], sizes = [1, 128], strides = [1, 1]} : vector<1x4096xi32> to vector<1x128xi32>
    %lt3A_1560 = vector.broadcast %slice3A_1559 : vector<1x128xi32> to vector<128x128xi32>
    %lt3A_1561 = vector.broadcast %slice3A_1358 : vector<128x1xi32> to vector<128x128xi32>
    %lt3A_1562 = arith.cmpi slt, %lt3A_1560, %lt3A_1561 : vector<128x128xi32>
    %jit3A_1563 = arith.constant 1 : i32
    %jit3A_1564 = arith.constant 0 : i32
    %broadcast_in_dim3A_1565 = vector.broadcast %jit3A_1563 : i32 to vector<128x128xi32>
    %broadcast_in_dim3A_1566 = vector.broadcast %jit3A_1564 : i32 to vector<128x128xi32>
    %select_n3A_1567 = arith.select %lt3A_1562, %broadcast_in_dim3A_1565, %broadcast_in_dim3A_1566 : vector<128x128xi1>, vector<128x128xi32>
    %add3A_1568 = arith.addi %add3A_1558, %select_n3A_1567 : vector<128x128xi32>
    %slice3A_1569 = vector.extract_strided_slice %get3A_4 {offsets = [0, 2560], sizes = [1, 128], strides = [1, 1]} : vector<1x4096xi32> to vector<1x128xi32>
    %lt3A_1570 = vector.broadcast %slice3A_1569 : vector<1x128xi32> to vector<128x128xi32>
    %lt3A_1571 = vector.broadcast %slice3A_1358 : vector<128x1xi32> to vector<128x128xi32>
    %lt3A_1572 = arith.cmpi slt, %lt3A_1570, %lt3A_1571 : vector<128x128xi32>
    %jit3A_1573 = arith.constant 1 : i32
    %jit3A_1574 = arith.constant 0 : i32
    %broadcast_in_dim3A_1575 = vector.broadcast %jit3A_1573 : i32 to vector<128x128xi32>
    %broadcast_in_dim3A_1576 = vector.broadcast %jit3A_1574 : i32 to vector<128x128xi32>
    %select_n3A_1577 = arith.select %lt3A_1572, %broadcast_in_dim3A_1575, %broadcast_in_dim3A_1576 : vector<128x128xi1>, vector<128x128xi32>
    %add3A_1578 = arith.addi %add3A_1568, %select_n3A_1577 : vector<128x128xi32>
    %slice3A_1579 = vector.extract_strided_slice %get3A_4 {offsets = [0, 2688], sizes = [1, 128], strides = [1, 1]} : vector<1x4096xi32> to vector<1x128xi32>
    %lt3A_1580 = vector.broadcast %slice3A_1579 : vector<1x128xi32> to vector<128x128xi32>
    %lt3A_1581 = vector.broadcast %slice3A_1358 : vector<128x1xi32> to vector<128x128xi32>
    %lt3A_1582 = arith.cmpi slt, %lt3A_1580, %lt3A_1581 : vector<128x128xi32>
    %jit3A_1583 = arith.constant 1 : i32
    %jit3A_1584 = arith.constant 0 : i32
    %broadcast_in_dim3A_1585 = vector.broadcast %jit3A_1583 : i32 to vector<128x128xi32>
    %broadcast_in_dim3A_1586 = vector.broadcast %jit3A_1584 : i32 to vector<128x128xi32>
    %select_n3A_1587 = arith.select %lt3A_1582, %broadcast_in_dim3A_1585, %broadcast_in_dim3A_1586 : vector<128x128xi1>, vector<128x128xi32>
    %add3A_1588 = arith.addi %add3A_1578, %select_n3A_1587 : vector<128x128xi32>
    %slice3A_1589 = vector.extract_strided_slice %get3A_4 {offsets = [0, 2816], sizes = [1, 128], strides = [1, 1]} : vector<1x4096xi32> to vector<1x128xi32>
    %lt3A_1590 = vector.broadcast %slice3A_1589 : vector<1x128xi32> to vector<128x128xi32>
    %lt3A_1591 = vector.broadcast %slice3A_1358 : vector<128x1xi32> to vector<128x128xi32>
    %lt3A_1592 = arith.cmpi slt, %lt3A_1590, %lt3A_1591 : vector<128x128xi32>
    %jit3A_1593 = arith.constant 1 : i32
    %jit3A_1594 = arith.constant 0 : i32
    %broadcast_in_dim3A_1595 = vector.broadcast %jit3A_1593 : i32 to vector<128x128xi32>
    %broadcast_in_dim3A_1596 = vector.broadcast %jit3A_1594 : i32 to vector<128x128xi32>
    %select_n3A_1597 = arith.select %lt3A_1592, %broadcast_in_dim3A_1595, %broadcast_in_dim3A_1596 : vector<128x128xi1>, vector<128x128xi32>
    %add3A_1598 = arith.addi %add3A_1588, %select_n3A_1597 : vector<128x128xi32>
    %slice3A_1599 = vector.extract_strided_slice %get3A_4 {offsets = [0, 2944], sizes = [1, 128], strides = [1, 1]} : vector<1x4096xi32> to vector<1x128xi32>
    %lt3A_1600 = vector.broadcast %slice3A_1599 : vector<1x128xi32> to vector<128x128xi32>
    %lt3A_1601 = vector.broadcast %slice3A_1358 : vector<128x1xi32> to vector<128x128xi32>
    %lt3A_1602 = arith.cmpi slt, %lt3A_1600, %lt3A_1601 : vector<128x128xi32>
    %jit3A_1603 = arith.constant 1 : i32
    %jit3A_1604 = arith.constant 0 : i32
    %broadcast_in_dim3A_1605 = vector.broadcast %jit3A_1603 : i32 to vector<128x128xi32>
    %broadcast_in_dim3A_1606 = vector.broadcast %jit3A_1604 : i32 to vector<128x128xi32>
    %select_n3A_1607 = arith.select %lt3A_1602, %broadcast_in_dim3A_1605, %broadcast_in_dim3A_1606 : vector<128x128xi1>, vector<128x128xi32>
    %add3A_1608 = arith.addi %add3A_1598, %select_n3A_1607 : vector<128x128xi32>
    %slice3A_1609 = vector.extract_strided_slice %get3A_4 {offsets = [0, 3072], sizes = [1, 128], strides = [1, 1]} : vector<1x4096xi32> to vector<1x128xi32>
    %lt3A_1610 = vector.broadcast %slice3A_1609 : vector<1x128xi32> to vector<128x128xi32>
    %lt3A_1611 = vector.broadcast %slice3A_1358 : vector<128x1xi32> to vector<128x128xi32>
    %lt3A_1612 = arith.cmpi slt, %lt3A_1610, %lt3A_1611 : vector<128x128xi32>
    %jit3A_1613 = arith.constant 1 : i32
    %jit3A_1614 = arith.constant 0 : i32
    %broadcast_in_dim3A_1615 = vector.broadcast %jit3A_1613 : i32 to vector<128x128xi32>
    %broadcast_in_dim3A_1616 = vector.broadcast %jit3A_1614 : i32 to vector<128x128xi32>
    %select_n3A_1617 = arith.select %lt3A_1612, %broadcast_in_dim3A_1615, %broadcast_in_dim3A_1616 : vector<128x128xi1>, vector<128x128xi32>
    %add3A_1618 = arith.addi %add3A_1608, %select_n3A_1617 : vector<128x128xi32>
    %slice3A_1619 = vector.extract_strided_slice %get3A_4 {offsets = [0, 3200], sizes = [1, 128], strides = [1, 1]} : vector<1x4096xi32> to vector<1x128xi32>
    %lt3A_1620 = vector.broadcast %slice3A_1619 : vector<1x128xi32> to vector<128x128xi32>
    %lt3A_1621 = vector.broadcast %slice3A_1358 : vector<128x1xi32> to vector<128x128xi32>
    %lt3A_1622 = arith.cmpi slt, %lt3A_1620, %lt3A_1621 : vector<128x128xi32>
    %jit3A_1623 = arith.constant 1 : i32
    %jit3A_1624 = arith.constant 0 : i32
    %broadcast_in_dim3A_1625 = vector.broadcast %jit3A_1623 : i32 to vector<128x128xi32>
    %broadcast_in_dim3A_1626 = vector.broadcast %jit3A_1624 : i32 to vector<128x128xi32>
    %select_n3A_1627 = arith.select %lt3A_1622, %broadcast_in_dim3A_1625, %broadcast_in_dim3A_1626 : vector<128x128xi1>, vector<128x128xi32>
    %add3A_1628 = arith.addi %add3A_1618, %select_n3A_1627 : vector<128x128xi32>
    %slice3A_1629 = vector.extract_strided_slice %get3A_4 {offsets = [0, 3328], sizes = [1, 128], strides = [1, 1]} : vector<1x4096xi32> to vector<1x128xi32>
    %lt3A_1630 = vector.broadcast %slice3A_1629 : vector<1x128xi32> to vector<128x128xi32>
    %lt3A_1631 = vector.broadcast %slice3A_1358 : vector<128x1xi32> to vector<128x128xi32>
    %lt3A_1632 = arith.cmpi slt, %lt3A_1630, %lt3A_1631 : vector<128x128xi32>
    %jit3A_1633 = arith.constant 1 : i32
    %jit3A_1634 = arith.constant 0 : i32
    %broadcast_in_dim3A_1635 = vector.broadcast %jit3A_1633 : i32 to vector<128x128xi32>
    %broadcast_in_dim3A_1636 = vector.broadcast %jit3A_1634 : i32 to vector<128x128xi32>
    %select_n3A_1637 = arith.select %lt3A_1632, %broadcast_in_dim3A_1635, %broadcast_in_dim3A_1636 : vector<128x128xi1>, vector<128x128xi32>
    %add3A_1638 = arith.addi %add3A_1628, %select_n3A_1637 : vector<128x128xi32>
    %slice3A_1639 = vector.extract_strided_slice %get3A_4 {offsets = [0, 3456], sizes = [1, 128], strides = [1, 1]} : vector<1x4096xi32> to vector<1x128xi32>
    %lt3A_1640 = vector.broadcast %slice3A_1639 : vector<1x128xi32> to vector<128x128xi32>
    %lt3A_1641 = vector.broadcast %slice3A_1358 : vector<128x1xi32> to vector<128x128xi32>
    %lt3A_1642 = arith.cmpi slt, %lt3A_1640, %lt3A_1641 : vector<128x128xi32>
    %jit3A_1643 = arith.constant 1 : i32
    %jit3A_1644 = arith.constant 0 : i32
    %broadcast_in_dim3A_1645 = vector.broadcast %jit3A_1643 : i32 to vector<128x128xi32>
    %broadcast_in_dim3A_1646 = vector.broadcast %jit3A_1644 : i32 to vector<128x128xi32>
    %select_n3A_1647 = arith.select %lt3A_1642, %broadcast_in_dim3A_1645, %broadcast_in_dim3A_1646 : vector<128x128xi1>, vector<128x128xi32>
    %add3A_1648 = arith.addi %add3A_1638, %select_n3A_1647 : vector<128x128xi32>
    %slice3A_1649 = vector.extract_strided_slice %get3A_4 {offsets = [0, 3584], sizes = [1, 128], strides = [1, 1]} : vector<1x4096xi32> to vector<1x128xi32>
    %lt3A_1650 = vector.broadcast %slice3A_1649 : vector<1x128xi32> to vector<128x128xi32>
    %lt3A_1651 = vector.broadcast %slice3A_1358 : vector<128x1xi32> to vector<128x128xi32>
    %lt3A_1652 = arith.cmpi slt, %lt3A_1650, %lt3A_1651 : vector<128x128xi32>
    %jit3A_1653 = arith.constant 1 : i32
    %jit3A_1654 = arith.constant 0 : i32
    %broadcast_in_dim3A_1655 = vector.broadcast %jit3A_1653 : i32 to vector<128x128xi32>
    %broadcast_in_dim3A_1656 = vector.broadcast %jit3A_1654 : i32 to vector<128x128xi32>
    %select_n3A_1657 = arith.select %lt3A_1652, %broadcast_in_dim3A_1655, %broadcast_in_dim3A_1656 : vector<128x128xi1>, vector<128x128xi32>
    %add3A_1658 = arith.addi %add3A_1648, %select_n3A_1657 : vector<128x128xi32>
    %slice3A_1659 = vector.extract_strided_slice %get3A_4 {offsets = [0, 3712], sizes = [1, 128], strides = [1, 1]} : vector<1x4096xi32> to vector<1x128xi32>
    %lt3A_1660 = vector.broadcast %slice3A_1659 : vector<1x128xi32> to vector<128x128xi32>
    %lt3A_1661 = vector.broadcast %slice3A_1358 : vector<128x1xi32> to vector<128x128xi32>
    %lt3A_1662 = arith.cmpi slt, %lt3A_1660, %lt3A_1661 : vector<128x128xi32>
    %jit3A_1663 = arith.constant 1 : i32
    %jit3A_1664 = arith.constant 0 : i32
    %broadcast_in_dim3A_1665 = vector.broadcast %jit3A_1663 : i32 to vector<128x128xi32>
    %broadcast_in_dim3A_1666 = vector.broadcast %jit3A_1664 : i32 to vector<128x128xi32>
    %select_n3A_1667 = arith.select %lt3A_1662, %broadcast_in_dim3A_1665, %broadcast_in_dim3A_1666 : vector<128x128xi1>, vector<128x128xi32>
    %add3A_1668 = arith.addi %add3A_1658, %select_n3A_1667 : vector<128x128xi32>
    %slice3A_1669 = vector.extract_strided_slice %get3A_4 {offsets = [0, 3840], sizes = [1, 128], strides = [1, 1]} : vector<1x4096xi32> to vector<1x128xi32>
    %lt3A_1670 = vector.broadcast %slice3A_1669 : vector<1x128xi32> to vector<128x128xi32>
    %lt3A_1671 = vector.broadcast %slice3A_1358 : vector<128x1xi32> to vector<128x128xi32>
    %lt3A_1672 = arith.cmpi slt, %lt3A_1670, %lt3A_1671 : vector<128x128xi32>
    %jit3A_1673 = arith.constant 1 : i32
    %jit3A_1674 = arith.constant 0 : i32
    %broadcast_in_dim3A_1675 = vector.broadcast %jit3A_1673 : i32 to vector<128x128xi32>
    %broadcast_in_dim3A_1676 = vector.broadcast %jit3A_1674 : i32 to vector<128x128xi32>
    %select_n3A_1677 = arith.select %lt3A_1672, %broadcast_in_dim3A_1675, %broadcast_in_dim3A_1676 : vector<128x128xi1>, vector<128x128xi32>
    %add3A_1678 = arith.addi %add3A_1668, %select_n3A_1677 : vector<128x128xi32>
    %slice3A_1679 = vector.extract_strided_slice %get3A_4 {offsets = [0, 3968], sizes = [1, 128], strides = [1, 1]} : vector<1x4096xi32> to vector<1x128xi32>
    %lt3A_1680 = vector.broadcast %slice3A_1679 : vector<1x128xi32> to vector<128x128xi32>
    %lt3A_1681 = vector.broadcast %slice3A_1358 : vector<128x1xi32> to vector<128x128xi32>
    %lt3A_1682 = arith.cmpi slt, %lt3A_1680, %lt3A_1681 : vector<128x128xi32>
    %jit3A_1683 = arith.constant 1 : i32
    %jit3A_1684 = arith.constant 0 : i32
    %broadcast_in_dim3A_1685 = vector.broadcast %jit3A_1683 : i32 to vector<128x128xi32>
    %broadcast_in_dim3A_1686 = vector.broadcast %jit3A_1684 : i32 to vector<128x128xi32>
    %select_n3A_1687 = arith.select %lt3A_1682, %broadcast_in_dim3A_1685, %broadcast_in_dim3A_1686 : vector<128x128xi1>, vector<128x128xi32>
    %add3A_1688 = arith.addi %add3A_1678, %select_n3A_1687 : vector<128x128xi32>
    %reduce_sum3A_1689 = arith.constant dense<0> : vector<128xi32>
    %reduce_sum3A_1690 = vector.multi_reduction <add>, %add3A_1688, %reduce_sum3A_1689 [1] : vector<128x128xi32> to vector<128xi32>
    %broadcast_in_dim3A_1691 = vector.shape_cast %reduce_sum3A_1690 : vector<128xi32> to vector<128x1xi32>
    %slice3A_1692 = vector.extract_strided_slice %add3A {offsets = [0, 5], sizes = [128, 1], strides = [1, 1]} : vector<128x8xi32> to vector<128x1xi32>
    %slice3A_1693 = vector.extract_strided_slice %get3A_11 {offsets = [5, 0], sizes = [1, 128], strides = [1, 1]} : vector<8x128xi32> to vector<1x128xi32>
    %eq3A_1694 = vector.broadcast %slice3A_1693 : vector<1x128xi32> to vector<128x128xi32>
    %eq3A_1695 = vector.broadcast %slice3A_1692 : vector<128x1xi32> to vector<128x128xi32>
    %eq3A_1696 = arith.cmpi eq, %eq3A_1694, %eq3A_1695 : vector<128x128xi32>
    %and3A_1697 = arith.andi %eq3A_1696, %lt3A : vector<128x128xi1>
    %jit3A_1698 = arith.constant 1 : i32
    %jit3A_1699 = arith.constant 0 : i32
    %broadcast_in_dim3A_1700 = vector.broadcast %jit3A_1698 : i32 to vector<128x128xi32>
    %broadcast_in_dim3A_1701 = vector.broadcast %jit3A_1699 : i32 to vector<128x128xi32>
    %select_n3A_1702 = arith.select %and3A_1697, %broadcast_in_dim3A_1700, %broadcast_in_dim3A_1701 : vector<128x128xi1>, vector<128x128xi32>
    %slice3A_1703 = vector.extract_strided_slice %get3A_4 {offsets = [0, 0], sizes = [1, 128], strides = [1, 1]} : vector<1x4096xi32> to vector<1x128xi32>
    %lt3A_1704 = vector.broadcast %slice3A_1703 : vector<1x128xi32> to vector<128x128xi32>
    %lt3A_1705 = vector.broadcast %slice3A_1692 : vector<128x1xi32> to vector<128x128xi32>
    %lt3A_1706 = arith.cmpi slt, %lt3A_1704, %lt3A_1705 : vector<128x128xi32>
    %jit3A_1707 = arith.constant 1 : i32
    %jit3A_1708 = arith.constant 0 : i32
    %broadcast_in_dim3A_1709 = vector.broadcast %jit3A_1707 : i32 to vector<128x128xi32>
    %broadcast_in_dim3A_1710 = vector.broadcast %jit3A_1708 : i32 to vector<128x128xi32>
    %select_n3A_1711 = arith.select %lt3A_1706, %broadcast_in_dim3A_1709, %broadcast_in_dim3A_1710 : vector<128x128xi1>, vector<128x128xi32>
    %add3A_1712 = arith.addi %select_n3A_1702, %select_n3A_1711 : vector<128x128xi32>
    %slice3A_1713 = vector.extract_strided_slice %get3A_4 {offsets = [0, 128], sizes = [1, 128], strides = [1, 1]} : vector<1x4096xi32> to vector<1x128xi32>
    %lt3A_1714 = vector.broadcast %slice3A_1713 : vector<1x128xi32> to vector<128x128xi32>
    %lt3A_1715 = vector.broadcast %slice3A_1692 : vector<128x1xi32> to vector<128x128xi32>
    %lt3A_1716 = arith.cmpi slt, %lt3A_1714, %lt3A_1715 : vector<128x128xi32>
    %jit3A_1717 = arith.constant 1 : i32
    %jit3A_1718 = arith.constant 0 : i32
    %broadcast_in_dim3A_1719 = vector.broadcast %jit3A_1717 : i32 to vector<128x128xi32>
    %broadcast_in_dim3A_1720 = vector.broadcast %jit3A_1718 : i32 to vector<128x128xi32>
    %select_n3A_1721 = arith.select %lt3A_1716, %broadcast_in_dim3A_1719, %broadcast_in_dim3A_1720 : vector<128x128xi1>, vector<128x128xi32>
    %add3A_1722 = arith.addi %add3A_1712, %select_n3A_1721 : vector<128x128xi32>
    %slice3A_1723 = vector.extract_strided_slice %get3A_4 {offsets = [0, 256], sizes = [1, 128], strides = [1, 1]} : vector<1x4096xi32> to vector<1x128xi32>
    %lt3A_1724 = vector.broadcast %slice3A_1723 : vector<1x128xi32> to vector<128x128xi32>
    %lt3A_1725 = vector.broadcast %slice3A_1692 : vector<128x1xi32> to vector<128x128xi32>
    %lt3A_1726 = arith.cmpi slt, %lt3A_1724, %lt3A_1725 : vector<128x128xi32>
    %jit3A_1727 = arith.constant 1 : i32
    %jit3A_1728 = arith.constant 0 : i32
    %broadcast_in_dim3A_1729 = vector.broadcast %jit3A_1727 : i32 to vector<128x128xi32>
    %broadcast_in_dim3A_1730 = vector.broadcast %jit3A_1728 : i32 to vector<128x128xi32>
    %select_n3A_1731 = arith.select %lt3A_1726, %broadcast_in_dim3A_1729, %broadcast_in_dim3A_1730 : vector<128x128xi1>, vector<128x128xi32>
    %add3A_1732 = arith.addi %add3A_1722, %select_n3A_1731 : vector<128x128xi32>
    %slice3A_1733 = vector.extract_strided_slice %get3A_4 {offsets = [0, 384], sizes = [1, 128], strides = [1, 1]} : vector<1x4096xi32> to vector<1x128xi32>
    %lt3A_1734 = vector.broadcast %slice3A_1733 : vector<1x128xi32> to vector<128x128xi32>
    %lt3A_1735 = vector.broadcast %slice3A_1692 : vector<128x1xi32> to vector<128x128xi32>
    %lt3A_1736 = arith.cmpi slt, %lt3A_1734, %lt3A_1735 : vector<128x128xi32>
    %jit3A_1737 = arith.constant 1 : i32
    %jit3A_1738 = arith.constant 0 : i32
    %broadcast_in_dim3A_1739 = vector.broadcast %jit3A_1737 : i32 to vector<128x128xi32>
    %broadcast_in_dim3A_1740 = vector.broadcast %jit3A_1738 : i32 to vector<128x128xi32>
    %select_n3A_1741 = arith.select %lt3A_1736, %broadcast_in_dim3A_1739, %broadcast_in_dim3A_1740 : vector<128x128xi1>, vector<128x128xi32>
    %add3A_1742 = arith.addi %add3A_1732, %select_n3A_1741 : vector<128x128xi32>
    %slice3A_1743 = vector.extract_strided_slice %get3A_4 {offsets = [0, 512], sizes = [1, 128], strides = [1, 1]} : vector<1x4096xi32> to vector<1x128xi32>
    %lt3A_1744 = vector.broadcast %slice3A_1743 : vector<1x128xi32> to vector<128x128xi32>
    %lt3A_1745 = vector.broadcast %slice3A_1692 : vector<128x1xi32> to vector<128x128xi32>
    %lt3A_1746 = arith.cmpi slt, %lt3A_1744, %lt3A_1745 : vector<128x128xi32>
    %jit3A_1747 = arith.constant 1 : i32
    %jit3A_1748 = arith.constant 0 : i32
    %broadcast_in_dim3A_1749 = vector.broadcast %jit3A_1747 : i32 to vector<128x128xi32>
    %broadcast_in_dim3A_1750 = vector.broadcast %jit3A_1748 : i32 to vector<128x128xi32>
    %select_n3A_1751 = arith.select %lt3A_1746, %broadcast_in_dim3A_1749, %broadcast_in_dim3A_1750 : vector<128x128xi1>, vector<128x128xi32>
    %add3A_1752 = arith.addi %add3A_1742, %select_n3A_1751 : vector<128x128xi32>
    %slice3A_1753 = vector.extract_strided_slice %get3A_4 {offsets = [0, 640], sizes = [1, 128], strides = [1, 1]} : vector<1x4096xi32> to vector<1x128xi32>
    %lt3A_1754 = vector.broadcast %slice3A_1753 : vector<1x128xi32> to vector<128x128xi32>
    %lt3A_1755 = vector.broadcast %slice3A_1692 : vector<128x1xi32> to vector<128x128xi32>
    %lt3A_1756 = arith.cmpi slt, %lt3A_1754, %lt3A_1755 : vector<128x128xi32>
    %jit3A_1757 = arith.constant 1 : i32
    %jit3A_1758 = arith.constant 0 : i32
    %broadcast_in_dim3A_1759 = vector.broadcast %jit3A_1757 : i32 to vector<128x128xi32>
    %broadcast_in_dim3A_1760 = vector.broadcast %jit3A_1758 : i32 to vector<128x128xi32>
    %select_n3A_1761 = arith.select %lt3A_1756, %broadcast_in_dim3A_1759, %broadcast_in_dim3A_1760 : vector<128x128xi1>, vector<128x128xi32>
    %add3A_1762 = arith.addi %add3A_1752, %select_n3A_1761 : vector<128x128xi32>
    %slice3A_1763 = vector.extract_strided_slice %get3A_4 {offsets = [0, 768], sizes = [1, 128], strides = [1, 1]} : vector<1x4096xi32> to vector<1x128xi32>
    %lt3A_1764 = vector.broadcast %slice3A_1763 : vector<1x128xi32> to vector<128x128xi32>
    %lt3A_1765 = vector.broadcast %slice3A_1692 : vector<128x1xi32> to vector<128x128xi32>
    %lt3A_1766 = arith.cmpi slt, %lt3A_1764, %lt3A_1765 : vector<128x128xi32>
    %jit3A_1767 = arith.constant 1 : i32
    %jit3A_1768 = arith.constant 0 : i32
    %broadcast_in_dim3A_1769 = vector.broadcast %jit3A_1767 : i32 to vector<128x128xi32>
    %broadcast_in_dim3A_1770 = vector.broadcast %jit3A_1768 : i32 to vector<128x128xi32>
    %select_n3A_1771 = arith.select %lt3A_1766, %broadcast_in_dim3A_1769, %broadcast_in_dim3A_1770 : vector<128x128xi1>, vector<128x128xi32>
    %add3A_1772 = arith.addi %add3A_1762, %select_n3A_1771 : vector<128x128xi32>
    %slice3A_1773 = vector.extract_strided_slice %get3A_4 {offsets = [0, 896], sizes = [1, 128], strides = [1, 1]} : vector<1x4096xi32> to vector<1x128xi32>
    %lt3A_1774 = vector.broadcast %slice3A_1773 : vector<1x128xi32> to vector<128x128xi32>
    %lt3A_1775 = vector.broadcast %slice3A_1692 : vector<128x1xi32> to vector<128x128xi32>
    %lt3A_1776 = arith.cmpi slt, %lt3A_1774, %lt3A_1775 : vector<128x128xi32>
    %jit3A_1777 = arith.constant 1 : i32
    %jit3A_1778 = arith.constant 0 : i32
    %broadcast_in_dim3A_1779 = vector.broadcast %jit3A_1777 : i32 to vector<128x128xi32>
    %broadcast_in_dim3A_1780 = vector.broadcast %jit3A_1778 : i32 to vector<128x128xi32>
    %select_n3A_1781 = arith.select %lt3A_1776, %broadcast_in_dim3A_1779, %broadcast_in_dim3A_1780 : vector<128x128xi1>, vector<128x128xi32>
    %add3A_1782 = arith.addi %add3A_1772, %select_n3A_1781 : vector<128x128xi32>
    %slice3A_1783 = vector.extract_strided_slice %get3A_4 {offsets = [0, 1024], sizes = [1, 128], strides = [1, 1]} : vector<1x4096xi32> to vector<1x128xi32>
    %lt3A_1784 = vector.broadcast %slice3A_1783 : vector<1x128xi32> to vector<128x128xi32>
    %lt3A_1785 = vector.broadcast %slice3A_1692 : vector<128x1xi32> to vector<128x128xi32>
    %lt3A_1786 = arith.cmpi slt, %lt3A_1784, %lt3A_1785 : vector<128x128xi32>
    %jit3A_1787 = arith.constant 1 : i32
    %jit3A_1788 = arith.constant 0 : i32
    %broadcast_in_dim3A_1789 = vector.broadcast %jit3A_1787 : i32 to vector<128x128xi32>
    %broadcast_in_dim3A_1790 = vector.broadcast %jit3A_1788 : i32 to vector<128x128xi32>
    %select_n3A_1791 = arith.select %lt3A_1786, %broadcast_in_dim3A_1789, %broadcast_in_dim3A_1790 : vector<128x128xi1>, vector<128x128xi32>
    %add3A_1792 = arith.addi %add3A_1782, %select_n3A_1791 : vector<128x128xi32>
    %slice3A_1793 = vector.extract_strided_slice %get3A_4 {offsets = [0, 1152], sizes = [1, 128], strides = [1, 1]} : vector<1x4096xi32> to vector<1x128xi32>
    %lt3A_1794 = vector.broadcast %slice3A_1793 : vector<1x128xi32> to vector<128x128xi32>
    %lt3A_1795 = vector.broadcast %slice3A_1692 : vector<128x1xi32> to vector<128x128xi32>
    %lt3A_1796 = arith.cmpi slt, %lt3A_1794, %lt3A_1795 : vector<128x128xi32>
    %jit3A_1797 = arith.constant 1 : i32
    %jit3A_1798 = arith.constant 0 : i32
    %broadcast_in_dim3A_1799 = vector.broadcast %jit3A_1797 : i32 to vector<128x128xi32>
    %broadcast_in_dim3A_1800 = vector.broadcast %jit3A_1798 : i32 to vector<128x128xi32>
    %select_n3A_1801 = arith.select %lt3A_1796, %broadcast_in_dim3A_1799, %broadcast_in_dim3A_1800 : vector<128x128xi1>, vector<128x128xi32>
    %add3A_1802 = arith.addi %add3A_1792, %select_n3A_1801 : vector<128x128xi32>
    %slice3A_1803 = vector.extract_strided_slice %get3A_4 {offsets = [0, 1280], sizes = [1, 128], strides = [1, 1]} : vector<1x4096xi32> to vector<1x128xi32>
    %lt3A_1804 = vector.broadcast %slice3A_1803 : vector<1x128xi32> to vector<128x128xi32>
    %lt3A_1805 = vector.broadcast %slice3A_1692 : vector<128x1xi32> to vector<128x128xi32>
    %lt3A_1806 = arith.cmpi slt, %lt3A_1804, %lt3A_1805 : vector<128x128xi32>
    %jit3A_1807 = arith.constant 1 : i32
    %jit3A_1808 = arith.constant 0 : i32
    %broadcast_in_dim3A_1809 = vector.broadcast %jit3A_1807 : i32 to vector<128x128xi32>
    %broadcast_in_dim3A_1810 = vector.broadcast %jit3A_1808 : i32 to vector<128x128xi32>
    %select_n3A_1811 = arith.select %lt3A_1806, %broadcast_in_dim3A_1809, %broadcast_in_dim3A_1810 : vector<128x128xi1>, vector<128x128xi32>
    %add3A_1812 = arith.addi %add3A_1802, %select_n3A_1811 : vector<128x128xi32>
    %slice3A_1813 = vector.extract_strided_slice %get3A_4 {offsets = [0, 1408], sizes = [1, 128], strides = [1, 1]} : vector<1x4096xi32> to vector<1x128xi32>
    %lt3A_1814 = vector.broadcast %slice3A_1813 : vector<1x128xi32> to vector<128x128xi32>
    %lt3A_1815 = vector.broadcast %slice3A_1692 : vector<128x1xi32> to vector<128x128xi32>
    %lt3A_1816 = arith.cmpi slt, %lt3A_1814, %lt3A_1815 : vector<128x128xi32>
    %jit3A_1817 = arith.constant 1 : i32
    %jit3A_1818 = arith.constant 0 : i32
    %broadcast_in_dim3A_1819 = vector.broadcast %jit3A_1817 : i32 to vector<128x128xi32>
    %broadcast_in_dim3A_1820 = vector.broadcast %jit3A_1818 : i32 to vector<128x128xi32>
    %select_n3A_1821 = arith.select %lt3A_1816, %broadcast_in_dim3A_1819, %broadcast_in_dim3A_1820 : vector<128x128xi1>, vector<128x128xi32>
    %add3A_1822 = arith.addi %add3A_1812, %select_n3A_1821 : vector<128x128xi32>
    %slice3A_1823 = vector.extract_strided_slice %get3A_4 {offsets = [0, 1536], sizes = [1, 128], strides = [1, 1]} : vector<1x4096xi32> to vector<1x128xi32>
    %lt3A_1824 = vector.broadcast %slice3A_1823 : vector<1x128xi32> to vector<128x128xi32>
    %lt3A_1825 = vector.broadcast %slice3A_1692 : vector<128x1xi32> to vector<128x128xi32>
    %lt3A_1826 = arith.cmpi slt, %lt3A_1824, %lt3A_1825 : vector<128x128xi32>
    %jit3A_1827 = arith.constant 1 : i32
    %jit3A_1828 = arith.constant 0 : i32
    %broadcast_in_dim3A_1829 = vector.broadcast %jit3A_1827 : i32 to vector<128x128xi32>
    %broadcast_in_dim3A_1830 = vector.broadcast %jit3A_1828 : i32 to vector<128x128xi32>
    %select_n3A_1831 = arith.select %lt3A_1826, %broadcast_in_dim3A_1829, %broadcast_in_dim3A_1830 : vector<128x128xi1>, vector<128x128xi32>
    %add3A_1832 = arith.addi %add3A_1822, %select_n3A_1831 : vector<128x128xi32>
    %slice3A_1833 = vector.extract_strided_slice %get3A_4 {offsets = [0, 1664], sizes = [1, 128], strides = [1, 1]} : vector<1x4096xi32> to vector<1x128xi32>
    %lt3A_1834 = vector.broadcast %slice3A_1833 : vector<1x128xi32> to vector<128x128xi32>
    %lt3A_1835 = vector.broadcast %slice3A_1692 : vector<128x1xi32> to vector<128x128xi32>
    %lt3A_1836 = arith.cmpi slt, %lt3A_1834, %lt3A_1835 : vector<128x128xi32>
    %jit3A_1837 = arith.constant 1 : i32
    %jit3A_1838 = arith.constant 0 : i32
    %broadcast_in_dim3A_1839 = vector.broadcast %jit3A_1837 : i32 to vector<128x128xi32>
    %broadcast_in_dim3A_1840 = vector.broadcast %jit3A_1838 : i32 to vector<128x128xi32>
    %select_n3A_1841 = arith.select %lt3A_1836, %broadcast_in_dim3A_1839, %broadcast_in_dim3A_1840 : vector<128x128xi1>, vector<128x128xi32>
    %add3A_1842 = arith.addi %add3A_1832, %select_n3A_1841 : vector<128x128xi32>
    %slice3A_1843 = vector.extract_strided_slice %get3A_4 {offsets = [0, 1792], sizes = [1, 128], strides = [1, 1]} : vector<1x4096xi32> to vector<1x128xi32>
    %lt3A_1844 = vector.broadcast %slice3A_1843 : vector<1x128xi32> to vector<128x128xi32>
    %lt3A_1845 = vector.broadcast %slice3A_1692 : vector<128x1xi32> to vector<128x128xi32>
    %lt3A_1846 = arith.cmpi slt, %lt3A_1844, %lt3A_1845 : vector<128x128xi32>
    %jit3A_1847 = arith.constant 1 : i32
    %jit3A_1848 = arith.constant 0 : i32
    %broadcast_in_dim3A_1849 = vector.broadcast %jit3A_1847 : i32 to vector<128x128xi32>
    %broadcast_in_dim3A_1850 = vector.broadcast %jit3A_1848 : i32 to vector<128x128xi32>
    %select_n3A_1851 = arith.select %lt3A_1846, %broadcast_in_dim3A_1849, %broadcast_in_dim3A_1850 : vector<128x128xi1>, vector<128x128xi32>
    %add3A_1852 = arith.addi %add3A_1842, %select_n3A_1851 : vector<128x128xi32>
    %slice3A_1853 = vector.extract_strided_slice %get3A_4 {offsets = [0, 1920], sizes = [1, 128], strides = [1, 1]} : vector<1x4096xi32> to vector<1x128xi32>
    %lt3A_1854 = vector.broadcast %slice3A_1853 : vector<1x128xi32> to vector<128x128xi32>
    %lt3A_1855 = vector.broadcast %slice3A_1692 : vector<128x1xi32> to vector<128x128xi32>
    %lt3A_1856 = arith.cmpi slt, %lt3A_1854, %lt3A_1855 : vector<128x128xi32>
    %jit3A_1857 = arith.constant 1 : i32
    %jit3A_1858 = arith.constant 0 : i32
    %broadcast_in_dim3A_1859 = vector.broadcast %jit3A_1857 : i32 to vector<128x128xi32>
    %broadcast_in_dim3A_1860 = vector.broadcast %jit3A_1858 : i32 to vector<128x128xi32>
    %select_n3A_1861 = arith.select %lt3A_1856, %broadcast_in_dim3A_1859, %broadcast_in_dim3A_1860 : vector<128x128xi1>, vector<128x128xi32>
    %add3A_1862 = arith.addi %add3A_1852, %select_n3A_1861 : vector<128x128xi32>
    %slice3A_1863 = vector.extract_strided_slice %get3A_4 {offsets = [0, 2048], sizes = [1, 128], strides = [1, 1]} : vector<1x4096xi32> to vector<1x128xi32>
    %lt3A_1864 = vector.broadcast %slice3A_1863 : vector<1x128xi32> to vector<128x128xi32>
    %lt3A_1865 = vector.broadcast %slice3A_1692 : vector<128x1xi32> to vector<128x128xi32>
    %lt3A_1866 = arith.cmpi slt, %lt3A_1864, %lt3A_1865 : vector<128x128xi32>
    %jit3A_1867 = arith.constant 1 : i32
    %jit3A_1868 = arith.constant 0 : i32
    %broadcast_in_dim3A_1869 = vector.broadcast %jit3A_1867 : i32 to vector<128x128xi32>
    %broadcast_in_dim3A_1870 = vector.broadcast %jit3A_1868 : i32 to vector<128x128xi32>
    %select_n3A_1871 = arith.select %lt3A_1866, %broadcast_in_dim3A_1869, %broadcast_in_dim3A_1870 : vector<128x128xi1>, vector<128x128xi32>
    %add3A_1872 = arith.addi %add3A_1862, %select_n3A_1871 : vector<128x128xi32>
    %slice3A_1873 = vector.extract_strided_slice %get3A_4 {offsets = [0, 2176], sizes = [1, 128], strides = [1, 1]} : vector<1x4096xi32> to vector<1x128xi32>
    %lt3A_1874 = vector.broadcast %slice3A_1873 : vector<1x128xi32> to vector<128x128xi32>
    %lt3A_1875 = vector.broadcast %slice3A_1692 : vector<128x1xi32> to vector<128x128xi32>
    %lt3A_1876 = arith.cmpi slt, %lt3A_1874, %lt3A_1875 : vector<128x128xi32>
    %jit3A_1877 = arith.constant 1 : i32
    %jit3A_1878 = arith.constant 0 : i32
    %broadcast_in_dim3A_1879 = vector.broadcast %jit3A_1877 : i32 to vector<128x128xi32>
    %broadcast_in_dim3A_1880 = vector.broadcast %jit3A_1878 : i32 to vector<128x128xi32>
    %select_n3A_1881 = arith.select %lt3A_1876, %broadcast_in_dim3A_1879, %broadcast_in_dim3A_1880 : vector<128x128xi1>, vector<128x128xi32>
    %add3A_1882 = arith.addi %add3A_1872, %select_n3A_1881 : vector<128x128xi32>
    %slice3A_1883 = vector.extract_strided_slice %get3A_4 {offsets = [0, 2304], sizes = [1, 128], strides = [1, 1]} : vector<1x4096xi32> to vector<1x128xi32>
    %lt3A_1884 = vector.broadcast %slice3A_1883 : vector<1x128xi32> to vector<128x128xi32>
    %lt3A_1885 = vector.broadcast %slice3A_1692 : vector<128x1xi32> to vector<128x128xi32>
    %lt3A_1886 = arith.cmpi slt, %lt3A_1884, %lt3A_1885 : vector<128x128xi32>
    %jit3A_1887 = arith.constant 1 : i32
    %jit3A_1888 = arith.constant 0 : i32
    %broadcast_in_dim3A_1889 = vector.broadcast %jit3A_1887 : i32 to vector<128x128xi32>
    %broadcast_in_dim3A_1890 = vector.broadcast %jit3A_1888 : i32 to vector<128x128xi32>
    %select_n3A_1891 = arith.select %lt3A_1886, %broadcast_in_dim3A_1889, %broadcast_in_dim3A_1890 : vector<128x128xi1>, vector<128x128xi32>
    %add3A_1892 = arith.addi %add3A_1882, %select_n3A_1891 : vector<128x128xi32>
    %slice3A_1893 = vector.extract_strided_slice %get3A_4 {offsets = [0, 2432], sizes = [1, 128], strides = [1, 1]} : vector<1x4096xi32> to vector<1x128xi32>
    %lt3A_1894 = vector.broadcast %slice3A_1893 : vector<1x128xi32> to vector<128x128xi32>
    %lt3A_1895 = vector.broadcast %slice3A_1692 : vector<128x1xi32> to vector<128x128xi32>
    %lt3A_1896 = arith.cmpi slt, %lt3A_1894, %lt3A_1895 : vector<128x128xi32>
    %jit3A_1897 = arith.constant 1 : i32
    %jit3A_1898 = arith.constant 0 : i32
    %broadcast_in_dim3A_1899 = vector.broadcast %jit3A_1897 : i32 to vector<128x128xi32>
    %broadcast_in_dim3A_1900 = vector.broadcast %jit3A_1898 : i32 to vector<128x128xi32>
    %select_n3A_1901 = arith.select %lt3A_1896, %broadcast_in_dim3A_1899, %broadcast_in_dim3A_1900 : vector<128x128xi1>, vector<128x128xi32>
    %add3A_1902 = arith.addi %add3A_1892, %select_n3A_1901 : vector<128x128xi32>
    %slice3A_1903 = vector.extract_strided_slice %get3A_4 {offsets = [0, 2560], sizes = [1, 128], strides = [1, 1]} : vector<1x4096xi32> to vector<1x128xi32>
    %lt3A_1904 = vector.broadcast %slice3A_1903 : vector<1x128xi32> to vector<128x128xi32>
    %lt3A_1905 = vector.broadcast %slice3A_1692 : vector<128x1xi32> to vector<128x128xi32>
    %lt3A_1906 = arith.cmpi slt, %lt3A_1904, %lt3A_1905 : vector<128x128xi32>
    %jit3A_1907 = arith.constant 1 : i32
    %jit3A_1908 = arith.constant 0 : i32
    %broadcast_in_dim3A_1909 = vector.broadcast %jit3A_1907 : i32 to vector<128x128xi32>
    %broadcast_in_dim3A_1910 = vector.broadcast %jit3A_1908 : i32 to vector<128x128xi32>
    %select_n3A_1911 = arith.select %lt3A_1906, %broadcast_in_dim3A_1909, %broadcast_in_dim3A_1910 : vector<128x128xi1>, vector<128x128xi32>
    %add3A_1912 = arith.addi %add3A_1902, %select_n3A_1911 : vector<128x128xi32>
    %slice3A_1913 = vector.extract_strided_slice %get3A_4 {offsets = [0, 2688], sizes = [1, 128], strides = [1, 1]} : vector<1x4096xi32> to vector<1x128xi32>
    %lt3A_1914 = vector.broadcast %slice3A_1913 : vector<1x128xi32> to vector<128x128xi32>
    %lt3A_1915 = vector.broadcast %slice3A_1692 : vector<128x1xi32> to vector<128x128xi32>
    %lt3A_1916 = arith.cmpi slt, %lt3A_1914, %lt3A_1915 : vector<128x128xi32>
    %jit3A_1917 = arith.constant 1 : i32
    %jit3A_1918 = arith.constant 0 : i32
    %broadcast_in_dim3A_1919 = vector.broadcast %jit3A_1917 : i32 to vector<128x128xi32>
    %broadcast_in_dim3A_1920 = vector.broadcast %jit3A_1918 : i32 to vector<128x128xi32>
    %select_n3A_1921 = arith.select %lt3A_1916, %broadcast_in_dim3A_1919, %broadcast_in_dim3A_1920 : vector<128x128xi1>, vector<128x128xi32>
    %add3A_1922 = arith.addi %add3A_1912, %select_n3A_1921 : vector<128x128xi32>
    %slice3A_1923 = vector.extract_strided_slice %get3A_4 {offsets = [0, 2816], sizes = [1, 128], strides = [1, 1]} : vector<1x4096xi32> to vector<1x128xi32>
    %lt3A_1924 = vector.broadcast %slice3A_1923 : vector<1x128xi32> to vector<128x128xi32>
    %lt3A_1925 = vector.broadcast %slice3A_1692 : vector<128x1xi32> to vector<128x128xi32>
    %lt3A_1926 = arith.cmpi slt, %lt3A_1924, %lt3A_1925 : vector<128x128xi32>
    %jit3A_1927 = arith.constant 1 : i32
    %jit3A_1928 = arith.constant 0 : i32
    %broadcast_in_dim3A_1929 = vector.broadcast %jit3A_1927 : i32 to vector<128x128xi32>
    %broadcast_in_dim3A_1930 = vector.broadcast %jit3A_1928 : i32 to vector<128x128xi32>
    %select_n3A_1931 = arith.select %lt3A_1926, %broadcast_in_dim3A_1929, %broadcast_in_dim3A_1930 : vector<128x128xi1>, vector<128x128xi32>
    %add3A_1932 = arith.addi %add3A_1922, %select_n3A_1931 : vector<128x128xi32>
    %slice3A_1933 = vector.extract_strided_slice %get3A_4 {offsets = [0, 2944], sizes = [1, 128], strides = [1, 1]} : vector<1x4096xi32> to vector<1x128xi32>
    %lt3A_1934 = vector.broadcast %slice3A_1933 : vector<1x128xi32> to vector<128x128xi32>
    %lt3A_1935 = vector.broadcast %slice3A_1692 : vector<128x1xi32> to vector<128x128xi32>
    %lt3A_1936 = arith.cmpi slt, %lt3A_1934, %lt3A_1935 : vector<128x128xi32>
    %jit3A_1937 = arith.constant 1 : i32
    %jit3A_1938 = arith.constant 0 : i32
    %broadcast_in_dim3A_1939 = vector.broadcast %jit3A_1937 : i32 to vector<128x128xi32>
    %broadcast_in_dim3A_1940 = vector.broadcast %jit3A_1938 : i32 to vector<128x128xi32>
    %select_n3A_1941 = arith.select %lt3A_1936, %broadcast_in_dim3A_1939, %broadcast_in_dim3A_1940 : vector<128x128xi1>, vector<128x128xi32>
    %add3A_1942 = arith.addi %add3A_1932, %select_n3A_1941 : vector<128x128xi32>
    %slice3A_1943 = vector.extract_strided_slice %get3A_4 {offsets = [0, 3072], sizes = [1, 128], strides = [1, 1]} : vector<1x4096xi32> to vector<1x128xi32>
    %lt3A_1944 = vector.broadcast %slice3A_1943 : vector<1x128xi32> to vector<128x128xi32>
    %lt3A_1945 = vector.broadcast %slice3A_1692 : vector<128x1xi32> to vector<128x128xi32>
    %lt3A_1946 = arith.cmpi slt, %lt3A_1944, %lt3A_1945 : vector<128x128xi32>
    %jit3A_1947 = arith.constant 1 : i32
    %jit3A_1948 = arith.constant 0 : i32
    %broadcast_in_dim3A_1949 = vector.broadcast %jit3A_1947 : i32 to vector<128x128xi32>
    %broadcast_in_dim3A_1950 = vector.broadcast %jit3A_1948 : i32 to vector<128x128xi32>
    %select_n3A_1951 = arith.select %lt3A_1946, %broadcast_in_dim3A_1949, %broadcast_in_dim3A_1950 : vector<128x128xi1>, vector<128x128xi32>
    %add3A_1952 = arith.addi %add3A_1942, %select_n3A_1951 : vector<128x128xi32>
    %slice3A_1953 = vector.extract_strided_slice %get3A_4 {offsets = [0, 3200], sizes = [1, 128], strides = [1, 1]} : vector<1x4096xi32> to vector<1x128xi32>
    %lt3A_1954 = vector.broadcast %slice3A_1953 : vector<1x128xi32> to vector<128x128xi32>
    %lt3A_1955 = vector.broadcast %slice3A_1692 : vector<128x1xi32> to vector<128x128xi32>
    %lt3A_1956 = arith.cmpi slt, %lt3A_1954, %lt3A_1955 : vector<128x128xi32>
    %jit3A_1957 = arith.constant 1 : i32
    %jit3A_1958 = arith.constant 0 : i32
    %broadcast_in_dim3A_1959 = vector.broadcast %jit3A_1957 : i32 to vector<128x128xi32>
    %broadcast_in_dim3A_1960 = vector.broadcast %jit3A_1958 : i32 to vector<128x128xi32>
    %select_n3A_1961 = arith.select %lt3A_1956, %broadcast_in_dim3A_1959, %broadcast_in_dim3A_1960 : vector<128x128xi1>, vector<128x128xi32>
    %add3A_1962 = arith.addi %add3A_1952, %select_n3A_1961 : vector<128x128xi32>
    %slice3A_1963 = vector.extract_strided_slice %get3A_4 {offsets = [0, 3328], sizes = [1, 128], strides = [1, 1]} : vector<1x4096xi32> to vector<1x128xi32>
    %lt3A_1964 = vector.broadcast %slice3A_1963 : vector<1x128xi32> to vector<128x128xi32>
    %lt3A_1965 = vector.broadcast %slice3A_1692 : vector<128x1xi32> to vector<128x128xi32>
    %lt3A_1966 = arith.cmpi slt, %lt3A_1964, %lt3A_1965 : vector<128x128xi32>
    %jit3A_1967 = arith.constant 1 : i32
    %jit3A_1968 = arith.constant 0 : i32
    %broadcast_in_dim3A_1969 = vector.broadcast %jit3A_1967 : i32 to vector<128x128xi32>
    %broadcast_in_dim3A_1970 = vector.broadcast %jit3A_1968 : i32 to vector<128x128xi32>
    %select_n3A_1971 = arith.select %lt3A_1966, %broadcast_in_dim3A_1969, %broadcast_in_dim3A_1970 : vector<128x128xi1>, vector<128x128xi32>
    %add3A_1972 = arith.addi %add3A_1962, %select_n3A_1971 : vector<128x128xi32>
    %slice3A_1973 = vector.extract_strided_slice %get3A_4 {offsets = [0, 3456], sizes = [1, 128], strides = [1, 1]} : vector<1x4096xi32> to vector<1x128xi32>
    %lt3A_1974 = vector.broadcast %slice3A_1973 : vector<1x128xi32> to vector<128x128xi32>
    %lt3A_1975 = vector.broadcast %slice3A_1692 : vector<128x1xi32> to vector<128x128xi32>
    %lt3A_1976 = arith.cmpi slt, %lt3A_1974, %lt3A_1975 : vector<128x128xi32>
    %jit3A_1977 = arith.constant 1 : i32
    %jit3A_1978 = arith.constant 0 : i32
    %broadcast_in_dim3A_1979 = vector.broadcast %jit3A_1977 : i32 to vector<128x128xi32>
    %broadcast_in_dim3A_1980 = vector.broadcast %jit3A_1978 : i32 to vector<128x128xi32>
    %select_n3A_1981 = arith.select %lt3A_1976, %broadcast_in_dim3A_1979, %broadcast_in_dim3A_1980 : vector<128x128xi1>, vector<128x128xi32>
    %add3A_1982 = arith.addi %add3A_1972, %select_n3A_1981 : vector<128x128xi32>
    %slice3A_1983 = vector.extract_strided_slice %get3A_4 {offsets = [0, 3584], sizes = [1, 128], strides = [1, 1]} : vector<1x4096xi32> to vector<1x128xi32>
    %lt3A_1984 = vector.broadcast %slice3A_1983 : vector<1x128xi32> to vector<128x128xi32>
    %lt3A_1985 = vector.broadcast %slice3A_1692 : vector<128x1xi32> to vector<128x128xi32>
    %lt3A_1986 = arith.cmpi slt, %lt3A_1984, %lt3A_1985 : vector<128x128xi32>
    %jit3A_1987 = arith.constant 1 : i32
    %jit3A_1988 = arith.constant 0 : i32
    %broadcast_in_dim3A_1989 = vector.broadcast %jit3A_1987 : i32 to vector<128x128xi32>
    %broadcast_in_dim3A_1990 = vector.broadcast %jit3A_1988 : i32 to vector<128x128xi32>
    %select_n3A_1991 = arith.select %lt3A_1986, %broadcast_in_dim3A_1989, %broadcast_in_dim3A_1990 : vector<128x128xi1>, vector<128x128xi32>
    %add3A_1992 = arith.addi %add3A_1982, %select_n3A_1991 : vector<128x128xi32>
    %slice3A_1993 = vector.extract_strided_slice %get3A_4 {offsets = [0, 3712], sizes = [1, 128], strides = [1, 1]} : vector<1x4096xi32> to vector<1x128xi32>
    %lt3A_1994 = vector.broadcast %slice3A_1993 : vector<1x128xi32> to vector<128x128xi32>
    %lt3A_1995 = vector.broadcast %slice3A_1692 : vector<128x1xi32> to vector<128x128xi32>
    %lt3A_1996 = arith.cmpi slt, %lt3A_1994, %lt3A_1995 : vector<128x128xi32>
    %jit3A_1997 = arith.constant 1 : i32
    %jit3A_1998 = arith.constant 0 : i32
    %broadcast_in_dim3A_1999 = vector.broadcast %jit3A_1997 : i32 to vector<128x128xi32>
    %broadcast_in_dim3A_2000 = vector.broadcast %jit3A_1998 : i32 to vector<128x128xi32>
    %select_n3A_2001 = arith.select %lt3A_1996, %broadcast_in_dim3A_1999, %broadcast_in_dim3A_2000 : vector<128x128xi1>, vector<128x128xi32>
    %add3A_2002 = arith.addi %add3A_1992, %select_n3A_2001 : vector<128x128xi32>
    %slice3A_2003 = vector.extract_strided_slice %get3A_4 {offsets = [0, 3840], sizes = [1, 128], strides = [1, 1]} : vector<1x4096xi32> to vector<1x128xi32>
    %lt3A_2004 = vector.broadcast %slice3A_2003 : vector<1x128xi32> to vector<128x128xi32>
    %lt3A_2005 = vector.broadcast %slice3A_1692 : vector<128x1xi32> to vector<128x128xi32>
    %lt3A_2006 = arith.cmpi slt, %lt3A_2004, %lt3A_2005 : vector<128x128xi32>
    %jit3A_2007 = arith.constant 1 : i32
    %jit3A_2008 = arith.constant 0 : i32
    %broadcast_in_dim3A_2009 = vector.broadcast %jit3A_2007 : i32 to vector<128x128xi32>
    %broadcast_in_dim3A_2010 = vector.broadcast %jit3A_2008 : i32 to vector<128x128xi32>
    %select_n3A_2011 = arith.select %lt3A_2006, %broadcast_in_dim3A_2009, %broadcast_in_dim3A_2010 : vector<128x128xi1>, vector<128x128xi32>
    %add3A_2012 = arith.addi %add3A_2002, %select_n3A_2011 : vector<128x128xi32>
    %slice3A_2013 = vector.extract_strided_slice %get3A_4 {offsets = [0, 3968], sizes = [1, 128], strides = [1, 1]} : vector<1x4096xi32> to vector<1x128xi32>
    %lt3A_2014 = vector.broadcast %slice3A_2013 : vector<1x128xi32> to vector<128x128xi32>
    %lt3A_2015 = vector.broadcast %slice3A_1692 : vector<128x1xi32> to vector<128x128xi32>
    %lt3A_2016 = arith.cmpi slt, %lt3A_2014, %lt3A_2015 : vector<128x128xi32>
    %jit3A_2017 = arith.constant 1 : i32
    %jit3A_2018 = arith.constant 0 : i32
    %broadcast_in_dim3A_2019 = vector.broadcast %jit3A_2017 : i32 to vector<128x128xi32>
    %broadcast_in_dim3A_2020 = vector.broadcast %jit3A_2018 : i32 to vector<128x128xi32>
    %select_n3A_2021 = arith.select %lt3A_2016, %broadcast_in_dim3A_2019, %broadcast_in_dim3A_2020 : vector<128x128xi1>, vector<128x128xi32>
    %add3A_2022 = arith.addi %add3A_2012, %select_n3A_2021 : vector<128x128xi32>
    %reduce_sum3A_2023 = arith.constant dense<0> : vector<128xi32>
    %reduce_sum3A_2024 = vector.multi_reduction <add>, %add3A_2022, %reduce_sum3A_2023 [1] : vector<128x128xi32> to vector<128xi32>
    %broadcast_in_dim3A_2025 = vector.shape_cast %reduce_sum3A_2024 : vector<128xi32> to vector<128x1xi32>
    %slice3A_2026 = vector.extract_strided_slice %add3A {offsets = [0, 6], sizes = [128, 1], strides = [1, 1]} : vector<128x8xi32> to vector<128x1xi32>
    %slice3A_2027 = vector.extract_strided_slice %get3A_11 {offsets = [6, 0], sizes = [1, 128], strides = [1, 1]} : vector<8x128xi32> to vector<1x128xi32>
    %eq3A_2028 = vector.broadcast %slice3A_2027 : vector<1x128xi32> to vector<128x128xi32>
    %eq3A_2029 = vector.broadcast %slice3A_2026 : vector<128x1xi32> to vector<128x128xi32>
    %eq3A_2030 = arith.cmpi eq, %eq3A_2028, %eq3A_2029 : vector<128x128xi32>
    %and3A_2031 = arith.andi %eq3A_2030, %lt3A : vector<128x128xi1>
    %jit3A_2032 = arith.constant 1 : i32
    %jit3A_2033 = arith.constant 0 : i32
    %broadcast_in_dim3A_2034 = vector.broadcast %jit3A_2032 : i32 to vector<128x128xi32>
    %broadcast_in_dim3A_2035 = vector.broadcast %jit3A_2033 : i32 to vector<128x128xi32>
    %select_n3A_2036 = arith.select %and3A_2031, %broadcast_in_dim3A_2034, %broadcast_in_dim3A_2035 : vector<128x128xi1>, vector<128x128xi32>
    %slice3A_2037 = vector.extract_strided_slice %get3A_4 {offsets = [0, 0], sizes = [1, 128], strides = [1, 1]} : vector<1x4096xi32> to vector<1x128xi32>
    %lt3A_2038 = vector.broadcast %slice3A_2037 : vector<1x128xi32> to vector<128x128xi32>
    %lt3A_2039 = vector.broadcast %slice3A_2026 : vector<128x1xi32> to vector<128x128xi32>
    %lt3A_2040 = arith.cmpi slt, %lt3A_2038, %lt3A_2039 : vector<128x128xi32>
    %jit3A_2041 = arith.constant 1 : i32
    %jit3A_2042 = arith.constant 0 : i32
    %broadcast_in_dim3A_2043 = vector.broadcast %jit3A_2041 : i32 to vector<128x128xi32>
    %broadcast_in_dim3A_2044 = vector.broadcast %jit3A_2042 : i32 to vector<128x128xi32>
    %select_n3A_2045 = arith.select %lt3A_2040, %broadcast_in_dim3A_2043, %broadcast_in_dim3A_2044 : vector<128x128xi1>, vector<128x128xi32>
    %add3A_2046 = arith.addi %select_n3A_2036, %select_n3A_2045 : vector<128x128xi32>
    %slice3A_2047 = vector.extract_strided_slice %get3A_4 {offsets = [0, 128], sizes = [1, 128], strides = [1, 1]} : vector<1x4096xi32> to vector<1x128xi32>
    %lt3A_2048 = vector.broadcast %slice3A_2047 : vector<1x128xi32> to vector<128x128xi32>
    %lt3A_2049 = vector.broadcast %slice3A_2026 : vector<128x1xi32> to vector<128x128xi32>
    %lt3A_2050 = arith.cmpi slt, %lt3A_2048, %lt3A_2049 : vector<128x128xi32>
    %jit3A_2051 = arith.constant 1 : i32
    %jit3A_2052 = arith.constant 0 : i32
    %broadcast_in_dim3A_2053 = vector.broadcast %jit3A_2051 : i32 to vector<128x128xi32>
    %broadcast_in_dim3A_2054 = vector.broadcast %jit3A_2052 : i32 to vector<128x128xi32>
    %select_n3A_2055 = arith.select %lt3A_2050, %broadcast_in_dim3A_2053, %broadcast_in_dim3A_2054 : vector<128x128xi1>, vector<128x128xi32>
    %add3A_2056 = arith.addi %add3A_2046, %select_n3A_2055 : vector<128x128xi32>
    %slice3A_2057 = vector.extract_strided_slice %get3A_4 {offsets = [0, 256], sizes = [1, 128], strides = [1, 1]} : vector<1x4096xi32> to vector<1x128xi32>
    %lt3A_2058 = vector.broadcast %slice3A_2057 : vector<1x128xi32> to vector<128x128xi32>
    %lt3A_2059 = vector.broadcast %slice3A_2026 : vector<128x1xi32> to vector<128x128xi32>
    %lt3A_2060 = arith.cmpi slt, %lt3A_2058, %lt3A_2059 : vector<128x128xi32>
    %jit3A_2061 = arith.constant 1 : i32
    %jit3A_2062 = arith.constant 0 : i32
    %broadcast_in_dim3A_2063 = vector.broadcast %jit3A_2061 : i32 to vector<128x128xi32>
    %broadcast_in_dim3A_2064 = vector.broadcast %jit3A_2062 : i32 to vector<128x128xi32>
    %select_n3A_2065 = arith.select %lt3A_2060, %broadcast_in_dim3A_2063, %broadcast_in_dim3A_2064 : vector<128x128xi1>, vector<128x128xi32>
    %add3A_2066 = arith.addi %add3A_2056, %select_n3A_2065 : vector<128x128xi32>
    %slice3A_2067 = vector.extract_strided_slice %get3A_4 {offsets = [0, 384], sizes = [1, 128], strides = [1, 1]} : vector<1x4096xi32> to vector<1x128xi32>
    %lt3A_2068 = vector.broadcast %slice3A_2067 : vector<1x128xi32> to vector<128x128xi32>
    %lt3A_2069 = vector.broadcast %slice3A_2026 : vector<128x1xi32> to vector<128x128xi32>
    %lt3A_2070 = arith.cmpi slt, %lt3A_2068, %lt3A_2069 : vector<128x128xi32>
    %jit3A_2071 = arith.constant 1 : i32
    %jit3A_2072 = arith.constant 0 : i32
    %broadcast_in_dim3A_2073 = vector.broadcast %jit3A_2071 : i32 to vector<128x128xi32>
    %broadcast_in_dim3A_2074 = vector.broadcast %jit3A_2072 : i32 to vector<128x128xi32>
    %select_n3A_2075 = arith.select %lt3A_2070, %broadcast_in_dim3A_2073, %broadcast_in_dim3A_2074 : vector<128x128xi1>, vector<128x128xi32>
    %add3A_2076 = arith.addi %add3A_2066, %select_n3A_2075 : vector<128x128xi32>
    %slice3A_2077 = vector.extract_strided_slice %get3A_4 {offsets = [0, 512], sizes = [1, 128], strides = [1, 1]} : vector<1x4096xi32> to vector<1x128xi32>
    %lt3A_2078 = vector.broadcast %slice3A_2077 : vector<1x128xi32> to vector<128x128xi32>
    %lt3A_2079 = vector.broadcast %slice3A_2026 : vector<128x1xi32> to vector<128x128xi32>
    %lt3A_2080 = arith.cmpi slt, %lt3A_2078, %lt3A_2079 : vector<128x128xi32>
    %jit3A_2081 = arith.constant 1 : i32
    %jit3A_2082 = arith.constant 0 : i32
    %broadcast_in_dim3A_2083 = vector.broadcast %jit3A_2081 : i32 to vector<128x128xi32>
    %broadcast_in_dim3A_2084 = vector.broadcast %jit3A_2082 : i32 to vector<128x128xi32>
    %select_n3A_2085 = arith.select %lt3A_2080, %broadcast_in_dim3A_2083, %broadcast_in_dim3A_2084 : vector<128x128xi1>, vector<128x128xi32>
    %add3A_2086 = arith.addi %add3A_2076, %select_n3A_2085 : vector<128x128xi32>
    %slice3A_2087 = vector.extract_strided_slice %get3A_4 {offsets = [0, 640], sizes = [1, 128], strides = [1, 1]} : vector<1x4096xi32> to vector<1x128xi32>
    %lt3A_2088 = vector.broadcast %slice3A_2087 : vector<1x128xi32> to vector<128x128xi32>
    %lt3A_2089 = vector.broadcast %slice3A_2026 : vector<128x1xi32> to vector<128x128xi32>
    %lt3A_2090 = arith.cmpi slt, %lt3A_2088, %lt3A_2089 : vector<128x128xi32>
    %jit3A_2091 = arith.constant 1 : i32
    %jit3A_2092 = arith.constant 0 : i32
    %broadcast_in_dim3A_2093 = vector.broadcast %jit3A_2091 : i32 to vector<128x128xi32>
    %broadcast_in_dim3A_2094 = vector.broadcast %jit3A_2092 : i32 to vector<128x128xi32>
    %select_n3A_2095 = arith.select %lt3A_2090, %broadcast_in_dim3A_2093, %broadcast_in_dim3A_2094 : vector<128x128xi1>, vector<128x128xi32>
    %add3A_2096 = arith.addi %add3A_2086, %select_n3A_2095 : vector<128x128xi32>
    %slice3A_2097 = vector.extract_strided_slice %get3A_4 {offsets = [0, 768], sizes = [1, 128], strides = [1, 1]} : vector<1x4096xi32> to vector<1x128xi32>
    %lt3A_2098 = vector.broadcast %slice3A_2097 : vector<1x128xi32> to vector<128x128xi32>
    %lt3A_2099 = vector.broadcast %slice3A_2026 : vector<128x1xi32> to vector<128x128xi32>
    %lt3A_2100 = arith.cmpi slt, %lt3A_2098, %lt3A_2099 : vector<128x128xi32>
    %jit3A_2101 = arith.constant 1 : i32
    %jit3A_2102 = arith.constant 0 : i32
    %broadcast_in_dim3A_2103 = vector.broadcast %jit3A_2101 : i32 to vector<128x128xi32>
    %broadcast_in_dim3A_2104 = vector.broadcast %jit3A_2102 : i32 to vector<128x128xi32>
    %select_n3A_2105 = arith.select %lt3A_2100, %broadcast_in_dim3A_2103, %broadcast_in_dim3A_2104 : vector<128x128xi1>, vector<128x128xi32>
    %add3A_2106 = arith.addi %add3A_2096, %select_n3A_2105 : vector<128x128xi32>
    %slice3A_2107 = vector.extract_strided_slice %get3A_4 {offsets = [0, 896], sizes = [1, 128], strides = [1, 1]} : vector<1x4096xi32> to vector<1x128xi32>
    %lt3A_2108 = vector.broadcast %slice3A_2107 : vector<1x128xi32> to vector<128x128xi32>
    %lt3A_2109 = vector.broadcast %slice3A_2026 : vector<128x1xi32> to vector<128x128xi32>
    %lt3A_2110 = arith.cmpi slt, %lt3A_2108, %lt3A_2109 : vector<128x128xi32>
    %jit3A_2111 = arith.constant 1 : i32
    %jit3A_2112 = arith.constant 0 : i32
    %broadcast_in_dim3A_2113 = vector.broadcast %jit3A_2111 : i32 to vector<128x128xi32>
    %broadcast_in_dim3A_2114 = vector.broadcast %jit3A_2112 : i32 to vector<128x128xi32>
    %select_n3A_2115 = arith.select %lt3A_2110, %broadcast_in_dim3A_2113, %broadcast_in_dim3A_2114 : vector<128x128xi1>, vector<128x128xi32>
    %add3A_2116 = arith.addi %add3A_2106, %select_n3A_2115 : vector<128x128xi32>
    %slice3A_2117 = vector.extract_strided_slice %get3A_4 {offsets = [0, 1024], sizes = [1, 128], strides = [1, 1]} : vector<1x4096xi32> to vector<1x128xi32>
    %lt3A_2118 = vector.broadcast %slice3A_2117 : vector<1x128xi32> to vector<128x128xi32>
    %lt3A_2119 = vector.broadcast %slice3A_2026 : vector<128x1xi32> to vector<128x128xi32>
    %lt3A_2120 = arith.cmpi slt, %lt3A_2118, %lt3A_2119 : vector<128x128xi32>
    %jit3A_2121 = arith.constant 1 : i32
    %jit3A_2122 = arith.constant 0 : i32
    %broadcast_in_dim3A_2123 = vector.broadcast %jit3A_2121 : i32 to vector<128x128xi32>
    %broadcast_in_dim3A_2124 = vector.broadcast %jit3A_2122 : i32 to vector<128x128xi32>
    %select_n3A_2125 = arith.select %lt3A_2120, %broadcast_in_dim3A_2123, %broadcast_in_dim3A_2124 : vector<128x128xi1>, vector<128x128xi32>
    %add3A_2126 = arith.addi %add3A_2116, %select_n3A_2125 : vector<128x128xi32>
    %slice3A_2127 = vector.extract_strided_slice %get3A_4 {offsets = [0, 1152], sizes = [1, 128], strides = [1, 1]} : vector<1x4096xi32> to vector<1x128xi32>
    %lt3A_2128 = vector.broadcast %slice3A_2127 : vector<1x128xi32> to vector<128x128xi32>
    %lt3A_2129 = vector.broadcast %slice3A_2026 : vector<128x1xi32> to vector<128x128xi32>
    %lt3A_2130 = arith.cmpi slt, %lt3A_2128, %lt3A_2129 : vector<128x128xi32>
    %jit3A_2131 = arith.constant 1 : i32
    %jit3A_2132 = arith.constant 0 : i32
    %broadcast_in_dim3A_2133 = vector.broadcast %jit3A_2131 : i32 to vector<128x128xi32>
    %broadcast_in_dim3A_2134 = vector.broadcast %jit3A_2132 : i32 to vector<128x128xi32>
    %select_n3A_2135 = arith.select %lt3A_2130, %broadcast_in_dim3A_2133, %broadcast_in_dim3A_2134 : vector<128x128xi1>, vector<128x128xi32>
    %add3A_2136 = arith.addi %add3A_2126, %select_n3A_2135 : vector<128x128xi32>
    %slice3A_2137 = vector.extract_strided_slice %get3A_4 {offsets = [0, 1280], sizes = [1, 128], strides = [1, 1]} : vector<1x4096xi32> to vector<1x128xi32>
    %lt3A_2138 = vector.broadcast %slice3A_2137 : vector<1x128xi32> to vector<128x128xi32>
    %lt3A_2139 = vector.broadcast %slice3A_2026 : vector<128x1xi32> to vector<128x128xi32>
    %lt3A_2140 = arith.cmpi slt, %lt3A_2138, %lt3A_2139 : vector<128x128xi32>
    %jit3A_2141 = arith.constant 1 : i32
    %jit3A_2142 = arith.constant 0 : i32
    %broadcast_in_dim3A_2143 = vector.broadcast %jit3A_2141 : i32 to vector<128x128xi32>
    %broadcast_in_dim3A_2144 = vector.broadcast %jit3A_2142 : i32 to vector<128x128xi32>
    %select_n3A_2145 = arith.select %lt3A_2140, %broadcast_in_dim3A_2143, %broadcast_in_dim3A_2144 : vector<128x128xi1>, vector<128x128xi32>
    %add3A_2146 = arith.addi %add3A_2136, %select_n3A_2145 : vector<128x128xi32>
    %slice3A_2147 = vector.extract_strided_slice %get3A_4 {offsets = [0, 1408], sizes = [1, 128], strides = [1, 1]} : vector<1x4096xi32> to vector<1x128xi32>
    %lt3A_2148 = vector.broadcast %slice3A_2147 : vector<1x128xi32> to vector<128x128xi32>
    %lt3A_2149 = vector.broadcast %slice3A_2026 : vector<128x1xi32> to vector<128x128xi32>
    %lt3A_2150 = arith.cmpi slt, %lt3A_2148, %lt3A_2149 : vector<128x128xi32>
    %jit3A_2151 = arith.constant 1 : i32
    %jit3A_2152 = arith.constant 0 : i32
    %broadcast_in_dim3A_2153 = vector.broadcast %jit3A_2151 : i32 to vector<128x128xi32>
    %broadcast_in_dim3A_2154 = vector.broadcast %jit3A_2152 : i32 to vector<128x128xi32>
    %select_n3A_2155 = arith.select %lt3A_2150, %broadcast_in_dim3A_2153, %broadcast_in_dim3A_2154 : vector<128x128xi1>, vector<128x128xi32>
    %add3A_2156 = arith.addi %add3A_2146, %select_n3A_2155 : vector<128x128xi32>
    %slice3A_2157 = vector.extract_strided_slice %get3A_4 {offsets = [0, 1536], sizes = [1, 128], strides = [1, 1]} : vector<1x4096xi32> to vector<1x128xi32>
    %lt3A_2158 = vector.broadcast %slice3A_2157 : vector<1x128xi32> to vector<128x128xi32>
    %lt3A_2159 = vector.broadcast %slice3A_2026 : vector<128x1xi32> to vector<128x128xi32>
    %lt3A_2160 = arith.cmpi slt, %lt3A_2158, %lt3A_2159 : vector<128x128xi32>
    %jit3A_2161 = arith.constant 1 : i32
    %jit3A_2162 = arith.constant 0 : i32
    %broadcast_in_dim3A_2163 = vector.broadcast %jit3A_2161 : i32 to vector<128x128xi32>
    %broadcast_in_dim3A_2164 = vector.broadcast %jit3A_2162 : i32 to vector<128x128xi32>
    %select_n3A_2165 = arith.select %lt3A_2160, %broadcast_in_dim3A_2163, %broadcast_in_dim3A_2164 : vector<128x128xi1>, vector<128x128xi32>
    %add3A_2166 = arith.addi %add3A_2156, %select_n3A_2165 : vector<128x128xi32>
    %slice3A_2167 = vector.extract_strided_slice %get3A_4 {offsets = [0, 1664], sizes = [1, 128], strides = [1, 1]} : vector<1x4096xi32> to vector<1x128xi32>
    %lt3A_2168 = vector.broadcast %slice3A_2167 : vector<1x128xi32> to vector<128x128xi32>
    %lt3A_2169 = vector.broadcast %slice3A_2026 : vector<128x1xi32> to vector<128x128xi32>
    %lt3A_2170 = arith.cmpi slt, %lt3A_2168, %lt3A_2169 : vector<128x128xi32>
    %jit3A_2171 = arith.constant 1 : i32
    %jit3A_2172 = arith.constant 0 : i32
    %broadcast_in_dim3A_2173 = vector.broadcast %jit3A_2171 : i32 to vector<128x128xi32>
    %broadcast_in_dim3A_2174 = vector.broadcast %jit3A_2172 : i32 to vector<128x128xi32>
    %select_n3A_2175 = arith.select %lt3A_2170, %broadcast_in_dim3A_2173, %broadcast_in_dim3A_2174 : vector<128x128xi1>, vector<128x128xi32>
    %add3A_2176 = arith.addi %add3A_2166, %select_n3A_2175 : vector<128x128xi32>
    %slice3A_2177 = vector.extract_strided_slice %get3A_4 {offsets = [0, 1792], sizes = [1, 128], strides = [1, 1]} : vector<1x4096xi32> to vector<1x128xi32>
    %lt3A_2178 = vector.broadcast %slice3A_2177 : vector<1x128xi32> to vector<128x128xi32>
    %lt3A_2179 = vector.broadcast %slice3A_2026 : vector<128x1xi32> to vector<128x128xi32>
    %lt3A_2180 = arith.cmpi slt, %lt3A_2178, %lt3A_2179 : vector<128x128xi32>
    %jit3A_2181 = arith.constant 1 : i32
    %jit3A_2182 = arith.constant 0 : i32
    %broadcast_in_dim3A_2183 = vector.broadcast %jit3A_2181 : i32 to vector<128x128xi32>
    %broadcast_in_dim3A_2184 = vector.broadcast %jit3A_2182 : i32 to vector<128x128xi32>
    %select_n3A_2185 = arith.select %lt3A_2180, %broadcast_in_dim3A_2183, %broadcast_in_dim3A_2184 : vector<128x128xi1>, vector<128x128xi32>
    %add3A_2186 = arith.addi %add3A_2176, %select_n3A_2185 : vector<128x128xi32>
    %slice3A_2187 = vector.extract_strided_slice %get3A_4 {offsets = [0, 1920], sizes = [1, 128], strides = [1, 1]} : vector<1x4096xi32> to vector<1x128xi32>
    %lt3A_2188 = vector.broadcast %slice3A_2187 : vector<1x128xi32> to vector<128x128xi32>
    %lt3A_2189 = vector.broadcast %slice3A_2026 : vector<128x1xi32> to vector<128x128xi32>
    %lt3A_2190 = arith.cmpi slt, %lt3A_2188, %lt3A_2189 : vector<128x128xi32>
    %jit3A_2191 = arith.constant 1 : i32
    %jit3A_2192 = arith.constant 0 : i32
    %broadcast_in_dim3A_2193 = vector.broadcast %jit3A_2191 : i32 to vector<128x128xi32>
    %broadcast_in_dim3A_2194 = vector.broadcast %jit3A_2192 : i32 to vector<128x128xi32>
    %select_n3A_2195 = arith.select %lt3A_2190, %broadcast_in_dim3A_2193, %broadcast_in_dim3A_2194 : vector<128x128xi1>, vector<128x128xi32>
    %add3A_2196 = arith.addi %add3A_2186, %select_n3A_2195 : vector<128x128xi32>
    %slice3A_2197 = vector.extract_strided_slice %get3A_4 {offsets = [0, 2048], sizes = [1, 128], strides = [1, 1]} : vector<1x4096xi32> to vector<1x128xi32>
    %lt3A_2198 = vector.broadcast %slice3A_2197 : vector<1x128xi32> to vector<128x128xi32>
    %lt3A_2199 = vector.broadcast %slice3A_2026 : vector<128x1xi32> to vector<128x128xi32>
    %lt3A_2200 = arith.cmpi slt, %lt3A_2198, %lt3A_2199 : vector<128x128xi32>
    %jit3A_2201 = arith.constant 1 : i32
    %jit3A_2202 = arith.constant 0 : i32
    %broadcast_in_dim3A_2203 = vector.broadcast %jit3A_2201 : i32 to vector<128x128xi32>
    %broadcast_in_dim3A_2204 = vector.broadcast %jit3A_2202 : i32 to vector<128x128xi32>
    %select_n3A_2205 = arith.select %lt3A_2200, %broadcast_in_dim3A_2203, %broadcast_in_dim3A_2204 : vector<128x128xi1>, vector<128x128xi32>
    %add3A_2206 = arith.addi %add3A_2196, %select_n3A_2205 : vector<128x128xi32>
    %slice3A_2207 = vector.extract_strided_slice %get3A_4 {offsets = [0, 2176], sizes = [1, 128], strides = [1, 1]} : vector<1x4096xi32> to vector<1x128xi32>
    %lt3A_2208 = vector.broadcast %slice3A_2207 : vector<1x128xi32> to vector<128x128xi32>
    %lt3A_2209 = vector.broadcast %slice3A_2026 : vector<128x1xi32> to vector<128x128xi32>
    %lt3A_2210 = arith.cmpi slt, %lt3A_2208, %lt3A_2209 : vector<128x128xi32>
    %jit3A_2211 = arith.constant 1 : i32
    %jit3A_2212 = arith.constant 0 : i32
    %broadcast_in_dim3A_2213 = vector.broadcast %jit3A_2211 : i32 to vector<128x128xi32>
    %broadcast_in_dim3A_2214 = vector.broadcast %jit3A_2212 : i32 to vector<128x128xi32>
    %select_n3A_2215 = arith.select %lt3A_2210, %broadcast_in_dim3A_2213, %broadcast_in_dim3A_2214 : vector<128x128xi1>, vector<128x128xi32>
    %add3A_2216 = arith.addi %add3A_2206, %select_n3A_2215 : vector<128x128xi32>
    %slice3A_2217 = vector.extract_strided_slice %get3A_4 {offsets = [0, 2304], sizes = [1, 128], strides = [1, 1]} : vector<1x4096xi32> to vector<1x128xi32>
    %lt3A_2218 = vector.broadcast %slice3A_2217 : vector<1x128xi32> to vector<128x128xi32>
    %lt3A_2219 = vector.broadcast %slice3A_2026 : vector<128x1xi32> to vector<128x128xi32>
    %lt3A_2220 = arith.cmpi slt, %lt3A_2218, %lt3A_2219 : vector<128x128xi32>
    %jit3A_2221 = arith.constant 1 : i32
    %jit3A_2222 = arith.constant 0 : i32
    %broadcast_in_dim3A_2223 = vector.broadcast %jit3A_2221 : i32 to vector<128x128xi32>
    %broadcast_in_dim3A_2224 = vector.broadcast %jit3A_2222 : i32 to vector<128x128xi32>
    %select_n3A_2225 = arith.select %lt3A_2220, %broadcast_in_dim3A_2223, %broadcast_in_dim3A_2224 : vector<128x128xi1>, vector<128x128xi32>
    %add3A_2226 = arith.addi %add3A_2216, %select_n3A_2225 : vector<128x128xi32>
    %slice3A_2227 = vector.extract_strided_slice %get3A_4 {offsets = [0, 2432], sizes = [1, 128], strides = [1, 1]} : vector<1x4096xi32> to vector<1x128xi32>
    %lt3A_2228 = vector.broadcast %slice3A_2227 : vector<1x128xi32> to vector<128x128xi32>
    %lt3A_2229 = vector.broadcast %slice3A_2026 : vector<128x1xi32> to vector<128x128xi32>
    %lt3A_2230 = arith.cmpi slt, %lt3A_2228, %lt3A_2229 : vector<128x128xi32>
    %jit3A_2231 = arith.constant 1 : i32
    %jit3A_2232 = arith.constant 0 : i32
    %broadcast_in_dim3A_2233 = vector.broadcast %jit3A_2231 : i32 to vector<128x128xi32>
    %broadcast_in_dim3A_2234 = vector.broadcast %jit3A_2232 : i32 to vector<128x128xi32>
    %select_n3A_2235 = arith.select %lt3A_2230, %broadcast_in_dim3A_2233, %broadcast_in_dim3A_2234 : vector<128x128xi1>, vector<128x128xi32>
    %add3A_2236 = arith.addi %add3A_2226, %select_n3A_2235 : vector<128x128xi32>
    %slice3A_2237 = vector.extract_strided_slice %get3A_4 {offsets = [0, 2560], sizes = [1, 128], strides = [1, 1]} : vector<1x4096xi32> to vector<1x128xi32>
    %lt3A_2238 = vector.broadcast %slice3A_2237 : vector<1x128xi32> to vector<128x128xi32>
    %lt3A_2239 = vector.broadcast %slice3A_2026 : vector<128x1xi32> to vector<128x128xi32>
    %lt3A_2240 = arith.cmpi slt, %lt3A_2238, %lt3A_2239 : vector<128x128xi32>
    %jit3A_2241 = arith.constant 1 : i32
    %jit3A_2242 = arith.constant 0 : i32
    %broadcast_in_dim3A_2243 = vector.broadcast %jit3A_2241 : i32 to vector<128x128xi32>
    %broadcast_in_dim3A_2244 = vector.broadcast %jit3A_2242 : i32 to vector<128x128xi32>
    %select_n3A_2245 = arith.select %lt3A_2240, %broadcast_in_dim3A_2243, %broadcast_in_dim3A_2244 : vector<128x128xi1>, vector<128x128xi32>
    %add3A_2246 = arith.addi %add3A_2236, %select_n3A_2245 : vector<128x128xi32>
    %slice3A_2247 = vector.extract_strided_slice %get3A_4 {offsets = [0, 2688], sizes = [1, 128], strides = [1, 1]} : vector<1x4096xi32> to vector<1x128xi32>
    %lt3A_2248 = vector.broadcast %slice3A_2247 : vector<1x128xi32> to vector<128x128xi32>
    %lt3A_2249 = vector.broadcast %slice3A_2026 : vector<128x1xi32> to vector<128x128xi32>
    %lt3A_2250 = arith.cmpi slt, %lt3A_2248, %lt3A_2249 : vector<128x128xi32>
    %jit3A_2251 = arith.constant 1 : i32
    %jit3A_2252 = arith.constant 0 : i32
    %broadcast_in_dim3A_2253 = vector.broadcast %jit3A_2251 : i32 to vector<128x128xi32>
    %broadcast_in_dim3A_2254 = vector.broadcast %jit3A_2252 : i32 to vector<128x128xi32>
    %select_n3A_2255 = arith.select %lt3A_2250, %broadcast_in_dim3A_2253, %broadcast_in_dim3A_2254 : vector<128x128xi1>, vector<128x128xi32>
    %add3A_2256 = arith.addi %add3A_2246, %select_n3A_2255 : vector<128x128xi32>
    %slice3A_2257 = vector.extract_strided_slice %get3A_4 {offsets = [0, 2816], sizes = [1, 128], strides = [1, 1]} : vector<1x4096xi32> to vector<1x128xi32>
    %lt3A_2258 = vector.broadcast %slice3A_2257 : vector<1x128xi32> to vector<128x128xi32>
    %lt3A_2259 = vector.broadcast %slice3A_2026 : vector<128x1xi32> to vector<128x128xi32>
    %lt3A_2260 = arith.cmpi slt, %lt3A_2258, %lt3A_2259 : vector<128x128xi32>
    %jit3A_2261 = arith.constant 1 : i32
    %jit3A_2262 = arith.constant 0 : i32
    %broadcast_in_dim3A_2263 = vector.broadcast %jit3A_2261 : i32 to vector<128x128xi32>
    %broadcast_in_dim3A_2264 = vector.broadcast %jit3A_2262 : i32 to vector<128x128xi32>
    %select_n3A_2265 = arith.select %lt3A_2260, %broadcast_in_dim3A_2263, %broadcast_in_dim3A_2264 : vector<128x128xi1>, vector<128x128xi32>
    %add3A_2266 = arith.addi %add3A_2256, %select_n3A_2265 : vector<128x128xi32>
    %slice3A_2267 = vector.extract_strided_slice %get3A_4 {offsets = [0, 2944], sizes = [1, 128], strides = [1, 1]} : vector<1x4096xi32> to vector<1x128xi32>
    %lt3A_2268 = vector.broadcast %slice3A_2267 : vector<1x128xi32> to vector<128x128xi32>
    %lt3A_2269 = vector.broadcast %slice3A_2026 : vector<128x1xi32> to vector<128x128xi32>
    %lt3A_2270 = arith.cmpi slt, %lt3A_2268, %lt3A_2269 : vector<128x128xi32>
    %jit3A_2271 = arith.constant 1 : i32
    %jit3A_2272 = arith.constant 0 : i32
    %broadcast_in_dim3A_2273 = vector.broadcast %jit3A_2271 : i32 to vector<128x128xi32>
    %broadcast_in_dim3A_2274 = vector.broadcast %jit3A_2272 : i32 to vector<128x128xi32>
    %select_n3A_2275 = arith.select %lt3A_2270, %broadcast_in_dim3A_2273, %broadcast_in_dim3A_2274 : vector<128x128xi1>, vector<128x128xi32>
    %add3A_2276 = arith.addi %add3A_2266, %select_n3A_2275 : vector<128x128xi32>
    %slice3A_2277 = vector.extract_strided_slice %get3A_4 {offsets = [0, 3072], sizes = [1, 128], strides = [1, 1]} : vector<1x4096xi32> to vector<1x128xi32>
    %lt3A_2278 = vector.broadcast %slice3A_2277 : vector<1x128xi32> to vector<128x128xi32>
    %lt3A_2279 = vector.broadcast %slice3A_2026 : vector<128x1xi32> to vector<128x128xi32>
    %lt3A_2280 = arith.cmpi slt, %lt3A_2278, %lt3A_2279 : vector<128x128xi32>
    %jit3A_2281 = arith.constant 1 : i32
    %jit3A_2282 = arith.constant 0 : i32
    %broadcast_in_dim3A_2283 = vector.broadcast %jit3A_2281 : i32 to vector<128x128xi32>
    %broadcast_in_dim3A_2284 = vector.broadcast %jit3A_2282 : i32 to vector<128x128xi32>
    %select_n3A_2285 = arith.select %lt3A_2280, %broadcast_in_dim3A_2283, %broadcast_in_dim3A_2284 : vector<128x128xi1>, vector<128x128xi32>
    %add3A_2286 = arith.addi %add3A_2276, %select_n3A_2285 : vector<128x128xi32>
    %slice3A_2287 = vector.extract_strided_slice %get3A_4 {offsets = [0, 3200], sizes = [1, 128], strides = [1, 1]} : vector<1x4096xi32> to vector<1x128xi32>
    %lt3A_2288 = vector.broadcast %slice3A_2287 : vector<1x128xi32> to vector<128x128xi32>
    %lt3A_2289 = vector.broadcast %slice3A_2026 : vector<128x1xi32> to vector<128x128xi32>
    %lt3A_2290 = arith.cmpi slt, %lt3A_2288, %lt3A_2289 : vector<128x128xi32>
    %jit3A_2291 = arith.constant 1 : i32
    %jit3A_2292 = arith.constant 0 : i32
    %broadcast_in_dim3A_2293 = vector.broadcast %jit3A_2291 : i32 to vector<128x128xi32>
    %broadcast_in_dim3A_2294 = vector.broadcast %jit3A_2292 : i32 to vector<128x128xi32>
    %select_n3A_2295 = arith.select %lt3A_2290, %broadcast_in_dim3A_2293, %broadcast_in_dim3A_2294 : vector<128x128xi1>, vector<128x128xi32>
    %add3A_2296 = arith.addi %add3A_2286, %select_n3A_2295 : vector<128x128xi32>
    %slice3A_2297 = vector.extract_strided_slice %get3A_4 {offsets = [0, 3328], sizes = [1, 128], strides = [1, 1]} : vector<1x4096xi32> to vector<1x128xi32>
    %lt3A_2298 = vector.broadcast %slice3A_2297 : vector<1x128xi32> to vector<128x128xi32>
    %lt3A_2299 = vector.broadcast %slice3A_2026 : vector<128x1xi32> to vector<128x128xi32>
    %lt3A_2300 = arith.cmpi slt, %lt3A_2298, %lt3A_2299 : vector<128x128xi32>
    %jit3A_2301 = arith.constant 1 : i32
    %jit3A_2302 = arith.constant 0 : i32
    %broadcast_in_dim3A_2303 = vector.broadcast %jit3A_2301 : i32 to vector<128x128xi32>
    %broadcast_in_dim3A_2304 = vector.broadcast %jit3A_2302 : i32 to vector<128x128xi32>
    %select_n3A_2305 = arith.select %lt3A_2300, %broadcast_in_dim3A_2303, %broadcast_in_dim3A_2304 : vector<128x128xi1>, vector<128x128xi32>
    %add3A_2306 = arith.addi %add3A_2296, %select_n3A_2305 : vector<128x128xi32>
    %slice3A_2307 = vector.extract_strided_slice %get3A_4 {offsets = [0, 3456], sizes = [1, 128], strides = [1, 1]} : vector<1x4096xi32> to vector<1x128xi32>
    %lt3A_2308 = vector.broadcast %slice3A_2307 : vector<1x128xi32> to vector<128x128xi32>
    %lt3A_2309 = vector.broadcast %slice3A_2026 : vector<128x1xi32> to vector<128x128xi32>
    %lt3A_2310 = arith.cmpi slt, %lt3A_2308, %lt3A_2309 : vector<128x128xi32>
    %jit3A_2311 = arith.constant 1 : i32
    %jit3A_2312 = arith.constant 0 : i32
    %broadcast_in_dim3A_2313 = vector.broadcast %jit3A_2311 : i32 to vector<128x128xi32>
    %broadcast_in_dim3A_2314 = vector.broadcast %jit3A_2312 : i32 to vector<128x128xi32>
    %select_n3A_2315 = arith.select %lt3A_2310, %broadcast_in_dim3A_2313, %broadcast_in_dim3A_2314 : vector<128x128xi1>, vector<128x128xi32>
    %add3A_2316 = arith.addi %add3A_2306, %select_n3A_2315 : vector<128x128xi32>
    %slice3A_2317 = vector.extract_strided_slice %get3A_4 {offsets = [0, 3584], sizes = [1, 128], strides = [1, 1]} : vector<1x4096xi32> to vector<1x128xi32>
    %lt3A_2318 = vector.broadcast %slice3A_2317 : vector<1x128xi32> to vector<128x128xi32>
    %lt3A_2319 = vector.broadcast %slice3A_2026 : vector<128x1xi32> to vector<128x128xi32>
    %lt3A_2320 = arith.cmpi slt, %lt3A_2318, %lt3A_2319 : vector<128x128xi32>
    %jit3A_2321 = arith.constant 1 : i32
    %jit3A_2322 = arith.constant 0 : i32
    %broadcast_in_dim3A_2323 = vector.broadcast %jit3A_2321 : i32 to vector<128x128xi32>
    %broadcast_in_dim3A_2324 = vector.broadcast %jit3A_2322 : i32 to vector<128x128xi32>
    %select_n3A_2325 = arith.select %lt3A_2320, %broadcast_in_dim3A_2323, %broadcast_in_dim3A_2324 : vector<128x128xi1>, vector<128x128xi32>
    %add3A_2326 = arith.addi %add3A_2316, %select_n3A_2325 : vector<128x128xi32>
    %slice3A_2327 = vector.extract_strided_slice %get3A_4 {offsets = [0, 3712], sizes = [1, 128], strides = [1, 1]} : vector<1x4096xi32> to vector<1x128xi32>
    %lt3A_2328 = vector.broadcast %slice3A_2327 : vector<1x128xi32> to vector<128x128xi32>
    %lt3A_2329 = vector.broadcast %slice3A_2026 : vector<128x1xi32> to vector<128x128xi32>
    %lt3A_2330 = arith.cmpi slt, %lt3A_2328, %lt3A_2329 : vector<128x128xi32>
    %jit3A_2331 = arith.constant 1 : i32
    %jit3A_2332 = arith.constant 0 : i32
    %broadcast_in_dim3A_2333 = vector.broadcast %jit3A_2331 : i32 to vector<128x128xi32>
    %broadcast_in_dim3A_2334 = vector.broadcast %jit3A_2332 : i32 to vector<128x128xi32>
    %select_n3A_2335 = arith.select %lt3A_2330, %broadcast_in_dim3A_2333, %broadcast_in_dim3A_2334 : vector<128x128xi1>, vector<128x128xi32>
    %add3A_2336 = arith.addi %add3A_2326, %select_n3A_2335 : vector<128x128xi32>
    %slice3A_2337 = vector.extract_strided_slice %get3A_4 {offsets = [0, 3840], sizes = [1, 128], strides = [1, 1]} : vector<1x4096xi32> to vector<1x128xi32>
    %lt3A_2338 = vector.broadcast %slice3A_2337 : vector<1x128xi32> to vector<128x128xi32>
    %lt3A_2339 = vector.broadcast %slice3A_2026 : vector<128x1xi32> to vector<128x128xi32>
    %lt3A_2340 = arith.cmpi slt, %lt3A_2338, %lt3A_2339 : vector<128x128xi32>
    %jit3A_2341 = arith.constant 1 : i32
    %jit3A_2342 = arith.constant 0 : i32
    %broadcast_in_dim3A_2343 = vector.broadcast %jit3A_2341 : i32 to vector<128x128xi32>
    %broadcast_in_dim3A_2344 = vector.broadcast %jit3A_2342 : i32 to vector<128x128xi32>
    %select_n3A_2345 = arith.select %lt3A_2340, %broadcast_in_dim3A_2343, %broadcast_in_dim3A_2344 : vector<128x128xi1>, vector<128x128xi32>
    %add3A_2346 = arith.addi %add3A_2336, %select_n3A_2345 : vector<128x128xi32>
    %slice3A_2347 = vector.extract_strided_slice %get3A_4 {offsets = [0, 3968], sizes = [1, 128], strides = [1, 1]} : vector<1x4096xi32> to vector<1x128xi32>
    %lt3A_2348 = vector.broadcast %slice3A_2347 : vector<1x128xi32> to vector<128x128xi32>
    %lt3A_2349 = vector.broadcast %slice3A_2026 : vector<128x1xi32> to vector<128x128xi32>
    %lt3A_2350 = arith.cmpi slt, %lt3A_2348, %lt3A_2349 : vector<128x128xi32>
    %jit3A_2351 = arith.constant 1 : i32
    %jit3A_2352 = arith.constant 0 : i32
    %broadcast_in_dim3A_2353 = vector.broadcast %jit3A_2351 : i32 to vector<128x128xi32>
    %broadcast_in_dim3A_2354 = vector.broadcast %jit3A_2352 : i32 to vector<128x128xi32>
    %select_n3A_2355 = arith.select %lt3A_2350, %broadcast_in_dim3A_2353, %broadcast_in_dim3A_2354 : vector<128x128xi1>, vector<128x128xi32>
    %add3A_2356 = arith.addi %add3A_2346, %select_n3A_2355 : vector<128x128xi32>
    %reduce_sum3A_2357 = arith.constant dense<0> : vector<128xi32>
    %reduce_sum3A_2358 = vector.multi_reduction <add>, %add3A_2356, %reduce_sum3A_2357 [1] : vector<128x128xi32> to vector<128xi32>
    %broadcast_in_dim3A_2359 = vector.shape_cast %reduce_sum3A_2358 : vector<128xi32> to vector<128x1xi32>
    %slice3A_2360 = vector.extract_strided_slice %add3A {offsets = [0, 7], sizes = [128, 1], strides = [1, 1]} : vector<128x8xi32> to vector<128x1xi32>
    %slice3A_2361 = vector.extract_strided_slice %get3A_11 {offsets = [7, 0], sizes = [1, 128], strides = [1, 1]} : vector<8x128xi32> to vector<1x128xi32>
    %eq3A_2362 = vector.broadcast %slice3A_2361 : vector<1x128xi32> to vector<128x128xi32>
    %eq3A_2363 = vector.broadcast %slice3A_2360 : vector<128x1xi32> to vector<128x128xi32>
    %eq3A_2364 = arith.cmpi eq, %eq3A_2362, %eq3A_2363 : vector<128x128xi32>
    %and3A_2365 = arith.andi %eq3A_2364, %lt3A : vector<128x128xi1>
    %jit3A_2366 = arith.constant 1 : i32
    %jit3A_2367 = arith.constant 0 : i32
    %broadcast_in_dim3A_2368 = vector.broadcast %jit3A_2366 : i32 to vector<128x128xi32>
    %broadcast_in_dim3A_2369 = vector.broadcast %jit3A_2367 : i32 to vector<128x128xi32>
    %select_n3A_2370 = arith.select %and3A_2365, %broadcast_in_dim3A_2368, %broadcast_in_dim3A_2369 : vector<128x128xi1>, vector<128x128xi32>
    %slice3A_2371 = vector.extract_strided_slice %get3A_4 {offsets = [0, 0], sizes = [1, 128], strides = [1, 1]} : vector<1x4096xi32> to vector<1x128xi32>
    %lt3A_2372 = vector.broadcast %slice3A_2371 : vector<1x128xi32> to vector<128x128xi32>
    %lt3A_2373 = vector.broadcast %slice3A_2360 : vector<128x1xi32> to vector<128x128xi32>
    %lt3A_2374 = arith.cmpi slt, %lt3A_2372, %lt3A_2373 : vector<128x128xi32>
    %jit3A_2375 = arith.constant 1 : i32
    %jit3A_2376 = arith.constant 0 : i32
    %broadcast_in_dim3A_2377 = vector.broadcast %jit3A_2375 : i32 to vector<128x128xi32>
    %broadcast_in_dim3A_2378 = vector.broadcast %jit3A_2376 : i32 to vector<128x128xi32>
    %select_n3A_2379 = arith.select %lt3A_2374, %broadcast_in_dim3A_2377, %broadcast_in_dim3A_2378 : vector<128x128xi1>, vector<128x128xi32>
    %add3A_2380 = arith.addi %select_n3A_2370, %select_n3A_2379 : vector<128x128xi32>
    %slice3A_2381 = vector.extract_strided_slice %get3A_4 {offsets = [0, 128], sizes = [1, 128], strides = [1, 1]} : vector<1x4096xi32> to vector<1x128xi32>
    %lt3A_2382 = vector.broadcast %slice3A_2381 : vector<1x128xi32> to vector<128x128xi32>
    %lt3A_2383 = vector.broadcast %slice3A_2360 : vector<128x1xi32> to vector<128x128xi32>
    %lt3A_2384 = arith.cmpi slt, %lt3A_2382, %lt3A_2383 : vector<128x128xi32>
    %jit3A_2385 = arith.constant 1 : i32
    %jit3A_2386 = arith.constant 0 : i32
    %broadcast_in_dim3A_2387 = vector.broadcast %jit3A_2385 : i32 to vector<128x128xi32>
    %broadcast_in_dim3A_2388 = vector.broadcast %jit3A_2386 : i32 to vector<128x128xi32>
    %select_n3A_2389 = arith.select %lt3A_2384, %broadcast_in_dim3A_2387, %broadcast_in_dim3A_2388 : vector<128x128xi1>, vector<128x128xi32>
    %add3A_2390 = arith.addi %add3A_2380, %select_n3A_2389 : vector<128x128xi32>
    %slice3A_2391 = vector.extract_strided_slice %get3A_4 {offsets = [0, 256], sizes = [1, 128], strides = [1, 1]} : vector<1x4096xi32> to vector<1x128xi32>
    %lt3A_2392 = vector.broadcast %slice3A_2391 : vector<1x128xi32> to vector<128x128xi32>
    %lt3A_2393 = vector.broadcast %slice3A_2360 : vector<128x1xi32> to vector<128x128xi32>
    %lt3A_2394 = arith.cmpi slt, %lt3A_2392, %lt3A_2393 : vector<128x128xi32>
    %jit3A_2395 = arith.constant 1 : i32
    %jit3A_2396 = arith.constant 0 : i32
    %broadcast_in_dim3A_2397 = vector.broadcast %jit3A_2395 : i32 to vector<128x128xi32>
    %broadcast_in_dim3A_2398 = vector.broadcast %jit3A_2396 : i32 to vector<128x128xi32>
    %select_n3A_2399 = arith.select %lt3A_2394, %broadcast_in_dim3A_2397, %broadcast_in_dim3A_2398 : vector<128x128xi1>, vector<128x128xi32>
    %add3A_2400 = arith.addi %add3A_2390, %select_n3A_2399 : vector<128x128xi32>
    %slice3A_2401 = vector.extract_strided_slice %get3A_4 {offsets = [0, 384], sizes = [1, 128], strides = [1, 1]} : vector<1x4096xi32> to vector<1x128xi32>
    %lt3A_2402 = vector.broadcast %slice3A_2401 : vector<1x128xi32> to vector<128x128xi32>
    %lt3A_2403 = vector.broadcast %slice3A_2360 : vector<128x1xi32> to vector<128x128xi32>
    %lt3A_2404 = arith.cmpi slt, %lt3A_2402, %lt3A_2403 : vector<128x128xi32>
    %jit3A_2405 = arith.constant 1 : i32
    %jit3A_2406 = arith.constant 0 : i32
    %broadcast_in_dim3A_2407 = vector.broadcast %jit3A_2405 : i32 to vector<128x128xi32>
    %broadcast_in_dim3A_2408 = vector.broadcast %jit3A_2406 : i32 to vector<128x128xi32>
    %select_n3A_2409 = arith.select %lt3A_2404, %broadcast_in_dim3A_2407, %broadcast_in_dim3A_2408 : vector<128x128xi1>, vector<128x128xi32>
    %add3A_2410 = arith.addi %add3A_2400, %select_n3A_2409 : vector<128x128xi32>
    %slice3A_2411 = vector.extract_strided_slice %get3A_4 {offsets = [0, 512], sizes = [1, 128], strides = [1, 1]} : vector<1x4096xi32> to vector<1x128xi32>
    %lt3A_2412 = vector.broadcast %slice3A_2411 : vector<1x128xi32> to vector<128x128xi32>
    %lt3A_2413 = vector.broadcast %slice3A_2360 : vector<128x1xi32> to vector<128x128xi32>
    %lt3A_2414 = arith.cmpi slt, %lt3A_2412, %lt3A_2413 : vector<128x128xi32>
    %jit3A_2415 = arith.constant 1 : i32
    %jit3A_2416 = arith.constant 0 : i32
    %broadcast_in_dim3A_2417 = vector.broadcast %jit3A_2415 : i32 to vector<128x128xi32>
    %broadcast_in_dim3A_2418 = vector.broadcast %jit3A_2416 : i32 to vector<128x128xi32>
    %select_n3A_2419 = arith.select %lt3A_2414, %broadcast_in_dim3A_2417, %broadcast_in_dim3A_2418 : vector<128x128xi1>, vector<128x128xi32>
    %add3A_2420 = arith.addi %add3A_2410, %select_n3A_2419 : vector<128x128xi32>
    %slice3A_2421 = vector.extract_strided_slice %get3A_4 {offsets = [0, 640], sizes = [1, 128], strides = [1, 1]} : vector<1x4096xi32> to vector<1x128xi32>
    %lt3A_2422 = vector.broadcast %slice3A_2421 : vector<1x128xi32> to vector<128x128xi32>
    %lt3A_2423 = vector.broadcast %slice3A_2360 : vector<128x1xi32> to vector<128x128xi32>
    %lt3A_2424 = arith.cmpi slt, %lt3A_2422, %lt3A_2423 : vector<128x128xi32>
    %jit3A_2425 = arith.constant 1 : i32
    %jit3A_2426 = arith.constant 0 : i32
    %broadcast_in_dim3A_2427 = vector.broadcast %jit3A_2425 : i32 to vector<128x128xi32>
    %broadcast_in_dim3A_2428 = vector.broadcast %jit3A_2426 : i32 to vector<128x128xi32>
    %select_n3A_2429 = arith.select %lt3A_2424, %broadcast_in_dim3A_2427, %broadcast_in_dim3A_2428 : vector<128x128xi1>, vector<128x128xi32>
    %add3A_2430 = arith.addi %add3A_2420, %select_n3A_2429 : vector<128x128xi32>
    %slice3A_2431 = vector.extract_strided_slice %get3A_4 {offsets = [0, 768], sizes = [1, 128], strides = [1, 1]} : vector<1x4096xi32> to vector<1x128xi32>
    %lt3A_2432 = vector.broadcast %slice3A_2431 : vector<1x128xi32> to vector<128x128xi32>
    %lt3A_2433 = vector.broadcast %slice3A_2360 : vector<128x1xi32> to vector<128x128xi32>
    %lt3A_2434 = arith.cmpi slt, %lt3A_2432, %lt3A_2433 : vector<128x128xi32>
    %jit3A_2435 = arith.constant 1 : i32
    %jit3A_2436 = arith.constant 0 : i32
    %broadcast_in_dim3A_2437 = vector.broadcast %jit3A_2435 : i32 to vector<128x128xi32>
    %broadcast_in_dim3A_2438 = vector.broadcast %jit3A_2436 : i32 to vector<128x128xi32>
    %select_n3A_2439 = arith.select %lt3A_2434, %broadcast_in_dim3A_2437, %broadcast_in_dim3A_2438 : vector<128x128xi1>, vector<128x128xi32>
    %add3A_2440 = arith.addi %add3A_2430, %select_n3A_2439 : vector<128x128xi32>
    %slice3A_2441 = vector.extract_strided_slice %get3A_4 {offsets = [0, 896], sizes = [1, 128], strides = [1, 1]} : vector<1x4096xi32> to vector<1x128xi32>
    %lt3A_2442 = vector.broadcast %slice3A_2441 : vector<1x128xi32> to vector<128x128xi32>
    %lt3A_2443 = vector.broadcast %slice3A_2360 : vector<128x1xi32> to vector<128x128xi32>
    %lt3A_2444 = arith.cmpi slt, %lt3A_2442, %lt3A_2443 : vector<128x128xi32>
    %jit3A_2445 = arith.constant 1 : i32
    %jit3A_2446 = arith.constant 0 : i32
    %broadcast_in_dim3A_2447 = vector.broadcast %jit3A_2445 : i32 to vector<128x128xi32>
    %broadcast_in_dim3A_2448 = vector.broadcast %jit3A_2446 : i32 to vector<128x128xi32>
    %select_n3A_2449 = arith.select %lt3A_2444, %broadcast_in_dim3A_2447, %broadcast_in_dim3A_2448 : vector<128x128xi1>, vector<128x128xi32>
    %add3A_2450 = arith.addi %add3A_2440, %select_n3A_2449 : vector<128x128xi32>
    %slice3A_2451 = vector.extract_strided_slice %get3A_4 {offsets = [0, 1024], sizes = [1, 128], strides = [1, 1]} : vector<1x4096xi32> to vector<1x128xi32>
    %lt3A_2452 = vector.broadcast %slice3A_2451 : vector<1x128xi32> to vector<128x128xi32>
    %lt3A_2453 = vector.broadcast %slice3A_2360 : vector<128x1xi32> to vector<128x128xi32>
    %lt3A_2454 = arith.cmpi slt, %lt3A_2452, %lt3A_2453 : vector<128x128xi32>
    %jit3A_2455 = arith.constant 1 : i32
    %jit3A_2456 = arith.constant 0 : i32
    %broadcast_in_dim3A_2457 = vector.broadcast %jit3A_2455 : i32 to vector<128x128xi32>
    %broadcast_in_dim3A_2458 = vector.broadcast %jit3A_2456 : i32 to vector<128x128xi32>
    %select_n3A_2459 = arith.select %lt3A_2454, %broadcast_in_dim3A_2457, %broadcast_in_dim3A_2458 : vector<128x128xi1>, vector<128x128xi32>
    %add3A_2460 = arith.addi %add3A_2450, %select_n3A_2459 : vector<128x128xi32>
    %slice3A_2461 = vector.extract_strided_slice %get3A_4 {offsets = [0, 1152], sizes = [1, 128], strides = [1, 1]} : vector<1x4096xi32> to vector<1x128xi32>
    %lt3A_2462 = vector.broadcast %slice3A_2461 : vector<1x128xi32> to vector<128x128xi32>
    %lt3A_2463 = vector.broadcast %slice3A_2360 : vector<128x1xi32> to vector<128x128xi32>
    %lt3A_2464 = arith.cmpi slt, %lt3A_2462, %lt3A_2463 : vector<128x128xi32>
    %jit3A_2465 = arith.constant 1 : i32
    %jit3A_2466 = arith.constant 0 : i32
    %broadcast_in_dim3A_2467 = vector.broadcast %jit3A_2465 : i32 to vector<128x128xi32>
    %broadcast_in_dim3A_2468 = vector.broadcast %jit3A_2466 : i32 to vector<128x128xi32>
    %select_n3A_2469 = arith.select %lt3A_2464, %broadcast_in_dim3A_2467, %broadcast_in_dim3A_2468 : vector<128x128xi1>, vector<128x128xi32>
    %add3A_2470 = arith.addi %add3A_2460, %select_n3A_2469 : vector<128x128xi32>
    %slice3A_2471 = vector.extract_strided_slice %get3A_4 {offsets = [0, 1280], sizes = [1, 128], strides = [1, 1]} : vector<1x4096xi32> to vector<1x128xi32>
    %lt3A_2472 = vector.broadcast %slice3A_2471 : vector<1x128xi32> to vector<128x128xi32>
    %lt3A_2473 = vector.broadcast %slice3A_2360 : vector<128x1xi32> to vector<128x128xi32>
    %lt3A_2474 = arith.cmpi slt, %lt3A_2472, %lt3A_2473 : vector<128x128xi32>
    %jit3A_2475 = arith.constant 1 : i32
    %jit3A_2476 = arith.constant 0 : i32
    %broadcast_in_dim3A_2477 = vector.broadcast %jit3A_2475 : i32 to vector<128x128xi32>
    %broadcast_in_dim3A_2478 = vector.broadcast %jit3A_2476 : i32 to vector<128x128xi32>
    %select_n3A_2479 = arith.select %lt3A_2474, %broadcast_in_dim3A_2477, %broadcast_in_dim3A_2478 : vector<128x128xi1>, vector<128x128xi32>
    %add3A_2480 = arith.addi %add3A_2470, %select_n3A_2479 : vector<128x128xi32>
    %slice3A_2481 = vector.extract_strided_slice %get3A_4 {offsets = [0, 1408], sizes = [1, 128], strides = [1, 1]} : vector<1x4096xi32> to vector<1x128xi32>
    %lt3A_2482 = vector.broadcast %slice3A_2481 : vector<1x128xi32> to vector<128x128xi32>
    %lt3A_2483 = vector.broadcast %slice3A_2360 : vector<128x1xi32> to vector<128x128xi32>
    %lt3A_2484 = arith.cmpi slt, %lt3A_2482, %lt3A_2483 : vector<128x128xi32>
    %jit3A_2485 = arith.constant 1 : i32
    %jit3A_2486 = arith.constant 0 : i32
    %broadcast_in_dim3A_2487 = vector.broadcast %jit3A_2485 : i32 to vector<128x128xi32>
    %broadcast_in_dim3A_2488 = vector.broadcast %jit3A_2486 : i32 to vector<128x128xi32>
    %select_n3A_2489 = arith.select %lt3A_2484, %broadcast_in_dim3A_2487, %broadcast_in_dim3A_2488 : vector<128x128xi1>, vector<128x128xi32>
    %add3A_2490 = arith.addi %add3A_2480, %select_n3A_2489 : vector<128x128xi32>
    %slice3A_2491 = vector.extract_strided_slice %get3A_4 {offsets = [0, 1536], sizes = [1, 128], strides = [1, 1]} : vector<1x4096xi32> to vector<1x128xi32>
    %lt3A_2492 = vector.broadcast %slice3A_2491 : vector<1x128xi32> to vector<128x128xi32>
    %lt3A_2493 = vector.broadcast %slice3A_2360 : vector<128x1xi32> to vector<128x128xi32>
    %lt3A_2494 = arith.cmpi slt, %lt3A_2492, %lt3A_2493 : vector<128x128xi32>
    %jit3A_2495 = arith.constant 1 : i32
    %jit3A_2496 = arith.constant 0 : i32
    %broadcast_in_dim3A_2497 = vector.broadcast %jit3A_2495 : i32 to vector<128x128xi32>
    %broadcast_in_dim3A_2498 = vector.broadcast %jit3A_2496 : i32 to vector<128x128xi32>
    %select_n3A_2499 = arith.select %lt3A_2494, %broadcast_in_dim3A_2497, %broadcast_in_dim3A_2498 : vector<128x128xi1>, vector<128x128xi32>
    %add3A_2500 = arith.addi %add3A_2490, %select_n3A_2499 : vector<128x128xi32>
    %slice3A_2501 = vector.extract_strided_slice %get3A_4 {offsets = [0, 1664], sizes = [1, 128], strides = [1, 1]} : vector<1x4096xi32> to vector<1x128xi32>
    %lt3A_2502 = vector.broadcast %slice3A_2501 : vector<1x128xi32> to vector<128x128xi32>
    %lt3A_2503 = vector.broadcast %slice3A_2360 : vector<128x1xi32> to vector<128x128xi32>
    %lt3A_2504 = arith.cmpi slt, %lt3A_2502, %lt3A_2503 : vector<128x128xi32>
    %jit3A_2505 = arith.constant 1 : i32
    %jit3A_2506 = arith.constant 0 : i32
    %broadcast_in_dim3A_2507 = vector.broadcast %jit3A_2505 : i32 to vector<128x128xi32>
    %broadcast_in_dim3A_2508 = vector.broadcast %jit3A_2506 : i32 to vector<128x128xi32>
    %select_n3A_2509 = arith.select %lt3A_2504, %broadcast_in_dim3A_2507, %broadcast_in_dim3A_2508 : vector<128x128xi1>, vector<128x128xi32>
    %add3A_2510 = arith.addi %add3A_2500, %select_n3A_2509 : vector<128x128xi32>
    %slice3A_2511 = vector.extract_strided_slice %get3A_4 {offsets = [0, 1792], sizes = [1, 128], strides = [1, 1]} : vector<1x4096xi32> to vector<1x128xi32>
    %lt3A_2512 = vector.broadcast %slice3A_2511 : vector<1x128xi32> to vector<128x128xi32>
    %lt3A_2513 = vector.broadcast %slice3A_2360 : vector<128x1xi32> to vector<128x128xi32>
    %lt3A_2514 = arith.cmpi slt, %lt3A_2512, %lt3A_2513 : vector<128x128xi32>
    %jit3A_2515 = arith.constant 1 : i32
    %jit3A_2516 = arith.constant 0 : i32
    %broadcast_in_dim3A_2517 = vector.broadcast %jit3A_2515 : i32 to vector<128x128xi32>
    %broadcast_in_dim3A_2518 = vector.broadcast %jit3A_2516 : i32 to vector<128x128xi32>
    %select_n3A_2519 = arith.select %lt3A_2514, %broadcast_in_dim3A_2517, %broadcast_in_dim3A_2518 : vector<128x128xi1>, vector<128x128xi32>
    %add3A_2520 = arith.addi %add3A_2510, %select_n3A_2519 : vector<128x128xi32>
    %slice3A_2521 = vector.extract_strided_slice %get3A_4 {offsets = [0, 1920], sizes = [1, 128], strides = [1, 1]} : vector<1x4096xi32> to vector<1x128xi32>
    %lt3A_2522 = vector.broadcast %slice3A_2521 : vector<1x128xi32> to vector<128x128xi32>
    %lt3A_2523 = vector.broadcast %slice3A_2360 : vector<128x1xi32> to vector<128x128xi32>
    %lt3A_2524 = arith.cmpi slt, %lt3A_2522, %lt3A_2523 : vector<128x128xi32>
    %jit3A_2525 = arith.constant 1 : i32
    %jit3A_2526 = arith.constant 0 : i32
    %broadcast_in_dim3A_2527 = vector.broadcast %jit3A_2525 : i32 to vector<128x128xi32>
    %broadcast_in_dim3A_2528 = vector.broadcast %jit3A_2526 : i32 to vector<128x128xi32>
    %select_n3A_2529 = arith.select %lt3A_2524, %broadcast_in_dim3A_2527, %broadcast_in_dim3A_2528 : vector<128x128xi1>, vector<128x128xi32>
    %add3A_2530 = arith.addi %add3A_2520, %select_n3A_2529 : vector<128x128xi32>
    %slice3A_2531 = vector.extract_strided_slice %get3A_4 {offsets = [0, 2048], sizes = [1, 128], strides = [1, 1]} : vector<1x4096xi32> to vector<1x128xi32>
    %lt3A_2532 = vector.broadcast %slice3A_2531 : vector<1x128xi32> to vector<128x128xi32>
    %lt3A_2533 = vector.broadcast %slice3A_2360 : vector<128x1xi32> to vector<128x128xi32>
    %lt3A_2534 = arith.cmpi slt, %lt3A_2532, %lt3A_2533 : vector<128x128xi32>
    %jit3A_2535 = arith.constant 1 : i32
    %jit3A_2536 = arith.constant 0 : i32
    %broadcast_in_dim3A_2537 = vector.broadcast %jit3A_2535 : i32 to vector<128x128xi32>
    %broadcast_in_dim3A_2538 = vector.broadcast %jit3A_2536 : i32 to vector<128x128xi32>
    %select_n3A_2539 = arith.select %lt3A_2534, %broadcast_in_dim3A_2537, %broadcast_in_dim3A_2538 : vector<128x128xi1>, vector<128x128xi32>
    %add3A_2540 = arith.addi %add3A_2530, %select_n3A_2539 : vector<128x128xi32>
    %slice3A_2541 = vector.extract_strided_slice %get3A_4 {offsets = [0, 2176], sizes = [1, 128], strides = [1, 1]} : vector<1x4096xi32> to vector<1x128xi32>
    %lt3A_2542 = vector.broadcast %slice3A_2541 : vector<1x128xi32> to vector<128x128xi32>
    %lt3A_2543 = vector.broadcast %slice3A_2360 : vector<128x1xi32> to vector<128x128xi32>
    %lt3A_2544 = arith.cmpi slt, %lt3A_2542, %lt3A_2543 : vector<128x128xi32>
    %jit3A_2545 = arith.constant 1 : i32
    %jit3A_2546 = arith.constant 0 : i32
    %broadcast_in_dim3A_2547 = vector.broadcast %jit3A_2545 : i32 to vector<128x128xi32>
    %broadcast_in_dim3A_2548 = vector.broadcast %jit3A_2546 : i32 to vector<128x128xi32>
    %select_n3A_2549 = arith.select %lt3A_2544, %broadcast_in_dim3A_2547, %broadcast_in_dim3A_2548 : vector<128x128xi1>, vector<128x128xi32>
    %add3A_2550 = arith.addi %add3A_2540, %select_n3A_2549 : vector<128x128xi32>
    %slice3A_2551 = vector.extract_strided_slice %get3A_4 {offsets = [0, 2304], sizes = [1, 128], strides = [1, 1]} : vector<1x4096xi32> to vector<1x128xi32>
    %lt3A_2552 = vector.broadcast %slice3A_2551 : vector<1x128xi32> to vector<128x128xi32>
    %lt3A_2553 = vector.broadcast %slice3A_2360 : vector<128x1xi32> to vector<128x128xi32>
    %lt3A_2554 = arith.cmpi slt, %lt3A_2552, %lt3A_2553 : vector<128x128xi32>
    %jit3A_2555 = arith.constant 1 : i32
    %jit3A_2556 = arith.constant 0 : i32
    %broadcast_in_dim3A_2557 = vector.broadcast %jit3A_2555 : i32 to vector<128x128xi32>
    %broadcast_in_dim3A_2558 = vector.broadcast %jit3A_2556 : i32 to vector<128x128xi32>
    %select_n3A_2559 = arith.select %lt3A_2554, %broadcast_in_dim3A_2557, %broadcast_in_dim3A_2558 : vector<128x128xi1>, vector<128x128xi32>
    %add3A_2560 = arith.addi %add3A_2550, %select_n3A_2559 : vector<128x128xi32>
    %slice3A_2561 = vector.extract_strided_slice %get3A_4 {offsets = [0, 2432], sizes = [1, 128], strides = [1, 1]} : vector<1x4096xi32> to vector<1x128xi32>
    %lt3A_2562 = vector.broadcast %slice3A_2561 : vector<1x128xi32> to vector<128x128xi32>
    %lt3A_2563 = vector.broadcast %slice3A_2360 : vector<128x1xi32> to vector<128x128xi32>
    %lt3A_2564 = arith.cmpi slt, %lt3A_2562, %lt3A_2563 : vector<128x128xi32>
    %jit3A_2565 = arith.constant 1 : i32
    %jit3A_2566 = arith.constant 0 : i32
    %broadcast_in_dim3A_2567 = vector.broadcast %jit3A_2565 : i32 to vector<128x128xi32>
    %broadcast_in_dim3A_2568 = vector.broadcast %jit3A_2566 : i32 to vector<128x128xi32>
    %select_n3A_2569 = arith.select %lt3A_2564, %broadcast_in_dim3A_2567, %broadcast_in_dim3A_2568 : vector<128x128xi1>, vector<128x128xi32>
    %add3A_2570 = arith.addi %add3A_2560, %select_n3A_2569 : vector<128x128xi32>
    %slice3A_2571 = vector.extract_strided_slice %get3A_4 {offsets = [0, 2560], sizes = [1, 128], strides = [1, 1]} : vector<1x4096xi32> to vector<1x128xi32>
    %lt3A_2572 = vector.broadcast %slice3A_2571 : vector<1x128xi32> to vector<128x128xi32>
    %lt3A_2573 = vector.broadcast %slice3A_2360 : vector<128x1xi32> to vector<128x128xi32>
    %lt3A_2574 = arith.cmpi slt, %lt3A_2572, %lt3A_2573 : vector<128x128xi32>
    %jit3A_2575 = arith.constant 1 : i32
    %jit3A_2576 = arith.constant 0 : i32
    %broadcast_in_dim3A_2577 = vector.broadcast %jit3A_2575 : i32 to vector<128x128xi32>
    %broadcast_in_dim3A_2578 = vector.broadcast %jit3A_2576 : i32 to vector<128x128xi32>
    %select_n3A_2579 = arith.select %lt3A_2574, %broadcast_in_dim3A_2577, %broadcast_in_dim3A_2578 : vector<128x128xi1>, vector<128x128xi32>
    %add3A_2580 = arith.addi %add3A_2570, %select_n3A_2579 : vector<128x128xi32>
    %slice3A_2581 = vector.extract_strided_slice %get3A_4 {offsets = [0, 2688], sizes = [1, 128], strides = [1, 1]} : vector<1x4096xi32> to vector<1x128xi32>
    %lt3A_2582 = vector.broadcast %slice3A_2581 : vector<1x128xi32> to vector<128x128xi32>
    %lt3A_2583 = vector.broadcast %slice3A_2360 : vector<128x1xi32> to vector<128x128xi32>
    %lt3A_2584 = arith.cmpi slt, %lt3A_2582, %lt3A_2583 : vector<128x128xi32>
    %jit3A_2585 = arith.constant 1 : i32
    %jit3A_2586 = arith.constant 0 : i32
    %broadcast_in_dim3A_2587 = vector.broadcast %jit3A_2585 : i32 to vector<128x128xi32>
    %broadcast_in_dim3A_2588 = vector.broadcast %jit3A_2586 : i32 to vector<128x128xi32>
    %select_n3A_2589 = arith.select %lt3A_2584, %broadcast_in_dim3A_2587, %broadcast_in_dim3A_2588 : vector<128x128xi1>, vector<128x128xi32>
    %add3A_2590 = arith.addi %add3A_2580, %select_n3A_2589 : vector<128x128xi32>
    %slice3A_2591 = vector.extract_strided_slice %get3A_4 {offsets = [0, 2816], sizes = [1, 128], strides = [1, 1]} : vector<1x4096xi32> to vector<1x128xi32>
    %lt3A_2592 = vector.broadcast %slice3A_2591 : vector<1x128xi32> to vector<128x128xi32>
    %lt3A_2593 = vector.broadcast %slice3A_2360 : vector<128x1xi32> to vector<128x128xi32>
    %lt3A_2594 = arith.cmpi slt, %lt3A_2592, %lt3A_2593 : vector<128x128xi32>
    %jit3A_2595 = arith.constant 1 : i32
    %jit3A_2596 = arith.constant 0 : i32
    %broadcast_in_dim3A_2597 = vector.broadcast %jit3A_2595 : i32 to vector<128x128xi32>
    %broadcast_in_dim3A_2598 = vector.broadcast %jit3A_2596 : i32 to vector<128x128xi32>
    %select_n3A_2599 = arith.select %lt3A_2594, %broadcast_in_dim3A_2597, %broadcast_in_dim3A_2598 : vector<128x128xi1>, vector<128x128xi32>
    %add3A_2600 = arith.addi %add3A_2590, %select_n3A_2599 : vector<128x128xi32>
    %slice3A_2601 = vector.extract_strided_slice %get3A_4 {offsets = [0, 2944], sizes = [1, 128], strides = [1, 1]} : vector<1x4096xi32> to vector<1x128xi32>
    %lt3A_2602 = vector.broadcast %slice3A_2601 : vector<1x128xi32> to vector<128x128xi32>
    %lt3A_2603 = vector.broadcast %slice3A_2360 : vector<128x1xi32> to vector<128x128xi32>
    %lt3A_2604 = arith.cmpi slt, %lt3A_2602, %lt3A_2603 : vector<128x128xi32>
    %jit3A_2605 = arith.constant 1 : i32
    %jit3A_2606 = arith.constant 0 : i32
    %broadcast_in_dim3A_2607 = vector.broadcast %jit3A_2605 : i32 to vector<128x128xi32>
    %broadcast_in_dim3A_2608 = vector.broadcast %jit3A_2606 : i32 to vector<128x128xi32>
    %select_n3A_2609 = arith.select %lt3A_2604, %broadcast_in_dim3A_2607, %broadcast_in_dim3A_2608 : vector<128x128xi1>, vector<128x128xi32>
    %add3A_2610 = arith.addi %add3A_2600, %select_n3A_2609 : vector<128x128xi32>
    %slice3A_2611 = vector.extract_strided_slice %get3A_4 {offsets = [0, 3072], sizes = [1, 128], strides = [1, 1]} : vector<1x4096xi32> to vector<1x128xi32>
    %lt3A_2612 = vector.broadcast %slice3A_2611 : vector<1x128xi32> to vector<128x128xi32>
    %lt3A_2613 = vector.broadcast %slice3A_2360 : vector<128x1xi32> to vector<128x128xi32>
    %lt3A_2614 = arith.cmpi slt, %lt3A_2612, %lt3A_2613 : vector<128x128xi32>
    %jit3A_2615 = arith.constant 1 : i32
    %jit3A_2616 = arith.constant 0 : i32
    %broadcast_in_dim3A_2617 = vector.broadcast %jit3A_2615 : i32 to vector<128x128xi32>
    %broadcast_in_dim3A_2618 = vector.broadcast %jit3A_2616 : i32 to vector<128x128xi32>
    %select_n3A_2619 = arith.select %lt3A_2614, %broadcast_in_dim3A_2617, %broadcast_in_dim3A_2618 : vector<128x128xi1>, vector<128x128xi32>
    %add3A_2620 = arith.addi %add3A_2610, %select_n3A_2619 : vector<128x128xi32>
    %slice3A_2621 = vector.extract_strided_slice %get3A_4 {offsets = [0, 3200], sizes = [1, 128], strides = [1, 1]} : vector<1x4096xi32> to vector<1x128xi32>
    %lt3A_2622 = vector.broadcast %slice3A_2621 : vector<1x128xi32> to vector<128x128xi32>
    %lt3A_2623 = vector.broadcast %slice3A_2360 : vector<128x1xi32> to vector<128x128xi32>
    %lt3A_2624 = arith.cmpi slt, %lt3A_2622, %lt3A_2623 : vector<128x128xi32>
    %jit3A_2625 = arith.constant 1 : i32
    %jit3A_2626 = arith.constant 0 : i32
    %broadcast_in_dim3A_2627 = vector.broadcast %jit3A_2625 : i32 to vector<128x128xi32>
    %broadcast_in_dim3A_2628 = vector.broadcast %jit3A_2626 : i32 to vector<128x128xi32>
    %select_n3A_2629 = arith.select %lt3A_2624, %broadcast_in_dim3A_2627, %broadcast_in_dim3A_2628 : vector<128x128xi1>, vector<128x128xi32>
    %add3A_2630 = arith.addi %add3A_2620, %select_n3A_2629 : vector<128x128xi32>
    %slice3A_2631 = vector.extract_strided_slice %get3A_4 {offsets = [0, 3328], sizes = [1, 128], strides = [1, 1]} : vector<1x4096xi32> to vector<1x128xi32>
    %lt3A_2632 = vector.broadcast %slice3A_2631 : vector<1x128xi32> to vector<128x128xi32>
    %lt3A_2633 = vector.broadcast %slice3A_2360 : vector<128x1xi32> to vector<128x128xi32>
    %lt3A_2634 = arith.cmpi slt, %lt3A_2632, %lt3A_2633 : vector<128x128xi32>
    %jit3A_2635 = arith.constant 1 : i32
    %jit3A_2636 = arith.constant 0 : i32
    %broadcast_in_dim3A_2637 = vector.broadcast %jit3A_2635 : i32 to vector<128x128xi32>
    %broadcast_in_dim3A_2638 = vector.broadcast %jit3A_2636 : i32 to vector<128x128xi32>
    %select_n3A_2639 = arith.select %lt3A_2634, %broadcast_in_dim3A_2637, %broadcast_in_dim3A_2638 : vector<128x128xi1>, vector<128x128xi32>
    %add3A_2640 = arith.addi %add3A_2630, %select_n3A_2639 : vector<128x128xi32>
    %slice3A_2641 = vector.extract_strided_slice %get3A_4 {offsets = [0, 3456], sizes = [1, 128], strides = [1, 1]} : vector<1x4096xi32> to vector<1x128xi32>
    %lt3A_2642 = vector.broadcast %slice3A_2641 : vector<1x128xi32> to vector<128x128xi32>
    %lt3A_2643 = vector.broadcast %slice3A_2360 : vector<128x1xi32> to vector<128x128xi32>
    %lt3A_2644 = arith.cmpi slt, %lt3A_2642, %lt3A_2643 : vector<128x128xi32>
    %jit3A_2645 = arith.constant 1 : i32
    %jit3A_2646 = arith.constant 0 : i32
    %broadcast_in_dim3A_2647 = vector.broadcast %jit3A_2645 : i32 to vector<128x128xi32>
    %broadcast_in_dim3A_2648 = vector.broadcast %jit3A_2646 : i32 to vector<128x128xi32>
    %select_n3A_2649 = arith.select %lt3A_2644, %broadcast_in_dim3A_2647, %broadcast_in_dim3A_2648 : vector<128x128xi1>, vector<128x128xi32>
    %add3A_2650 = arith.addi %add3A_2640, %select_n3A_2649 : vector<128x128xi32>
    %slice3A_2651 = vector.extract_strided_slice %get3A_4 {offsets = [0, 3584], sizes = [1, 128], strides = [1, 1]} : vector<1x4096xi32> to vector<1x128xi32>
    %lt3A_2652 = vector.broadcast %slice3A_2651 : vector<1x128xi32> to vector<128x128xi32>
    %lt3A_2653 = vector.broadcast %slice3A_2360 : vector<128x1xi32> to vector<128x128xi32>
    %lt3A_2654 = arith.cmpi slt, %lt3A_2652, %lt3A_2653 : vector<128x128xi32>
    %jit3A_2655 = arith.constant 1 : i32
    %jit3A_2656 = arith.constant 0 : i32
    %broadcast_in_dim3A_2657 = vector.broadcast %jit3A_2655 : i32 to vector<128x128xi32>
    %broadcast_in_dim3A_2658 = vector.broadcast %jit3A_2656 : i32 to vector<128x128xi32>
    %select_n3A_2659 = arith.select %lt3A_2654, %broadcast_in_dim3A_2657, %broadcast_in_dim3A_2658 : vector<128x128xi1>, vector<128x128xi32>
    %add3A_2660 = arith.addi %add3A_2650, %select_n3A_2659 : vector<128x128xi32>
    %slice3A_2661 = vector.extract_strided_slice %get3A_4 {offsets = [0, 3712], sizes = [1, 128], strides = [1, 1]} : vector<1x4096xi32> to vector<1x128xi32>
    %lt3A_2662 = vector.broadcast %slice3A_2661 : vector<1x128xi32> to vector<128x128xi32>
    %lt3A_2663 = vector.broadcast %slice3A_2360 : vector<128x1xi32> to vector<128x128xi32>
    %lt3A_2664 = arith.cmpi slt, %lt3A_2662, %lt3A_2663 : vector<128x128xi32>
    %jit3A_2665 = arith.constant 1 : i32
    %jit3A_2666 = arith.constant 0 : i32
    %broadcast_in_dim3A_2667 = vector.broadcast %jit3A_2665 : i32 to vector<128x128xi32>
    %broadcast_in_dim3A_2668 = vector.broadcast %jit3A_2666 : i32 to vector<128x128xi32>
    %select_n3A_2669 = arith.select %lt3A_2664, %broadcast_in_dim3A_2667, %broadcast_in_dim3A_2668 : vector<128x128xi1>, vector<128x128xi32>
    %add3A_2670 = arith.addi %add3A_2660, %select_n3A_2669 : vector<128x128xi32>
    %slice3A_2671 = vector.extract_strided_slice %get3A_4 {offsets = [0, 3840], sizes = [1, 128], strides = [1, 1]} : vector<1x4096xi32> to vector<1x128xi32>
    %lt3A_2672 = vector.broadcast %slice3A_2671 : vector<1x128xi32> to vector<128x128xi32>
    %lt3A_2673 = vector.broadcast %slice3A_2360 : vector<128x1xi32> to vector<128x128xi32>
    %lt3A_2674 = arith.cmpi slt, %lt3A_2672, %lt3A_2673 : vector<128x128xi32>
    %jit3A_2675 = arith.constant 1 : i32
    %jit3A_2676 = arith.constant 0 : i32
    %broadcast_in_dim3A_2677 = vector.broadcast %jit3A_2675 : i32 to vector<128x128xi32>
    %broadcast_in_dim3A_2678 = vector.broadcast %jit3A_2676 : i32 to vector<128x128xi32>
    %select_n3A_2679 = arith.select %lt3A_2674, %broadcast_in_dim3A_2677, %broadcast_in_dim3A_2678 : vector<128x128xi1>, vector<128x128xi32>
    %add3A_2680 = arith.addi %add3A_2670, %select_n3A_2679 : vector<128x128xi32>
    %slice3A_2681 = vector.extract_strided_slice %get3A_4 {offsets = [0, 3968], sizes = [1, 128], strides = [1, 1]} : vector<1x4096xi32> to vector<1x128xi32>
    %lt3A_2682 = vector.broadcast %slice3A_2681 : vector<1x128xi32> to vector<128x128xi32>
    %lt3A_2683 = vector.broadcast %slice3A_2360 : vector<128x1xi32> to vector<128x128xi32>
    %lt3A_2684 = arith.cmpi slt, %lt3A_2682, %lt3A_2683 : vector<128x128xi32>
    %jit3A_2685 = arith.constant 1 : i32
    %jit3A_2686 = arith.constant 0 : i32
    %broadcast_in_dim3A_2687 = vector.broadcast %jit3A_2685 : i32 to vector<128x128xi32>
    %broadcast_in_dim3A_2688 = vector.broadcast %jit3A_2686 : i32 to vector<128x128xi32>
    %select_n3A_2689 = arith.select %lt3A_2684, %broadcast_in_dim3A_2687, %broadcast_in_dim3A_2688 : vector<128x128xi1>, vector<128x128xi32>
    %add3A_2690 = arith.addi %add3A_2680, %select_n3A_2689 : vector<128x128xi32>
    %reduce_sum3A_2691 = arith.constant dense<0> : vector<128xi32>
    %reduce_sum3A_2692 = vector.multi_reduction <add>, %add3A_2690, %reduce_sum3A_2691 [1] : vector<128x128xi32> to vector<128xi32>
    %broadcast_in_dim3A_2693 = vector.shape_cast %reduce_sum3A_2692 : vector<128xi32> to vector<128x1xi32>
    %concatenate3A = tpu.concatenate %broadcast_in_dim3A_355, %broadcast_in_dim3A_689, %broadcast_in_dim3A_1023, %broadcast_in_dim3A_1357, %broadcast_in_dim3A_1691, %broadcast_in_dim3A_2025, %broadcast_in_dim3A_2359, %broadcast_in_dim3A_2693 in 1 : vector<128x1xi32>, vector<128x1xi32>, vector<128x1xi32>, vector<128x1xi32>, vector<128x1xi32>, vector<128x1xi32>, vector<128x1xi32>, vector<128x1xi32> -> vector<128x8xi32>
    %mul3A_2694 = arith.constant 2 : i32
    %mul3A_2695 = arith.muli %arg0, %mul3A_2694 : i32
    %add3A_2696 = arith.addi %mul3A_2695, %arg1 : i32
    %mul3A_2697 = arith.constant 4096 : i32
    %mul3A_2698 = arith.muli %add3A_2696, %mul3A_2697 : i32
    %add3A_2699 = vector.broadcast %mul3A_2698 : i32 to vector<128x8xi32>
    %add3A_2700 = arith.addi %concatenate3A, %add3A_2699 : vector<128x8xi32>
    %convert_element_type3A_2701 = arith.sitofp %add3A_2700 : vector<128x8xi32> to vector<128x8xf32>
    %dot_general3A_2702 = arith.constant dense<0.000000e+00> : vector<8x128xf32>
    %dot_general3A_2703 = tpu.matmul %convert_element_type3A_2701, %get3A_14, %dot_general3A_2702 {dimension_numbers = #tpu.dot_dimension_numbers<[0], [0], [1], [1], [0, 1, 1, 1], [], []>, precision = #tpu.contract_precision<fp32>, transpose_lhs_hint = false} : vector<128x8xf32>, vector<128x128xf32>, vector<8x128xf32> -> vector<8x128xf32>
    %convert_element_type3A_2704 = arith.fptosi %dot_general3A_2703 : vector<8x128xf32> to vector<8x128xi32>
    %swap3A = arith.constant 0 : index
    %swap3A_2705 = arith.constant 0 : index
    %swap3A_2706 = arith.constant 0 : index
    %swap3A_2707 = arith.constant 0 : index
    %swap3A_2708 = arith.constant 0 : index
    %swap3A_2709 = vector.load %arg6[%swap3A, %swap3A_2705, %swap3A_2706, %swap3A_2707, %swap3A_2708] : memref<1x1x8x1x128xi32, #tpu.memory_space<vmem>>, vector<1x1x8x1x128xi32>
    %swap3A_2710 = vector.shape_cast %swap3A_2709 : vector<1x1x8x1x128xi32> to vector<8x128xi32>
    %swap3A_2711 = vector.shape_cast %convert_element_type3A_2704 : vector<8x128xi32> to vector<1x1x8x1x128xi32>
    tpu.vector_store %arg6[%swap3A, %swap3A_2705, %swap3A_2706, %swap3A_2707, %swap3A_2708], %swap3A_2711 {strides = array<i32>} : memref<1x1x8x1x128xi32, #tpu.memory_space<vmem>>, vector<1x1x8x1x128xi32>,
    return
  }
  func.func @transform_0(%arg0: i32, %arg1: i32, %arg2: i32) -> (i32, i32, i32, i32) {
    %c0_i32 = arith.constant 0 : i32
    %c0_i32_0 = arith.constant 0 : i32
    %c0_i32_1 = arith.constant 0 : i32
    return %arg0, %arg1, %c0_i32, %c0_i32_0 : i32, i32, i32, i32
  }
  func.func @transform_1(%arg0: i32, %arg1: i32, %arg2: i32) -> (i32, i32, i32, i32, i32) {
    %c0_i32 = arith.constant 0 : i32
    %c0_i32_0 = arith.constant 0 : i32
    %c0_i32_1 = arith.constant 0 : i32
    return %arg0, %arg1, %arg2, %c0_i32, %c0_i32_0 : i32, i32, i32, i32, i32
  }
  func.func @transform_2(%arg0: i32, %arg1: i32, %arg2: i32) -> (i32, i32) {
    %c0_i32 = arith.constant 0 : i32
    %c0_i32_0 = arith.constant 0 : i32
    %c0_i32_1 = arith.constant 0 : i32
    return %c0_i32, %c0_i32_0 : i32, i32
  }
  func.func @transform_3(%arg0: i32, %arg1: i32, %arg2: i32) -> (i32, i32, i32, i32, i32) {
    %c0_i32 = arith.constant 0 : i32
    %c0_i32_0 = arith.constant 0 : i32
    %c0_i32_1 = arith.constant 0 : i32
    return %arg0, %arg1, %arg2, %c0_i32, %c0_i32_0 : i32, i32, i32, i32, i32
  }
}

module attributes {stable_mosaic.version = 14 : i64} {
  func.func @_embed_kernel(%arg0: i32, %arg1: i32, %arg2: i32, %arg3: memref<1x1x1024x16xf32, #tpu.memory_space<vmem>>, %arg4: memref<1x8x256xf32, #tpu.memory_space<vmem>>, %arg5: memref<1x1x256xf32, #tpu.memory_space<vmem>>, %arg6: memref<1x1x1024x256xf32, #tpu.memory_space<vmem>>) attributes {dimension_semantics = [#tpu.dimension_semantics<arbitrary>, #tpu.dimension_semantics<arbitrary>, #tpu.dimension_semantics<arbitrary>], iteration_bounds = array<i64: 8, 2, 4>, scalar_prefetch = 0 : i64, scratch_operands = 0 : i64, tpu.core_type = #tpu.core_type<tc>, window_params = [{transform_indices = @transform_0, window_bounds = array<i64: 1, 1, 1024, 16>}, {transform_indices = @transform_1, window_bounds = array<i64: 1, 8, 256>}, {transform_indices = @transform_2, window_bounds = array<i64: 1, 1, 256>}, {transform_indices = @transform_3, window_bounds = array<i64: 1, 1, 1024, 256>}]} {
    %get3A = arith.constant 0 : index
    %get3A_0 = arith.constant 0 : index
    %get3A_1 = arith.constant 0 : index
    %get3A_2 = arith.constant 0 : index
    %get3A_3 = vector.load %arg3[%get3A, %get3A_0, %get3A_1, %get3A_2] : memref<1x1x1024x16xf32, #tpu.memory_space<vmem>>, vector<1x1x1024x16xf32>
    %get3A_4 = vector.shape_cast %get3A_3 : vector<1x1x1024x16xf32> to vector<1024x16xf32>
    %slice3A = vector.extract_strided_slice %get3A_4 {offsets = [0, 0], sizes = [1024, 1], strides = [1, 1]} : vector<1024x16xf32> to vector<1024x1xf32>
    %get3A_5 = arith.constant 0 : index
    %get3A_6 = arith.constant 0 : index
    %get3A_7 = arith.constant 0 : index
    %get3A_8 = vector.load %arg4[%get3A_5, %get3A_6, %get3A_7] : memref<1x8x256xf32, #tpu.memory_space<vmem>>, vector<1x1x256xf32>
    %get3A_9 = vector.shape_cast %get3A_8 : vector<1x1x256xf32> to vector<1x256xf32>
    %mul3A = vector.broadcast %slice3A : vector<1024x1xf32> to vector<1024x256xf32>
    %mul3A_10 = vector.broadcast %get3A_9 : vector<1x256xf32> to vector<1024x256xf32>
    %mul3A_11 = arith.mulf %mul3A, %mul3A_10 : vector<1024x256xf32>
    %slice3A_12 = vector.extract_strided_slice %get3A_4 {offsets = [0, 1], sizes = [1024, 1], strides = [1, 1]} : vector<1024x16xf32> to vector<1024x1xf32>
    %get3A_13 = arith.constant 0 : index
    %get3A_14 = arith.constant 1 : index
    %get3A_15 = arith.constant 0 : index
    %get3A_16 = vector.load %arg4[%get3A_13, %get3A_14, %get3A_15] : memref<1x8x256xf32, #tpu.memory_space<vmem>>, vector<1x1x256xf32>
    %get3A_17 = vector.shape_cast %get3A_16 : vector<1x1x256xf32> to vector<1x256xf32>
    %mul3A_18 = vector.broadcast %slice3A_12 : vector<1024x1xf32> to vector<1024x256xf32>
    %mul3A_19 = vector.broadcast %get3A_17 : vector<1x256xf32> to vector<1024x256xf32>
    %mul3A_20 = arith.mulf %mul3A_18, %mul3A_19 : vector<1024x256xf32>
    %add3A = arith.addf %mul3A_11, %mul3A_20 : vector<1024x256xf32>
    %slice3A_21 = vector.extract_strided_slice %get3A_4 {offsets = [0, 2], sizes = [1024, 1], strides = [1, 1]} : vector<1024x16xf32> to vector<1024x1xf32>
    %get3A_22 = arith.constant 0 : index
    %get3A_23 = arith.constant 2 : index
    %get3A_24 = arith.constant 0 : index
    %get3A_25 = vector.load %arg4[%get3A_22, %get3A_23, %get3A_24] : memref<1x8x256xf32, #tpu.memory_space<vmem>>, vector<1x1x256xf32>
    %get3A_26 = vector.shape_cast %get3A_25 : vector<1x1x256xf32> to vector<1x256xf32>
    %mul3A_27 = vector.broadcast %slice3A_21 : vector<1024x1xf32> to vector<1024x256xf32>
    %mul3A_28 = vector.broadcast %get3A_26 : vector<1x256xf32> to vector<1024x256xf32>
    %mul3A_29 = arith.mulf %mul3A_27, %mul3A_28 : vector<1024x256xf32>
    %add3A_30 = arith.addf %add3A, %mul3A_29 : vector<1024x256xf32>
    %get3A_31 = arith.constant 0 : index
    %get3A_32 = arith.constant 0 : index
    %get3A_33 = arith.constant 0 : index
    %get3A_34 = vector.load %arg5[%get3A_31, %get3A_32, %get3A_33] : memref<1x1x256xf32, #tpu.memory_space<vmem>>, vector<1x1x256xf32>
    %get3A_35 = vector.shape_cast %get3A_34 : vector<1x1x256xf32> to vector<1x256xf32>
    %add3A_36 = vector.broadcast %get3A_35 : vector<1x256xf32> to vector<1024x256xf32>
    %add3A_37 = arith.addf %add3A_30, %add3A_36 : vector<1024x256xf32>
    %swap3A = arith.constant 0 : index
    %swap3A_38 = arith.constant 0 : index
    %swap3A_39 = arith.constant 0 : index
    %swap3A_40 = arith.constant 0 : index
    %swap3A_41 = vector.load %arg6[%swap3A, %swap3A_38, %swap3A_39, %swap3A_40] : memref<1x1x1024x256xf32, #tpu.memory_space<vmem>>, vector<1x1x1024x256xf32>
    %swap3A_42 = vector.shape_cast %swap3A_41 : vector<1x1x1024x256xf32> to vector<1024x256xf32>
    %swap3A_43 = vector.shape_cast %add3A_37 : vector<1024x256xf32> to vector<1x1x1024x256xf32>
    tpu.vector_store %arg6[%swap3A, %swap3A_38, %swap3A_39, %swap3A_40], %swap3A_43 {strides = array<i32>} : memref<1x1x1024x256xf32, #tpu.memory_space<vmem>>, vector<1x1x1024x256xf32>,
    return
  }
  func.func @transform_0(%arg0: i32, %arg1: i32, %arg2: i32) -> (i32, i32, i32, i32) {
    %c0_i32 = arith.constant 0 : i32
    %c0_i32_0 = arith.constant 0 : i32
    return %arg0, %arg1, %arg2, %c0_i32 : i32, i32, i32, i32
  }
  func.func @transform_1(%arg0: i32, %arg1: i32, %arg2: i32) -> (i32, i32, i32) {
    %c0_i32 = arith.constant 0 : i32
    %c0_i32_0 = arith.constant 0 : i32
    %c0_i32_1 = arith.constant 0 : i32
    return %arg1, %c0_i32, %c0_i32_0 : i32, i32, i32
  }
  func.func @transform_2(%arg0: i32, %arg1: i32, %arg2: i32) -> (i32, i32, i32) {
    %c0_i32 = arith.constant 0 : i32
    %c0_i32_0 = arith.constant 0 : i32
    %c0_i32_1 = arith.constant 0 : i32
    return %arg1, %c0_i32, %c0_i32_0 : i32, i32, i32
  }
  func.func @transform_3(%arg0: i32, %arg1: i32, %arg2: i32) -> (i32, i32, i32, i32) {
    %c0_i32 = arith.constant 0 : i32
    %c0_i32_0 = arith.constant 0 : i32
    return %arg0, %arg1, %arg2, %c0_i32 : i32, i32, i32, i32
  }
}

</mosaic_0001>

<sc_bundles>
// kernel: kernel.6.cloned.1.call-start
scs
__scs_entry_jumppad:
0x0: {  	(pc) =	sbr.rel $0x88, $3  }
0x1: {  	(tag) =	ssettag $0x0;
	lr =	simm.s32 $0x1  }
0x2: {  	[smem:$0x3F9C] =	sst lr;
	_ =	strace $0xD0000000  }
0x3: {  	_ = 	snop  }
0x4: {  	_ = 	snop  }
0x5: {  	_ = 	snop  }
0x6: {  	_ = 	snop  }
0x7: {  	_ = 	snop  }
__scs_overlays_trampoline_lowered:
0x8: {  	[smem:$0x3FAB] =	sst s0  }
0x9: {  	[smem:$0x3FAC] =	sst s1  }
0xa: {  	[smem:$0x3FAD] =	sst s2  }
0xb: {  	[smem:$0x3FAE] =	sst s3  }
0xc: {  	[smem:$0x3FAF] =	sst s4  }
0xd: {  	[smem:$0x3FB0] =	sst s5  }
0xe: {  	[smem:$0x3FB1] =	sst s6  }
0xf: {  	[smem:$0x3FB2] =	sst s7  }
0x10: {  	[smem:$0x3FB3] =	sst s8  }
0x11: {  	[smem:$0x3FB4] =	sst s9;
	s0 =	simm.s32 @!p0 $0x0  }
0x12: {  	s1 =	sld [smem:$0x3F9A];
	s0 =	simm.s32 @p0 $0x1  }
0x13: {  	[smem:$0x3FB5] =	sst s0;
	s0 =	simm.s32 @!p1 $0x0  }
0x14: {  	s2 =	sld [smem:$0x3F99];
	s0 =	simm.s32 @p1 $0x1  }
0x15: {  	[smem:$0x3FB6] =	sst s0;
	s0 =	simm.s32 @!p2 $0x0  }
0x16: {  	s3 =	sld [smem:$0x3FDB];
	s0 =	simm.s32 @p2 $0x1  }
0x17: {  	s4 =	simm.s32 $0x1BF5;
	[smem:$0x3FB8] =	sst s0  }
0x18: {  	s0 =	sld [smem:$0x3F9B];
	_ =	swait.ge [sflag:s4], $0x0  }
0x19: {  	s7 =	sld [smem:$0x3F9C]  }
0x1a: {  	s8 =	sadd.s32 $0xFFFFE003, lr  }
0x1b: {  	s9 =	sadd.s32 $0xFFFFFEF7, lr;
	s5 =	simm.s32 $0xFFFFFFFF;
	p2 =	slt.u32 s8, $0xFFFFF086  }
0x1c: {  	p1 =	slt.u32 s9, $0xF7A;
	s5 =	simm.s32 @!p2 $0x0  }
0x1d: {  	s5 =	simm.s32 @p1 $0x1;
	p0 =	seq.s32 s7, s2  }
0x1e: {  	s7 =	smul.u32 @!p0 $0xF7A, s2;
	p2 =	seq.s32 @!p0 s5, $0x0  }
0x1f: {  	s9 =	smul.u32 $0xF7A, s1;
	s8 =	simm.s32 @!p0 $0x1BF5;
	p2 =	por !p2, p0  }
0x20: {  	[sflag:s8] =	ssyncset.s32 @!p0 $0xFFFFF086;
	s6 =	sadd.s32 @!p0 s3, s7;
	s7 =	simm.s32 @!p0 $0x108  }
0x21: {  	s3 =	sadd.s32 s3, s9;
	s6 =	sadd.s32 @!p0 $0x88, s6;
	s7 =	simm.s32 @p2 $0x1082  }
0x22: {  	[simem:s7], [sflag:s8] =	dma.local @!p0 [hbm:s6], $0xF7A  }
0x23: {  	s9 =	sor.u32 $0xD0000000, s2;
	s6 =	simm.s32 $0x108;
	_ =	swait.ge @!p0 [sflag:s8], $0x0  }
0x24: {  	s3 =	sadd.s32 $0x88, s3;
	s6 =	simm.s32 @!p1 $0x1082;
	[sflag:s4] =	ssyncset.s32 $0xFFFFF086  }
0x25: {  	[simem:s6], [sflag:s4] =	dma.local [hbm:s3], $0xF7A  }
0x26: {  	[smem:$0x3F9C] =	sst s1;
	(tag) =	ssettag s2;
	_ =	strace s9  }
0x27: {  	s1 =	sld [smem:$0x3FAC]  }
0x28: {  	s2 =	sld [smem:$0x3FAD]  }
0x29: {  	s4 =	sld [smem:$0x3FAF]  }
0x2a: {  	p0 =	seq.s32 s5, $0x0;
	s5 =	sld [smem:$0x3FB0]  }
0x2b: {  	s6 =	sld [smem:$0x3FB1]  }
0x2c: {  	s7 =	sld [smem:$0x3FB2]  }
0x2d: {  	s3 =	simm.s32 $0x108;
	s8 =	sld [smem:$0x3FB3]  }
0x2e: {  	s3 =	simm.s32 @!p0 $0x1082;
	s9 =	sld [smem:$0x3FB4]  }
0x2f: {  	lr =	sadd.s32 s0, s3;
	s0 =	sld [smem:$0x3FAB]  }
0x30: {  	s3 =	sld [smem:$0x3FAE]  }
0x31: {  	[smem:$0x3FB7] =	sst s10  }
0x32: {  	s10 =	sld [smem:$0x3FB5];
	_ =	sdelay $0x3  }
0x33: {  	p0 =	seq.s32 s10, $0x1;
	s10 =	sld [smem:$0x3FB7];
	_ =	sdelay $0x3  }
0x34: {  	[smem:$0x3FB7] =	sst s10  }
0x35: {  	s10 =	sld [smem:$0x3FB6];
	_ =	sdelay $0x3  }
0x36: {  	p1 =	seq.s32 s10, $0x1;
	s10 =	sld [smem:$0x3FB7];
	_ =	sdelay $0x3  }
0x37: {  	[smem:$0x3FB7] =	sst s10  }
0x38: {  	s10 =	sld [smem:$0x3FB8]  }
0x39: {  	_ = 	snop;
	(pc) =	sbr.ind lr, $3  }
0x3a: {  	_ = 	snop  }
0x3b: {  	_ = 	snop  }
0x3c: {  	p2 =	seq.s32 s10, $0x1;
	s10 =	sld [smem:$0x3FB7]  }
0x3d: {  	_ =	shalt  }
0x3e: {  	_ =	shalt  }
0x3f: {  	_ =	shalt  }
0x40: {  	_ =	shalt  }
0x41: {  	_ =	shalt  }
0x42: {  	_ =	shalt  }
0x43: {  	_ =	shalt  }
0x44: {  	_ =	shalt  }
0x45: {  	_ =	shalt  }
0x46: {  	_ =	shalt  }
0x47: {  	_ =	shalt  }
0x48: {  	_ =	shalt  }
0x49: {  	_ =	shalt  }
0x4a: {  	_ =	shalt  }
0x4b: {  	_ =	shalt  }
0x4c: {  	_ =	shalt  }
0x4d: {  	_ =	shalt  }
0x4e: {  	_ =	shalt  }
0x4f: {  	_ =	shalt  }
0x50: {  	_ =	shalt  }
0x51: {  	_ =	shalt  }
0x52: {  	_ =	shalt  }
0x53: {  	_ =	shalt  }
0x54: {  	_ =	shalt  }
0x55: {  	_ =	shalt  }
0x56: {  	_ =	shalt  }
0x57: {  	_ =	shalt  }
0x58: {  	_ =	shalt  }
0x59: {  	_ =	shalt  }
0x5a: {  	_ =	shalt  }
0x5b: {  	_ =	shalt  }
0x5c: {  	_ =	shalt  }
0x5d: {  	_ =	shalt  }
0x5e: {  	_ =	shalt  }
0x5f: {  	_ =	shalt  }
0x60: {  	_ =	shalt  }
0x61: {  	_ =	shalt  }
0x62: {  	_ =	shalt  }
0x63: {  	_ =	shalt  }
0x64: {  	_ =	shalt  }
0x65: {  	_ =	shalt  }
0x66: {  	_ =	shalt  }
0x67: {  	_ =	shalt  }
0x68: {  	_ =	shalt  }
0x69: {  	_ =	shalt  }
0x6a: {  	_ =	shalt  }
0x6b: {  	_ =	shalt  }
0x6c: {  	_ =	shalt  }
0x6d: {  	_ =	shalt  }
0x6e: {  	_ =	shalt  }
0x6f: {  	_ =	shalt  }
0x70: {  	_ =	shalt  }
0x71: {  	_ =	shalt  }
0x72: {  	_ =	shalt  }
0x73: {  	_ =	shalt  }
0x74: {  	_ =	shalt  }
0x75: {  	_ =	shalt  }
0x76: {  	_ =	shalt  }
0x77: {  	_ =	shalt  }
0x78: {  	_ =	shalt  }
0x79: {  	_ =	shalt  }
0x7a: {  	_ =	shalt  }
0x7b: {  	_ =	shalt  }
0x7c: {  	_ =	shalt  }
0x7d: {  	_ =	shalt  }
0x7e: {  	_ =	shalt  }
0x7f: {  	_ =	shalt  }
0x80: {  	_ =	shalt  }
0x81: {  	_ =	shalt  }
0x82: {  	_ =	shalt  }
0x83: {  	_ =	shalt  }
0x84: {  	_ =	shalt  }
0x85: {  	_ =	shalt  }
0x86: {  	_ =	shalt  }
0x87: {  	_ =	shalt  }
.Lfunc_end0:
.L_simem_size_0:
called_computation_lowered:
.L_overlay_start_0:
0x88: {  	s2 =	sld [smem:$0x3FD9]  }
0x89: {  	s3 =	sld [smem:$0x3FFE];
	_ =	sdelay $0x1  }
0x8a: {  	s1 =	srdreg.scid  }
0x8b: {  	s0 =	sand.u32 $0x1, s1  }
0x8c: {  	s17 =	sshll.u32 s0, $0xA;
	s2 =	sadd.s32 s3, s2  }
0x8d: {  	s2 =	sadd.s32 s2, s17  }
0x8e: {  	[smem:$0x3FC3] =	sst s2  }
0x8f: {  	_ = 	snop  }
0x90: {  	s2 =	sld [smem:$0x3FD0];
	(tm) =	ssettm $0x1  }
0x91: {  	s18 =	sld [smem:$0x3FFB];
	_ =	sdelay $0x3  }
0x92: {  	_ =	strace s18  }
0x93: {  	s3 =	sld [smem:$0x3FFC];
	_ =	sdelay $0x3  }
0x94: {  	_ =	strace s3  }
0x95: {  	s3 =	sld [smem:$0x3FFD];
	_ =	sdelay $0x3  }
0x96: {  	_ =	strace s3  }
0x97: {  	_ =	strace $0x8FFFFFFF  }
0x98: {  	s19 =	sld [smem:$0x3FDB];
	_ =	sdelay $0x1  }
0x99: {  	s4 =	simm.s32 $_scs_section_size  }
0x9a: {  	s5 =	simm.s32 $_size__tile_overlayer_lowered;
	s6 =	simm.s32 $_tile_overlayer_lowered  }
0x9b: {  	s22 =	simm.s32 $0x1BFF;
	s21 =	sshll.u32 s6, $0x1;
	s3 =	sadd.s32 s4, s19  }
0x9c: {  	s7 =	simm.s32 $0x0;
	s20 =	sshll.u32 s5, $0x1;
	s5 =	sadd.s32 s21, s3  }
0x9d: {  	[timem:s7], [sflag:s22] =	dma.local [hbm:s5], s20  }
0x9e: {  	_ =	swait.ge [sflag:s22], s20  }
0x9f: {  	s4 =	ssub.s32 $0x0, s20;
	[sflag:s22] =	ssyncset.done $0x0  }
0xa0: {  	[sflag:s22] =	ssyncadd.s32 s4;
	_ =	sdelay $0x1  }
0xa1: {  	s23 =	simm.s32 $0x1B8B  }
0xa2: {  	_ =	swait.ge [sflag:s23], $0x1  }
0xa3: {  	[sflag:s23] =	ssyncset.done $0x0  }
0xa4: {  	s25 =	simm.s32 $0x1B8E;
	s24 =	sld [smem:$0x3FFE];
	[sflag:s23] =	ssyncadd.s32 $0xFFFFFFFF  }
0xa5: {  	s26 =	simm.s32 $execute0_lowered;
	[smem:$0x3FD2] =	sst s25  }
0xa6: {  	s5 =	sshll.u32 s26, $0x1;
	_ =	strace $0x80000046;
	[dreg:$0x1] =	wrdreg $0xFFFFFFFF  }
0xa7: {  	s28 =	simm.s32 $_size_execute0_lowered;
	s3 =	sadd.s32 s3, s5;
	[dreg:$0x0] =	wrdreg $0x0  }
0xa8: {  	s5 =	sshll.u32 s28, $0x1;
	[dreg:$0x2] =	wrdreg s3  }
0xa9: {  	[dreg:$0x3] =	wrdreg s5  }
0xaa: {  	[dreg:$0x4] =	wrdreg $0xC0  }
0xab: {  	_ =	task [dreg:s7], $0x5FFFF  }
0xac: {  	[dreg:$0x1] =	wrdreg $0xFFFFFFFF  }
0xad: {  	[dreg:$0x0] =	wrdreg $0x60  }
0xae: {  	[dreg:$0x2] =	wrdreg s24  }
0xaf: {  	[dreg:$0x3] =	wrdreg s2  }
0xb0: {  	[dreg:$0x4] =	wrdreg $0x9  }
0xb1: {  	_ =	task.clear_ibuf [dreg:s7], $0x5FFFF;
	_ =	strace $0x90000046  }
0xb2: {  	s29 =	simm.s32 $0x9;
	_ =	strace $0x80000048  }
0xb3: {  	_ =	swait.ge [sflag:s29], $0x1  }
0xb4: {  	[sflag:s29] =	ssyncadd.s32 $0xFFFFFFFF  }
0xb5: {  	_ =	strace $0x90000048  }
0xb6: {  	_ =	sfence  }
0xb7: {  	s30 =	sld [smem:$0x0];
	_ =	sdelay $0x2  }
0xb8: {  	s31 =	sshll.u32 s1, $0xD;
	s1 =	sshrl.u32 s1, $0x2  }
0xb9: {  	s3 =	sand.u32 $0x4000, s31;
	s1 =	sadd.s32 s1, s30  }
0xba: {  	s0 =	sor.u32 s3, s0;
	s1 =	sshll.u32 s1, $0x11  }
0xbb: {  	s0 =	sor.u32 s1, s0  }
0xbc: {  	s0 =	sadd.s32 $0x8F2B, s0  }
0xbd: {  	[sflag:s0] =	ssyncadd.remote.s32 $0x1  }
0xbe: {  	_ =	sfence.sel $0xFFFF  }
0xbf: {  	[dreg:$0x0] =	wrdreg $0xFFFFFFFF;
	(pc) =	sbr.abs _section_cstart, $3  }
0xc0: {  	[dreg:$0x1] =	wrdreg $0xFFFFFFFF  }
0xc1: {  	_ =	task.clear_ibuf [dreg:s7], $0x2FFFF;
	_ =	strace $0x9FFFFFFF  }
0xc2: {  	(tm) =	ssettm $0x7FFFFFFF  }
0xc3: {  	_ =	shalt  }
tec
execute0_lowered:
.L_overlay_start_1:
0x0: {  	(tag) =	ssettag $0x1  }
0x1: {  	s0 =	rddreg [dreg:$0x0]  }
0x2: {  	s2 =	rddreg [dreg:$0x1];
	s1 =	srdreg.scid;
	s4 =	simm.s32 $0x0  }
0x3: {  	s18 =	stileid.u32;
	s20 =	simm.s32 $0x1000;
	s21 =	simm.s32 $0x100  }
0x4: {  	s23 =	simm.s32 $0x1800;
	s24 =	simm.s32 $0x180;
	s25 =	simm.s32 $0x2000  }
0x5: {  	s16 =	simm.s32 $0x2;
	s26 =	simm.s32 $0x200;
	s10 =	simm.s32 $0x3800  }
0x6: {  	s11 =	simm.s32 $0x380;
	s12 =	simm.s32 $0x4000;
	s13 =	simm.s32 $0x400  }
0x7: {  	s14 =	simm.s32 $0x4800;
	s15 =	simm.s32 $0x480;
	s17 =	simm.s32 $0x5000  }
0x8: {  	p0 =	por $0x0, $0x0;
	s28 =	simm.s32 $0x700;
	s29 =	simm.s32 $0x7800  }
0x9: {  	s30 =	simm.s32 $0x780;
	s31 =	simm.s32 $0x8000;
	[smem:$0x7FF] =	sst s4  }
0xa: {  	s3 =	sand.u32 $0x1, s1;
	_ =	strace $0x80000047;
	[dreg:$0x5] =	wrdreg s20  }
0xb: {  	s6 =	sshll.u32 s18, $0x9;
	s7 =	sshrl.u32 s18, $0x1;
	[dreg:$0x6] =	wrdreg s21  }
0xc: {  	s18 =	simm.s32 $0x500;
	s5 =	sshll.u32 s3, $0x8;
	[dreg:$0x7] =	wrdreg s23  }
0xd: {  	s6 =	sand.u32 $0x200, s6;
	s8 =	sshll.u32 s3, $0xC;
	[dreg:$0x8] =	wrdreg s24  }
0xe: {  	s9 =	sshll.u32 s7, $0xA;
	s19 =	sshll.u32 s7, $0xD;
	[dreg:$0x9] =	wrdreg s25  }
0xf: {  	s3 =	ssub.s32 $0x2, s3;
	[dreg:$0xa] =	wrdreg s26;
	s7 =	simm.s32 $0x2800  }
0x10: {  	s20 =	simm.s32 $0x5800;
	s21 =	simm.s32 $0x580;
	s22 =	sshrl.u32 s3, $0x1  }
0x11: {  	s23 =	simm.s32 $0x600;
	s24 =	simm.s32 $0x6800;
	s3 =	ssub.s32 s3, s22  }
0x12: {  	s25 =	simm.s32 $0x680;
	s26 =	simm.s32 $0x7000;
	s3 =	smax.u32 s3, $0x1  }
0x13: {  	s5 =	sadd.s32 s5, s0;
	s0 =	sadd.s32 s8, s0;
	p1 =	sne.s32 s3, $0x1  }
.Ltmp0:
0x14: {  	s8 =	simm.s32 $0x280;
	s5 =	sadd.s32 s6, s5;
	(pc) =	sbr.rel @!p1 .LBB2_3-.Ltmp0, $4  }
0x15: {  	s0 =	sadd.s32 s19, s0;
	s19 =	simm.s32 $0x800;
	s22 =	simm.s32 $0x6000  }
0x16: {  	s5 =	sadd.s32 s9, s5;
	s0 =	sadd.s32 $0x1000, s0;
	s9 =	simm.s32 $0x300  }
0x17: {  	s5 =	sadd.s32 $0x11000, s5;
	[dreg:$0x4] =	wrdreg s0;
	s6 =	sadd.s32 $0xFFFFFFFF, s3  }
0x18: {  	s3 =	simm.s32 $0x1;
	[dreg:$0x3] =	wrdreg s5;
	s5 =	simm.s32 $0x80  }
0x19: {  	s1 =	rddreg [dreg:$0x3]  }
0x1a: {  	[tilespmem:s4], [sflag:$0x2] =	stream.linear.gather [hbm4b:s1+s4], $0x800, $0x38;
	[tilespmem:$0x8800] =	vst v63  }
0x1b: {  	_ =	swait.ge [sflag:s16], $0x800  }
0x1c: {  	[sflag:s16] =	ssyncset.done $0x0  }
0x1d: {  	s0 =	rddreg [dreg:$0x4];
	[sflag:s16] =	ssyncadd.s32 $0xFFFFF800  }
0x1e: {  	[tilespmem:s19], [sflag:$0x2] =	stream.linear.gather [hbm4b:s0+s4], $0x8000, $0x38;
	[tilespmem:$0x8800] =	vst v63  }
0x1f: {  	_ =	swait.ge [sflag:s16], $0x8000;
	[dreg:$0xc] =	wrdreg s6  }
0x20: {  	s0 =	rddreg [dreg:$0x6]  }
0x21: {  	s6 =	rddreg [dreg:$0x7]  }
0x22: {  	s1 =	rddreg [dreg:$0x9]  }
0x23: {  	[dreg:$0xb] =	wrdreg s0  }
0x24: {  	[sflag:s16] =	ssyncset.done $0x0;
	s0 =	rddreg [dreg:$0x5]  }
0x25: {  	[sflag:s16] =	ssyncadd.s32 $0xFFFF8000;
	[dreg:$0xd] =	wrdreg s1  }
0x26: {  	[hbm4b:s2+s5] =	stream.indirect.scatter [tilespmem:s19], [sflag:$0x1], $0x10, s4, s5, $0xb8;
	[tilespmem:$0x8800] =	vst v63  }
0x27: {  	s1 =	rddreg [dreg:$0xb]  }
0x28: {  	[hbm4b:s2+s5] =	stream.indirect.scatter [tilespmem:s0], [sflag:$0x1], $0x10, s5, s5, $0xb8;
	[tilespmem:$0x8800] =	vst v63  }
0x29: {  	s0 =	rddreg [dreg:$0x8]  }
0x2a: {  	[hbm4b:s2+s5] =	stream.indirect.scatter [tilespmem:s6], [sflag:$0x1], $0x10, s1, s5, $0xb8;
	[tilespmem:$0x8800] =	vst v63  }
0x2b: {  	s6 =	rddreg [dreg:$0xd]  }
0x2c: {  	[hbm4b:s2+s5] =	stream.indirect.scatter [tilespmem:s6], [sflag:$0x1], $0x10, s0, s5, $0xb8;
	[tilespmem:$0x8800] =	vst v63  }
0x2d: {  	s1 =	rddreg [dreg:$0xa]  }
0x2e: {  	[hbm4b:s2+s5] =	stream.indirect.scatter [tilespmem:s7], [sflag:$0x1], $0x10, s1, s5, $0xb8;
	[tilespmem:$0x8800] =	vst v63  }
0x2f: {  	s1 =	simm.s32 $0x3000  }
0x30: {  	[hbm4b:s2+s5] =	stream.indirect.scatter [tilespmem:s1], [sflag:$0x1], $0x10, s8, s5, $0xb8;
	[tilespmem:$0x8800] =	vst v63  }
0x31: {  	_ = 	snop  }
0x32: {  	[hbm4b:s2+s5] =	stream.indirect.scatter [tilespmem:s10], [sflag:$0x1], $0x10, s9, s5, $0xb8;
	[tilespmem:$0x8800] =	vst v63  }
0x33: {  	_ = 	snop  }
0x34: {  	[hbm4b:s2+s5] =	stream.indirect.scatter [tilespmem:s12], [sflag:$0x1], $0x10, s11, s5, $0xb8;
	[tilespmem:$0x8800] =	vst v63  }
0x35: {  	_ = 	snop  }
0x36: {  	[hbm4b:s2+s5] =	stream.indirect.scatter [tilespmem:s14], [sflag:$0x1], $0x10, s13, s5, $0xb8;
	[tilespmem:$0x8800] =	vst v63  }
0x37: {  	_ = 	snop  }
0x38: {  	[hbm4b:s2+s5] =	stream.indirect.scatter [tilespmem:s17], [sflag:$0x1], $0x10, s15, s5, $0xb8;
	[tilespmem:$0x8800] =	vst v63  }
0x39: {  	_ = 	snop  }
0x3a: {  	[hbm4b:s2+s5] =	stream.indirect.scatter [tilespmem:s20], [sflag:$0x1], $0x10, s18, s5, $0xb8;
	[tilespmem:$0x8800] =	vst v63  }
0x3b: {  	_ = 	snop  }
0x3c: {  	[hbm4b:s2+s5] =	stream.indirect.scatter [tilespmem:s22], [sflag:$0x1], $0x10, s21, s5, $0xb8;
	[tilespmem:$0x8800] =	vst v63  }
0x3d: {  	_ = 	snop  }
0x3e: {  	[hbm4b:s2+s5] =	stream.indirect.scatter [tilespmem:s24], [sflag:$0x1], $0x10, s23, s5, $0xb8;
	[tilespmem:$0x8800] =	vst v63  }
0x3f: {  	_ = 	snop  }
0x40: {  	[hbm4b:s2+s5] =	stream.indirect.scatter [tilespmem:s26], [sflag:$0x1], $0x10, s25, s5, $0xb8;
	[tilespmem:$0x8800] =	vst v63  }
0x41: {  	_ = 	snop  }
0x42: {  	[hbm4b:s2+s5] =	stream.indirect.scatter [tilespmem:s29], [sflag:$0x1], $0x10, s28, s5, $0xb8;
	[tilespmem:$0x8800] =	vst v63  }
0x43: {  	_ = 	snop  }
0x44: {  	[hbm4b:s2+s5] =	stream.indirect.scatter [tilespmem:s31], [sflag:$0x1], $0x10, s30, s5, $0xb8;
	[tilespmem:$0x8800] =	vst v63  }
0x45: {  	_ =	swait.ge [sflag:s3], $0x800  }
0x46: {  	[sflag:s3] =	ssyncset.done $0x0  }
0x47: {  	[sflag:s3] =	ssyncadd.s32 $0xFFFFF800  }
0x48: {  	_ =	swait.ge [sflag:s3], $0x800  }
0x49: {  	[sflag:s3] =	ssyncset.done $0x0  }
0x4a: {  	[sflag:s3] =	ssyncadd.s32 $0xFFFFF800  }
0x4b: {  	_ =	swait.ge [sflag:s3], $0x800  }
0x4c: {  	[sflag:s3] =	ssyncset.done $0x0  }
0x4d: {  	[sflag:s3] =	ssyncadd.s32 $0xFFFFF800  }
0x4e: {  	_ =	swait.ge [sflag:s3], $0x800  }
0x4f: {  	[sflag:s3] =	ssyncset.done $0x0  }
0x50: {  	[sflag:s3] =	ssyncadd.s32 $0xFFFFF800  }
0x51: {  	_ =	swait.ge [sflag:s3], $0x800  }
0x52: {  	[sflag:s3] =	ssyncset.done $0x0  }
0x53: {  	[sflag:s3] =	ssyncadd.s32 $0xFFFFF800  }
0x54: {  	_ =	swait.ge [sflag:s3], $0x800  }
0x55: {  	[sflag:s3] =	ssyncset.done $0x0  }
0x56: {  	[sflag:s3] =	ssyncadd.s32 $0xFFFFF800  }
0x57: {  	_ =	swait.ge [sflag:s3], $0x800  }
0x58: {  	[sflag:s3] =	ssyncset.done $0x0  }
0x59: {  	[sflag:s3] =	ssyncadd.s32 $0xFFFFF800  }
0x5a: {  	_ =	swait.ge [sflag:s3], $0x800  }
0x5b: {  	[sflag:s3] =	ssyncset.done $0x0  }
0x5c: {  	[sflag:s3] =	ssyncadd.s32 $0xFFFFF800  }
0x5d: {  	_ =	swait.ge [sflag:s3], $0x800  }
0x5e: {  	[sflag:s3] =	ssyncset.done $0x0  }
0x5f: {  	[sflag:s3] =	ssyncadd.s32 $0xFFFFF800  }
0x60: {  	_ =	swait.ge [sflag:s3], $0x800  }
0x61: {  	[sflag:s3] =	ssyncset.done $0x0  }
0x62: {  	[sflag:s3] =	ssyncadd.s32 $0xFFFFF800  }
0x63: {  	_ =	swait.ge [sflag:s3], $0x800  }
0x64: {  	[sflag:s3] =	ssyncset.done $0x0  }
0x65: {  	[sflag:s3] =	ssyncadd.s32 $0xFFFFF800  }
0x66: {  	_ =	swait.ge [sflag:s3], $0x800  }
0x67: {  	[sflag:s3] =	ssyncset.done $0x0  }
0x68: {  	[sflag:s3] =	ssyncadd.s32 $0xFFFFF800  }
0x69: {  	_ =	swait.ge [sflag:s3], $0x800  }
0x6a: {  	[sflag:s3] =	ssyncset.done $0x0  }
0x6b: {  	[sflag:s3] =	ssyncadd.s32 $0xFFFFF800  }
0x6c: {  	_ =	swait.ge [sflag:s3], $0x800  }
0x6d: {  	[sflag:s3] =	ssyncset.done $0x0  }
0x6e: {  	[sflag:s3] =	ssyncadd.s32 $0xFFFFF800  }
0x6f: {  	_ =	swait.ge [sflag:s3], $0x800  }
0x70: {  	s6 =	rddreg [dreg:$0xc]  }
0x71: {  	p1 =	sne.s32 s6, $0x1  }
.Ltmp1:
0x72: {  	_ = 	snop;
	(pc) =	sbr.rel @!p1 .LBB2_3-.Ltmp1, $3  }
0x73: {  	_ =	sdelay $0x1  }
0x74: {  	[sflag:s3] =	ssyncset.done $0x0  }
0x75: {  	p0 =	por $0x1, $0x1;
	s0 =	sadd.s32 $0xFFFFFFFF, s6;
	[sflag:s3] =	ssyncadd.s32 $0xFFFFF800  }
.LBB2_2:
0x76: {  	_ =	swait.ge [sflag:s3], $0x800  }
0x77: {  	[sflag:s3] =	ssyncset.done $0x0  }
0x78: {  	s1 =	rddreg [dreg:$0x3];
	[sflag:s3] =	ssyncadd.s32 $0xFFFFF800  }
0x79: {  	[tilespmem:s4], [sflag:$0x2] =	stream.linear.gather [hbm4b:s1+s4], $0x800, $0x38;
	[tilespmem:$0x8800] =	vst v63  }
0x7a: {  	_ =	swait.ge [sflag:s16], $0x800  }
0x7b: {  	[sflag:s16] =	ssyncset.done $0x0  }
0x7c: {  	s8 =	rddreg [dreg:$0x4];
	[sflag:s16] =	ssyncadd.s32 $0xFFFFF800  }
0x7d: {  	[tilespmem:s19], [sflag:$0x2] =	stream.linear.gather [hbm4b:s8+s4], $0x8000, $0x38;
	[tilespmem:$0x8800] =	vst v63  }
0x7e: {  	_ =	swait.ge [sflag:s16], $0x8000  }
0x7f: {  	s1 =	rddreg [dreg:$0x6];
	[sflag:s16] =	ssyncset.done $0x0  }
0x80: {  	s6 =	rddreg [dreg:$0x5];
	[sflag:s16] =	ssyncadd.s32 $0xFFFF8000  }
0x81: {  	[hbm4b:s2+s5] =	stream.indirect.scatter [tilespmem:s19], [sflag:$0x1], $0x10, s4, s5, $0xb8;
	[tilespmem:$0x8800] =	vst v63  }
0x82: {  	s7 =	rddreg [dreg:$0x7]  }
0x83: {  	[hbm4b:s2+s5] =	stream.indirect.scatter [tilespmem:s6], [sflag:$0x1], $0x10, s5, s5, $0xb8;
	[tilespmem:$0x8800] =	vst v63  }
0x84: {  	s8 =	rddreg [dreg:$0x9]  }
0x85: {  	[hbm4b:s2+s5] =	stream.indirect.scatter [tilespmem:s7], [sflag:$0x1], $0x10, s1, s5, $0xb8;
	[tilespmem:$0x8800] =	vst v63  }
0x86: {  	s6 =	rddreg [dreg:$0x8]  }
0x87: {  	[hbm4b:s2+s5] =	stream.indirect.scatter [tilespmem:s8], [sflag:$0x1], $0x10, s6, s5, $0xb8;
	[tilespmem:$0x8800] =	vst v63  }
0x88: {  	s7 =	simm.s32 $0x2800;
	s1 =	rddreg [dreg:$0xa]  }
0x89: {  	[hbm4b:s2+s5] =	stream.indirect.scatter [tilespmem:s7], [sflag:$0x1], $0x10, s1, s5, $0xb8;
	[tilespmem:$0x8800] =	vst v63  }
0x8a: {  	s6 =	simm.s32 $0x3000;
	s8 =	simm.s32 $0x280  }
0x8b: {  	[hbm4b:s2+s5] =	stream.indirect.scatter [tilespmem:s6], [sflag:$0x1], $0x10, s8, s5, $0xb8;
	[tilespmem:$0x8800] =	vst v63  }
0x8c: {  	_ = 	snop  }
0x8d: {  	[hbm4b:s2+s5] =	stream.indirect.scatter [tilespmem:s10], [sflag:$0x1], $0x10, s9, s5, $0xb8;
	[tilespmem:$0x8800] =	vst v63  }
0x8e: {  	_ = 	snop  }
0x8f: {  	[hbm4b:s2+s5] =	stream.indirect.scatter [tilespmem:s12], [sflag:$0x1], $0x10, s11, s5, $0xb8;
	[tilespmem:$0x8800] =	vst v63  }
0x90: {  	_ = 	snop  }
0x91: {  	[hbm4b:s2+s5] =	stream.indirect.scatter [tilespmem:s14], [sflag:$0x1], $0x10, s13, s5, $0xb8;
	[tilespmem:$0x8800] =	vst v63  }
0x92: {  	_ = 	snop  }
0x93: {  	[hbm4b:s2+s5] =	stream.indirect.scatter [tilespmem:s17], [sflag:$0x1], $0x10, s15, s5, $0xb8;
	[tilespmem:$0x8800] =	vst v63  }
0x94: {  	_ = 	snop  }
0x95: {  	[hbm4b:s2+s5] =	stream.indirect.scatter [tilespmem:s20], [sflag:$0x1], $0x10, s18, s5, $0xb8;
	[tilespmem:$0x8800] =	vst v63  }
0x96: {  	_ = 	snop  }
0x97: {  	[hbm4b:s2+s5] =	stream.indirect.scatter [tilespmem:s22], [sflag:$0x1], $0x10, s21, s5, $0xb8;
	[tilespmem:$0x8800] =	vst v63  }
0x98: {  	_ = 	snop  }
0x99: {  	[hbm4b:s2+s5] =	stream.indirect.scatter [tilespmem:s24], [sflag:$0x1], $0x10, s23, s5, $0xb8;
	[tilespmem:$0x8800] =	vst v63  }
0x9a: {  	_ = 	snop  }
0x9b: {  	[hbm4b:s2+s5] =	stream.indirect.scatter [tilespmem:s26], [sflag:$0x1], $0x10, s25, s5, $0xb8;
	[tilespmem:$0x8800] =	vst v63  }
0x9c: {  	_ = 	snop  }
0x9d: {  	[hbm4b:s2+s5] =	stream.indirect.scatter [tilespmem:s29], [sflag:$0x1], $0x10, s28, s5, $0xb8;
	[tilespmem:$0x8800] =	vst v63  }
0x9e: {  	_ = 	snop  }
0x9f: {  	[hbm4b:s2+s5] =	stream.indirect.scatter [tilespmem:s31], [sflag:$0x1], $0x10, s30, s5, $0xb8;
	[tilespmem:$0x8800] =	vst v63  }
0xa0: {  	_ =	swait.ge [sflag:s3], $0x800  }
0xa1: {  	[sflag:s3] =	ssyncset.done $0x0  }
0xa2: {  	[sflag:s3] =	ssyncadd.s32 $0xFFFFF800  }
0xa3: {  	_ =	swait.ge [sflag:s3], $0x800  }
0xa4: {  	[sflag:s3] =	ssyncset.done $0x0  }
0xa5: {  	[sflag:s3] =	ssyncadd.s32 $0xFFFFF800  }
0xa6: {  	_ =	swait.ge [sflag:s3], $0x800  }
0xa7: {  	[sflag:s3] =	ssyncset.done $0x0  }
0xa8: {  	[sflag:s3] =	ssyncadd.s32 $0xFFFFF800  }
0xa9: {  	_ =	swait.ge [sflag:s3], $0x800  }
0xaa: {  	[sflag:s3] =	ssyncset.done $0x0  }
0xab: {  	[sflag:s3] =	ssyncadd.s32 $0xFFFFF800  }
0xac: {  	_ =	swait.ge [sflag:s3], $0x800  }
0xad: {  	[sflag:s3] =	ssyncset.done $0x0  }
0xae: {  	[sflag:s3] =	ssyncadd.s32 $0xFFFFF800  }
0xaf: {  	_ =	swait.ge [sflag:s3], $0x800  }
0xb0: {  	[sflag:s3] =	ssyncset.done $0x0  }
0xb1: {  	[sflag:s3] =	ssyncadd.s32 $0xFFFFF800  }
0xb2: {  	_ =	swait.ge [sflag:s3], $0x800  }
0xb3: {  	[sflag:s3] =	ssyncset.done $0x0  }
0xb4: {  	[sflag:s3] =	ssyncadd.s32 $0xFFFFF800  }
0xb5: {  	_ =	swait.ge [sflag:s3], $0x800  }
0xb6: {  	[sflag:s3] =	ssyncset.done $0x0  }
0xb7: {  	[sflag:s3] =	ssyncadd.s32 $0xFFFFF800  }
0xb8: {  	_ =	swait.ge [sflag:s3], $0x800  }
0xb9: {  	[sflag:s3] =	ssyncset.done $0x0  }
0xba: {  	[sflag:s3] =	ssyncadd.s32 $0xFFFFF800  }
0xbb: {  	_ =	swait.ge [sflag:s3], $0x800  }
0xbc: {  	[sflag:s3] =	ssyncset.done $0x0  }
0xbd: {  	[sflag:s3] =	ssyncadd.s32 $0xFFFFF800  }
0xbe: {  	_ =	swait.ge [sflag:s3], $0x800  }
0xbf: {  	[sflag:s3] =	ssyncset.done $0x0  }
0xc0: {  	[sflag:s3] =	ssyncadd.s32 $0xFFFFF800  }
0xc1: {  	_ =	swait.ge [sflag:s3], $0x800  }
0xc2: {  	[sflag:s3] =	ssyncset.done $0x0  }
0xc3: {  	[sflag:s3] =	ssyncadd.s32 $0xFFFFF800  }
0xc4: {  	_ =	swait.ge [sflag:s3], $0x800  }
0xc5: {  	[sflag:s3] =	ssyncset.done $0x0  }
0xc6: {  	[sflag:s3] =	ssyncadd.s32 $0xFFFFF800  }
0xc7: {  	p1 =	sne.s32 s0, $0x1;
	_ =	swait.ge [sflag:s3], $0x800  }
.Ltmp2:
0xc8: {  	[sflag:s3] =	ssyncset.done $0x0;
	(pc) =	sbr.rel @p1 .LBB2_2-.Ltmp2, $4  }
0xc9: {  	[sflag:s3] =	ssyncadd.s32 $0xFFFFF800  }
0xca: {  	_ =	swait.ge [sflag:s3], $0x800  }
0xcb: {  	[sflag:s3] =	ssyncset.done $0x0  }
0xcc: {  	s0 =	sadd.s32 $0xFFFFFFFF, s0;
	[sflag:s3] =	ssyncadd.s32 $0xFFFFF800  }
.LBB2_3:
0xcd: {  	_ =	swait.ge @p0 [sflag:s3], $0x800  }
0xce: {  	[sflag:s3] =	ssyncset.done @p0 $0x0  }
0xcf: {  	s0 =	rddreg [dreg:$0x3];
	[sflag:s3] =	ssyncadd.s32 @p0 $0xFFFFF800  }
0xd0: {  	[tilespmem:s4], [sflag:$0x2] =	stream.linear.gather [hbm4b:s0+s4], $0x800, $0x38;
	[tilespmem:$0x8800] =	vst v63  }
0xd1: {  	_ =	swait.ge [sflag:s16], $0x800  }
0xd2: {  	[sflag:s16] =	ssyncset.done $0x0  }
0xd3: {  	s6 =	rddreg [dreg:$0x4];
	[sflag:s16] =	ssyncadd.s32 $0xFFFFF800  }
0xd4: {  	[tilespmem:s19], [sflag:$0x2] =	stream.linear.gather [hbm4b:s6+s4], $0x8000, $0x38;
	[tilespmem:$0x8800] =	vst v63  }
0xd5: {  	_ =	swait.ge [sflag:s16], $0x8000  }
0xd6: {  	[sflag:s16] =	ssyncset.done $0x0;
	s1 =	rddreg [dreg:$0x7]  }
0xd7: {  	s6 =	rddreg [dreg:$0x8];
	[sflag:s16] =	ssyncadd.s32 $0xFFFF8000  }
0xd8: {  	[hbm4b:s2+s5] =	stream.indirect.scatter [tilespmem:s19], [sflag:$0x1], $0x10, s4, s5, $0xb8;
	[tilespmem:$0x8800] =	vst v63  }
0xd9: {  	s16 =	rddreg [dreg:$0x5]  }
0xda: {  	[hbm4b:s2+s5] =	stream.indirect.scatter [tilespmem:s16], [sflag:$0x1], $0x10, s5, s5, $0xb8;
	[tilespmem:$0x8800] =	vst v63  }
0xdb: {  	s19 =	rddreg [dreg:$0x6]  }
0xdc: {  	[hbm4b:s2+s5] =	stream.indirect.scatter [tilespmem:s1], [sflag:$0x1], $0x10, s19, s5, $0xb8;
	[tilespmem:$0x8800] =	vst v63  }
0xdd: {  	s4 =	rddreg [dreg:$0x9]  }
0xde: {  	[hbm4b:s2+s5] =	stream.indirect.scatter [tilespmem:s4], [sflag:$0x1], $0x10, s6, s5, $0xb8;
	[tilespmem:$0x8800] =	vst v63  }
0xdf: {  	s19 =	rddreg [dreg:$0xa]  }
0xe0: {  	[hbm4b:s2+s5] =	stream.indirect.scatter [tilespmem:s7], [sflag:$0x1], $0x10, s19, s5, $0xb8;
	[tilespmem:$0x8800] =	vst v63  }
0xe1: {  	s16 =	simm.s32 $0x3000  }
0xe2: {  	[hbm4b:s2+s5] =	stream.indirect.scatter [tilespmem:s16], [sflag:$0x1], $0x10, s8, s5, $0xb8;
	[tilespmem:$0x8800] =	vst v63  }
0xe3: {  	_ = 	snop  }
0xe4: {  	[hbm4b:s2+s5] =	stream.indirect.scatter [tilespmem:s10], [sflag:$0x1], $0x10, s9, s5, $0xb8;
	[tilespmem:$0x8800] =	vst v63  }
0xe5: {  	_ = 	snop  }
0xe6: {  	[hbm4b:s2+s5] =	stream.indirect.scatter [tilespmem:s12], [sflag:$0x1], $0x10, s11, s5, $0xb8;
	[tilespmem:$0x8800] =	vst v63  }
0xe7: {  	_ = 	snop  }
0xe8: {  	[hbm4b:s2+s5] =	stream.indirect.scatter [tilespmem:s14], [sflag:$0x1], $0x10, s13, s5, $0xb8;
	[tilespmem:$0x8800] =	vst v63  }
0xe9: {  	_ = 	snop  }
0xea: {  	[hbm4b:s2+s5] =	stream.indirect.scatter [tilespmem:s17], [sflag:$0x1], $0x10, s15, s5, $0xb8;
	[tilespmem:$0x8800] =	vst v63  }
0xeb: {  	_ = 	snop  }
0xec: {  	[hbm4b:s2+s5] =	stream.indirect.scatter [tilespmem:s20], [sflag:$0x1], $0x10, s18, s5, $0xb8;
	[tilespmem:$0x8800] =	vst v63  }
0xed: {  	_ = 	snop  }
0xee: {  	[hbm4b:s2+s5] =	stream.indirect.scatter [tilespmem:s22], [sflag:$0x1], $0x10, s21, s5, $0xb8;
	[tilespmem:$0x8800] =	vst v63  }
0xef: {  	_ = 	snop  }
0xf0: {  	[hbm4b:s2+s5] =	stream.indirect.scatter [tilespmem:s24], [sflag:$0x1], $0x10, s23, s5, $0xb8;
	[tilespmem:$0x8800] =	vst v63  }
0xf1: {  	_ = 	snop  }
0xf2: {  	[hbm4b:s2+s5] =	stream.indirect.scatter [tilespmem:s26], [sflag:$0x1], $0x10, s25, s5, $0xb8;
	[tilespmem:$0x8800] =	vst v63  }
0xf3: {  	_ = 	snop  }
0xf4: {  	[hbm4b:s2+s5] =	stream.indirect.scatter [tilespmem:s29], [sflag:$0x1], $0x10, s28, s5, $0xb8;
	[tilespmem:$0x8800] =	vst v63  }
0xf5: {  	_ = 	snop  }
0xf6: {  	[hbm4b:s2+s5] =	stream.indirect.scatter [tilespmem:s31], [sflag:$0x1], $0x10, s30, s5, $0xb8;
	[tilespmem:$0x8800] =	vst v63  }
0xf7: {  	_ =	swait.ge [sflag:s3], $0x800  }
0xf8: {  	[sflag:s3] =	ssyncset.done $0x0  }
0xf9: {  	[sflag:s3] =	ssyncadd.s32 $0xFFFFF800  }
0xfa: {  	_ =	swait.ge [sflag:s3], $0x800  }
0xfb: {  	[sflag:s3] =	ssyncset.done $0x0  }
0xfc: {  	[sflag:s3] =	ssyncadd.s32 $0xFFFFF800  }
0xfd: {  	_ =	swait.ge [sflag:s3], $0x800  }
0xfe: {  	[sflag:s3] =	ssyncset.done $0x0  }
0xff: {  	[sflag:s3] =	ssyncadd.s32 $0xFFFFF800  }
0x100: {  	_ =	swait.ge [sflag:s3], $0x800  }
0x101: {  	[sflag:s3] =	ssyncset.done $0x0  }
0x102: {  	[sflag:s3] =	ssyncadd.s32 $0xFFFFF800  }
0x103: {  	_ =	swait.ge [sflag:s3], $0x800  }
0x104: {  	[sflag:s3] =	ssyncset.done $0x0  }
0x105: {  	[sflag:s3] =	ssyncadd.s32 $0xFFFFF800  }
0x106: {  	_ =	swait.ge [sflag:s3], $0x800  }
0x107: {  	[sflag:s3] =	ssyncset.done $0x0  }
0x108: {  	[sflag:s3] =	ssyncadd.s32 $0xFFFFF800  }
0x109: {  	_ =	swait.ge [sflag:s3], $0x800  }
0x10a: {  	[sflag:s3] =	ssyncset.done $0x0  }
0x10b: {  	[sflag:s3] =	ssyncadd.s32 $0xFFFFF800  }
0x10c: {  	_ =	swait.ge [sflag:s3], $0x800  }
0x10d: {  	[sflag:s3] =	ssyncset.done $0x0  }
0x10e: {  	[sflag:s3] =	ssyncadd.s32 $0xFFFFF800  }
0x10f: {  	_ =	swait.ge [sflag:s3], $0x800  }
0x110: {  	[sflag:s3] =	ssyncset.done $0x0  }
0x111: {  	[sflag:s3] =	ssyncadd.s32 $0xFFFFF800  }
0x112: {  	_ =	swait.ge [sflag:s3], $0x800  }
0x113: {  	[sflag:s3] =	ssyncset.done $0x0  }
0x114: {  	[sflag:s3] =	ssyncadd.s32 $0xFFFFF800  }
0x115: {  	_ =	swait.ge [sflag:s3], $0x800  }
0x116: {  	[sflag:s3] =	ssyncset.done $0x0  }
0x117: {  	[sflag:s3] =	ssyncadd.s32 $0xFFFFF800  }
0x118: {  	_ =	swait.ge [sflag:s3], $0x800  }
0x119: {  	[sflag:s3] =	ssyncset.done $0x0  }
0x11a: {  	[sflag:s3] =	ssyncadd.s32 $0xFFFFF800  }
0x11b: {  	_ =	swait.ge [sflag:s3], $0x800  }
0x11c: {  	[sflag:s3] =	ssyncset.done $0x0  }
0x11d: {  	[sflag:s3] =	ssyncadd.s32 $0xFFFFF800  }
0x11e: {  	_ =	swait.ge [sflag:s3], $0x800  }
0x11f: {  	[sflag:s3] =	ssyncset.done $0x0  }
0x120: {  	[sflag:s3] =	ssyncadd.s32 $0xFFFFF800  }
0x121: {  	_ =	swait.ge [sflag:s3], $0x800  }
0x122: {  	[sflag:s3] =	ssyncset.done $0x0  }
0x123: {  	[sflag:s3] =	ssyncadd.s32 $0xFFFFF800  }
0x124: {  	_ =	swait.ge [sflag:s3], $0x800  }
0x125: {  	[sflag:s3] =	ssyncset.done $0x0  }
0x126: {  	[sflag:s3] =	ssyncadd.s32 $0xFFFFF800  }
0x127: {  	_ =	sfence.sel $0x180000  }
0x128: {  	[bflag:$0x0] =	sbarrier.arrive $0xFFFF  }
0x129: {  	_ =	strace $0x90000047  }
0x12a: {  	s31 =	stileid.u32;
	[bflag:$0x2] =	sbarrier.arrive $0xFFFF  }
0x12b: {  	p0 =	sne.s32 s31, $0x0;
	s0 =	rddreg [dreg:$0x2]  }
0x12c: {  	s0 =	sadd.s32 @!p0 $0x100000, s0  }
0x12d: {  	[sflag:s0] =	ssyncadd.tile.s32 @!p0 $0x1;
	_ =	shalt  }
.Lfunc_end2:
_tile_overlayer_lowered:
.L_overlay_start_2:
0x12e: {  	(tag) =	ssettag $0x2  }
0x12f: {  	s0 =	rddreg [dreg:$0x0];
	s2 =	stileid.u32  }
0x130: {  	s1 =	rddreg [dreg:$0x1];
	p0 =	sne.s32 s2, $0x0  }
0x131: {  	s3 =	rddreg [dreg:$0x2];
	[bflag:$0x3] =	sbarrier.arrive $0xFFFF;
	s2 =	simm.s32 @!p0 $0x1C02  }
0x132: {  	[timem:s3], [sflag:s2] =	dma.local @!p0 [hbm:s0], s1  }
0x133: {  	s0 =	simm.s32 @!p0 $0x2  }
0x134: {  	_ =	swait.ge @!p0 [sflag:s0], s1  }
0x135: {  	s1 =	ssub.s32 @!p0 $0x0, s1;
	[sflag:s0] =	ssyncset.done @!p0 $0x0  }
0x136: {  	[sflag:s0] =	ssyncadd.s32 @!p0 s1  }
0x137: {  	[bflag:$0x3] =	sbarrier.arrive $0xFFFF  }
0x138: {  	_ =	shalt  }

</sc_bundles>
